<compile_context>
chip_gen: v7x
topology: tpu7x:2x2x1
jax: 0.10.2.dev20260603
libtpu: 0.0.44.dev20260713+nightly
codegen_flags: <defaults>
</compile_context>

<pallas_src>
import functools

import jax
import jax.numpy as jnp
from jax import lax
from jax.experimental import pallas as pl
from jax.experimental.pallas import tpu as pltpu
from jax.experimental.pallas import tpu_sc as plsc



def _row_losses(ct, cp, ap, at, chp, cht, bp, bt, pa_o, bce_o):
    d = cp[...] - ct[...]

    def ce(logits, labels):
        m = jnp.max(logits, axis=0, keepdims=True)
        lse = jnp.log(jnp.sum(jnp.exp(logits - m), axis=0, keepdims=True)) + m
        ids = lax.broadcasted_iota(jnp.int32, logits.shape, 0)
        picked = jnp.sum(jnp.where(ids == labels, logits, 0.0),
                         axis=0, keepdims=True)
        return lse - picked

    pa_o[0:1, :] = jnp.sum(d * d, axis=0, keepdims=True) * (1.0 / 3.0)
    pa_o[1:2, :] = ce(ap[...], at[...])
    pa_o[2:3, :] = ce(chp[...], cht[...])
    bce_o[...] = ce(bp[...], bt[...])



_L = 16
_NSUB = 16


def _sc_body(N, E, B,
             bce_h, agg_h, batch_h, pa_h, w_h, out_h,
             bsum, bcnt, seg_r, seg_a, seg_c, seg_b, seg_n, tot,
             zbuf, ones, idx16, vval, bidx, rv, av, cv, msum, mcnt, mvf,
             s_r, s_a, s_c, s_b, s_n, wv, tvv, zidx, ssem):
    cid = lax.axis_index("c")
    sid = lax.axis_index("s")
    n_per = N // _NSUB
    e_rows = (E // 128) // _NSUB
    n_rows = n_per // 128

    @pl.when(cid == 0)
    def _():
        for k in range(n_per // _L):
            zbuf[pl.ds(k * _L, _L)] = jnp.zeros((_L,), jnp.float32)
        for k in range(128 // _L):
            ones[pl.ds(k * _L, _L)] = jnp.ones((_L,), jnp.float32)
        pltpu.sync_copy(zbuf, bsum.at[pl.ds(sid * n_per, n_per)])
        pltpu.sync_copy(zbuf, bcnt.at[pl.ds(sid * n_per, n_per)])
        pltpu.sync_copy(agg_h.at[pl.ds(sid * e_rows, e_rows)], idx16)
        pltpu.sync_copy(bce_h.at[pl.ds(sid * e_rows, e_rows)], vval)

        @pl.when(sid == 0)
        def _():
            for ref in (seg_r, seg_a, seg_c, seg_b, seg_n):
                pltpu.sync_copy(zbuf.at[pl.ds(0, B)], ref)
            pltpu.sync_copy(zbuf.at[pl.ds(0, _L)], tot)

    plsc.subcore_barrier()

    @pl.when(cid == 0)
    def _():
        hs = []
        for r in range(e_rows):
            hs.append(pltpu.async_copy(vval.at[r], bsum.at[idx16.at[r]],
                                       ssem, add=True))
            hs.append(pltpu.async_copy(ones, bcnt.at[idx16.at[r]],
                                       ssem, add=True))
        pltpu.sync_copy(batch_h.at[pl.ds(sid * n_rows, n_rows)], bidx)
        pltpu.sync_copy(pa_h.at[0, pl.ds(sid * n_rows, n_rows)], rv)
        pltpu.sync_copy(pa_h.at[1, pl.ds(sid * n_rows, n_rows)], av)
        pltpu.sync_copy(pa_h.at[2, pl.ds(sid * n_rows, n_rows)], cv)
        for h in hs:
            h.wait()

    plsc.subcore_barrier()

    @pl.when(cid == 0)
    def _():
        pltpu.sync_copy(bsum.at[pl.ds(sid * n_per, n_per)], msum)
        pltpu.sync_copy(bcnt.at[pl.ds(sid * n_per, n_per)], mcnt)

        def mean_group(k, _):
            s = msum[pl.ds(k * _L, _L)]
            c = mcnt[pl.ds(k * _L, _L)]
            mvf[pl.ds(k * _L, _L)] = jnp.where(
                c > 0, 0.5 * s / jnp.maximum(c, 1.0), 0.0)
            return 0

        lax.fori_loop(0, n_per // _L, mean_group, 0)

        hs = []
        for r in range(n_rows):
            row = bidx.at[r]
            sl = pl.ds(r * 128, 128)
            hs.append(pltpu.async_copy(mvf.at[sl], seg_b.at[row], ssem,
                                       add=True))
            hs.append(pltpu.async_copy(rv.at[r], seg_r.at[row], ssem,
                                       add=True))
            hs.append(pltpu.async_copy(av.at[r], seg_a.at[row], ssem,
                                       add=True))
            hs.append(pltpu.async_copy(cv.at[r], seg_c.at[row], ssem,
                                       add=True))
            hs.append(pltpu.async_copy(ones, seg_n.at[row], ssem, add=True))
        for h in hs:
            h.wait()

    plsc.subcore_barrier()

    @pl.when((cid == 0) & (sid == 0))
    def _():
        pltpu.sync_copy(seg_r, s_r)
        pltpu.sync_copy(seg_a, s_a)
        pltpu.sync_copy(seg_c, s_c)
        pltpu.sync_copy(seg_b, s_b)
        pltpu.sync_copy(seg_n, s_n)
        pltpu.sync_copy(w_h, wv)
        acc_r = jnp.zeros((_L,), jnp.float32)
        acc_a = jnp.zeros((_L,), jnp.float32)
        acc_c = jnp.zeros((_L,), jnp.float32)
        acc_b = jnp.zeros((_L,), jnp.float32)
        for k in range(B // _L):
            sl = pl.ds(k * _L, _L)
            cn = s_n[sl]
            w = wv[sl]
            good = cn > 0
            cd = jnp.maximum(cn, 1.0)
            acc_r += jnp.where(good, s_r[sl] / cd, 0.0) * w
            acc_a += jnp.where(good, s_a[sl] / cd, 0.0) * w
            acc_c += jnp.where(good, s_c[sl] / cd, 0.0) * w
            acc_b += jnp.where(good, s_b[sl] / cd, 0.0) * w
        for x, acc in enumerate((acc_r, acc_a, acc_c, acc_b)):
            tvv[x, pl.ds(0, _L)] = acc
            zidx[x, pl.ds(0, _L)] = jnp.full((_L,), x, jnp.int32)
        for x in range(4):
            pltpu.sync_copy(tvv.at[x], tot.at[zidx.at[x]], add=True)
        pltpu.sync_copy(tot, out_h)


def _make_sc_kernel(N, E, B):
    mesh = plsc.VectorSubcoreMesh(core_axis_name="c", subcore_axis_name="s")
    n_per = N // _NSUB
    e_rows = (E // 128) // _NSUB
    n_rows = n_per // 128
    f32 = jnp.float32
    i32 = jnp.int32
    return pl.kernel(
        functools.partial(_sc_body, N, E, B),
        out_type=jax.ShapeDtypeStruct((_L,), f32),
        mesh=mesh,
        scratch_types=[
            pltpu.VMEM_SHARED((N,), f32),
            pltpu.VMEM_SHARED((N,), f32),
            pltpu.VMEM_SHARED((B,), f32),
            pltpu.VMEM_SHARED((B,), f32),
            pltpu.VMEM_SHARED((B,), f32),
            pltpu.VMEM_SHARED((B,), f32),
            pltpu.VMEM_SHARED((B,), f32),
            pltpu.VMEM_SHARED((_L,), f32),
            pltpu.VMEM((n_per,), f32),
            pltpu.VMEM((128,), f32),
            pltpu.VMEM((e_rows, 128), i32),
            pltpu.VMEM((e_rows, 128), f32),
            pltpu.VMEM((n_rows, 128), i32),
            pltpu.VMEM((n_rows, 128), f32),
            pltpu.VMEM((n_rows, 128), f32),
            pltpu.VMEM((n_rows, 128), f32),
            pltpu.VMEM((n_per,), f32),
            pltpu.VMEM((n_per,), f32),
            pltpu.VMEM((n_per,), f32),
            pltpu.VMEM((B,), f32),
            pltpu.VMEM((B,), f32),
            pltpu.VMEM((B,), f32),
            pltpu.VMEM((B,), f32),
            pltpu.VMEM((B,), f32),
            pltpu.VMEM((B,), f32),
            pltpu.VMEM((4, _L), f32),
            pltpu.VMEM((4, _L), i32),
            pltpu.SemaphoreType.DMA,
        ],
    )



def kernel(coords_true, coords_pred, atoms_pred, atoms_true,
           charges_pred, charges_true, bonds_pred, bonds_true,
           batch, bond_aggregation_index, weights):
    N = coords_true.shape[0]
    E = bonds_pred.shape[0]
    B = weights.shape[0]

    pa, bce = pl.pallas_call(
        _row_losses,
        out_shape=[
            jax.ShapeDtypeStruct((3, N), jnp.float32),
            jax.ShapeDtypeStruct((1, E), jnp.float32),
        ],
    )(
        coords_true.T, coords_pred.T,
        atoms_pred.T, atoms_true.astype(jnp.int32).reshape(1, N),
        charges_pred.T, charges_true.astype(jnp.int32).reshape(1, N),
        bonds_pred.T, bonds_true.astype(jnp.int32).reshape(1, E),
    )

    out = _make_sc_kernel(N, E, B)(
        bce.reshape(E // 128, 128),
        bond_aggregation_index.astype(jnp.int32).reshape(E // 128, 128),
        batch.astype(jnp.int32).reshape(N // 128, 128),
        pa.reshape(3, N // 128, 128),
        weights,
    )
    return (out[0], out[1], out[2], out[3])

# --- scband reference (transcript-rebuilt; emitter-appended) ---
"""Pipeline reference for scband-diffusion-loss-13142599925888 (READ-ONLY COPY).

The authoritative reference and input builder live on the scoring server;
editing this copy changes nothing except your own understanding.
"""

import jax, jax.numpy as jnp
import numpy as np

N = 16384
E = 32768
B = 256

def scatter_mean(x, idx, num_segments):
    s = jax.ops.segment_sum(x, idx, num_segments=num_segments)
    c = jax.ops.segment_sum(jnp.ones(idx.shape, x.dtype), idx, num_segments=num_segments)
    return jnp.where(c > 0, s / jnp.maximum(c, 1.0), 0.0)

def cross_entropy(logits, labels):
    lse = jax.nn.logsumexp(logits, axis=-1)
    picked = jnp.take_along_axis(logits, labels[:, None], axis=-1)[:, 0]
    return lse - picked

def setup_inputs(seed: int = 0):
    key = jax.random.key(seed)
    ks = jax.random.split(key, 12)
    return {
        "coords_true": jax.random.normal(ks[0], (N, 3), jnp.float32),
        "coords_pred": jax.random.normal(ks[1], (N, 3), jnp.float32),
        "atoms_pred": jax.random.normal(ks[2], (N, 16), jnp.float32),
        "atoms_true": jax.random.randint(ks[3], (N,), 0, 16),
        "charges_pred": jax.random.normal(ks[4], (N, 6), jnp.float32),
        "charges_true": jax.random.randint(ks[5], (N,), 0, 6),
        "bonds_pred": jax.random.normal(ks[6], (E, 5), jnp.float32),
        "bonds_true": jax.random.randint(ks[7], (E,), 0, 5),
        "batch": jnp.sort(jax.random.randint(ks[8], (N,), 0, B)),
        "bond_aggregation_index": jax.random.randint(ks[9], (E,), 0, N),
        "weights": jax.random.uniform(ks[10], (B,), jnp.float32),
    }

def reference(coords_true, coords_pred, atoms_pred, atoms_true, charges_pred, charges_true, bonds_pred, bonds_true, batch, bond_aggregation_index, weights):
    # coords regression loss (MSE per atom -> per-molecule mean -> weighted sum)
    regr = jnp.mean((coords_pred - coords_true) ** 2, axis=-1)
    regr = scatter_mean(regr, batch, B)
    regr_loss = jnp.sum(regr * weights)
    # atoms cross-entropy
    atoms = cross_entropy(atoms_pred, atoms_true)
    atoms = scatter_mean(atoms, batch, B)
    atoms_loss = jnp.sum(atoms * weights)
    # charges cross-entropy
    charges = cross_entropy(charges_pred, charges_true)
    charges = scatter_mean(charges, batch, B)
    charges_loss = jnp.sum(charges * weights)
    # bonds cross-entropy: aggregate bonds -> atoms (0.5x), then atoms -> molecules
    bonds = cross_entropy(bonds_pred, bonds_true)
    bonds = 0.5 * scatter_mean(bonds, bond_aggregation_index, N)
    bonds = scatter_mean(bonds, batch, B)
    bonds_loss = jnp.sum(bonds * weights)
    return (regr_loss, atoms_loss, charges_loss, bonds_loss)

if __name__ == "__main__":
    import jax
    _d = setup_inputs()
    print(jax.jit(kernel)(*tuple(_d.values())))

</pallas_src>

<mosaic_0001>
#map = affine_map<(d0, d1) -> (0, 0)>
#map1 = affine_map<(d0, d1) -> (0, 0, 0)>
#map2 = affine_map<(d0, d1) -> (0)>
module attributes {stable_mosaic.version = 14 : i64} {
  func.func @_sc_body(%arg0: i32, %arg1: i32, %arg2: memref<256x128xf32, #tpu.memory_space<hbm>>, %arg3: memref<256x128xi32, #tpu.memory_space<hbm>>, %arg4: memref<128x128xi32, #tpu.memory_space<hbm>>, %arg5: memref<3x128x128xf32, #tpu.memory_space<hbm>>, %arg6: memref<256xf32, #tpu.memory_space<hbm>>, %arg7: memref<16xf32, #tpu.memory_space<hbm>>, %arg8: memref<16384xf32, #tpu.memory_space<vmem_shared>>, %arg9: memref<16384xf32, #tpu.memory_space<vmem_shared>>, %arg10: memref<256xf32, #tpu.memory_space<vmem_shared>>, %arg11: memref<256xf32, #tpu.memory_space<vmem_shared>>, %arg12: memref<256xf32, #tpu.memory_space<vmem_shared>>, %arg13: memref<256xf32, #tpu.memory_space<vmem_shared>>, %arg14: memref<256xf32, #tpu.memory_space<vmem_shared>>, %arg15: memref<16xf32, #tpu.memory_space<vmem_shared>>, %arg16: memref<1024xf32, #tpu.memory_space<vmem>>, %arg17: memref<128xf32, #tpu.memory_space<vmem>>, %arg18: memref<16x128xi32, #tpu.memory_space<vmem>>, %arg19: memref<16x128xf32, #tpu.memory_space<vmem>>, %arg20: memref<8x128xi32, #tpu.memory_space<vmem>>, %arg21: memref<8x128xf32, #tpu.memory_space<vmem>>, %arg22: memref<8x128xf32, #tpu.memory_space<vmem>>, %arg23: memref<8x128xf32, #tpu.memory_space<vmem>>, %arg24: memref<1024xf32, #tpu.memory_space<vmem>>, %arg25: memref<1024xf32, #tpu.memory_space<vmem>>, %arg26: memref<1024xf32, #tpu.memory_space<vmem>>, %arg27: memref<256xf32, #tpu.memory_space<vmem>>, %arg28: memref<256xf32, #tpu.memory_space<vmem>>, %arg29: memref<256xf32, #tpu.memory_space<vmem>>, %arg30: memref<256xf32, #tpu.memory_space<vmem>>, %arg31: memref<256xf32, #tpu.memory_space<vmem>>, %arg32: memref<256xf32, #tpu.memory_space<vmem>>, %arg33: memref<4x16xf32, #tpu.memory_space<vmem>>, %arg34: memref<4x16xi32, #tpu.memory_space<vmem>>, %arg35: memref<!tpu.dma_semaphore, #tpu.memory_space<semaphore_mem>>) attributes {dimension_semantics = [#tpu.dimension_semantics<core_parallel>, #tpu.dimension_semantics<subcore_parallel>], iteration_bounds = array<i64: 2, 16>, scalar_prefetch = 0 : i64, scratch_operands = 28 : i64, tpu.core_type = #tpu.core_type<sc_vector_subcore>, window_params = [{transform_indices = #map}, {transform_indices = #map}, {transform_indices = #map}, {transform_indices = #map1}, {transform_indices = #map2}, {transform_indices = #map2}]} {
    %eq3A = arith.constant 0 : i32
    %eq3A_0 = arith.cmpi eq, %arg0, %eq3A : i32
    %convert_element_type3A = arith.extui %eq3A_0 : i1 to i32
    %cond3A = arith.constant 0 : i32
    %cond3A_1 = arith.cmpi ne, %convert_element_type3A, %cond3A : i32
    scf.if %cond3A_1 {
      %broadcast_in_dim3A = arith.constant 0.000000e+00 : f32
      %broadcast_in_dim3A_21 = vector.broadcast %broadcast_in_dim3A : f32 to vector<16xf32>
      %swap3A = arith.constant 0 : index
      %swap3A_22 = tpu.vector_load %arg16[%swap3A] {strides = array<i32>} : memref<1024xf32, #tpu.memory_space<vmem>>, vector<16xf32>,
      %swap3A_23 = vector.shape_cast %swap3A_22 : vector<16xf32> to vector<16xf32>
      %swap3A_24 = vector.shape_cast %broadcast_in_dim3A_21 : vector<16xf32> to vector<16xf32>
      tpu.vector_store %arg16[%swap3A], %swap3A_24 {strides = array<i32>} : memref<1024xf32, #tpu.memory_space<vmem>>, vector<16xf32>,
      %broadcast_in_dim3A_25 = arith.constant 0.000000e+00 : f32
      %broadcast_in_dim3A_26 = vector.broadcast %broadcast_in_dim3A_25 : f32 to vector<16xf32>
      %swap3A_27 = arith.constant 16 : index
      %swap3A_28 = tpu.vector_load %arg16[%swap3A_27] {strides = array<i32>} : memref<1024xf32, #tpu.memory_space<vmem>>, vector<16xf32>,
      %swap3A_29 = vector.shape_cast %swap3A_28 : vector<16xf32> to vector<16xf32>
      %swap3A_30 = vector.shape_cast %broadcast_in_dim3A_26 : vector<16xf32> to vector<16xf32>
      tpu.vector_store %arg16[%swap3A_27], %swap3A_30 {strides = array<i32>} : memref<1024xf32, #tpu.memory_space<vmem>>, vector<16xf32>,
      %broadcast_in_dim3A_31 = arith.constant 0.000000e+00 : f32
      %broadcast_in_dim3A_32 = vector.broadcast %broadcast_in_dim3A_31 : f32 to vector<16xf32>
      %swap3A_33 = arith.constant 32 : index
      %swap3A_34 = tpu.vector_load %arg16[%swap3A_33] {strides = array<i32>} : memref<1024xf32, #tpu.memory_space<vmem>>, vector<16xf32>,
      %swap3A_35 = vector.shape_cast %swap3A_34 : vector<16xf32> to vector<16xf32>
      %swap3A_36 = vector.shape_cast %broadcast_in_dim3A_32 : vector<16xf32> to vector<16xf32>
      tpu.vector_store %arg16[%swap3A_33], %swap3A_36 {strides = array<i32>} : memref<1024xf32, #tpu.memory_space<vmem>>, vector<16xf32>,
      %broadcast_in_dim3A_37 = arith.constant 0.000000e+00 : f32
      %broadcast_in_dim3A_38 = vector.broadcast %broadcast_in_dim3A_37 : f32 to vector<16xf32>
      %swap3A_39 = arith.constant 48 : index
      %swap3A_40 = tpu.vector_load %arg16[%swap3A_39] {strides = array<i32>} : memref<1024xf32, #tpu.memory_space<vmem>>, vector<16xf32>,
      %swap3A_41 = vector.shape_cast %swap3A_40 : vector<16xf32> to vector<16xf32>
      %swap3A_42 = vector.shape_cast %broadcast_in_dim3A_38 : vector<16xf32> to vector<16xf32>
      tpu.vector_store %arg16[%swap3A_39], %swap3A_42 {strides = array<i32>} : memref<1024xf32, #tpu.memory_space<vmem>>, vector<16xf32>,
      %broadcast_in_dim3A_43 = arith.constant 0.000000e+00 : f32
      %broadcast_in_dim3A_44 = vector.broadcast %broadcast_in_dim3A_43 : f32 to vector<16xf32>
      %swap3A_45 = arith.constant 64 : index
      %swap3A_46 = tpu.vector_load %arg16[%swap3A_45] {strides = array<i32>} : memref<1024xf32, #tpu.memory_space<vmem>>, vector<16xf32>,
      %swap3A_47 = vector.shape_cast %swap3A_46 : vector<16xf32> to vector<16xf32>
      %swap3A_48 = vector.shape_cast %broadcast_in_dim3A_44 : vector<16xf32> to vector<16xf32>
      tpu.vector_store %arg16[%swap3A_45], %swap3A_48 {strides = array<i32>} : memref<1024xf32, #tpu.memory_space<vmem>>, vector<16xf32>,
      %broadcast_in_dim3A_49 = arith.constant 0.000000e+00 : f32
      %broadcast_in_dim3A_50 = vector.broadcast %broadcast_in_dim3A_49 : f32 to vector<16xf32>
      %swap3A_51 = arith.constant 80 : index
      %swap3A_52 = tpu.vector_load %arg16[%swap3A_51] {strides = array<i32>} : memref<1024xf32, #tpu.memory_space<vmem>>, vector<16xf32>,
      %swap3A_53 = vector.shape_cast %swap3A_52 : vector<16xf32> to vector<16xf32>
      %swap3A_54 = vector.shape_cast %broadcast_in_dim3A_50 : vector<16xf32> to vector<16xf32>
      tpu.vector_store %arg16[%swap3A_51], %swap3A_54 {strides = array<i32>} : memref<1024xf32, #tpu.memory_space<vmem>>, vector<16xf32>,
      %broadcast_in_dim3A_55 = arith.constant 0.000000e+00 : f32
      %broadcast_in_dim3A_56 = vector.broadcast %broadcast_in_dim3A_55 : f32 to vector<16xf32>
      %swap3A_57 = arith.constant 96 : index
      %swap3A_58 = tpu.vector_load %arg16[%swap3A_57] {strides = array<i32>} : memref<1024xf32, #tpu.memory_space<vmem>>, vector<16xf32>,
      %swap3A_59 = vector.shape_cast %swap3A_58 : vector<16xf32> to vector<16xf32>
      %swap3A_60 = vector.shape_cast %broadcast_in_dim3A_56 : vector<16xf32> to vector<16xf32>
      tpu.vector_store %arg16[%swap3A_57], %swap3A_60 {strides = array<i32>} : memref<1024xf32, #tpu.memory_space<vmem>>, vector<16xf32>,
      %broadcast_in_dim3A_61 = arith.constant 0.000000e+00 : f32
      %broadcast_in_dim3A_62 = vector.broadcast %broadcast_in_dim3A_61 : f32 to vector<16xf32>
      %swap3A_63 = arith.constant 112 : index
      %swap3A_64 = tpu.vector_load %arg16[%swap3A_63] {strides = array<i32>} : memref<1024xf32, #tpu.memory_space<vmem>>, vector<16xf32>,
      %swap3A_65 = vector.shape_cast %swap3A_64 : vector<16xf32> to vector<16xf32>
      %swap3A_66 = vector.shape_cast %broadcast_in_dim3A_62 : vector<16xf32> to vector<16xf32>
      tpu.vector_store %arg16[%swap3A_63], %swap3A_66 {strides = array<i32>} : memref<1024xf32, #tpu.memory_space<vmem>>, vector<16xf32>,
      %broadcast_in_dim3A_67 = arith.constant 0.000000e+00 : f32
      %broadcast_in_dim3A_68 = vector.broadcast %broadcast_in_dim3A_67 : f32 to vector<16xf32>
      %swap3A_69 = arith.constant 128 : index
      %swap3A_70 = tpu.vector_load %arg16[%swap3A_69] {strides = array<i32>} : memref<1024xf32, #tpu.memory_space<vmem>>, vector<16xf32>,
      %swap3A_71 = vector.shape_cast %swap3A_70 : vector<16xf32> to vector<16xf32>
      %swap3A_72 = vector.shape_cast %broadcast_in_dim3A_68 : vector<16xf32> to vector<16xf32>
      tpu.vector_store %arg16[%swap3A_69], %swap3A_72 {strides = array<i32>} : memref<1024xf32, #tpu.memory_space<vmem>>, vector<16xf32>,
      %broadcast_in_dim3A_73 = arith.constant 0.000000e+00 : f32
      %broadcast_in_dim3A_74 = vector.broadcast %broadcast_in_dim3A_73 : f32 to vector<16xf32>
      %swap3A_75 = arith.constant 144 : index
      %swap3A_76 = tpu.vector_load %arg16[%swap3A_75] {strides = array<i32>} : memref<1024xf32, #tpu.memory_space<vmem>>, vector<16xf32>,
      %swap3A_77 = vector.shape_cast %swap3A_76 : vector<16xf32> to vector<16xf32>
      %swap3A_78 = vector.shape_cast %broadcast_in_dim3A_74 : vector<16xf32> to vector<16xf32>
      tpu.vector_store %arg16[%swap3A_75], %swap3A_78 {strides = array<i32>} : memref<1024xf32, #tpu.memory_space<vmem>>, vector<16xf32>,
      %broadcast_in_dim3A_79 = arith.constant 0.000000e+00 : f32
      %broadcast_in_dim3A_80 = vector.broadcast %broadcast_in_dim3A_79 : f32 to vector<16xf32>
      %swap3A_81 = arith.constant 160 : index
      %swap3A_82 = tpu.vector_load %arg16[%swap3A_81] {strides = array<i32>} : memref<1024xf32, #tpu.memory_space<vmem>>, vector<16xf32>,
      %swap3A_83 = vector.shape_cast %swap3A_82 : vector<16xf32> to vector<16xf32>
      %swap3A_84 = vector.shape_cast %broadcast_in_dim3A_80 : vector<16xf32> to vector<16xf32>
      tpu.vector_store %arg16[%swap3A_81], %swap3A_84 {strides = array<i32>} : memref<1024xf32, #tpu.memory_space<vmem>>, vector<16xf32>,
      %broadcast_in_dim3A_85 = arith.constant 0.000000e+00 : f32
      %broadcast_in_dim3A_86 = vector.broadcast %broadcast_in_dim3A_85 : f32 to vector<16xf32>
      %swap3A_87 = arith.constant 176 : index
      %swap3A_88 = tpu.vector_load %arg16[%swap3A_87] {strides = array<i32>} : memref<1024xf32, #tpu.memory_space<vmem>>, vector<16xf32>,
      %swap3A_89 = vector.shape_cast %swap3A_88 : vector<16xf32> to vector<16xf32>
      %swap3A_90 = vector.shape_cast %broadcast_in_dim3A_86 : vector<16xf32> to vector<16xf32>
      tpu.vector_store %arg16[%swap3A_87], %swap3A_90 {strides = array<i32>} : memref<1024xf32, #tpu.memory_space<vmem>>, vector<16xf32>,
      %broadcast_in_dim3A_91 = arith.constant 0.000000e+00 : f32
      %broadcast_in_dim3A_92 = vector.broadcast %broadcast_in_dim3A_91 : f32 to vector<16xf32>
      %swap3A_93 = arith.constant 192 : index
      %swap3A_94 = tpu.vector_load %arg16[%swap3A_93] {strides = array<i32>} : memref<1024xf32, #tpu.memory_space<vmem>>, vector<16xf32>,
      %swap3A_95 = vector.shape_cast %swap3A_94 : vector<16xf32> to vector<16xf32>
      %swap3A_96 = vector.shape_cast %broadcast_in_dim3A_92 : vector<16xf32> to vector<16xf32>
      tpu.vector_store %arg16[%swap3A_93], %swap3A_96 {strides = array<i32>} : memref<1024xf32, #tpu.memory_space<vmem>>, vector<16xf32>,
      %broadcast_in_dim3A_97 = arith.constant 0.000000e+00 : f32
      %broadcast_in_dim3A_98 = vector.broadcast %broadcast_in_dim3A_97 : f32 to vector<16xf32>
      %swap3A_99 = arith.constant 208 : index
      %swap3A_100 = tpu.vector_load %arg16[%swap3A_99] {strides = array<i32>} : memref<1024xf32, #tpu.memory_space<vmem>>, vector<16xf32>,
      %swap3A_101 = vector.shape_cast %swap3A_100 : vector<16xf32> to vector<16xf32>
      %swap3A_102 = vector.shape_cast %broadcast_in_dim3A_98 : vector<16xf32> to vector<16xf32>
      tpu.vector_store %arg16[%swap3A_99], %swap3A_102 {strides = array<i32>} : memref<1024xf32, #tpu.memory_space<vmem>>, vector<16xf32>,
      %broadcast_in_dim3A_103 = arith.constant 0.000000e+00 : f32
      %broadcast_in_dim3A_104 = vector.broadcast %broadcast_in_dim3A_103 : f32 to vector<16xf32>
      %swap3A_105 = arith.constant 224 : index
      %swap3A_106 = tpu.vector_load %arg16[%swap3A_105] {strides = array<i32>} : memref<1024xf32, #tpu.memory_space<vmem>>, vector<16xf32>,
      %swap3A_107 = vector.shape_cast %swap3A_106 : vector<16xf32> to vector<16xf32>
      %swap3A_108 = vector.shape_cast %broadcast_in_dim3A_104 : vector<16xf32> to vector<16xf32>
      tpu.vector_store %arg16[%swap3A_105], %swap3A_108 {strides = array<i32>} : memref<1024xf32, #tpu.memory_space<vmem>>, vector<16xf32>,
      %broadcast_in_dim3A_109 = arith.constant 0.000000e+00 : f32
      %broadcast_in_dim3A_110 = vector.broadcast %broadcast_in_dim3A_109 : f32 to vector<16xf32>
      %swap3A_111 = arith.constant 240 : index
      %swap3A_112 = tpu.vector_load %arg16[%swap3A_111] {strides = array<i32>} : memref<1024xf32, #tpu.memory_space<vmem>>, vector<16xf32>,
      %swap3A_113 = vector.shape_cast %swap3A_112 : vector<16xf32> to vector<16xf32>
      %swap3A_114 = vector.shape_cast %broadcast_in_dim3A_110 : vector<16xf32> to vector<16xf32>
      tpu.vector_store %arg16[%swap3A_111], %swap3A_114 {strides = array<i32>} : memref<1024xf32, #tpu.memory_space<vmem>>, vector<16xf32>,
      %broadcast_in_dim3A_115 = arith.constant 0.000000e+00 : f32
      %broadcast_in_dim3A_116 = vector.broadcast %broadcast_in_dim3A_115 : f32 to vector<16xf32>
      %swap3A_117 = arith.constant 256 : index
      %swap3A_118 = tpu.vector_load %arg16[%swap3A_117] {strides = array<i32>} : memref<1024xf32, #tpu.memory_space<vmem>>, vector<16xf32>,
      %swap3A_119 = vector.shape_cast %swap3A_118 : vector<16xf32> to vector<16xf32>
      %swap3A_120 = vector.shape_cast %broadcast_in_dim3A_116 : vector<16xf32> to vector<16xf32>
      tpu.vector_store %arg16[%swap3A_117], %swap3A_120 {strides = array<i32>} : memref<1024xf32, #tpu.memory_space<vmem>>, vector<16xf32>,
      %broadcast_in_dim3A_121 = arith.constant 0.000000e+00 : f32
      %broadcast_in_dim3A_122 = vector.broadcast %broadcast_in_dim3A_121 : f32 to vector<16xf32>
      %swap3A_123 = arith.constant 272 : index
      %swap3A_124 = tpu.vector_load %arg16[%swap3A_123] {strides = array<i32>} : memref<1024xf32, #tpu.memory_space<vmem>>, vector<16xf32>,
      %swap3A_125 = vector.shape_cast %swap3A_124 : vector<16xf32> to vector<16xf32>
      %swap3A_126 = vector.shape_cast %broadcast_in_dim3A_122 : vector<16xf32> to vector<16xf32>
      tpu.vector_store %arg16[%swap3A_123], %swap3A_126 {strides = array<i32>} : memref<1024xf32, #tpu.memory_space<vmem>>, vector<16xf32>,
      %broadcast_in_dim3A_127 = arith.constant 0.000000e+00 : f32
      %broadcast_in_dim3A_128 = vector.broadcast %broadcast_in_dim3A_127 : f32 to vector<16xf32>
      %swap3A_129 = arith.constant 288 : index
      %swap3A_130 = tpu.vector_load %arg16[%swap3A_129] {strides = array<i32>} : memref<1024xf32, #tpu.memory_space<vmem>>, vector<16xf32>,
      %swap3A_131 = vector.shape_cast %swap3A_130 : vector<16xf32> to vector<16xf32>
      %swap3A_132 = vector.shape_cast %broadcast_in_dim3A_128 : vector<16xf32> to vector<16xf32>
      tpu.vector_store %arg16[%swap3A_129], %swap3A_132 {strides = array<i32>} : memref<1024xf32, #tpu.memory_space<vmem>>, vector<16xf32>,
      %broadcast_in_dim3A_133 = arith.constant 0.000000e+00 : f32
      %broadcast_in_dim3A_134 = vector.broadcast %broadcast_in_dim3A_133 : f32 to vector<16xf32>
      %swap3A_135 = arith.constant 304 : index
      %swap3A_136 = tpu.vector_load %arg16[%swap3A_135] {strides = array<i32>} : memref<1024xf32, #tpu.memory_space<vmem>>, vector<16xf32>,
      %swap3A_137 = vector.shape_cast %swap3A_136 : vector<16xf32> to vector<16xf32>
      %swap3A_138 = vector.shape_cast %broadcast_in_dim3A_134 : vector<16xf32> to vector<16xf32>
      tpu.vector_store %arg16[%swap3A_135], %swap3A_138 {strides = array<i32>} : memref<1024xf32, #tpu.memory_space<vmem>>, vector<16xf32>,
      %broadcast_in_dim3A_139 = arith.constant 0.000000e+00 : f32
      %broadcast_in_dim3A_140 = vector.broadcast %broadcast_in_dim3A_139 : f32 to vector<16xf32>
      %swap3A_141 = arith.constant 320 : index
      %swap3A_142 = tpu.vector_load %arg16[%swap3A_141] {strides = array<i32>} : memref<1024xf32, #tpu.memory_space<vmem>>, vector<16xf32>,
      %swap3A_143 = vector.shape_cast %swap3A_142 : vector<16xf32> to vector<16xf32>
      %swap3A_144 = vector.shape_cast %broadcast_in_dim3A_140 : vector<16xf32> to vector<16xf32>
      tpu.vector_store %arg16[%swap3A_141], %swap3A_144 {strides = array<i32>} : memref<1024xf32, #tpu.memory_space<vmem>>, vector<16xf32>,
      %broadcast_in_dim3A_145 = arith.constant 0.000000e+00 : f32
      %broadcast_in_dim3A_146 = vector.broadcast %broadcast_in_dim3A_145 : f32 to vector<16xf32>
      %swap3A_147 = arith.constant 336 : index
      %swap3A_148 = tpu.vector_load %arg16[%swap3A_147] {strides = array<i32>} : memref<1024xf32, #tpu.memory_space<vmem>>, vector<16xf32>,
      %swap3A_149 = vector.shape_cast %swap3A_148 : vector<16xf32> to vector<16xf32>
      %swap3A_150 = vector.shape_cast %broadcast_in_dim3A_146 : vector<16xf32> to vector<16xf32>
      tpu.vector_store %arg16[%swap3A_147], %swap3A_150 {strides = array<i32>} : memref<1024xf32, #tpu.memory_space<vmem>>, vector<16xf32>,
      %broadcast_in_dim3A_151 = arith.constant 0.000000e+00 : f32
      %broadcast_in_dim3A_152 = vector.broadcast %broadcast_in_dim3A_151 : f32 to vector<16xf32>
      %swap3A_153 = arith.constant 352 : index
      %swap3A_154 = tpu.vector_load %arg16[%swap3A_153] {strides = array<i32>} : memref<1024xf32, #tpu.memory_space<vmem>>, vector<16xf32>,
      %swap3A_155 = vector.shape_cast %swap3A_154 : vector<16xf32> to vector<16xf32>
      %swap3A_156 = vector.shape_cast %broadcast_in_dim3A_152 : vector<16xf32> to vector<16xf32>
      tpu.vector_store %arg16[%swap3A_153], %swap3A_156 {strides = array<i32>} : memref<1024xf32, #tpu.memory_space<vmem>>, vector<16xf32>,
      %broadcast_in_dim3A_157 = arith.constant 0.000000e+00 : f32
      %broadcast_in_dim3A_158 = vector.broadcast %broadcast_in_dim3A_157 : f32 to vector<16xf32>
      %swap3A_159 = arith.constant 368 : index
      %swap3A_160 = tpu.vector_load %arg16[%swap3A_159] {strides = array<i32>} : memref<1024xf32, #tpu.memory_space<vmem>>, vector<16xf32>,
      %swap3A_161 = vector.shape_cast %swap3A_160 : vector<16xf32> to vector<16xf32>
      %swap3A_162 = vector.shape_cast %broadcast_in_dim3A_158 : vector<16xf32> to vector<16xf32>
      tpu.vector_store %arg16[%swap3A_159], %swap3A_162 {strides = array<i32>} : memref<1024xf32, #tpu.memory_space<vmem>>, vector<16xf32>,
      %broadcast_in_dim3A_163 = arith.constant 0.000000e+00 : f32
      %broadcast_in_dim3A_164 = vector.broadcast %broadcast_in_dim3A_163 : f32 to vector<16xf32>
      %swap3A_165 = arith.constant 384 : index
      %swap3A_166 = tpu.vector_load %arg16[%swap3A_165] {strides = array<i32>} : memref<1024xf32, #tpu.memory_space<vmem>>, vector<16xf32>,
      %swap3A_167 = vector.shape_cast %swap3A_166 : vector<16xf32> to vector<16xf32>
      %swap3A_168 = vector.shape_cast %broadcast_in_dim3A_164 : vector<16xf32> to vector<16xf32>
      tpu.vector_store %arg16[%swap3A_165], %swap3A_168 {strides = array<i32>} : memref<1024xf32, #tpu.memory_space<vmem>>, vector<16xf32>,
      %broadcast_in_dim3A_169 = arith.constant 0.000000e+00 : f32
      %broadcast_in_dim3A_170 = vector.broadcast %broadcast_in_dim3A_169 : f32 to vector<16xf32>
      %swap3A_171 = arith.constant 400 : index
      %swap3A_172 = tpu.vector_load %arg16[%swap3A_171] {strides = array<i32>} : memref<1024xf32, #tpu.memory_space<vmem>>, vector<16xf32>,
      %swap3A_173 = vector.shape_cast %swap3A_172 : vector<16xf32> to vector<16xf32>
      %swap3A_174 = vector.shape_cast %broadcast_in_dim3A_170 : vector<16xf32> to vector<16xf32>
      tpu.vector_store %arg16[%swap3A_171], %swap3A_174 {strides = array<i32>} : memref<1024xf32, #tpu.memory_space<vmem>>, vector<16xf32>,
      %broadcast_in_dim3A_175 = arith.constant 0.000000e+00 : f32
      %broadcast_in_dim3A_176 = vector.broadcast %broadcast_in_dim3A_175 : f32 to vector<16xf32>
      %swap3A_177 = arith.constant 416 : index
      %swap3A_178 = tpu.vector_load %arg16[%swap3A_177] {strides = array<i32>} : memref<1024xf32, #tpu.memory_space<vmem>>, vector<16xf32>,
      %swap3A_179 = vector.shape_cast %swap3A_178 : vector<16xf32> to vector<16xf32>
      %swap3A_180 = vector.shape_cast %broadcast_in_dim3A_176 : vector<16xf32> to vector<16xf32>
      tpu.vector_store %arg16[%swap3A_177], %swap3A_180 {strides = array<i32>} : memref<1024xf32, #tpu.memory_space<vmem>>, vector<16xf32>,
      %broadcast_in_dim3A_181 = arith.constant 0.000000e+00 : f32
      %broadcast_in_dim3A_182 = vector.broadcast %broadcast_in_dim3A_181 : f32 to vector<16xf32>
      %swap3A_183 = arith.constant 432 : index
      %swap3A_184 = tpu.vector_load %arg16[%swap3A_183] {strides = array<i32>} : memref<1024xf32, #tpu.memory_space<vmem>>, vector<16xf32>,
      %swap3A_185 = vector.shape_cast %swap3A_184 : vector<16xf32> to vector<16xf32>
      %swap3A_186 = vector.shape_cast %broadcast_in_dim3A_182 : vector<16xf32> to vector<16xf32>
      tpu.vector_store %arg16[%swap3A_183], %swap3A_186 {strides = array<i32>} : memref<1024xf32, #tpu.memory_space<vmem>>, vector<16xf32>,
      %broadcast_in_dim3A_187 = arith.constant 0.000000e+00 : f32
      %broadcast_in_dim3A_188 = vector.broadcast %broadcast_in_dim3A_187 : f32 to vector<16xf32>
      %swap3A_189 = arith.constant 448 : index
      %swap3A_190 = tpu.vector_load %arg16[%swap3A_189] {strides = array<i32>} : memref<1024xf32, #tpu.memory_space<vmem>>, vector<16xf32>,
      %swap3A_191 = vector.shape_cast %swap3A_190 : vector<16xf32> to vector<16xf32>
      %swap3A_192 = vector.shape_cast %broadcast_in_dim3A_188 : vector<16xf32> to vector<16xf32>
      tpu.vector_store %arg16[%swap3A_189], %swap3A_192 {strides = array<i32>} : memref<1024xf32, #tpu.memory_space<vmem>>, vector<16xf32>,
      %broadcast_in_dim3A_193 = arith.constant 0.000000e+00 : f32
      %broadcast_in_dim3A_194 = vector.broadcast %broadcast_in_dim3A_193 : f32 to vector<16xf32>
      %swap3A_195 = arith.constant 464 : index
      %swap3A_196 = tpu.vector_load %arg16[%swap3A_195] {strides = array<i32>} : memref<1024xf32, #tpu.memory_space<vmem>>, vector<16xf32>,
      %swap3A_197 = vector.shape_cast %swap3A_196 : vector<16xf32> to vector<16xf32>
      %swap3A_198 = vector.shape_cast %broadcast_in_dim3A_194 : vector<16xf32> to vector<16xf32>
      tpu.vector_store %arg16[%swap3A_195], %swap3A_198 {strides = array<i32>} : memref<1024xf32, #tpu.memory_space<vmem>>, vector<16xf32>,
      %broadcast_in_dim3A_199 = arith.constant 0.000000e+00 : f32
      %broadcast_in_dim3A_200 = vector.broadcast %broadcast_in_dim3A_199 : f32 to vector<16xf32>
      %swap3A_201 = arith.constant 480 : index
      %swap3A_202 = tpu.vector_load %arg16[%swap3A_201] {strides = array<i32>} : memref<1024xf32, #tpu.memory_space<vmem>>, vector<16xf32>,
      %swap3A_203 = vector.shape_cast %swap3A_202 : vector<16xf32> to vector<16xf32>
      %swap3A_204 = vector.shape_cast %broadcast_in_dim3A_200 : vector<16xf32> to vector<16xf32>
      tpu.vector_store %arg16[%swap3A_201], %swap3A_204 {strides = array<i32>} : memref<1024xf32, #tpu.memory_space<vmem>>, vector<16xf32>,
      %broadcast_in_dim3A_205 = arith.constant 0.000000e+00 : f32
      %broadcast_in_dim3A_206 = vector.broadcast %broadcast_in_dim3A_205 : f32 to vector<16xf32>
      %swap3A_207 = arith.constant 496 : index
      %swap3A_208 = tpu.vector_load %arg16[%swap3A_207] {strides = array<i32>} : memref<1024xf32, #tpu.memory_space<vmem>>, vector<16xf32>,
      %swap3A_209 = vector.shape_cast %swap3A_208 : vector<16xf32> to vector<16xf32>
      %swap3A_210 = vector.shape_cast %broadcast_in_dim3A_206 : vector<16xf32> to vector<16xf32>
      tpu.vector_store %arg16[%swap3A_207], %swap3A_210 {strides = array<i32>} : memref<1024xf32, #tpu.memory_space<vmem>>, vector<16xf32>,
      %broadcast_in_dim3A_211 = arith.constant 0.000000e+00 : f32
      %broadcast_in_dim3A_212 = vector.broadcast %broadcast_in_dim3A_211 : f32 to vector<16xf32>
      %swap3A_213 = arith.constant 512 : index
      %swap3A_214 = tpu.vector_load %arg16[%swap3A_213] {strides = array<i32>} : memref<1024xf32, #tpu.memory_space<vmem>>, vector<16xf32>,
      %swap3A_215 = vector.shape_cast %swap3A_214 : vector<16xf32> to vector<16xf32>
      %swap3A_216 = vector.shape_cast %broadcast_in_dim3A_212 : vector<16xf32> to vector<16xf32>
      tpu.vector_store %arg16[%swap3A_213], %swap3A_216 {strides = array<i32>} : memref<1024xf32, #tpu.memory_space<vmem>>, vector<16xf32>,
      %broadcast_in_dim3A_217 = arith.constant 0.000000e+00 : f32
      %broadcast_in_dim3A_218 = vector.broadcast %broadcast_in_dim3A_217 : f32 to vector<16xf32>
      %swap3A_219 = arith.constant 528 : index
      %swap3A_220 = tpu.vector_load %arg16[%swap3A_219] {strides = array<i32>} : memref<1024xf32, #tpu.memory_space<vmem>>, vector<16xf32>,
      %swap3A_221 = vector.shape_cast %swap3A_220 : vector<16xf32> to vector<16xf32>
      %swap3A_222 = vector.shape_cast %broadcast_in_dim3A_218 : vector<16xf32> to vector<16xf32>
      tpu.vector_store %arg16[%swap3A_219], %swap3A_222 {strides = array<i32>} : memref<1024xf32, #tpu.memory_space<vmem>>, vector<16xf32>,
      %broadcast_in_dim3A_223 = arith.constant 0.000000e+00 : f32
      %broadcast_in_dim3A_224 = vector.broadcast %broadcast_in_dim3A_223 : f32 to vector<16xf32>
      %swap3A_225 = arith.constant 544 : index
      %swap3A_226 = tpu.vector_load %arg16[%swap3A_225] {strides = array<i32>} : memref<1024xf32, #tpu.memory_space<vmem>>, vector<16xf32>,
      %swap3A_227 = vector.shape_cast %swap3A_226 : vector<16xf32> to vector<16xf32>
      %swap3A_228 = vector.shape_cast %broadcast_in_dim3A_224 : vector<16xf32> to vector<16xf32>
      tpu.vector_store %arg16[%swap3A_225], %swap3A_228 {strides = array<i32>} : memref<1024xf32, #tpu.memory_space<vmem>>, vector<16xf32>,
      %broadcast_in_dim3A_229 = arith.constant 0.000000e+00 : f32
      %broadcast_in_dim3A_230 = vector.broadcast %broadcast_in_dim3A_229 : f32 to vector<16xf32>
      %swap3A_231 = arith.constant 560 : index
      %swap3A_232 = tpu.vector_load %arg16[%swap3A_231] {strides = array<i32>} : memref<1024xf32, #tpu.memory_space<vmem>>, vector<16xf32>,
      %swap3A_233 = vector.shape_cast %swap3A_232 : vector<16xf32> to vector<16xf32>
      %swap3A_234 = vector.shape_cast %broadcast_in_dim3A_230 : vector<16xf32> to vector<16xf32>
      tpu.vector_store %arg16[%swap3A_231], %swap3A_234 {strides = array<i32>} : memref<1024xf32, #tpu.memory_space<vmem>>, vector<16xf32>,
      %broadcast_in_dim3A_235 = arith.constant 0.000000e+00 : f32
      %broadcast_in_dim3A_236 = vector.broadcast %broadcast_in_dim3A_235 : f32 to vector<16xf32>
      %swap3A_237 = arith.constant 576 : index
      %swap3A_238 = tpu.vector_load %arg16[%swap3A_237] {strides = array<i32>} : memref<1024xf32, #tpu.memory_space<vmem>>, vector<16xf32>,
      %swap3A_239 = vector.shape_cast %swap3A_238 : vector<16xf32> to vector<16xf32>
      %swap3A_240 = vector.shape_cast %broadcast_in_dim3A_236 : vector<16xf32> to vector<16xf32>
      tpu.vector_store %arg16[%swap3A_237], %swap3A_240 {strides = array<i32>} : memref<1024xf32, #tpu.memory_space<vmem>>, vector<16xf32>,
      %broadcast_in_dim3A_241 = arith.constant 0.000000e+00 : f32
      %broadcast_in_dim3A_242 = vector.broadcast %broadcast_in_dim3A_241 : f32 to vector<16xf32>
      %swap3A_243 = arith.constant 592 : index
      %swap3A_244 = tpu.vector_load %arg16[%swap3A_243] {strides = array<i32>} : memref<1024xf32, #tpu.memory_space<vmem>>, vector<16xf32>,
      %swap3A_245 = vector.shape_cast %swap3A_244 : vector<16xf32> to vector<16xf32>
      %swap3A_246 = vector.shape_cast %broadcast_in_dim3A_242 : vector<16xf32> to vector<16xf32>
      tpu.vector_store %arg16[%swap3A_243], %swap3A_246 {strides = array<i32>} : memref<1024xf32, #tpu.memory_space<vmem>>, vector<16xf32>,
      %broadcast_in_dim3A_247 = arith.constant 0.000000e+00 : f32
      %broadcast_in_dim3A_248 = vector.broadcast %broadcast_in_dim3A_247 : f32 to vector<16xf32>
      %swap3A_249 = arith.constant 608 : index
      %swap3A_250 = tpu.vector_load %arg16[%swap3A_249] {strides = array<i32>} : memref<1024xf32, #tpu.memory_space<vmem>>, vector<16xf32>,
      %swap3A_251 = vector.shape_cast %swap3A_250 : vector<16xf32> to vector<16xf32>
      %swap3A_252 = vector.shape_cast %broadcast_in_dim3A_248 : vector<16xf32> to vector<16xf32>
      tpu.vector_store %arg16[%swap3A_249], %swap3A_252 {strides = array<i32>} : memref<1024xf32, #tpu.memory_space<vmem>>, vector<16xf32>,
      %broadcast_in_dim3A_253 = arith.constant 0.000000e+00 : f32
      %broadcast_in_dim3A_254 = vector.broadcast %broadcast_in_dim3A_253 : f32 to vector<16xf32>
      %swap3A_255 = arith.constant 624 : index
      %swap3A_256 = tpu.vector_load %arg16[%swap3A_255] {strides = array<i32>} : memref<1024xf32, #tpu.memory_space<vmem>>, vector<16xf32>,
      %swap3A_257 = vector.shape_cast %swap3A_256 : vector<16xf32> to vector<16xf32>
      %swap3A_258 = vector.shape_cast %broadcast_in_dim3A_254 : vector<16xf32> to vector<16xf32>
      tpu.vector_store %arg16[%swap3A_255], %swap3A_258 {strides = array<i32>} : memref<1024xf32, #tpu.memory_space<vmem>>, vector<16xf32>,
      %broadcast_in_dim3A_259 = arith.constant 0.000000e+00 : f32
      %broadcast_in_dim3A_260 = vector.broadcast %broadcast_in_dim3A_259 : f32 to vector<16xf32>
      %swap3A_261 = arith.constant 640 : index
      %swap3A_262 = tpu.vector_load %arg16[%swap3A_261] {strides = array<i32>} : memref<1024xf32, #tpu.memory_space<vmem>>, vector<16xf32>,
      %swap3A_263 = vector.shape_cast %swap3A_262 : vector<16xf32> to vector<16xf32>
      %swap3A_264 = vector.shape_cast %broadcast_in_dim3A_260 : vector<16xf32> to vector<16xf32>
      tpu.vector_store %arg16[%swap3A_261], %swap3A_264 {strides = array<i32>} : memref<1024xf32, #tpu.memory_space<vmem>>, vector<16xf32>,
      %broadcast_in_dim3A_265 = arith.constant 0.000000e+00 : f32
      %broadcast_in_dim3A_266 = vector.broadcast %broadcast_in_dim3A_265 : f32 to vector<16xf32>
      %swap3A_267 = arith.constant 656 : index
      %swap3A_268 = tpu.vector_load %arg16[%swap3A_267] {strides = array<i32>} : memref<1024xf32, #tpu.memory_space<vmem>>, vector<16xf32>,
      %swap3A_269 = vector.shape_cast %swap3A_268 : vector<16xf32> to vector<16xf32>
      %swap3A_270 = vector.shape_cast %broadcast_in_dim3A_266 : vector<16xf32> to vector<16xf32>
      tpu.vector_store %arg16[%swap3A_267], %swap3A_270 {strides = array<i32>} : memref<1024xf32, #tpu.memory_space<vmem>>, vector<16xf32>,
      %broadcast_in_dim3A_271 = arith.constant 0.000000e+00 : f32
      %broadcast_in_dim3A_272 = vector.broadcast %broadcast_in_dim3A_271 : f32 to vector<16xf32>
      %swap3A_273 = arith.constant 672 : index
      %swap3A_274 = tpu.vector_load %arg16[%swap3A_273] {strides = array<i32>} : memref<1024xf32, #tpu.memory_space<vmem>>, vector<16xf32>,
      %swap3A_275 = vector.shape_cast %swap3A_274 : vector<16xf32> to vector<16xf32>
      %swap3A_276 = vector.shape_cast %broadcast_in_dim3A_272 : vector<16xf32> to vector<16xf32>
      tpu.vector_store %arg16[%swap3A_273], %swap3A_276 {strides = array<i32>} : memref<1024xf32, #tpu.memory_space<vmem>>, vector<16xf32>,
      %broadcast_in_dim3A_277 = arith.constant 0.000000e+00 : f32
      %broadcast_in_dim3A_278 = vector.broadcast %broadcast_in_dim3A_277 : f32 to vector<16xf32>
      %swap3A_279 = arith.constant 688 : index
      %swap3A_280 = tpu.vector_load %arg16[%swap3A_279] {strides = array<i32>} : memref<1024xf32, #tpu.memory_space<vmem>>, vector<16xf32>,
      %swap3A_281 = vector.shape_cast %swap3A_280 : vector<16xf32> to vector<16xf32>
      %swap3A_282 = vector.shape_cast %broadcast_in_dim3A_278 : vector<16xf32> to vector<16xf32>
      tpu.vector_store %arg16[%swap3A_279], %swap3A_282 {strides = array<i32>} : memref<1024xf32, #tpu.memory_space<vmem>>, vector<16xf32>,
      %broadcast_in_dim3A_283 = arith.constant 0.000000e+00 : f32
      %broadcast_in_dim3A_284 = vector.broadcast %broadcast_in_dim3A_283 : f32 to vector<16xf32>
      %swap3A_285 = arith.constant 704 : index
      %swap3A_286 = tpu.vector_load %arg16[%swap3A_285] {strides = array<i32>} : memref<1024xf32, #tpu.memory_space<vmem>>, vector<16xf32>,
      %swap3A_287 = vector.shape_cast %swap3A_286 : vector<16xf32> to vector<16xf32>
      %swap3A_288 = vector.shape_cast %broadcast_in_dim3A_284 : vector<16xf32> to vector<16xf32>
      tpu.vector_store %arg16[%swap3A_285], %swap3A_288 {strides = array<i32>} : memref<1024xf32, #tpu.memory_space<vmem>>, vector<16xf32>,
      %broadcast_in_dim3A_289 = arith.constant 0.000000e+00 : f32
      %broadcast_in_dim3A_290 = vector.broadcast %broadcast_in_dim3A_289 : f32 to vector<16xf32>
      %swap3A_291 = arith.constant 720 : index
      %swap3A_292 = tpu.vector_load %arg16[%swap3A_291] {strides = array<i32>} : memref<1024xf32, #tpu.memory_space<vmem>>, vector<16xf32>,
      %swap3A_293 = vector.shape_cast %swap3A_292 : vector<16xf32> to vector<16xf32>
      %swap3A_294 = vector.shape_cast %broadcast_in_dim3A_290 : vector<16xf32> to vector<16xf32>
      tpu.vector_store %arg16[%swap3A_291], %swap3A_294 {strides = array<i32>} : memref<1024xf32, #tpu.memory_space<vmem>>, vector<16xf32>,
      %broadcast_in_dim3A_295 = arith.constant 0.000000e+00 : f32
      %broadcast_in_dim3A_296 = vector.broadcast %broadcast_in_dim3A_295 : f32 to vector<16xf32>
      %swap3A_297 = arith.constant 736 : index
      %swap3A_298 = tpu.vector_load %arg16[%swap3A_297] {strides = array<i32>} : memref<1024xf32, #tpu.memory_space<vmem>>, vector<16xf32>,
      %swap3A_299 = vector.shape_cast %swap3A_298 : vector<16xf32> to vector<16xf32>
      %swap3A_300 = vector.shape_cast %broadcast_in_dim3A_296 : vector<16xf32> to vector<16xf32>
      tpu.vector_store %arg16[%swap3A_297], %swap3A_300 {strides = array<i32>} : memref<1024xf32, #tpu.memory_space<vmem>>, vector<16xf32>,
      %broadcast_in_dim3A_301 = arith.constant 0.000000e+00 : f32
      %broadcast_in_dim3A_302 = vector.broadcast %broadcast_in_dim3A_301 : f32 to vector<16xf32>
      %swap3A_303 = arith.constant 752 : index
      %swap3A_304 = tpu.vector_load %arg16[%swap3A_303] {strides = array<i32>} : memref<1024xf32, #tpu.memory_space<vmem>>, vector<16xf32>,
      %swap3A_305 = vector.shape_cast %swap3A_304 : vector<16xf32> to vector<16xf32>
      %swap3A_306 = vector.shape_cast %broadcast_in_dim3A_302 : vector<16xf32> to vector<16xf32>
      tpu.vector_store %arg16[%swap3A_303], %swap3A_306 {strides = array<i32>} : memref<1024xf32, #tpu.memory_space<vmem>>, vector<16xf32>,
      %broadcast_in_dim3A_307 = arith.constant 0.000000e+00 : f32
      %broadcast_in_dim3A_308 = vector.broadcast %broadcast_in_dim3A_307 : f32 to vector<16xf32>
      %swap3A_309 = arith.constant 768 : index
      %swap3A_310 = tpu.vector_load %arg16[%swap3A_309] {strides = array<i32>} : memref<1024xf32, #tpu.memory_space<vmem>>, vector<16xf32>,
      %swap3A_311 = vector.shape_cast %swap3A_310 : vector<16xf32> to vector<16xf32>
      %swap3A_312 = vector.shape_cast %broadcast_in_dim3A_308 : vector<16xf32> to vector<16xf32>
      tpu.vector_store %arg16[%swap3A_309], %swap3A_312 {strides = array<i32>} : memref<1024xf32, #tpu.memory_space<vmem>>, vector<16xf32>,
      %broadcast_in_dim3A_313 = arith.constant 0.000000e+00 : f32
      %broadcast_in_dim3A_314 = vector.broadcast %broadcast_in_dim3A_313 : f32 to vector<16xf32>
      %swap3A_315 = arith.constant 784 : index
      %swap3A_316 = tpu.vector_load %arg16[%swap3A_315] {strides = array<i32>} : memref<1024xf32, #tpu.memory_space<vmem>>, vector<16xf32>,
      %swap3A_317 = vector.shape_cast %swap3A_316 : vector<16xf32> to vector<16xf32>
      %swap3A_318 = vector.shape_cast %broadcast_in_dim3A_314 : vector<16xf32> to vector<16xf32>
      tpu.vector_store %arg16[%swap3A_315], %swap3A_318 {strides = array<i32>} : memref<1024xf32, #tpu.memory_space<vmem>>, vector<16xf32>,
      %broadcast_in_dim3A_319 = arith.constant 0.000000e+00 : f32
      %broadcast_in_dim3A_320 = vector.broadcast %broadcast_in_dim3A_319 : f32 to vector<16xf32>
      %swap3A_321 = arith.constant 800 : index
      %swap3A_322 = tpu.vector_load %arg16[%swap3A_321] {strides = array<i32>} : memref<1024xf32, #tpu.memory_space<vmem>>, vector<16xf32>,
      %swap3A_323 = vector.shape_cast %swap3A_322 : vector<16xf32> to vector<16xf32>
      %swap3A_324 = vector.shape_cast %broadcast_in_dim3A_320 : vector<16xf32> to vector<16xf32>
      tpu.vector_store %arg16[%swap3A_321], %swap3A_324 {strides = array<i32>} : memref<1024xf32, #tpu.memory_space<vmem>>, vector<16xf32>,
      %broadcast_in_dim3A_325 = arith.constant 0.000000e+00 : f32
      %broadcast_in_dim3A_326 = vector.broadcast %broadcast_in_dim3A_325 : f32 to vector<16xf32>
      %swap3A_327 = arith.constant 816 : index
      %swap3A_328 = tpu.vector_load %arg16[%swap3A_327] {strides = array<i32>} : memref<1024xf32, #tpu.memory_space<vmem>>, vector<16xf32>,
      %swap3A_329 = vector.shape_cast %swap3A_328 : vector<16xf32> to vector<16xf32>
      %swap3A_330 = vector.shape_cast %broadcast_in_dim3A_326 : vector<16xf32> to vector<16xf32>
      tpu.vector_store %arg16[%swap3A_327], %swap3A_330 {strides = array<i32>} : memref<1024xf32, #tpu.memory_space<vmem>>, vector<16xf32>,
      %broadcast_in_dim3A_331 = arith.constant 0.000000e+00 : f32
      %broadcast_in_dim3A_332 = vector.broadcast %broadcast_in_dim3A_331 : f32 to vector<16xf32>
      %swap3A_333 = arith.constant 832 : index
      %swap3A_334 = tpu.vector_load %arg16[%swap3A_333] {strides = array<i32>} : memref<1024xf32, #tpu.memory_space<vmem>>, vector<16xf32>,
      %swap3A_335 = vector.shape_cast %swap3A_334 : vector<16xf32> to vector<16xf32>
      %swap3A_336 = vector.shape_cast %broadcast_in_dim3A_332 : vector<16xf32> to vector<16xf32>
      tpu.vector_store %arg16[%swap3A_333], %swap3A_336 {strides = array<i32>} : memref<1024xf32, #tpu.memory_space<vmem>>, vector<16xf32>,
      %broadcast_in_dim3A_337 = arith.constant 0.000000e+00 : f32
      %broadcast_in_dim3A_338 = vector.broadcast %broadcast_in_dim3A_337 : f32 to vector<16xf32>
      %swap3A_339 = arith.constant 848 : index
      %swap3A_340 = tpu.vector_load %arg16[%swap3A_339] {strides = array<i32>} : memref<1024xf32, #tpu.memory_space<vmem>>, vector<16xf32>,
      %swap3A_341 = vector.shape_cast %swap3A_340 : vector<16xf32> to vector<16xf32>
      %swap3A_342 = vector.shape_cast %broadcast_in_dim3A_338 : vector<16xf32> to vector<16xf32>
      tpu.vector_store %arg16[%swap3A_339], %swap3A_342 {strides = array<i32>} : memref<1024xf32, #tpu.memory_space<vmem>>, vector<16xf32>,
      %broadcast_in_dim3A_343 = arith.constant 0.000000e+00 : f32
      %broadcast_in_dim3A_344 = vector.broadcast %broadcast_in_dim3A_343 : f32 to vector<16xf32>
      %swap3A_345 = arith.constant 864 : index
      %swap3A_346 = tpu.vector_load %arg16[%swap3A_345] {strides = array<i32>} : memref<1024xf32, #tpu.memory_space<vmem>>, vector<16xf32>,
      %swap3A_347 = vector.shape_cast %swap3A_346 : vector<16xf32> to vector<16xf32>
      %swap3A_348 = vector.shape_cast %broadcast_in_dim3A_344 : vector<16xf32> to vector<16xf32>
      tpu.vector_store %arg16[%swap3A_345], %swap3A_348 {strides = array<i32>} : memref<1024xf32, #tpu.memory_space<vmem>>, vector<16xf32>,
      %broadcast_in_dim3A_349 = arith.constant 0.000000e+00 : f32
      %broadcast_in_dim3A_350 = vector.broadcast %broadcast_in_dim3A_349 : f32 to vector<16xf32>
      %swap3A_351 = arith.constant 880 : index
      %swap3A_352 = tpu.vector_load %arg16[%swap3A_351] {strides = array<i32>} : memref<1024xf32, #tpu.memory_space<vmem>>, vector<16xf32>,
      %swap3A_353 = vector.shape_cast %swap3A_352 : vector<16xf32> to vector<16xf32>
      %swap3A_354 = vector.shape_cast %broadcast_in_dim3A_350 : vector<16xf32> to vector<16xf32>
      tpu.vector_store %arg16[%swap3A_351], %swap3A_354 {strides = array<i32>} : memref<1024xf32, #tpu.memory_space<vmem>>, vector<16xf32>,
      %broadcast_in_dim3A_355 = arith.constant 0.000000e+00 : f32
      %broadcast_in_dim3A_356 = vector.broadcast %broadcast_in_dim3A_355 : f32 to vector<16xf32>
      %swap3A_357 = arith.constant 896 : index
      %swap3A_358 = tpu.vector_load %arg16[%swap3A_357] {strides = array<i32>} : memref<1024xf32, #tpu.memory_space<vmem>>, vector<16xf32>,
      %swap3A_359 = vector.shape_cast %swap3A_358 : vector<16xf32> to vector<16xf32>
      %swap3A_360 = vector.shape_cast %broadcast_in_dim3A_356 : vector<16xf32> to vector<16xf32>
      tpu.vector_store %arg16[%swap3A_357], %swap3A_360 {strides = array<i32>} : memref<1024xf32, #tpu.memory_space<vmem>>, vector<16xf32>,
      %broadcast_in_dim3A_361 = arith.constant 0.000000e+00 : f32
      %broadcast_in_dim3A_362 = vector.broadcast %broadcast_in_dim3A_361 : f32 to vector<16xf32>
      %swap3A_363 = arith.constant 912 : index
      %swap3A_364 = tpu.vector_load %arg16[%swap3A_363] {strides = array<i32>} : memref<1024xf32, #tpu.memory_space<vmem>>, vector<16xf32>,
      %swap3A_365 = vector.shape_cast %swap3A_364 : vector<16xf32> to vector<16xf32>
      %swap3A_366 = vector.shape_cast %broadcast_in_dim3A_362 : vector<16xf32> to vector<16xf32>
      tpu.vector_store %arg16[%swap3A_363], %swap3A_366 {strides = array<i32>} : memref<1024xf32, #tpu.memory_space<vmem>>, vector<16xf32>,
      %broadcast_in_dim3A_367 = arith.constant 0.000000e+00 : f32
      %broadcast_in_dim3A_368 = vector.broadcast %broadcast_in_dim3A_367 : f32 to vector<16xf32>
      %swap3A_369 = arith.constant 928 : index
      %swap3A_370 = tpu.vector_load %arg16[%swap3A_369] {strides = array<i32>} : memref<1024xf32, #tpu.memory_space<vmem>>, vector<16xf32>,
      %swap3A_371 = vector.shape_cast %swap3A_370 : vector<16xf32> to vector<16xf32>
      %swap3A_372 = vector.shape_cast %broadcast_in_dim3A_368 : vector<16xf32> to vector<16xf32>
      tpu.vector_store %arg16[%swap3A_369], %swap3A_372 {strides = array<i32>} : memref<1024xf32, #tpu.memory_space<vmem>>, vector<16xf32>,
      %broadcast_in_dim3A_373 = arith.constant 0.000000e+00 : f32
      %broadcast_in_dim3A_374 = vector.broadcast %broadcast_in_dim3A_373 : f32 to vector<16xf32>
      %swap3A_375 = arith.constant 944 : index
      %swap3A_376 = tpu.vector_load %arg16[%swap3A_375] {strides = array<i32>} : memref<1024xf32, #tpu.memory_space<vmem>>, vector<16xf32>,
      %swap3A_377 = vector.shape_cast %swap3A_376 : vector<16xf32> to vector<16xf32>
      %swap3A_378 = vector.shape_cast %broadcast_in_dim3A_374 : vector<16xf32> to vector<16xf32>
      tpu.vector_store %arg16[%swap3A_375], %swap3A_378 {strides = array<i32>} : memref<1024xf32, #tpu.memory_space<vmem>>, vector<16xf32>,
      %broadcast_in_dim3A_379 = arith.constant 0.000000e+00 : f32
      %broadcast_in_dim3A_380 = vector.broadcast %broadcast_in_dim3A_379 : f32 to vector<16xf32>
      %swap3A_381 = arith.constant 960 : index
      %swap3A_382 = tpu.vector_load %arg16[%swap3A_381] {strides = array<i32>} : memref<1024xf32, #tpu.memory_space<vmem>>, vector<16xf32>,
      %swap3A_383 = vector.shape_cast %swap3A_382 : vector<16xf32> to vector<16xf32>
      %swap3A_384 = vector.shape_cast %broadcast_in_dim3A_380 : vector<16xf32> to vector<16xf32>
      tpu.vector_store %arg16[%swap3A_381], %swap3A_384 {strides = array<i32>} : memref<1024xf32, #tpu.memory_space<vmem>>, vector<16xf32>,
      %broadcast_in_dim3A_385 = arith.constant 0.000000e+00 : f32
      %broadcast_in_dim3A_386 = vector.broadcast %broadcast_in_dim3A_385 : f32 to vector<16xf32>
      %swap3A_387 = arith.constant 976 : index
      %swap3A_388 = tpu.vector_load %arg16[%swap3A_387] {strides = array<i32>} : memref<1024xf32, #tpu.memory_space<vmem>>, vector<16xf32>,
      %swap3A_389 = vector.shape_cast %swap3A_388 : vector<16xf32> to vector<16xf32>
      %swap3A_390 = vector.shape_cast %broadcast_in_dim3A_386 : vector<16xf32> to vector<16xf32>
      tpu.vector_store %arg16[%swap3A_387], %swap3A_390 {strides = array<i32>} : memref<1024xf32, #tpu.memory_space<vmem>>, vector<16xf32>,
      %broadcast_in_dim3A_391 = arith.constant 0.000000e+00 : f32
      %broadcast_in_dim3A_392 = vector.broadcast %broadcast_in_dim3A_391 : f32 to vector<16xf32>
      %swap3A_393 = arith.constant 992 : index
      %swap3A_394 = tpu.vector_load %arg16[%swap3A_393] {strides = array<i32>} : memref<1024xf32, #tpu.memory_space<vmem>>, vector<16xf32>,
      %swap3A_395 = vector.shape_cast %swap3A_394 : vector<16xf32> to vector<16xf32>
      %swap3A_396 = vector.shape_cast %broadcast_in_dim3A_392 : vector<16xf32> to vector<16xf32>
      tpu.vector_store %arg16[%swap3A_393], %swap3A_396 {strides = array<i32>} : memref<1024xf32, #tpu.memory_space<vmem>>, vector<16xf32>,
      %broadcast_in_dim3A_397 = arith.constant 0.000000e+00 : f32
      %broadcast_in_dim3A_398 = vector.broadcast %broadcast_in_dim3A_397 : f32 to vector<16xf32>
      %swap3A_399 = arith.constant 1008 : index
      %swap3A_400 = tpu.vector_load %arg16[%swap3A_399] {strides = array<i32>} : memref<1024xf32, #tpu.memory_space<vmem>>, vector<16xf32>,
      %swap3A_401 = vector.shape_cast %swap3A_400 : vector<16xf32> to vector<16xf32>
      %swap3A_402 = vector.shape_cast %broadcast_in_dim3A_398 : vector<16xf32> to vector<16xf32>
      tpu.vector_store %arg16[%swap3A_399], %swap3A_402 {strides = array<i32>} : memref<1024xf32, #tpu.memory_space<vmem>>, vector<16xf32>,
      %broadcast_in_dim3A_403 = arith.constant 1.000000e+00 : f32
      %broadcast_in_dim3A_404 = vector.broadcast %broadcast_in_dim3A_403 : f32 to vector<16xf32>
      %swap3A_405 = arith.constant 0 : index
      %swap3A_406 = tpu.vector_load %arg17[%swap3A_405] {strides = array<i32>} : memref<128xf32, #tpu.memory_space<vmem>>, vector<16xf32>,
      %swap3A_407 = vector.shape_cast %swap3A_406 : vector<16xf32> to vector<16xf32>
      %swap3A_408 = vector.shape_cast %broadcast_in_dim3A_404 : vector<16xf32> to vector<16xf32>
      tpu.vector_store %arg17[%swap3A_405], %swap3A_408 {strides = array<i32>} : memref<128xf32, #tpu.memory_space<vmem>>, vector<16xf32>,
      %broadcast_in_dim3A_409 = arith.constant 1.000000e+00 : f32
      %broadcast_in_dim3A_410 = vector.broadcast %broadcast_in_dim3A_409 : f32 to vector<16xf32>
      %swap3A_411 = arith.constant 16 : index
      %swap3A_412 = tpu.vector_load %arg17[%swap3A_411] {strides = array<i32>} : memref<128xf32, #tpu.memory_space<vmem>>, vector<16xf32>,
      %swap3A_413 = vector.shape_cast %swap3A_412 : vector<16xf32> to vector<16xf32>
      %swap3A_414 = vector.shape_cast %broadcast_in_dim3A_410 : vector<16xf32> to vector<16xf32>
      tpu.vector_store %arg17[%swap3A_411], %swap3A_414 {strides = array<i32>} : memref<128xf32, #tpu.memory_space<vmem>>, vector<16xf32>,
      %broadcast_in_dim3A_415 = arith.constant 1.000000e+00 : f32
      %broadcast_in_dim3A_416 = vector.broadcast %broadcast_in_dim3A_415 : f32 to vector<16xf32>
      %swap3A_417 = arith.constant 32 : index
      %swap3A_418 = tpu.vector_load %arg17[%swap3A_417] {strides = array<i32>} : memref<128xf32, #tpu.memory_space<vmem>>, vector<16xf32>,
      %swap3A_419 = vector.shape_cast %swap3A_418 : vector<16xf32> to vector<16xf32>
      %swap3A_420 = vector.shape_cast %broadcast_in_dim3A_416 : vector<16xf32> to vector<16xf32>
      tpu.vector_store %arg17[%swap3A_417], %swap3A_420 {strides = array<i32>} : memref<128xf32, #tpu.memory_space<vmem>>, vector<16xf32>,
      %broadcast_in_dim3A_421 = arith.constant 1.000000e+00 : f32
      %broadcast_in_dim3A_422 = vector.broadcast %broadcast_in_dim3A_421 : f32 to vector<16xf32>
      %swap3A_423 = arith.constant 48 : index
      %swap3A_424 = tpu.vector_load %arg17[%swap3A_423] {strides = array<i32>} : memref<128xf32, #tpu.memory_space<vmem>>, vector<16xf32>,
      %swap3A_425 = vector.shape_cast %swap3A_424 : vector<16xf32> to vector<16xf32>
      %swap3A_426 = vector.shape_cast %broadcast_in_dim3A_422 : vector<16xf32> to vector<16xf32>
      tpu.vector_store %arg17[%swap3A_423], %swap3A_426 {strides = array<i32>} : memref<128xf32, #tpu.memory_space<vmem>>, vector<16xf32>,
      %broadcast_in_dim3A_427 = arith.constant 1.000000e+00 : f32
      %broadcast_in_dim3A_428 = vector.broadcast %broadcast_in_dim3A_427 : f32 to vector<16xf32>
      %swap3A_429 = arith.constant 64 : index
      %swap3A_430 = tpu.vector_load %arg17[%swap3A_429] {strides = array<i32>} : memref<128xf32, #tpu.memory_space<vmem>>, vector<16xf32>,
      %swap3A_431 = vector.shape_cast %swap3A_430 : vector<16xf32> to vector<16xf32>
      %swap3A_432 = vector.shape_cast %broadcast_in_dim3A_428 : vector<16xf32> to vector<16xf32>
      tpu.vector_store %arg17[%swap3A_429], %swap3A_432 {strides = array<i32>} : memref<128xf32, #tpu.memory_space<vmem>>, vector<16xf32>,
      %broadcast_in_dim3A_433 = arith.constant 1.000000e+00 : f32
      %broadcast_in_dim3A_434 = vector.broadcast %broadcast_in_dim3A_433 : f32 to vector<16xf32>
      %swap3A_435 = arith.constant 80 : index
      %swap3A_436 = tpu.vector_load %arg17[%swap3A_435] {strides = array<i32>} : memref<128xf32, #tpu.memory_space<vmem>>, vector<16xf32>,
      %swap3A_437 = vector.shape_cast %swap3A_436 : vector<16xf32> to vector<16xf32>
      %swap3A_438 = vector.shape_cast %broadcast_in_dim3A_434 : vector<16xf32> to vector<16xf32>
      tpu.vector_store %arg17[%swap3A_435], %swap3A_438 {strides = array<i32>} : memref<128xf32, #tpu.memory_space<vmem>>, vector<16xf32>,
      %broadcast_in_dim3A_439 = arith.constant 1.000000e+00 : f32
      %broadcast_in_dim3A_440 = vector.broadcast %broadcast_in_dim3A_439 : f32 to vector<16xf32>
      %swap3A_441 = arith.constant 96 : index
      %swap3A_442 = tpu.vector_load %arg17[%swap3A_441] {strides = array<i32>} : memref<128xf32, #tpu.memory_space<vmem>>, vector<16xf32>,
      %swap3A_443 = vector.shape_cast %swap3A_442 : vector<16xf32> to vector<16xf32>
      %swap3A_444 = vector.shape_cast %broadcast_in_dim3A_440 : vector<16xf32> to vector<16xf32>
      tpu.vector_store %arg17[%swap3A_441], %swap3A_444 {strides = array<i32>} : memref<128xf32, #tpu.memory_space<vmem>>, vector<16xf32>,
      %broadcast_in_dim3A_445 = arith.constant 1.000000e+00 : f32
      %broadcast_in_dim3A_446 = vector.broadcast %broadcast_in_dim3A_445 : f32 to vector<16xf32>
      %swap3A_447 = arith.constant 112 : index
      %swap3A_448 = tpu.vector_load %arg17[%swap3A_447] {strides = array<i32>} : memref<128xf32, #tpu.memory_space<vmem>>, vector<16xf32>,
      %swap3A_449 = vector.shape_cast %swap3A_448 : vector<16xf32> to vector<16xf32>
      %swap3A_450 = vector.shape_cast %broadcast_in_dim3A_446 : vector<16xf32> to vector<16xf32>
      tpu.vector_store %arg17[%swap3A_447], %swap3A_450 {strides = array<i32>} : memref<128xf32, #tpu.memory_space<vmem>>, vector<16xf32>,
      %mul3A = arith.constant 1024 : i32
      %mul3A_451 = arith.muli %arg1, %mul3A : i32
      "tpu.region"() ({
        %run_scoped3A = tpu.sem_alloc : memref<!tpu.dma_semaphore, #tpu.memory_space<semaphore_mem>>
        %dma_start3A = tpu.memref_slice %arg8[%mul3A_451] : memref<16384xf32, #tpu.memory_space<vmem_shared>> -> memref<1024xf32, #tpu.memory_space<vmem_shared>>
        %dma_start3A_463 = tpu.memref_slice %arg8[%mul3A_451] : memref<16384xf32, #tpu.memory_space<vmem_shared>> -> memref<1024xf32, #tpu.memory_space<vmem_shared>>
        tpu.enqueue_dma source(%arg16 : memref<1024xf32, #tpu.memory_space<vmem>>) target(%dma_start3A_463 : memref<1024xf32, #tpu.memory_space<vmem_shared>>) target_semaphore(%run_scoped3A : memref<!tpu.dma_semaphore, #tpu.memory_space<semaphore_mem>>)
        %dma_wait3A = tpu.memref_slice %arg8[%mul3A_451] : memref<16384xf32, #tpu.memory_space<vmem_shared>> -> memref<1024xf32, #tpu.memory_space<vmem_shared>>
        %dma_wait3A_464 = tpu.memref_slice %arg8[%mul3A_451] : memref<16384xf32, #tpu.memory_space<vmem_shared>> -> memref<1024xf32, #tpu.memory_space<vmem_shared>>
        tpu.wait_dma2 semaphore(%run_scoped3A : memref<!tpu.dma_semaphore, #tpu.memory_space<semaphore_mem>>) src(%arg16 : memref<1024xf32, #tpu.memory_space<vmem>>) dst(%dma_wait3A_464 : memref<1024xf32, #tpu.memory_space<vmem_shared>>)
        tpu.yield
      }) : () -> ()
      %mul3A_452 = arith.constant 1024 : i32
      %mul3A_453 = arith.muli %arg1, %mul3A_452 : i32
      "tpu.region"() ({
        %run_scoped3A = tpu.sem_alloc : memref<!tpu.dma_semaphore, #tpu.memory_space<semaphore_mem>>
        %dma_start3A = tpu.memref_slice %arg9[%mul3A_453] : memref<16384xf32, #tpu.memory_space<vmem_shared>> -> memref<1024xf32, #tpu.memory_space<vmem_shared>>
        %dma_start3A_463 = tpu.memref_slice %arg9[%mul3A_453] : memref<16384xf32, #tpu.memory_space<vmem_shared>> -> memref<1024xf32, #tpu.memory_space<vmem_shared>>
        tpu.enqueue_dma source(%arg16 : memref<1024xf32, #tpu.memory_space<vmem>>) target(%dma_start3A_463 : memref<1024xf32, #tpu.memory_space<vmem_shared>>) target_semaphore(%run_scoped3A : memref<!tpu.dma_semaphore, #tpu.memory_space<semaphore_mem>>)
        %dma_wait3A = tpu.memref_slice %arg9[%mul3A_453] : memref<16384xf32, #tpu.memory_space<vmem_shared>> -> memref<1024xf32, #tpu.memory_space<vmem_shared>>
        %dma_wait3A_464 = tpu.memref_slice %arg9[%mul3A_453] : memref<16384xf32, #tpu.memory_space<vmem_shared>> -> memref<1024xf32, #tpu.memory_space<vmem_shared>>
        tpu.wait_dma2 semaphore(%run_scoped3A : memref<!tpu.dma_semaphore, #tpu.memory_space<semaphore_mem>>) src(%arg16 : memref<1024xf32, #tpu.memory_space<vmem>>) dst(%dma_wait3A_464 : memref<1024xf32, #tpu.memory_space<vmem_shared>>)
        tpu.yield
      }) : () -> ()
      %mul3A_454 = arith.constant 16 : i32
      %mul3A_455 = arith.muli %arg1, %mul3A_454 : i32
      "tpu.region"() ({
        %run_scoped3A = tpu.sem_alloc : memref<!tpu.dma_semaphore, #tpu.memory_space<semaphore_mem>>
        %dma_start3A = arith.constant 0 : i32
        %dma_start3A_463 = tpu.memref_slice %arg3[%mul3A_455, %dma_start3A] : memref<256x128xi32, #tpu.memory_space<hbm>> -> memref<16x128xi32, #tpu.memory_space<hbm>>
        %dma_start3A_464 = arith.constant 0 : i32
        %dma_start3A_465 = tpu.memref_slice %arg3[%mul3A_455, %dma_start3A_464] : memref<256x128xi32, #tpu.memory_space<hbm>> -> memref<16x128xi32, #tpu.memory_space<hbm>>
        tpu.enqueue_dma source(%dma_start3A_465 : memref<16x128xi32, #tpu.memory_space<hbm>>) target(%arg18 : memref<16x128xi32, #tpu.memory_space<vmem>>) target_semaphore(%run_scoped3A : memref<!tpu.dma_semaphore, #tpu.memory_space<semaphore_mem>>)
        %dma_wait3A = arith.constant 0 : i32
        %dma_wait3A_466 = tpu.memref_slice %arg3[%mul3A_455, %dma_wait3A] : memref<256x128xi32, #tpu.memory_space<hbm>> -> memref<16x128xi32, #tpu.memory_space<hbm>>
        %dma_wait3A_467 = arith.constant 0 : i32
        %dma_wait3A_468 = tpu.memref_slice %arg3[%mul3A_455, %dma_wait3A_467] : memref<256x128xi32, #tpu.memory_space<hbm>> -> memref<16x128xi32, #tpu.memory_space<hbm>>
        tpu.wait_dma2 semaphore(%run_scoped3A : memref<!tpu.dma_semaphore, #tpu.memory_space<semaphore_mem>>) src(%dma_wait3A_468 : memref<16x128xi32, #tpu.memory_space<hbm>>) dst(%arg18 : memref<16x128xi32, #tpu.memory_space<vmem>>)
        tpu.yield
      }) : () -> ()
      %mul3A_456 = arith.constant 16 : i32
      %mul3A_457 = arith.muli %arg1, %mul3A_456 : i32
      "tpu.region"() ({
        %run_scoped3A = tpu.sem_alloc : memref<!tpu.dma_semaphore, #tpu.memory_space<semaphore_mem>>
        %dma_start3A = arith.constant 0 : i32
        %dma_start3A_463 = tpu.memref_slice %arg2[%mul3A_457, %dma_start3A] : memref<256x128xf32, #tpu.memory_space<hbm>> -> memref<16x128xf32, #tpu.memory_space<hbm>>
        %dma_start3A_464 = arith.constant 0 : i32
        %dma_start3A_465 = tpu.memref_slice %arg2[%mul3A_457, %dma_start3A_464] : memref<256x128xf32, #tpu.memory_space<hbm>> -> memref<16x128xf32, #tpu.memory_space<hbm>>
        tpu.enqueue_dma source(%dma_start3A_465 : memref<16x128xf32, #tpu.memory_space<hbm>>) target(%arg19 : memref<16x128xf32, #tpu.memory_space<vmem>>) target_semaphore(%run_scoped3A : memref<!tpu.dma_semaphore, #tpu.memory_space<semaphore_mem>>)
        %dma_wait3A = arith.constant 0 : i32
        %dma_wait3A_466 = tpu.memref_slice %arg2[%mul3A_457, %dma_wait3A] : memref<256x128xf32, #tpu.memory_space<hbm>> -> memref<16x128xf32, #tpu.memory_space<hbm>>
        %dma_wait3A_467 = arith.constant 0 : i32
        %dma_wait3A_468 = tpu.memref_slice %arg2[%mul3A_457, %dma_wait3A_467] : memref<256x128xf32, #tpu.memory_space<hbm>> -> memref<16x128xf32, #tpu.memory_space<hbm>>
        tpu.wait_dma2 semaphore(%run_scoped3A : memref<!tpu.dma_semaphore, #tpu.memory_space<semaphore_mem>>) src(%dma_wait3A_468 : memref<16x128xf32, #tpu.memory_space<hbm>>) dst(%arg19 : memref<16x128xf32, #tpu.memory_space<vmem>>)
        tpu.yield
      }) : () -> ()
      %eq3A_458 = arith.constant 0 : i32
      %eq3A_459 = arith.cmpi eq, %arg1, %eq3A_458 : i32
      %convert_element_type3A_460 = arith.extui %eq3A_459 : i1 to i32
      %cond3A_461 = arith.constant 0 : i32
      %cond3A_462 = arith.cmpi ne, %convert_element_type3A_460, %cond3A_461 : i32
      scf.if %cond3A_462 {
        "tpu.region"() ({
          %run_scoped3A = tpu.sem_alloc : memref<!tpu.dma_semaphore, #tpu.memory_space<semaphore_mem>>
          %dma_start3A = arith.constant 0 : i32
          %dma_start3A_463 = tpu.memref_slice %arg16[%dma_start3A] : memref<1024xf32, #tpu.memory_space<vmem>> -> memref<256xf32, #tpu.memory_space<vmem>>
          %dma_start3A_464 = arith.constant 0 : i32
          %dma_start3A_465 = tpu.memref_slice %arg16[%dma_start3A_464] : memref<1024xf32, #tpu.memory_space<vmem>> -> memref<256xf32, #tpu.memory_space<vmem>>
          tpu.enqueue_dma source(%dma_start3A_465 : memref<256xf32, #tpu.memory_space<vmem>>) target(%arg10 : memref<256xf32, #tpu.memory_space<vmem_shared>>) target_semaphore(%run_scoped3A : memref<!tpu.dma_semaphore, #tpu.memory_space<semaphore_mem>>)
          %dma_wait3A = arith.constant 0 : i32
          %dma_wait3A_466 = tpu.memref_slice %arg16[%dma_wait3A] : memref<1024xf32, #tpu.memory_space<vmem>> -> memref<256xf32, #tpu.memory_space<vmem>>
          %dma_wait3A_467 = arith.constant 0 : i32
          %dma_wait3A_468 = tpu.memref_slice %arg16[%dma_wait3A_467] : memref<1024xf32, #tpu.memory_space<vmem>> -> memref<256xf32, #tpu.memory_space<vmem>>
          tpu.wait_dma2 semaphore(%run_scoped3A : memref<!tpu.dma_semaphore, #tpu.memory_space<semaphore_mem>>) src(%dma_wait3A_468 : memref<256xf32, #tpu.memory_space<vmem>>) dst(%arg10 : memref<256xf32, #tpu.memory_space<vmem_shared>>)
          tpu.yield
        }) : () -> ()
        "tpu.region"() ({
          %run_scoped3A = tpu.sem_alloc : memref<!tpu.dma_semaphore, #tpu.memory_space<semaphore_mem>>
          %dma_start3A = arith.constant 0 : i32
          %dma_start3A_463 = tpu.memref_slice %arg16[%dma_start3A] : memref<1024xf32, #tpu.memory_space<vmem>> -> memref<256xf32, #tpu.memory_space<vmem>>
          %dma_start3A_464 = arith.constant 0 : i32
          %dma_start3A_465 = tpu.memref_slice %arg16[%dma_start3A_464] : memref<1024xf32, #tpu.memory_space<vmem>> -> memref<256xf32, #tpu.memory_space<vmem>>
          tpu.enqueue_dma source(%dma_start3A_465 : memref<256xf32, #tpu.memory_space<vmem>>) target(%arg11 : memref<256xf32, #tpu.memory_space<vmem_shared>>) target_semaphore(%run_scoped3A : memref<!tpu.dma_semaphore, #tpu.memory_space<semaphore_mem>>)
          %dma_wait3A = arith.constant 0 : i32
          %dma_wait3A_466 = tpu.memref_slice %arg16[%dma_wait3A] : memref<1024xf32, #tpu.memory_space<vmem>> -> memref<256xf32, #tpu.memory_space<vmem>>
          %dma_wait3A_467 = arith.constant 0 : i32
          %dma_wait3A_468 = tpu.memref_slice %arg16[%dma_wait3A_467] : memref<1024xf32, #tpu.memory_space<vmem>> -> memref<256xf32, #tpu.memory_space<vmem>>
          tpu.wait_dma2 semaphore(%run_scoped3A : memref<!tpu.dma_semaphore, #tpu.memory_space<semaphore_mem>>) src(%dma_wait3A_468 : memref<256xf32, #tpu.memory_space<vmem>>) dst(%arg11 : memref<256xf32, #tpu.memory_space<vmem_shared>>)
          tpu.yield
        }) : () -> ()
        "tpu.region"() ({
          %run_scoped3A = tpu.sem_alloc : memref<!tpu.dma_semaphore, #tpu.memory_space<semaphore_mem>>
          %dma_start3A = arith.constant 0 : i32
          %dma_start3A_463 = tpu.memref_slice %arg16[%dma_start3A] : memref<1024xf32, #tpu.memory_space<vmem>> -> memref<256xf32, #tpu.memory_space<vmem>>
          %dma_start3A_464 = arith.constant 0 : i32
          %dma_start3A_465 = tpu.memref_slice %arg16[%dma_start3A_464] : memref<1024xf32, #tpu.memory_space<vmem>> -> memref<256xf32, #tpu.memory_space<vmem>>
          tpu.enqueue_dma source(%dma_start3A_465 : memref<256xf32, #tpu.memory_space<vmem>>) target(%arg12 : memref<256xf32, #tpu.memory_space<vmem_shared>>) target_semaphore(%run_scoped3A : memref<!tpu.dma_semaphore, #tpu.memory_space<semaphore_mem>>)
          %dma_wait3A = arith.constant 0 : i32
          %dma_wait3A_466 = tpu.memref_slice %arg16[%dma_wait3A] : memref<1024xf32, #tpu.memory_space<vmem>> -> memref<256xf32, #tpu.memory_space<vmem>>
          %dma_wait3A_467 = arith.constant 0 : i32
          %dma_wait3A_468 = tpu.memref_slice %arg16[%dma_wait3A_467] : memref<1024xf32, #tpu.memory_space<vmem>> -> memref<256xf32, #tpu.memory_space<vmem>>
          tpu.wait_dma2 semaphore(%run_scoped3A : memref<!tpu.dma_semaphore, #tpu.memory_space<semaphore_mem>>) src(%dma_wait3A_468 : memref<256xf32, #tpu.memory_space<vmem>>) dst(%arg12 : memref<256xf32, #tpu.memory_space<vmem_shared>>)
          tpu.yield
        }) : () -> ()
        "tpu.region"() ({
          %run_scoped3A = tpu.sem_alloc : memref<!tpu.dma_semaphore, #tpu.memory_space<semaphore_mem>>
          %dma_start3A = arith.constant 0 : i32
          %dma_start3A_463 = tpu.memref_slice %arg16[%dma_start3A] : memref<1024xf32, #tpu.memory_space<vmem>> -> memref<256xf32, #tpu.memory_space<vmem>>
          %dma_start3A_464 = arith.constant 0 : i32
          %dma_start3A_465 = tpu.memref_slice %arg16[%dma_start3A_464] : memref<1024xf32, #tpu.memory_space<vmem>> -> memref<256xf32, #tpu.memory_space<vmem>>
          tpu.enqueue_dma source(%dma_start3A_465 : memref<256xf32, #tpu.memory_space<vmem>>) target(%arg13 : memref<256xf32, #tpu.memory_space<vmem_shared>>) target_semaphore(%run_scoped3A : memref<!tpu.dma_semaphore, #tpu.memory_space<semaphore_mem>>)
          %dma_wait3A = arith.constant 0 : i32
          %dma_wait3A_466 = tpu.memref_slice %arg16[%dma_wait3A] : memref<1024xf32, #tpu.memory_space<vmem>> -> memref<256xf32, #tpu.memory_space<vmem>>
          %dma_wait3A_467 = arith.constant 0 : i32
          %dma_wait3A_468 = tpu.memref_slice %arg16[%dma_wait3A_467] : memref<1024xf32, #tpu.memory_space<vmem>> -> memref<256xf32, #tpu.memory_space<vmem>>
          tpu.wait_dma2 semaphore(%run_scoped3A : memref<!tpu.dma_semaphore, #tpu.memory_space<semaphore_mem>>) src(%dma_wait3A_468 : memref<256xf32, #tpu.memory_space<vmem>>) dst(%arg13 : memref<256xf32, #tpu.memory_space<vmem_shared>>)
          tpu.yield
        }) : () -> ()
        "tpu.region"() ({
          %run_scoped3A = tpu.sem_alloc : memref<!tpu.dma_semaphore, #tpu.memory_space<semaphore_mem>>
          %dma_start3A = arith.constant 0 : i32
          %dma_start3A_463 = tpu.memref_slice %arg16[%dma_start3A] : memref<1024xf32, #tpu.memory_space<vmem>> -> memref<256xf32, #tpu.memory_space<vmem>>
          %dma_start3A_464 = arith.constant 0 : i32
          %dma_start3A_465 = tpu.memref_slice %arg16[%dma_start3A_464] : memref<1024xf32, #tpu.memory_space<vmem>> -> memref<256xf32, #tpu.memory_space<vmem>>
          tpu.enqueue_dma source(%dma_start3A_465 : memref<256xf32, #tpu.memory_space<vmem>>) target(%arg14 : memref<256xf32, #tpu.memory_space<vmem_shared>>) target_semaphore(%run_scoped3A : memref<!tpu.dma_semaphore, #tpu.memory_space<semaphore_mem>>)
          %dma_wait3A = arith.constant 0 : i32
          %dma_wait3A_466 = tpu.memref_slice %arg16[%dma_wait3A] : memref<1024xf32, #tpu.memory_space<vmem>> -> memref<256xf32, #tpu.memory_space<vmem>>
          %dma_wait3A_467 = arith.constant 0 : i32
          %dma_wait3A_468 = tpu.memref_slice %arg16[%dma_wait3A_467] : memref<1024xf32, #tpu.memory_space<vmem>> -> memref<256xf32, #tpu.memory_space<vmem>>
          tpu.wait_dma2 semaphore(%run_scoped3A : memref<!tpu.dma_semaphore, #tpu.memory_space<semaphore_mem>>) src(%dma_wait3A_468 : memref<256xf32, #tpu.memory_space<vmem>>) dst(%arg14 : memref<256xf32, #tpu.memory_space<vmem_shared>>)
          tpu.yield
        }) : () -> ()
        "tpu.region"() ({
          %run_scoped3A = tpu.sem_alloc : memref<!tpu.dma_semaphore, #tpu.memory_space<semaphore_mem>>
          %dma_start3A = arith.constant 0 : i32
          %dma_start3A_463 = tpu.memref_slice %arg16[%dma_start3A] : memref<1024xf32, #tpu.memory_space<vmem>> -> memref<16xf32, #tpu.memory_space<vmem>>
          %dma_start3A_464 = arith.constant 0 : i32
          %dma_start3A_465 = tpu.memref_slice %arg16[%dma_start3A_464] : memref<1024xf32, #tpu.memory_space<vmem>> -> memref<16xf32, #tpu.memory_space<vmem>>
          tpu.enqueue_dma source(%dma_start3A_465 : memref<16xf32, #tpu.memory_space<vmem>>) target(%arg15 : memref<16xf32, #tpu.memory_space<vmem_shared>>) target_semaphore(%run_scoped3A : memref<!tpu.dma_semaphore, #tpu.memory_space<semaphore_mem>>)
          %dma_wait3A = arith.constant 0 : i32
          %dma_wait3A_466 = tpu.memref_slice %arg16[%dma_wait3A] : memref<1024xf32, #tpu.memory_space<vmem>> -> memref<16xf32, #tpu.memory_space<vmem>>
          %dma_wait3A_467 = arith.constant 0 : i32
          %dma_wait3A_468 = tpu.memref_slice %arg16[%dma_wait3A_467] : memref<1024xf32, #tpu.memory_space<vmem>> -> memref<16xf32, #tpu.memory_space<vmem>>
          tpu.wait_dma2 semaphore(%run_scoped3A : memref<!tpu.dma_semaphore, #tpu.memory_space<semaphore_mem>>) src(%dma_wait3A_468 : memref<16xf32, #tpu.memory_space<vmem>>) dst(%arg15 : memref<16xf32, #tpu.memory_space<vmem_shared>>)
          tpu.yield
        }) : () -> ()
      } else {
      }
    } else {
    }
    %barrier3A = arith.constant 0 : index
    tpu.barrier barrier_id(%barrier3A)
    %eq3A_2 = arith.constant 0 : i32
    %eq3A_3 = arith.cmpi eq, %arg0, %eq3A_2 : i32
    %convert_element_type3A_4 = arith.extui %eq3A_3 : i1 to i32
    %cond3A_5 = arith.constant 0 : i32
    %cond3A_6 = arith.cmpi ne, %convert_element_type3A_4, %cond3A_5 : i32
    scf.if %cond3A_6 {
      %dma_start3A = arith.constant 0 : i32
      %dma_start3A_21 = arith.constant 0 : i32
      %dma_start3A_22 = arith.constant 0 : i32
      %dma_start3A_23 = tpu.memref_slice %arg19[%dma_start3A, %dma_start3A_22] : memref<16x128xf32, #tpu.memory_space<vmem>> -> memref<1x128xf32, #tpu.memory_space<vmem>>
      %dma_start3A_24 = tpu.memref_squeeze %dma_start3A_23 : memref<1x128xf32, #tpu.memory_space<vmem>> -> memref<128xf32, #tpu.memory_space<vmem>>
      %dma_start3A_25 = arith.constant 0 : i32
      %dma_start3A_26 = tpu.memref_slice %arg18[%dma_start3A_21, %dma_start3A_25] : memref<16x128xi32, #tpu.memory_space<vmem>> -> memref<1x128xi32, #tpu.memory_space<vmem>>
      %dma_start3A_27 = tpu.memref_squeeze %dma_start3A_26 : memref<1x128xi32, #tpu.memory_space<vmem>> -> memref<128xi32, #tpu.memory_space<vmem>>
      %dma_start3A_28 = arith.constant 0 : i32
      %dma_start3A_29 = tpu.memref_slice %arg8[%dma_start3A_28] : memref<16384xf32, #tpu.memory_space<vmem_shared>> -> memref<16384xf32, #tpu.memory_space<vmem_shared>>
      tpu.enqueue_indirect_dma source(%dma_start3A_24 : memref<128xf32, #tpu.memory_space<vmem>>) target(%dma_start3A_29 : memref<16384xf32, #tpu.memory_space<vmem_shared>>) offsets(%dma_start3A_27 : memref<128xi32, #tpu.memory_space<vmem>>) semaphore(%arg35 : memref<!tpu.dma_semaphore, #tpu.memory_space<semaphore_mem>>) {add = true}
      %dma_start3A_30 = arith.constant 0 : i32
      %dma_start3A_31 = arith.constant 0 : i32
      %dma_start3A_32 = tpu.memref_slice %arg18[%dma_start3A_30, %dma_start3A_31] : memref<16x128xi32, #tpu.memory_space<vmem>> -> memref<1x128xi32, #tpu.memory_space<vmem>>
      %dma_start3A_33 = tpu.memref_squeeze %dma_start3A_32 : memref<1x128xi32, #tpu.memory_space<vmem>> -> memref<128xi32, #tpu.memory_space<vmem>>
      %dma_start3A_34 = arith.constant 0 : i32
      %dma_start3A_35 = tpu.memref_slice %arg9[%dma_start3A_34] : memref<16384xf32, #tpu.memory_space<vmem_shared>> -> memref<16384xf32, #tpu.memory_space<vmem_shared>>
      tpu.enqueue_indirect_dma source(%arg17 : memref<128xf32, #tpu.memory_space<vmem>>) target(%dma_start3A_35 : memref<16384xf32, #tpu.memory_space<vmem_shared>>) offsets(%dma_start3A_33 : memref<128xi32, #tpu.memory_space<vmem>>) semaphore(%arg35 : memref<!tpu.dma_semaphore, #tpu.memory_space<semaphore_mem>>) {add = true}
      %dma_start3A_36 = arith.constant 1 : i32
      %dma_start3A_37 = arith.constant 1 : i32
      %dma_start3A_38 = arith.constant 0 : i32
      %dma_start3A_39 = tpu.memref_slice %arg19[%dma_start3A_36, %dma_start3A_38] : memref<16x128xf32, #tpu.memory_space<vmem>> -> memref<1x128xf32, #tpu.memory_space<vmem>>
      %dma_start3A_40 = tpu.memref_squeeze %dma_start3A_39 : memref<1x128xf32, #tpu.memory_space<vmem>> -> memref<128xf32, #tpu.memory_space<vmem>>
      %dma_start3A_41 = arith.constant 0 : i32
      %dma_start3A_42 = tpu.memref_slice %arg18[%dma_start3A_37, %dma_start3A_41] : memref<16x128xi32, #tpu.memory_space<vmem>> -> memref<1x128xi32, #tpu.memory_space<vmem>>
      %dma_start3A_43 = tpu.memref_squeeze %dma_start3A_42 : memref<1x128xi32, #tpu.memory_space<vmem>> -> memref<128xi32, #tpu.memory_space<vmem>>
      %dma_start3A_44 = arith.constant 0 : i32
      %dma_start3A_45 = tpu.memref_slice %arg8[%dma_start3A_44] : memref<16384xf32, #tpu.memory_space<vmem_shared>> -> memref<16384xf32, #tpu.memory_space<vmem_shared>>
      tpu.enqueue_indirect_dma source(%dma_start3A_40 : memref<128xf32, #tpu.memory_space<vmem>>) target(%dma_start3A_45 : memref<16384xf32, #tpu.memory_space<vmem_shared>>) offsets(%dma_start3A_43 : memref<128xi32, #tpu.memory_space<vmem>>) semaphore(%arg35 : memref<!tpu.dma_semaphore, #tpu.memory_space<semaphore_mem>>) {add = true}
      %dma_start3A_46 = arith.constant 1 : i32
      %dma_start3A_47 = arith.constant 0 : i32
      %dma_start3A_48 = tpu.memref_slice %arg18[%dma_start3A_46, %dma_start3A_47] : memref<16x128xi32, #tpu.memory_space<vmem>> -> memref<1x128xi32, #tpu.memory_space<vmem>>
      %dma_start3A_49 = tpu.memref_squeeze %dma_start3A_48 : memref<1x128xi32, #tpu.memory_space<vmem>> -> memref<128xi32, #tpu.memory_space<vmem>>
      %dma_start3A_50 = arith.constant 0 : i32
      %dma_start3A_51 = tpu.memref_slice %arg9[%dma_start3A_50] : memref<16384xf32, #tpu.memory_space<vmem_shared>> -> memref<16384xf32, #tpu.memory_space<vmem_shared>>
      tpu.enqueue_indirect_dma source(%arg17 : memref<128xf32, #tpu.memory_space<vmem>>) target(%dma_start3A_51 : memref<16384xf32, #tpu.memory_space<vmem_shared>>) offsets(%dma_start3A_49 : memref<128xi32, #tpu.memory_space<vmem>>) semaphore(%arg35 : memref<!tpu.dma_semaphore, #tpu.memory_space<semaphore_mem>>) {add = true}
      %dma_start3A_52 = arith.constant 2 : i32
      %dma_start3A_53 = arith.constant 2 : i32
      %dma_start3A_54 = arith.constant 0 : i32
      %dma_start3A_55 = tpu.memref_slice %arg19[%dma_start3A_52, %dma_start3A_54] : memref<16x128xf32, #tpu.memory_space<vmem>> -> memref<1x128xf32, #tpu.memory_space<vmem>>
      %dma_start3A_56 = tpu.memref_squeeze %dma_start3A_55 : memref<1x128xf32, #tpu.memory_space<vmem>> -> memref<128xf32, #tpu.memory_space<vmem>>
      %dma_start3A_57 = arith.constant 0 : i32
      %dma_start3A_58 = tpu.memref_slice %arg18[%dma_start3A_53, %dma_start3A_57] : memref<16x128xi32, #tpu.memory_space<vmem>> -> memref<1x128xi32, #tpu.memory_space<vmem>>
      %dma_start3A_59 = tpu.memref_squeeze %dma_start3A_58 : memref<1x128xi32, #tpu.memory_space<vmem>> -> memref<128xi32, #tpu.memory_space<vmem>>
      %dma_start3A_60 = arith.constant 0 : i32
      %dma_start3A_61 = tpu.memref_slice %arg8[%dma_start3A_60] : memref<16384xf32, #tpu.memory_space<vmem_shared>> -> memref<16384xf32, #tpu.memory_space<vmem_shared>>
      tpu.enqueue_indirect_dma source(%dma_start3A_56 : memref<128xf32, #tpu.memory_space<vmem>>) target(%dma_start3A_61 : memref<16384xf32, #tpu.memory_space<vmem_shared>>) offsets(%dma_start3A_59 : memref<128xi32, #tpu.memory_space<vmem>>) semaphore(%arg35 : memref<!tpu.dma_semaphore, #tpu.memory_space<semaphore_mem>>) {add = true}
      %dma_start3A_62 = arith.constant 2 : i32
      %dma_start3A_63 = arith.constant 0 : i32
      %dma_start3A_64 = tpu.memref_slice %arg18[%dma_start3A_62, %dma_start3A_63] : memref<16x128xi32, #tpu.memory_space<vmem>> -> memref<1x128xi32, #tpu.memory_space<vmem>>
      %dma_start3A_65 = tpu.memref_squeeze %dma_start3A_64 : memref<1x128xi32, #tpu.memory_space<vmem>> -> memref<128xi32, #tpu.memory_space<vmem>>
      %dma_start3A_66 = arith.constant 0 : i32
      %dma_start3A_67 = tpu.memref_slice %arg9[%dma_start3A_66] : memref<16384xf32, #tpu.memory_space<vmem_shared>> -> memref<16384xf32, #tpu.memory_space<vmem_shared>>
      tpu.enqueue_indirect_dma source(%arg17 : memref<128xf32, #tpu.memory_space<vmem>>) target(%dma_start3A_67 : memref<16384xf32, #tpu.memory_space<vmem_shared>>) offsets(%dma_start3A_65 : memref<128xi32, #tpu.memory_space<vmem>>) semaphore(%arg35 : memref<!tpu.dma_semaphore, #tpu.memory_space<semaphore_mem>>) {add = true}
      %dma_start3A_68 = arith.constant 3 : i32
      %dma_start3A_69 = arith.constant 3 : i32
      %dma_start3A_70 = arith.constant 0 : i32
      %dma_start3A_71 = tpu.memref_slice %arg19[%dma_start3A_68, %dma_start3A_70] : memref<16x128xf32, #tpu.memory_space<vmem>> -> memref<1x128xf32, #tpu.memory_space<vmem>>
      %dma_start3A_72 = tpu.memref_squeeze %dma_start3A_71 : memref<1x128xf32, #tpu.memory_space<vmem>> -> memref<128xf32, #tpu.memory_space<vmem>>
      %dma_start3A_73 = arith.constant 0 : i32
      %dma_start3A_74 = tpu.memref_slice %arg18[%dma_start3A_69, %dma_start3A_73] : memref<16x128xi32, #tpu.memory_space<vmem>> -> memref<1x128xi32, #tpu.memory_space<vmem>>
      %dma_start3A_75 = tpu.memref_squeeze %dma_start3A_74 : memref<1x128xi32, #tpu.memory_space<vmem>> -> memref<128xi32, #tpu.memory_space<vmem>>
      %dma_start3A_76 = arith.constant 0 : i32
      %dma_start3A_77 = tpu.memref_slice %arg8[%dma_start3A_76] : memref<16384xf32, #tpu.memory_space<vmem_shared>> -> memref<16384xf32, #tpu.memory_space<vmem_shared>>
      tpu.enqueue_indirect_dma source(%dma_start3A_72 : memref<128xf32, #tpu.memory_space<vmem>>) target(%dma_start3A_77 : memref<16384xf32, #tpu.memory_space<vmem_shared>>) offsets(%dma_start3A_75 : memref<128xi32, #tpu.memory_space<vmem>>) semaphore(%arg35 : memref<!tpu.dma_semaphore, #tpu.memory_space<semaphore_mem>>) {add = true}
      %dma_start3A_78 = arith.constant 3 : i32
      %dma_start3A_79 = arith.constant 0 : i32
      %dma_start3A_80 = tpu.memref_slice %arg18[%dma_start3A_78, %dma_start3A_79] : memref<16x128xi32, #tpu.memory_space<vmem>> -> memref<1x128xi32, #tpu.memory_space<vmem>>
      %dma_start3A_81 = tpu.memref_squeeze %dma_start3A_80 : memref<1x128xi32, #tpu.memory_space<vmem>> -> memref<128xi32, #tpu.memory_space<vmem>>
      %dma_start3A_82 = arith.constant 0 : i32
      %dma_start3A_83 = tpu.memref_slice %arg9[%dma_start3A_82] : memref<16384xf32, #tpu.memory_space<vmem_shared>> -> memref<16384xf32, #tpu.memory_space<vmem_shared>>
      tpu.enqueue_indirect_dma source(%arg17 : memref<128xf32, #tpu.memory_space<vmem>>) target(%dma_start3A_83 : memref<16384xf32, #tpu.memory_space<vmem_shared>>) offsets(%dma_start3A_81 : memref<128xi32, #tpu.memory_space<vmem>>) semaphore(%arg35 : memref<!tpu.dma_semaphore, #tpu.memory_space<semaphore_mem>>) {add = true}
      %dma_start3A_84 = arith.constant 4 : i32
      %dma_start3A_85 = arith.constant 4 : i32
      %dma_start3A_86 = arith.constant 0 : i32
      %dma_start3A_87 = tpu.memref_slice %arg19[%dma_start3A_84, %dma_start3A_86] : memref<16x128xf32, #tpu.memory_space<vmem>> -> memref<1x128xf32, #tpu.memory_space<vmem>>
      %dma_start3A_88 = tpu.memref_squeeze %dma_start3A_87 : memref<1x128xf32, #tpu.memory_space<vmem>> -> memref<128xf32, #tpu.memory_space<vmem>>
      %dma_start3A_89 = arith.constant 0 : i32
      %dma_start3A_90 = tpu.memref_slice %arg18[%dma_start3A_85, %dma_start3A_89] : memref<16x128xi32, #tpu.memory_space<vmem>> -> memref<1x128xi32, #tpu.memory_space<vmem>>
      %dma_start3A_91 = tpu.memref_squeeze %dma_start3A_90 : memref<1x128xi32, #tpu.memory_space<vmem>> -> memref<128xi32, #tpu.memory_space<vmem>>
      %dma_start3A_92 = arith.constant 0 : i32
      %dma_start3A_93 = tpu.memref_slice %arg8[%dma_start3A_92] : memref<16384xf32, #tpu.memory_space<vmem_shared>> -> memref<16384xf32, #tpu.memory_space<vmem_shared>>
      tpu.enqueue_indirect_dma source(%dma_start3A_88 : memref<128xf32, #tpu.memory_space<vmem>>) target(%dma_start3A_93 : memref<16384xf32, #tpu.memory_space<vmem_shared>>) offsets(%dma_start3A_91 : memref<128xi32, #tpu.memory_space<vmem>>) semaphore(%arg35 : memref<!tpu.dma_semaphore, #tpu.memory_space<semaphore_mem>>) {add = true}
      %dma_start3A_94 = arith.constant 4 : i32
      %dma_start3A_95 = arith.constant 0 : i32
      %dma_start3A_96 = tpu.memref_slice %arg18[%dma_start3A_94, %dma_start3A_95] : memref<16x128xi32, #tpu.memory_space<vmem>> -> memref<1x128xi32, #tpu.memory_space<vmem>>
      %dma_start3A_97 = tpu.memref_squeeze %dma_start3A_96 : memref<1x128xi32, #tpu.memory_space<vmem>> -> memref<128xi32, #tpu.memory_space<vmem>>
      %dma_start3A_98 = arith.constant 0 : i32
      %dma_start3A_99 = tpu.memref_slice %arg9[%dma_start3A_98] : memref<16384xf32, #tpu.memory_space<vmem_shared>> -> memref<16384xf32, #tpu.memory_space<vmem_shared>>
      tpu.enqueue_indirect_dma source(%arg17 : memref<128xf32, #tpu.memory_space<vmem>>) target(%dma_start3A_99 : memref<16384xf32, #tpu.memory_space<vmem_shared>>) offsets(%dma_start3A_97 : memref<128xi32, #tpu.memory_space<vmem>>) semaphore(%arg35 : memref<!tpu.dma_semaphore, #tpu.memory_space<semaphore_mem>>) {add = true}
      %dma_start3A_100 = arith.constant 5 : i32
      %dma_start3A_101 = arith.constant 5 : i32
      %dma_start3A_102 = arith.constant 0 : i32
      %dma_start3A_103 = tpu.memref_slice %arg19[%dma_start3A_100, %dma_start3A_102] : memref<16x128xf32, #tpu.memory_space<vmem>> -> memref<1x128xf32, #tpu.memory_space<vmem>>
      %dma_start3A_104 = tpu.memref_squeeze %dma_start3A_103 : memref<1x128xf32, #tpu.memory_space<vmem>> -> memref<128xf32, #tpu.memory_space<vmem>>
      %dma_start3A_105 = arith.constant 0 : i32
      %dma_start3A_106 = tpu.memref_slice %arg18[%dma_start3A_101, %dma_start3A_105] : memref<16x128xi32, #tpu.memory_space<vmem>> -> memref<1x128xi32, #tpu.memory_space<vmem>>
      %dma_start3A_107 = tpu.memref_squeeze %dma_start3A_106 : memref<1x128xi32, #tpu.memory_space<vmem>> -> memref<128xi32, #tpu.memory_space<vmem>>
      %dma_start3A_108 = arith.constant 0 : i32
      %dma_start3A_109 = tpu.memref_slice %arg8[%dma_start3A_108] : memref<16384xf32, #tpu.memory_space<vmem_shared>> -> memref<16384xf32, #tpu.memory_space<vmem_shared>>
      tpu.enqueue_indirect_dma source(%dma_start3A_104 : memref<128xf32, #tpu.memory_space<vmem>>) target(%dma_start3A_109 : memref<16384xf32, #tpu.memory_space<vmem_shared>>) offsets(%dma_start3A_107 : memref<128xi32, #tpu.memory_space<vmem>>) semaphore(%arg35 : memref<!tpu.dma_semaphore, #tpu.memory_space<semaphore_mem>>) {add = true}
      %dma_start3A_110 = arith.constant 5 : i32
      %dma_start3A_111 = arith.constant 0 : i32
      %dma_start3A_112 = tpu.memref_slice %arg18[%dma_start3A_110, %dma_start3A_111] : memref<16x128xi32, #tpu.memory_space<vmem>> -> memref<1x128xi32, #tpu.memory_space<vmem>>
      %dma_start3A_113 = tpu.memref_squeeze %dma_start3A_112 : memref<1x128xi32, #tpu.memory_space<vmem>> -> memref<128xi32, #tpu.memory_space<vmem>>
      %dma_start3A_114 = arith.constant 0 : i32
      %dma_start3A_115 = tpu.memref_slice %arg9[%dma_start3A_114] : memref<16384xf32, #tpu.memory_space<vmem_shared>> -> memref<16384xf32, #tpu.memory_space<vmem_shared>>
      tpu.enqueue_indirect_dma source(%arg17 : memref<128xf32, #tpu.memory_space<vmem>>) target(%dma_start3A_115 : memref<16384xf32, #tpu.memory_space<vmem_shared>>) offsets(%dma_start3A_113 : memref<128xi32, #tpu.memory_space<vmem>>) semaphore(%arg35 : memref<!tpu.dma_semaphore, #tpu.memory_space<semaphore_mem>>) {add = true}
      %dma_start3A_116 = arith.constant 6 : i32
      %dma_start3A_117 = arith.constant 6 : i32
      %dma_start3A_118 = arith.constant 0 : i32
      %dma_start3A_119 = tpu.memref_slice %arg19[%dma_start3A_116, %dma_start3A_118] : memref<16x128xf32, #tpu.memory_space<vmem>> -> memref<1x128xf32, #tpu.memory_space<vmem>>
      %dma_start3A_120 = tpu.memref_squeeze %dma_start3A_119 : memref<1x128xf32, #tpu.memory_space<vmem>> -> memref<128xf32, #tpu.memory_space<vmem>>
      %dma_start3A_121 = arith.constant 0 : i32
      %dma_start3A_122 = tpu.memref_slice %arg18[%dma_start3A_117, %dma_start3A_121] : memref<16x128xi32, #tpu.memory_space<vmem>> -> memref<1x128xi32, #tpu.memory_space<vmem>>
      %dma_start3A_123 = tpu.memref_squeeze %dma_start3A_122 : memref<1x128xi32, #tpu.memory_space<vmem>> -> memref<128xi32, #tpu.memory_space<vmem>>
      %dma_start3A_124 = arith.constant 0 : i32
      %dma_start3A_125 = tpu.memref_slice %arg8[%dma_start3A_124] : memref<16384xf32, #tpu.memory_space<vmem_shared>> -> memref<16384xf32, #tpu.memory_space<vmem_shared>>
      tpu.enqueue_indirect_dma source(%dma_start3A_120 : memref<128xf32, #tpu.memory_space<vmem>>) target(%dma_start3A_125 : memref<16384xf32, #tpu.memory_space<vmem_shared>>) offsets(%dma_start3A_123 : memref<128xi32, #tpu.memory_space<vmem>>) semaphore(%arg35 : memref<!tpu.dma_semaphore, #tpu.memory_space<semaphore_mem>>) {add = true}
      %dma_start3A_126 = arith.constant 6 : i32
      %dma_start3A_127 = arith.constant 0 : i32
      %dma_start3A_128 = tpu.memref_slice %arg18[%dma_start3A_126, %dma_start3A_127] : memref<16x128xi32, #tpu.memory_space<vmem>> -> memref<1x128xi32, #tpu.memory_space<vmem>>
      %dma_start3A_129 = tpu.memref_squeeze %dma_start3A_128 : memref<1x128xi32, #tpu.memory_space<vmem>> -> memref<128xi32, #tpu.memory_space<vmem>>
      %dma_start3A_130 = arith.constant 0 : i32
      %dma_start3A_131 = tpu.memref_slice %arg9[%dma_start3A_130] : memref<16384xf32, #tpu.memory_space<vmem_shared>> -> memref<16384xf32, #tpu.memory_space<vmem_shared>>
      tpu.enqueue_indirect_dma source(%arg17 : memref<128xf32, #tpu.memory_space<vmem>>) target(%dma_start3A_131 : memref<16384xf32, #tpu.memory_space<vmem_shared>>) offsets(%dma_start3A_129 : memref<128xi32, #tpu.memory_space<vmem>>) semaphore(%arg35 : memref<!tpu.dma_semaphore, #tpu.memory_space<semaphore_mem>>) {add = true}
      %dma_start3A_132 = arith.constant 7 : i32
      %dma_start3A_133 = arith.constant 7 : i32
      %dma_start3A_134 = arith.constant 0 : i32
      %dma_start3A_135 = tpu.memref_slice %arg19[%dma_start3A_132, %dma_start3A_134] : memref<16x128xf32, #tpu.memory_space<vmem>> -> memref<1x128xf32, #tpu.memory_space<vmem>>
      %dma_start3A_136 = tpu.memref_squeeze %dma_start3A_135 : memref<1x128xf32, #tpu.memory_space<vmem>> -> memref<128xf32, #tpu.memory_space<vmem>>
      %dma_start3A_137 = arith.constant 0 : i32
      %dma_start3A_138 = tpu.memref_slice %arg18[%dma_start3A_133, %dma_start3A_137] : memref<16x128xi32, #tpu.memory_space<vmem>> -> memref<1x128xi32, #tpu.memory_space<vmem>>
      %dma_start3A_139 = tpu.memref_squeeze %dma_start3A_138 : memref<1x128xi32, #tpu.memory_space<vmem>> -> memref<128xi32, #tpu.memory_space<vmem>>
      %dma_start3A_140 = arith.constant 0 : i32
      %dma_start3A_141 = tpu.memref_slice %arg8[%dma_start3A_140] : memref<16384xf32, #tpu.memory_space<vmem_shared>> -> memref<16384xf32, #tpu.memory_space<vmem_shared>>
      tpu.enqueue_indirect_dma source(%dma_start3A_136 : memref<128xf32, #tpu.memory_space<vmem>>) target(%dma_start3A_141 : memref<16384xf32, #tpu.memory_space<vmem_shared>>) offsets(%dma_start3A_139 : memref<128xi32, #tpu.memory_space<vmem>>) semaphore(%arg35 : memref<!tpu.dma_semaphore, #tpu.memory_space<semaphore_mem>>) {add = true}
      %dma_start3A_142 = arith.constant 7 : i32
      %dma_start3A_143 = arith.constant 0 : i32
      %dma_start3A_144 = tpu.memref_slice %arg18[%dma_start3A_142, %dma_start3A_143] : memref<16x128xi32, #tpu.memory_space<vmem>> -> memref<1x128xi32, #tpu.memory_space<vmem>>
      %dma_start3A_145 = tpu.memref_squeeze %dma_start3A_144 : memref<1x128xi32, #tpu.memory_space<vmem>> -> memref<128xi32, #tpu.memory_space<vmem>>
      %dma_start3A_146 = arith.constant 0 : i32
      %dma_start3A_147 = tpu.memref_slice %arg9[%dma_start3A_146] : memref<16384xf32, #tpu.memory_space<vmem_shared>> -> memref<16384xf32, #tpu.memory_space<vmem_shared>>
      tpu.enqueue_indirect_dma source(%arg17 : memref<128xf32, #tpu.memory_space<vmem>>) target(%dma_start3A_147 : memref<16384xf32, #tpu.memory_space<vmem_shared>>) offsets(%dma_start3A_145 : memref<128xi32, #tpu.memory_space<vmem>>) semaphore(%arg35 : memref<!tpu.dma_semaphore, #tpu.memory_space<semaphore_mem>>) {add = true}
      %dma_start3A_148 = arith.constant 8 : i32
      %dma_start3A_149 = arith.constant 8 : i32
      %dma_start3A_150 = arith.constant 0 : i32
      %dma_start3A_151 = tpu.memref_slice %arg19[%dma_start3A_148, %dma_start3A_150] : memref<16x128xf32, #tpu.memory_space<vmem>> -> memref<1x128xf32, #tpu.memory_space<vmem>>
      %dma_start3A_152 = tpu.memref_squeeze %dma_start3A_151 : memref<1x128xf32, #tpu.memory_space<vmem>> -> memref<128xf32, #tpu.memory_space<vmem>>
      %dma_start3A_153 = arith.constant 0 : i32
      %dma_start3A_154 = tpu.memref_slice %arg18[%dma_start3A_149, %dma_start3A_153] : memref<16x128xi32, #tpu.memory_space<vmem>> -> memref<1x128xi32, #tpu.memory_space<vmem>>
      %dma_start3A_155 = tpu.memref_squeeze %dma_start3A_154 : memref<1x128xi32, #tpu.memory_space<vmem>> -> memref<128xi32, #tpu.memory_space<vmem>>
      %dma_start3A_156 = arith.constant 0 : i32
      %dma_start3A_157 = tpu.memref_slice %arg8[%dma_start3A_156] : memref<16384xf32, #tpu.memory_space<vmem_shared>> -> memref<16384xf32, #tpu.memory_space<vmem_shared>>
      tpu.enqueue_indirect_dma source(%dma_start3A_152 : memref<128xf32, #tpu.memory_space<vmem>>) target(%dma_start3A_157 : memref<16384xf32, #tpu.memory_space<vmem_shared>>) offsets(%dma_start3A_155 : memref<128xi32, #tpu.memory_space<vmem>>) semaphore(%arg35 : memref<!tpu.dma_semaphore, #tpu.memory_space<semaphore_mem>>) {add = true}
      %dma_start3A_158 = arith.constant 8 : i32
      %dma_start3A_159 = arith.constant 0 : i32
      %dma_start3A_160 = tpu.memref_slice %arg18[%dma_start3A_158, %dma_start3A_159] : memref<16x128xi32, #tpu.memory_space<vmem>> -> memref<1x128xi32, #tpu.memory_space<vmem>>
      %dma_start3A_161 = tpu.memref_squeeze %dma_start3A_160 : memref<1x128xi32, #tpu.memory_space<vmem>> -> memref<128xi32, #tpu.memory_space<vmem>>
      %dma_start3A_162 = arith.constant 0 : i32
      %dma_start3A_163 = tpu.memref_slice %arg9[%dma_start3A_162] : memref<16384xf32, #tpu.memory_space<vmem_shared>> -> memref<16384xf32, #tpu.memory_space<vmem_shared>>
      tpu.enqueue_indirect_dma source(%arg17 : memref<128xf32, #tpu.memory_space<vmem>>) target(%dma_start3A_163 : memref<16384xf32, #tpu.memory_space<vmem_shared>>) offsets(%dma_start3A_161 : memref<128xi32, #tpu.memory_space<vmem>>) semaphore(%arg35 : memref<!tpu.dma_semaphore, #tpu.memory_space<semaphore_mem>>) {add = true}
      %dma_start3A_164 = arith.constant 9 : i32
      %dma_start3A_165 = arith.constant 9 : i32
      %dma_start3A_166 = arith.constant 0 : i32
      %dma_start3A_167 = tpu.memref_slice %arg19[%dma_start3A_164, %dma_start3A_166] : memref<16x128xf32, #tpu.memory_space<vmem>> -> memref<1x128xf32, #tpu.memory_space<vmem>>
      %dma_start3A_168 = tpu.memref_squeeze %dma_start3A_167 : memref<1x128xf32, #tpu.memory_space<vmem>> -> memref<128xf32, #tpu.memory_space<vmem>>
      %dma_start3A_169 = arith.constant 0 : i32
      %dma_start3A_170 = tpu.memref_slice %arg18[%dma_start3A_165, %dma_start3A_169] : memref<16x128xi32, #tpu.memory_space<vmem>> -> memref<1x128xi32, #tpu.memory_space<vmem>>
      %dma_start3A_171 = tpu.memref_squeeze %dma_start3A_170 : memref<1x128xi32, #tpu.memory_space<vmem>> -> memref<128xi32, #tpu.memory_space<vmem>>
      %dma_start3A_172 = arith.constant 0 : i32
      %dma_start3A_173 = tpu.memref_slice %arg8[%dma_start3A_172] : memref<16384xf32, #tpu.memory_space<vmem_shared>> -> memref<16384xf32, #tpu.memory_space<vmem_shared>>
      tpu.enqueue_indirect_dma source(%dma_start3A_168 : memref<128xf32, #tpu.memory_space<vmem>>) target(%dma_start3A_173 : memref<16384xf32, #tpu.memory_space<vmem_shared>>) offsets(%dma_start3A_171 : memref<128xi32, #tpu.memory_space<vmem>>) semaphore(%arg35 : memref<!tpu.dma_semaphore, #tpu.memory_space<semaphore_mem>>) {add = true}
      %dma_start3A_174 = arith.constant 9 : i32
      %dma_start3A_175 = arith.constant 0 : i32
      %dma_start3A_176 = tpu.memref_slice %arg18[%dma_start3A_174, %dma_start3A_175] : memref<16x128xi32, #tpu.memory_space<vmem>> -> memref<1x128xi32, #tpu.memory_space<vmem>>
      %dma_start3A_177 = tpu.memref_squeeze %dma_start3A_176 : memref<1x128xi32, #tpu.memory_space<vmem>> -> memref<128xi32, #tpu.memory_space<vmem>>
      %dma_start3A_178 = arith.constant 0 : i32
      %dma_start3A_179 = tpu.memref_slice %arg9[%dma_start3A_178] : memref<16384xf32, #tpu.memory_space<vmem_shared>> -> memref<16384xf32, #tpu.memory_space<vmem_shared>>
      tpu.enqueue_indirect_dma source(%arg17 : memref<128xf32, #tpu.memory_space<vmem>>) target(%dma_start3A_179 : memref<16384xf32, #tpu.memory_space<vmem_shared>>) offsets(%dma_start3A_177 : memref<128xi32, #tpu.memory_space<vmem>>) semaphore(%arg35 : memref<!tpu.dma_semaphore, #tpu.memory_space<semaphore_mem>>) {add = true}
      %dma_start3A_180 = arith.constant 10 : i32
      %dma_start3A_181 = arith.constant 10 : i32
      %dma_start3A_182 = arith.constant 0 : i32
      %dma_start3A_183 = tpu.memref_slice %arg19[%dma_start3A_180, %dma_start3A_182] : memref<16x128xf32, #tpu.memory_space<vmem>> -> memref<1x128xf32, #tpu.memory_space<vmem>>
      %dma_start3A_184 = tpu.memref_squeeze %dma_start3A_183 : memref<1x128xf32, #tpu.memory_space<vmem>> -> memref<128xf32, #tpu.memory_space<vmem>>
      %dma_start3A_185 = arith.constant 0 : i32
      %dma_start3A_186 = tpu.memref_slice %arg18[%dma_start3A_181, %dma_start3A_185] : memref<16x128xi32, #tpu.memory_space<vmem>> -> memref<1x128xi32, #tpu.memory_space<vmem>>
      %dma_start3A_187 = tpu.memref_squeeze %dma_start3A_186 : memref<1x128xi32, #tpu.memory_space<vmem>> -> memref<128xi32, #tpu.memory_space<vmem>>
      %dma_start3A_188 = arith.constant 0 : i32
      %dma_start3A_189 = tpu.memref_slice %arg8[%dma_start3A_188] : memref<16384xf32, #tpu.memory_space<vmem_shared>> -> memref<16384xf32, #tpu.memory_space<vmem_shared>>
      tpu.enqueue_indirect_dma source(%dma_start3A_184 : memref<128xf32, #tpu.memory_space<vmem>>) target(%dma_start3A_189 : memref<16384xf32, #tpu.memory_space<vmem_shared>>) offsets(%dma_start3A_187 : memref<128xi32, #tpu.memory_space<vmem>>) semaphore(%arg35 : memref<!tpu.dma_semaphore, #tpu.memory_space<semaphore_mem>>) {add = true}
      %dma_start3A_190 = arith.constant 10 : i32
      %dma_start3A_191 = arith.constant 0 : i32
      %dma_start3A_192 = tpu.memref_slice %arg18[%dma_start3A_190, %dma_start3A_191] : memref<16x128xi32, #tpu.memory_space<vmem>> -> memref<1x128xi32, #tpu.memory_space<vmem>>
      %dma_start3A_193 = tpu.memref_squeeze %dma_start3A_192 : memref<1x128xi32, #tpu.memory_space<vmem>> -> memref<128xi32, #tpu.memory_space<vmem>>
      %dma_start3A_194 = arith.constant 0 : i32
      %dma_start3A_195 = tpu.memref_slice %arg9[%dma_start3A_194] : memref<16384xf32, #tpu.memory_space<vmem_shared>> -> memref<16384xf32, #tpu.memory_space<vmem_shared>>
      tpu.enqueue_indirect_dma source(%arg17 : memref<128xf32, #tpu.memory_space<vmem>>) target(%dma_start3A_195 : memref<16384xf32, #tpu.memory_space<vmem_shared>>) offsets(%dma_start3A_193 : memref<128xi32, #tpu.memory_space<vmem>>) semaphore(%arg35 : memref<!tpu.dma_semaphore, #tpu.memory_space<semaphore_mem>>) {add = true}
      %dma_start3A_196 = arith.constant 11 : i32
      %dma_start3A_197 = arith.constant 11 : i32
      %dma_start3A_198 = arith.constant 0 : i32
      %dma_start3A_199 = tpu.memref_slice %arg19[%dma_start3A_196, %dma_start3A_198] : memref<16x128xf32, #tpu.memory_space<vmem>> -> memref<1x128xf32, #tpu.memory_space<vmem>>
      %dma_start3A_200 = tpu.memref_squeeze %dma_start3A_199 : memref<1x128xf32, #tpu.memory_space<vmem>> -> memref<128xf32, #tpu.memory_space<vmem>>
      %dma_start3A_201 = arith.constant 0 : i32
      %dma_start3A_202 = tpu.memref_slice %arg18[%dma_start3A_197, %dma_start3A_201] : memref<16x128xi32, #tpu.memory_space<vmem>> -> memref<1x128xi32, #tpu.memory_space<vmem>>
      %dma_start3A_203 = tpu.memref_squeeze %dma_start3A_202 : memref<1x128xi32, #tpu.memory_space<vmem>> -> memref<128xi32, #tpu.memory_space<vmem>>
      %dma_start3A_204 = arith.constant 0 : i32
      %dma_start3A_205 = tpu.memref_slice %arg8[%dma_start3A_204] : memref<16384xf32, #tpu.memory_space<vmem_shared>> -> memref<16384xf32, #tpu.memory_space<vmem_shared>>
      tpu.enqueue_indirect_dma source(%dma_start3A_200 : memref<128xf32, #tpu.memory_space<vmem>>) target(%dma_start3A_205 : memref<16384xf32, #tpu.memory_space<vmem_shared>>) offsets(%dma_start3A_203 : memref<128xi32, #tpu.memory_space<vmem>>) semaphore(%arg35 : memref<!tpu.dma_semaphore, #tpu.memory_space<semaphore_mem>>) {add = true}
      %dma_start3A_206 = arith.constant 11 : i32
      %dma_start3A_207 = arith.constant 0 : i32
      %dma_start3A_208 = tpu.memref_slice %arg18[%dma_start3A_206, %dma_start3A_207] : memref<16x128xi32, #tpu.memory_space<vmem>> -> memref<1x128xi32, #tpu.memory_space<vmem>>
      %dma_start3A_209 = tpu.memref_squeeze %dma_start3A_208 : memref<1x128xi32, #tpu.memory_space<vmem>> -> memref<128xi32, #tpu.memory_space<vmem>>
      %dma_start3A_210 = arith.constant 0 : i32
      %dma_start3A_211 = tpu.memref_slice %arg9[%dma_start3A_210] : memref<16384xf32, #tpu.memory_space<vmem_shared>> -> memref<16384xf32, #tpu.memory_space<vmem_shared>>
      tpu.enqueue_indirect_dma source(%arg17 : memref<128xf32, #tpu.memory_space<vmem>>) target(%dma_start3A_211 : memref<16384xf32, #tpu.memory_space<vmem_shared>>) offsets(%dma_start3A_209 : memref<128xi32, #tpu.memory_space<vmem>>) semaphore(%arg35 : memref<!tpu.dma_semaphore, #tpu.memory_space<semaphore_mem>>) {add = true}
      %dma_start3A_212 = arith.constant 12 : i32
      %dma_start3A_213 = arith.constant 12 : i32
      %dma_start3A_214 = arith.constant 0 : i32
      %dma_start3A_215 = tpu.memref_slice %arg19[%dma_start3A_212, %dma_start3A_214] : memref<16x128xf32, #tpu.memory_space<vmem>> -> memref<1x128xf32, #tpu.memory_space<vmem>>
      %dma_start3A_216 = tpu.memref_squeeze %dma_start3A_215 : memref<1x128xf32, #tpu.memory_space<vmem>> -> memref<128xf32, #tpu.memory_space<vmem>>
      %dma_start3A_217 = arith.constant 0 : i32
      %dma_start3A_218 = tpu.memref_slice %arg18[%dma_start3A_213, %dma_start3A_217] : memref<16x128xi32, #tpu.memory_space<vmem>> -> memref<1x128xi32, #tpu.memory_space<vmem>>
      %dma_start3A_219 = tpu.memref_squeeze %dma_start3A_218 : memref<1x128xi32, #tpu.memory_space<vmem>> -> memref<128xi32, #tpu.memory_space<vmem>>
      %dma_start3A_220 = arith.constant 0 : i32
      %dma_start3A_221 = tpu.memref_slice %arg8[%dma_start3A_220] : memref<16384xf32, #tpu.memory_space<vmem_shared>> -> memref<16384xf32, #tpu.memory_space<vmem_shared>>
      tpu.enqueue_indirect_dma source(%dma_start3A_216 : memref<128xf32, #tpu.memory_space<vmem>>) target(%dma_start3A_221 : memref<16384xf32, #tpu.memory_space<vmem_shared>>) offsets(%dma_start3A_219 : memref<128xi32, #tpu.memory_space<vmem>>) semaphore(%arg35 : memref<!tpu.dma_semaphore, #tpu.memory_space<semaphore_mem>>) {add = true}
      %dma_start3A_222 = arith.constant 12 : i32
      %dma_start3A_223 = arith.constant 0 : i32
      %dma_start3A_224 = tpu.memref_slice %arg18[%dma_start3A_222, %dma_start3A_223] : memref<16x128xi32, #tpu.memory_space<vmem>> -> memref<1x128xi32, #tpu.memory_space<vmem>>
      %dma_start3A_225 = tpu.memref_squeeze %dma_start3A_224 : memref<1x128xi32, #tpu.memory_space<vmem>> -> memref<128xi32, #tpu.memory_space<vmem>>
      %dma_start3A_226 = arith.constant 0 : i32
      %dma_start3A_227 = tpu.memref_slice %arg9[%dma_start3A_226] : memref<16384xf32, #tpu.memory_space<vmem_shared>> -> memref<16384xf32, #tpu.memory_space<vmem_shared>>
      tpu.enqueue_indirect_dma source(%arg17 : memref<128xf32, #tpu.memory_space<vmem>>) target(%dma_start3A_227 : memref<16384xf32, #tpu.memory_space<vmem_shared>>) offsets(%dma_start3A_225 : memref<128xi32, #tpu.memory_space<vmem>>) semaphore(%arg35 : memref<!tpu.dma_semaphore, #tpu.memory_space<semaphore_mem>>) {add = true}
      %dma_start3A_228 = arith.constant 13 : i32
      %dma_start3A_229 = arith.constant 13 : i32
      %dma_start3A_230 = arith.constant 0 : i32
      %dma_start3A_231 = tpu.memref_slice %arg19[%dma_start3A_228, %dma_start3A_230] : memref<16x128xf32, #tpu.memory_space<vmem>> -> memref<1x128xf32, #tpu.memory_space<vmem>>
      %dma_start3A_232 = tpu.memref_squeeze %dma_start3A_231 : memref<1x128xf32, #tpu.memory_space<vmem>> -> memref<128xf32, #tpu.memory_space<vmem>>
      %dma_start3A_233 = arith.constant 0 : i32
      %dma_start3A_234 = tpu.memref_slice %arg18[%dma_start3A_229, %dma_start3A_233] : memref<16x128xi32, #tpu.memory_space<vmem>> -> memref<1x128xi32, #tpu.memory_space<vmem>>
      %dma_start3A_235 = tpu.memref_squeeze %dma_start3A_234 : memref<1x128xi32, #tpu.memory_space<vmem>> -> memref<128xi32, #tpu.memory_space<vmem>>
      %dma_start3A_236 = arith.constant 0 : i32
      %dma_start3A_237 = tpu.memref_slice %arg8[%dma_start3A_236] : memref<16384xf32, #tpu.memory_space<vmem_shared>> -> memref<16384xf32, #tpu.memory_space<vmem_shared>>
      tpu.enqueue_indirect_dma source(%dma_start3A_232 : memref<128xf32, #tpu.memory_space<vmem>>) target(%dma_start3A_237 : memref<16384xf32, #tpu.memory_space<vmem_shared>>) offsets(%dma_start3A_235 : memref<128xi32, #tpu.memory_space<vmem>>) semaphore(%arg35 : memref<!tpu.dma_semaphore, #tpu.memory_space<semaphore_mem>>) {add = true}
      %dma_start3A_238 = arith.constant 13 : i32
      %dma_start3A_239 = arith.constant 0 : i32
      %dma_start3A_240 = tpu.memref_slice %arg18[%dma_start3A_238, %dma_start3A_239] : memref<16x128xi32, #tpu.memory_space<vmem>> -> memref<1x128xi32, #tpu.memory_space<vmem>>
      %dma_start3A_241 = tpu.memref_squeeze %dma_start3A_240 : memref<1x128xi32, #tpu.memory_space<vmem>> -> memref<128xi32, #tpu.memory_space<vmem>>
      %dma_start3A_242 = arith.constant 0 : i32
      %dma_start3A_243 = tpu.memref_slice %arg9[%dma_start3A_242] : memref<16384xf32, #tpu.memory_space<vmem_shared>> -> memref<16384xf32, #tpu.memory_space<vmem_shared>>
      tpu.enqueue_indirect_dma source(%arg17 : memref<128xf32, #tpu.memory_space<vmem>>) target(%dma_start3A_243 : memref<16384xf32, #tpu.memory_space<vmem_shared>>) offsets(%dma_start3A_241 : memref<128xi32, #tpu.memory_space<vmem>>) semaphore(%arg35 : memref<!tpu.dma_semaphore, #tpu.memory_space<semaphore_mem>>) {add = true}
      %dma_start3A_244 = arith.constant 14 : i32
      %dma_start3A_245 = arith.constant 14 : i32
      %dma_start3A_246 = arith.constant 0 : i32
      %dma_start3A_247 = tpu.memref_slice %arg19[%dma_start3A_244, %dma_start3A_246] : memref<16x128xf32, #tpu.memory_space<vmem>> -> memref<1x128xf32, #tpu.memory_space<vmem>>
      %dma_start3A_248 = tpu.memref_squeeze %dma_start3A_247 : memref<1x128xf32, #tpu.memory_space<vmem>> -> memref<128xf32, #tpu.memory_space<vmem>>
      %dma_start3A_249 = arith.constant 0 : i32
      %dma_start3A_250 = tpu.memref_slice %arg18[%dma_start3A_245, %dma_start3A_249] : memref<16x128xi32, #tpu.memory_space<vmem>> -> memref<1x128xi32, #tpu.memory_space<vmem>>
      %dma_start3A_251 = tpu.memref_squeeze %dma_start3A_250 : memref<1x128xi32, #tpu.memory_space<vmem>> -> memref<128xi32, #tpu.memory_space<vmem>>
      %dma_start3A_252 = arith.constant 0 : i32
      %dma_start3A_253 = tpu.memref_slice %arg8[%dma_start3A_252] : memref<16384xf32, #tpu.memory_space<vmem_shared>> -> memref<16384xf32, #tpu.memory_space<vmem_shared>>
      tpu.enqueue_indirect_dma source(%dma_start3A_248 : memref<128xf32, #tpu.memory_space<vmem>>) target(%dma_start3A_253 : memref<16384xf32, #tpu.memory_space<vmem_shared>>) offsets(%dma_start3A_251 : memref<128xi32, #tpu.memory_space<vmem>>) semaphore(%arg35 : memref<!tpu.dma_semaphore, #tpu.memory_space<semaphore_mem>>) {add = true}
      %dma_start3A_254 = arith.constant 14 : i32
      %dma_start3A_255 = arith.constant 0 : i32
      %dma_start3A_256 = tpu.memref_slice %arg18[%dma_start3A_254, %dma_start3A_255] : memref<16x128xi32, #tpu.memory_space<vmem>> -> memref<1x128xi32, #tpu.memory_space<vmem>>
      %dma_start3A_257 = tpu.memref_squeeze %dma_start3A_256 : memref<1x128xi32, #tpu.memory_space<vmem>> -> memref<128xi32, #tpu.memory_space<vmem>>
      %dma_start3A_258 = arith.constant 0 : i32
      %dma_start3A_259 = tpu.memref_slice %arg9[%dma_start3A_258] : memref<16384xf32, #tpu.memory_space<vmem_shared>> -> memref<16384xf32, #tpu.memory_space<vmem_shared>>
      tpu.enqueue_indirect_dma source(%arg17 : memref<128xf32, #tpu.memory_space<vmem>>) target(%dma_start3A_259 : memref<16384xf32, #tpu.memory_space<vmem_shared>>) offsets(%dma_start3A_257 : memref<128xi32, #tpu.memory_space<vmem>>) semaphore(%arg35 : memref<!tpu.dma_semaphore, #tpu.memory_space<semaphore_mem>>) {add = true}
      %dma_start3A_260 = arith.constant 15 : i32
      %dma_start3A_261 = arith.constant 15 : i32
      %dma_start3A_262 = arith.constant 0 : i32
      %dma_start3A_263 = tpu.memref_slice %arg19[%dma_start3A_260, %dma_start3A_262] : memref<16x128xf32, #tpu.memory_space<vmem>> -> memref<1x128xf32, #tpu.memory_space<vmem>>
      %dma_start3A_264 = tpu.memref_squeeze %dma_start3A_263 : memref<1x128xf32, #tpu.memory_space<vmem>> -> memref<128xf32, #tpu.memory_space<vmem>>
      %dma_start3A_265 = arith.constant 0 : i32
      %dma_start3A_266 = tpu.memref_slice %arg18[%dma_start3A_261, %dma_start3A_265] : memref<16x128xi32, #tpu.memory_space<vmem>> -> memref<1x128xi32, #tpu.memory_space<vmem>>
      %dma_start3A_267 = tpu.memref_squeeze %dma_start3A_266 : memref<1x128xi32, #tpu.memory_space<vmem>> -> memref<128xi32, #tpu.memory_space<vmem>>
      %dma_start3A_268 = arith.constant 0 : i32
      %dma_start3A_269 = tpu.memref_slice %arg8[%dma_start3A_268] : memref<16384xf32, #tpu.memory_space<vmem_shared>> -> memref<16384xf32, #tpu.memory_space<vmem_shared>>
      tpu.enqueue_indirect_dma source(%dma_start3A_264 : memref<128xf32, #tpu.memory_space<vmem>>) target(%dma_start3A_269 : memref<16384xf32, #tpu.memory_space<vmem_shared>>) offsets(%dma_start3A_267 : memref<128xi32, #tpu.memory_space<vmem>>) semaphore(%arg35 : memref<!tpu.dma_semaphore, #tpu.memory_space<semaphore_mem>>) {add = true}
      %dma_start3A_270 = arith.constant 15 : i32
      %dma_start3A_271 = arith.constant 0 : i32
      %dma_start3A_272 = tpu.memref_slice %arg18[%dma_start3A_270, %dma_start3A_271] : memref<16x128xi32, #tpu.memory_space<vmem>> -> memref<1x128xi32, #tpu.memory_space<vmem>>
      %dma_start3A_273 = tpu.memref_squeeze %dma_start3A_272 : memref<1x128xi32, #tpu.memory_space<vmem>> -> memref<128xi32, #tpu.memory_space<vmem>>
      %dma_start3A_274 = arith.constant 0 : i32
      %dma_start3A_275 = tpu.memref_slice %arg9[%dma_start3A_274] : memref<16384xf32, #tpu.memory_space<vmem_shared>> -> memref<16384xf32, #tpu.memory_space<vmem_shared>>
      tpu.enqueue_indirect_dma source(%arg17 : memref<128xf32, #tpu.memory_space<vmem>>) target(%dma_start3A_275 : memref<16384xf32, #tpu.memory_space<vmem_shared>>) offsets(%dma_start3A_273 : memref<128xi32, #tpu.memory_space<vmem>>) semaphore(%arg35 : memref<!tpu.dma_semaphore, #tpu.memory_space<semaphore_mem>>) {add = true}
      %mul3A = arith.constant 8 : i32
      %mul3A_276 = arith.muli %arg1, %mul3A : i32
      "tpu.region"() ({
        %run_scoped3A_540 = tpu.sem_alloc : memref<!tpu.dma_semaphore, #tpu.memory_space<semaphore_mem>>
        %dma_start3A_541 = arith.constant 0 : i32
        %dma_start3A_542 = tpu.memref_slice %arg4[%mul3A_276, %dma_start3A_541] : memref<128x128xi32, #tpu.memory_space<hbm>> -> memref<8x128xi32, #tpu.memory_space<hbm>>
        %dma_start3A_543 = arith.constant 0 : i32
        %dma_start3A_544 = tpu.memref_slice %arg4[%mul3A_276, %dma_start3A_543] : memref<128x128xi32, #tpu.memory_space<hbm>> -> memref<8x128xi32, #tpu.memory_space<hbm>>
        tpu.enqueue_dma source(%dma_start3A_544 : memref<8x128xi32, #tpu.memory_space<hbm>>) target(%arg20 : memref<8x128xi32, #tpu.memory_space<vmem>>) target_semaphore(%run_scoped3A_540 : memref<!tpu.dma_semaphore, #tpu.memory_space<semaphore_mem>>)
        %dma_wait3A_545 = arith.constant 0 : i32
        %dma_wait3A_546 = tpu.memref_slice %arg4[%mul3A_276, %dma_wait3A_545] : memref<128x128xi32, #tpu.memory_space<hbm>> -> memref<8x128xi32, #tpu.memory_space<hbm>>
        %dma_wait3A_547 = arith.constant 0 : i32
        %dma_wait3A_548 = tpu.memref_slice %arg4[%mul3A_276, %dma_wait3A_547] : memref<128x128xi32, #tpu.memory_space<hbm>> -> memref<8x128xi32, #tpu.memory_space<hbm>>
        tpu.wait_dma2 semaphore(%run_scoped3A_540 : memref<!tpu.dma_semaphore, #tpu.memory_space<semaphore_mem>>) src(%dma_wait3A_548 : memref<8x128xi32, #tpu.memory_space<hbm>>) dst(%arg20 : memref<8x128xi32, #tpu.memory_space<vmem>>)
        tpu.yield
      }) : () -> ()
      %mul3A_277 = arith.constant 8 : i32
      %mul3A_278 = arith.muli %arg1, %mul3A_277 : i32
      %run_scoped3A = arith.constant 0 : i32
      "tpu.region"() ({
        %run_scoped3A_540 = tpu.sem_alloc : memref<!tpu.dma_semaphore, #tpu.memory_space<semaphore_mem>>
        %dma_start3A_541 = arith.constant 0 : i32
        %dma_start3A_542 = tpu.memref_slice %arg5[%run_scoped3A, %mul3A_278, %dma_start3A_541] : memref<3x128x128xf32, #tpu.memory_space<hbm>> -> memref<1x8x128xf32, #tpu.memory_space<hbm>>
        %dma_start3A_543 = tpu.memref_squeeze %dma_start3A_542 : memref<1x8x128xf32, #tpu.memory_space<hbm>> -> memref<8x128xf32, #tpu.memory_space<hbm>>
        %dma_start3A_544 = arith.constant 0 : i32
        %dma_start3A_545 = tpu.memref_slice %arg5[%run_scoped3A, %mul3A_278, %dma_start3A_544] : memref<3x128x128xf32, #tpu.memory_space<hbm>> -> memref<1x8x128xf32, #tpu.memory_space<hbm>>
        %dma_start3A_546 = tpu.memref_squeeze %dma_start3A_545 : memref<1x8x128xf32, #tpu.memory_space<hbm>> -> memref<8x128xf32, #tpu.memory_space<hbm>>
        tpu.enqueue_dma source(%dma_start3A_546 : memref<8x128xf32, #tpu.memory_space<hbm>>) target(%arg21 : memref<8x128xf32, #tpu.memory_space<vmem>>) target_semaphore(%run_scoped3A_540 : memref<!tpu.dma_semaphore, #tpu.memory_space<semaphore_mem>>)
        %dma_wait3A_547 = arith.constant 0 : i32
        %dma_wait3A_548 = tpu.memref_slice %arg5[%run_scoped3A, %mul3A_278, %dma_wait3A_547] : memref<3x128x128xf32, #tpu.memory_space<hbm>> -> memref<1x8x128xf32, #tpu.memory_space<hbm>>
        %dma_wait3A_549 = tpu.memref_squeeze %dma_wait3A_548 : memref<1x8x128xf32, #tpu.memory_space<hbm>> -> memref<8x128xf32, #tpu.memory_space<hbm>>
        %dma_wait3A_550 = arith.constant 0 : i32
        %dma_wait3A_551 = tpu.memref_slice %arg5[%run_scoped3A, %mul3A_278, %dma_wait3A_550] : memref<3x128x128xf32, #tpu.memory_space<hbm>> -> memref<1x8x128xf32, #tpu.memory_space<hbm>>
        %dma_wait3A_552 = tpu.memref_squeeze %dma_wait3A_551 : memref<1x8x128xf32, #tpu.memory_space<hbm>> -> memref<8x128xf32, #tpu.memory_space<hbm>>
        tpu.wait_dma2 semaphore(%run_scoped3A_540 : memref<!tpu.dma_semaphore, #tpu.memory_space<semaphore_mem>>) src(%dma_wait3A_552 : memref<8x128xf32, #tpu.memory_space<hbm>>) dst(%arg21 : memref<8x128xf32, #tpu.memory_space<vmem>>)
        tpu.yield
      }) : () -> ()
      %mul3A_279 = arith.constant 8 : i32
      %mul3A_280 = arith.muli %arg1, %mul3A_279 : i32
      %run_scoped3A_281 = arith.constant 1 : i32
      "tpu.region"() ({
        %run_scoped3A_540 = tpu.sem_alloc : memref<!tpu.dma_semaphore, #tpu.memory_space<semaphore_mem>>
        %dma_start3A_541 = arith.constant 0 : i32
        %dma_start3A_542 = tpu.memref_slice %arg5[%run_scoped3A_281, %mul3A_280, %dma_start3A_541] : memref<3x128x128xf32, #tpu.memory_space<hbm>> -> memref<1x8x128xf32, #tpu.memory_space<hbm>>
        %dma_start3A_543 = tpu.memref_squeeze %dma_start3A_542 : memref<1x8x128xf32, #tpu.memory_space<hbm>> -> memref<8x128xf32, #tpu.memory_space<hbm>>
        %dma_start3A_544 = arith.constant 0 : i32
        %dma_start3A_545 = tpu.memref_slice %arg5[%run_scoped3A_281, %mul3A_280, %dma_start3A_544] : memref<3x128x128xf32, #tpu.memory_space<hbm>> -> memref<1x8x128xf32, #tpu.memory_space<hbm>>
        %dma_start3A_546 = tpu.memref_squeeze %dma_start3A_545 : memref<1x8x128xf32, #tpu.memory_space<hbm>> -> memref<8x128xf32, #tpu.memory_space<hbm>>
        tpu.enqueue_dma source(%dma_start3A_546 : memref<8x128xf32, #tpu.memory_space<hbm>>) target(%arg22 : memref<8x128xf32, #tpu.memory_space<vmem>>) target_semaphore(%run_scoped3A_540 : memref<!tpu.dma_semaphore, #tpu.memory_space<semaphore_mem>>)
        %dma_wait3A_547 = arith.constant 0 : i32
        %dma_wait3A_548 = tpu.memref_slice %arg5[%run_scoped3A_281, %mul3A_280, %dma_wait3A_547] : memref<3x128x128xf32, #tpu.memory_space<hbm>> -> memref<1x8x128xf32, #tpu.memory_space<hbm>>
        %dma_wait3A_549 = tpu.memref_squeeze %dma_wait3A_548 : memref<1x8x128xf32, #tpu.memory_space<hbm>> -> memref<8x128xf32, #tpu.memory_space<hbm>>
        %dma_wait3A_550 = arith.constant 0 : i32
        %dma_wait3A_551 = tpu.memref_slice %arg5[%run_scoped3A_281, %mul3A_280, %dma_wait3A_550] : memref<3x128x128xf32, #tpu.memory_space<hbm>> -> memref<1x8x128xf32, #tpu.memory_space<hbm>>
        %dma_wait3A_552 = tpu.memref_squeeze %dma_wait3A_551 : memref<1x8x128xf32, #tpu.memory_space<hbm>> -> memref<8x128xf32, #tpu.memory_space<hbm>>
        tpu.wait_dma2 semaphore(%run_scoped3A_540 : memref<!tpu.dma_semaphore, #tpu.memory_space<semaphore_mem>>) src(%dma_wait3A_552 : memref<8x128xf32, #tpu.memory_space<hbm>>) dst(%arg22 : memref<8x128xf32, #tpu.memory_space<vmem>>)
        tpu.yield
      }) : () -> ()
      %mul3A_282 = arith.constant 8 : i32
      %mul3A_283 = arith.muli %arg1, %mul3A_282 : i32
      %run_scoped3A_284 = arith.constant 2 : i32
      "tpu.region"() ({
        %run_scoped3A_540 = tpu.sem_alloc : memref<!tpu.dma_semaphore, #tpu.memory_space<semaphore_mem>>
        %dma_start3A_541 = arith.constant 0 : i32
        %dma_start3A_542 = tpu.memref_slice %arg5[%run_scoped3A_284, %mul3A_283, %dma_start3A_541] : memref<3x128x128xf32, #tpu.memory_space<hbm>> -> memref<1x8x128xf32, #tpu.memory_space<hbm>>
        %dma_start3A_543 = tpu.memref_squeeze %dma_start3A_542 : memref<1x8x128xf32, #tpu.memory_space<hbm>> -> memref<8x128xf32, #tpu.memory_space<hbm>>
        %dma_start3A_544 = arith.constant 0 : i32
        %dma_start3A_545 = tpu.memref_slice %arg5[%run_scoped3A_284, %mul3A_283, %dma_start3A_544] : memref<3x128x128xf32, #tpu.memory_space<hbm>> -> memref<1x8x128xf32, #tpu.memory_space<hbm>>
        %dma_start3A_546 = tpu.memref_squeeze %dma_start3A_545 : memref<1x8x128xf32, #tpu.memory_space<hbm>> -> memref<8x128xf32, #tpu.memory_space<hbm>>
        tpu.enqueue_dma source(%dma_start3A_546 : memref<8x128xf32, #tpu.memory_space<hbm>>) target(%arg23 : memref<8x128xf32, #tpu.memory_space<vmem>>) target_semaphore(%run_scoped3A_540 : memref<!tpu.dma_semaphore, #tpu.memory_space<semaphore_mem>>)
        %dma_wait3A_547 = arith.constant 0 : i32
        %dma_wait3A_548 = tpu.memref_slice %arg5[%run_scoped3A_284, %mul3A_283, %dma_wait3A_547] : memref<3x128x128xf32, #tpu.memory_space<hbm>> -> memref<1x8x128xf32, #tpu.memory_space<hbm>>
        %dma_wait3A_549 = tpu.memref_squeeze %dma_wait3A_548 : memref<1x8x128xf32, #tpu.memory_space<hbm>> -> memref<8x128xf32, #tpu.memory_space<hbm>>
        %dma_wait3A_550 = arith.constant 0 : i32
        %dma_wait3A_551 = tpu.memref_slice %arg5[%run_scoped3A_284, %mul3A_283, %dma_wait3A_550] : memref<3x128x128xf32, #tpu.memory_space<hbm>> -> memref<1x8x128xf32, #tpu.memory_space<hbm>>
        %dma_wait3A_552 = tpu.memref_squeeze %dma_wait3A_551 : memref<1x8x128xf32, #tpu.memory_space<hbm>> -> memref<8x128xf32, #tpu.memory_space<hbm>>
        tpu.wait_dma2 semaphore(%run_scoped3A_540 : memref<!tpu.dma_semaphore, #tpu.memory_space<semaphore_mem>>) src(%dma_wait3A_552 : memref<8x128xf32, #tpu.memory_space<hbm>>) dst(%arg23 : memref<8x128xf32, #tpu.memory_space<vmem>>)
        tpu.yield
      }) : () -> ()
      %dma_wait3A = arith.constant 0 : i32
      %dma_wait3A_285 = arith.constant 0 : i32
      %dma_wait3A_286 = arith.constant 0 : i32
      %dma_wait3A_287 = tpu.memref_slice %arg19[%dma_wait3A, %dma_wait3A_286] : memref<16x128xf32, #tpu.memory_space<vmem>> -> memref<1x128xf32, #tpu.memory_space<vmem>>
      %dma_wait3A_288 = tpu.memref_squeeze %dma_wait3A_287 : memref<1x128xf32, #tpu.memory_space<vmem>> -> memref<128xf32, #tpu.memory_space<vmem>>
      %dma_wait3A_289 = arith.constant 0 : i32
      %dma_wait3A_290 = tpu.memref_slice %arg18[%dma_wait3A_285, %dma_wait3A_289] : memref<16x128xi32, #tpu.memory_space<vmem>> -> memref<1x128xi32, #tpu.memory_space<vmem>>
      %dma_wait3A_291 = tpu.memref_squeeze %dma_wait3A_290 : memref<1x128xi32, #tpu.memory_space<vmem>> -> memref<128xi32, #tpu.memory_space<vmem>>
      %dma_wait3A_292 = arith.constant 0 : i32
      %dma_wait3A_293 = tpu.memref_slice %arg8[%dma_wait3A_292] : memref<16384xf32, #tpu.memory_space<vmem_shared>> -> memref<16384xf32, #tpu.memory_space<vmem_shared>>
      tpu.wait_indirect_dma semaphore(%arg35 : memref<!tpu.dma_semaphore, #tpu.memory_space<semaphore_mem>>) src(%dma_wait3A_288 : memref<128xf32, #tpu.memory_space<vmem>>) dst(%dma_wait3A_293 : memref<16384xf32, #tpu.memory_space<vmem_shared>>)
      %dma_wait3A_294 = arith.constant 0 : i32
      %dma_wait3A_295 = arith.constant 0 : i32
      %dma_wait3A_296 = tpu.memref_slice %arg18[%dma_wait3A_294, %dma_wait3A_295] : memref<16x128xi32, #tpu.memory_space<vmem>> -> memref<1x128xi32, #tpu.memory_space<vmem>>
      %dma_wait3A_297 = tpu.memref_squeeze %dma_wait3A_296 : memref<1x128xi32, #tpu.memory_space<vmem>> -> memref<128xi32, #tpu.memory_space<vmem>>
      %dma_wait3A_298 = arith.constant 0 : i32
      %dma_wait3A_299 = tpu.memref_slice %arg9[%dma_wait3A_298] : memref<16384xf32, #tpu.memory_space<vmem_shared>> -> memref<16384xf32, #tpu.memory_space<vmem_shared>>
      tpu.wait_indirect_dma semaphore(%arg35 : memref<!tpu.dma_semaphore, #tpu.memory_space<semaphore_mem>>) src(%arg17 : memref<128xf32, #tpu.memory_space<vmem>>) dst(%dma_wait3A_299 : memref<16384xf32, #tpu.memory_space<vmem_shared>>)
      %dma_wait3A_300 = arith.constant 1 : i32
      %dma_wait3A_301 = arith.constant 1 : i32
      %dma_wait3A_302 = arith.constant 0 : i32
      %dma_wait3A_303 = tpu.memref_slice %arg19[%dma_wait3A_300, %dma_wait3A_302] : memref<16x128xf32, #tpu.memory_space<vmem>> -> memref<1x128xf32, #tpu.memory_space<vmem>>
      %dma_wait3A_304 = tpu.memref_squeeze %dma_wait3A_303 : memref<1x128xf32, #tpu.memory_space<vmem>> -> memref<128xf32, #tpu.memory_space<vmem>>
      %dma_wait3A_305 = arith.constant 0 : i32
      %dma_wait3A_306 = tpu.memref_slice %arg18[%dma_wait3A_301, %dma_wait3A_305] : memref<16x128xi32, #tpu.memory_space<vmem>> -> memref<1x128xi32, #tpu.memory_space<vmem>>
      %dma_wait3A_307 = tpu.memref_squeeze %dma_wait3A_306 : memref<1x128xi32, #tpu.memory_space<vmem>> -> memref<128xi32, #tpu.memory_space<vmem>>
      %dma_wait3A_308 = arith.constant 0 : i32
      %dma_wait3A_309 = tpu.memref_slice %arg8[%dma_wait3A_308] : memref<16384xf32, #tpu.memory_space<vmem_shared>> -> memref<16384xf32, #tpu.memory_space<vmem_shared>>
      tpu.wait_indirect_dma semaphore(%arg35 : memref<!tpu.dma_semaphore, #tpu.memory_space<semaphore_mem>>) src(%dma_wait3A_304 : memref<128xf32, #tpu.memory_space<vmem>>) dst(%dma_wait3A_309 : memref<16384xf32, #tpu.memory_space<vmem_shared>>)
      %dma_wait3A_310 = arith.constant 1 : i32
      %dma_wait3A_311 = arith.constant 0 : i32
      %dma_wait3A_312 = tpu.memref_slice %arg18[%dma_wait3A_310, %dma_wait3A_311] : memref<16x128xi32, #tpu.memory_space<vmem>> -> memref<1x128xi32, #tpu.memory_space<vmem>>
      %dma_wait3A_313 = tpu.memref_squeeze %dma_wait3A_312 : memref<1x128xi32, #tpu.memory_space<vmem>> -> memref<128xi32, #tpu.memory_space<vmem>>
      %dma_wait3A_314 = arith.constant 0 : i32
      %dma_wait3A_315 = tpu.memref_slice %arg9[%dma_wait3A_314] : memref<16384xf32, #tpu.memory_space<vmem_shared>> -> memref<16384xf32, #tpu.memory_space<vmem_shared>>
      tpu.wait_indirect_dma semaphore(%arg35 : memref<!tpu.dma_semaphore, #tpu.memory_space<semaphore_mem>>) src(%arg17 : memref<128xf32, #tpu.memory_space<vmem>>) dst(%dma_wait3A_315 : memref<16384xf32, #tpu.memory_space<vmem_shared>>)
      %dma_wait3A_316 = arith.constant 2 : i32
      %dma_wait3A_317 = arith.constant 2 : i32
      %dma_wait3A_318 = arith.constant 0 : i32
      %dma_wait3A_319 = tpu.memref_slice %arg19[%dma_wait3A_316, %dma_wait3A_318] : memref<16x128xf32, #tpu.memory_space<vmem>> -> memref<1x128xf32, #tpu.memory_space<vmem>>
      %dma_wait3A_320 = tpu.memref_squeeze %dma_wait3A_319 : memref<1x128xf32, #tpu.memory_space<vmem>> -> memref<128xf32, #tpu.memory_space<vmem>>
      %dma_wait3A_321 = arith.constant 0 : i32
      %dma_wait3A_322 = tpu.memref_slice %arg18[%dma_wait3A_317, %dma_wait3A_321] : memref<16x128xi32, #tpu.memory_space<vmem>> -> memref<1x128xi32, #tpu.memory_space<vmem>>
      %dma_wait3A_323 = tpu.memref_squeeze %dma_wait3A_322 : memref<1x128xi32, #tpu.memory_space<vmem>> -> memref<128xi32, #tpu.memory_space<vmem>>
      %dma_wait3A_324 = arith.constant 0 : i32
      %dma_wait3A_325 = tpu.memref_slice %arg8[%dma_wait3A_324] : memref<16384xf32, #tpu.memory_space<vmem_shared>> -> memref<16384xf32, #tpu.memory_space<vmem_shared>>
      tpu.wait_indirect_dma semaphore(%arg35 : memref<!tpu.dma_semaphore, #tpu.memory_space<semaphore_mem>>) src(%dma_wait3A_320 : memref<128xf32, #tpu.memory_space<vmem>>) dst(%dma_wait3A_325 : memref<16384xf32, #tpu.memory_space<vmem_shared>>)
      %dma_wait3A_326 = arith.constant 2 : i32
      %dma_wait3A_327 = arith.constant 0 : i32
      %dma_wait3A_328 = tpu.memref_slice %arg18[%dma_wait3A_326, %dma_wait3A_327] : memref<16x128xi32, #tpu.memory_space<vmem>> -> memref<1x128xi32, #tpu.memory_space<vmem>>
      %dma_wait3A_329 = tpu.memref_squeeze %dma_wait3A_328 : memref<1x128xi32, #tpu.memory_space<vmem>> -> memref<128xi32, #tpu.memory_space<vmem>>
      %dma_wait3A_330 = arith.constant 0 : i32
      %dma_wait3A_331 = tpu.memref_slice %arg9[%dma_wait3A_330] : memref<16384xf32, #tpu.memory_space<vmem_shared>> -> memref<16384xf32, #tpu.memory_space<vmem_shared>>
      tpu.wait_indirect_dma semaphore(%arg35 : memref<!tpu.dma_semaphore, #tpu.memory_space<semaphore_mem>>) src(%arg17 : memref<128xf32, #tpu.memory_space<vmem>>) dst(%dma_wait3A_331 : memref<16384xf32, #tpu.memory_space<vmem_shared>>)
      %dma_wait3A_332 = arith.constant 3 : i32
      %dma_wait3A_333 = arith.constant 3 : i32
      %dma_wait3A_334 = arith.constant 0 : i32
      %dma_wait3A_335 = tpu.memref_slice %arg19[%dma_wait3A_332, %dma_wait3A_334] : memref<16x128xf32, #tpu.memory_space<vmem>> -> memref<1x128xf32, #tpu.memory_space<vmem>>
      %dma_wait3A_336 = tpu.memref_squeeze %dma_wait3A_335 : memref<1x128xf32, #tpu.memory_space<vmem>> -> memref<128xf32, #tpu.memory_space<vmem>>
      %dma_wait3A_337 = arith.constant 0 : i32
      %dma_wait3A_338 = tpu.memref_slice %arg18[%dma_wait3A_333, %dma_wait3A_337] : memref<16x128xi32, #tpu.memory_space<vmem>> -> memref<1x128xi32, #tpu.memory_space<vmem>>
      %dma_wait3A_339 = tpu.memref_squeeze %dma_wait3A_338 : memref<1x128xi32, #tpu.memory_space<vmem>> -> memref<128xi32, #tpu.memory_space<vmem>>
      %dma_wait3A_340 = arith.constant 0 : i32
      %dma_wait3A_341 = tpu.memref_slice %arg8[%dma_wait3A_340] : memref<16384xf32, #tpu.memory_space<vmem_shared>> -> memref<16384xf32, #tpu.memory_space<vmem_shared>>
      tpu.wait_indirect_dma semaphore(%arg35 : memref<!tpu.dma_semaphore, #tpu.memory_space<semaphore_mem>>) src(%dma_wait3A_336 : memref<128xf32, #tpu.memory_space<vmem>>) dst(%dma_wait3A_341 : memref<16384xf32, #tpu.memory_space<vmem_shared>>)
      %dma_wait3A_342 = arith.constant 3 : i32
      %dma_wait3A_343 = arith.constant 0 : i32
      %dma_wait3A_344 = tpu.memref_slice %arg18[%dma_wait3A_342, %dma_wait3A_343] : memref<16x128xi32, #tpu.memory_space<vmem>> -> memref<1x128xi32, #tpu.memory_space<vmem>>
      %dma_wait3A_345 = tpu.memref_squeeze %dma_wait3A_344 : memref<1x128xi32, #tpu.memory_space<vmem>> -> memref<128xi32, #tpu.memory_space<vmem>>
      %dma_wait3A_346 = arith.constant 0 : i32
      %dma_wait3A_347 = tpu.memref_slice %arg9[%dma_wait3A_346] : memref<16384xf32, #tpu.memory_space<vmem_shared>> -> memref<16384xf32, #tpu.memory_space<vmem_shared>>
      tpu.wait_indirect_dma semaphore(%arg35 : memref<!tpu.dma_semaphore, #tpu.memory_space<semaphore_mem>>) src(%arg17 : memref<128xf32, #tpu.memory_space<vmem>>) dst(%dma_wait3A_347 : memref<16384xf32, #tpu.memory_space<vmem_shared>>)
      %dma_wait3A_348 = arith.constant 4 : i32
      %dma_wait3A_349 = arith.constant 4 : i32
      %dma_wait3A_350 = arith.constant 0 : i32
      %dma_wait3A_351 = tpu.memref_slice %arg19[%dma_wait3A_348, %dma_wait3A_350] : memref<16x128xf32, #tpu.memory_space<vmem>> -> memref<1x128xf32, #tpu.memory_space<vmem>>
      %dma_wait3A_352 = tpu.memref_squeeze %dma_wait3A_351 : memref<1x128xf32, #tpu.memory_space<vmem>> -> memref<128xf32, #tpu.memory_space<vmem>>
      %dma_wait3A_353 = arith.constant 0 : i32
      %dma_wait3A_354 = tpu.memref_slice %arg18[%dma_wait3A_349, %dma_wait3A_353] : memref<16x128xi32, #tpu.memory_space<vmem>> -> memref<1x128xi32, #tpu.memory_space<vmem>>
      %dma_wait3A_355 = tpu.memref_squeeze %dma_wait3A_354 : memref<1x128xi32, #tpu.memory_space<vmem>> -> memref<128xi32, #tpu.memory_space<vmem>>
      %dma_wait3A_356 = arith.constant 0 : i32
      %dma_wait3A_357 = tpu.memref_slice %arg8[%dma_wait3A_356] : memref<16384xf32, #tpu.memory_space<vmem_shared>> -> memref<16384xf32, #tpu.memory_space<vmem_shared>>
      tpu.wait_indirect_dma semaphore(%arg35 : memref<!tpu.dma_semaphore, #tpu.memory_space<semaphore_mem>>) src(%dma_wait3A_352 : memref<128xf32, #tpu.memory_space<vmem>>) dst(%dma_wait3A_357 : memref<16384xf32, #tpu.memory_space<vmem_shared>>)
      %dma_wait3A_358 = arith.constant 4 : i32
      %dma_wait3A_359 = arith.constant 0 : i32
      %dma_wait3A_360 = tpu.memref_slice %arg18[%dma_wait3A_358, %dma_wait3A_359] : memref<16x128xi32, #tpu.memory_space<vmem>> -> memref<1x128xi32, #tpu.memory_space<vmem>>
      %dma_wait3A_361 = tpu.memref_squeeze %dma_wait3A_360 : memref<1x128xi32, #tpu.memory_space<vmem>> -> memref<128xi32, #tpu.memory_space<vmem>>
      %dma_wait3A_362 = arith.constant 0 : i32
      %dma_wait3A_363 = tpu.memref_slice %arg9[%dma_wait3A_362] : memref<16384xf32, #tpu.memory_space<vmem_shared>> -> memref<16384xf32, #tpu.memory_space<vmem_shared>>
      tpu.wait_indirect_dma semaphore(%arg35 : memref<!tpu.dma_semaphore, #tpu.memory_space<semaphore_mem>>) src(%arg17 : memref<128xf32, #tpu.memory_space<vmem>>) dst(%dma_wait3A_363 : memref<16384xf32, #tpu.memory_space<vmem_shared>>)
      %dma_wait3A_364 = arith.constant 5 : i32
      %dma_wait3A_365 = arith.constant 5 : i32
      %dma_wait3A_366 = arith.constant 0 : i32
      %dma_wait3A_367 = tpu.memref_slice %arg19[%dma_wait3A_364, %dma_wait3A_366] : memref<16x128xf32, #tpu.memory_space<vmem>> -> memref<1x128xf32, #tpu.memory_space<vmem>>
      %dma_wait3A_368 = tpu.memref_squeeze %dma_wait3A_367 : memref<1x128xf32, #tpu.memory_space<vmem>> -> memref<128xf32, #tpu.memory_space<vmem>>
      %dma_wait3A_369 = arith.constant 0 : i32
      %dma_wait3A_370 = tpu.memref_slice %arg18[%dma_wait3A_365, %dma_wait3A_369] : memref<16x128xi32, #tpu.memory_space<vmem>> -> memref<1x128xi32, #tpu.memory_space<vmem>>
      %dma_wait3A_371 = tpu.memref_squeeze %dma_wait3A_370 : memref<1x128xi32, #tpu.memory_space<vmem>> -> memref<128xi32, #tpu.memory_space<vmem>>
      %dma_wait3A_372 = arith.constant 0 : i32
      %dma_wait3A_373 = tpu.memref_slice %arg8[%dma_wait3A_372] : memref<16384xf32, #tpu.memory_space<vmem_shared>> -> memref<16384xf32, #tpu.memory_space<vmem_shared>>
      tpu.wait_indirect_dma semaphore(%arg35 : memref<!tpu.dma_semaphore, #tpu.memory_space<semaphore_mem>>) src(%dma_wait3A_368 : memref<128xf32, #tpu.memory_space<vmem>>) dst(%dma_wait3A_373 : memref<16384xf32, #tpu.memory_space<vmem_shared>>)
      %dma_wait3A_374 = arith.constant 5 : i32
      %dma_wait3A_375 = arith.constant 0 : i32
      %dma_wait3A_376 = tpu.memref_slice %arg18[%dma_wait3A_374, %dma_wait3A_375] : memref<16x128xi32, #tpu.memory_space<vmem>> -> memref<1x128xi32, #tpu.memory_space<vmem>>
      %dma_wait3A_377 = tpu.memref_squeeze %dma_wait3A_376 : memref<1x128xi32, #tpu.memory_space<vmem>> -> memref<128xi32, #tpu.memory_space<vmem>>
      %dma_wait3A_378 = arith.constant 0 : i32
      %dma_wait3A_379 = tpu.memref_slice %arg9[%dma_wait3A_378] : memref<16384xf32, #tpu.memory_space<vmem_shared>> -> memref<16384xf32, #tpu.memory_space<vmem_shared>>
      tpu.wait_indirect_dma semaphore(%arg35 : memref<!tpu.dma_semaphore, #tpu.memory_space<semaphore_mem>>) src(%arg17 : memref<128xf32, #tpu.memory_space<vmem>>) dst(%dma_wait3A_379 : memref<16384xf32, #tpu.memory_space<vmem_shared>>)
      %dma_wait3A_380 = arith.constant 6 : i32
      %dma_wait3A_381 = arith.constant 6 : i32
      %dma_wait3A_382 = arith.constant 0 : i32
      %dma_wait3A_383 = tpu.memref_slice %arg19[%dma_wait3A_380, %dma_wait3A_382] : memref<16x128xf32, #tpu.memory_space<vmem>> -> memref<1x128xf32, #tpu.memory_space<vmem>>
      %dma_wait3A_384 = tpu.memref_squeeze %dma_wait3A_383 : memref<1x128xf32, #tpu.memory_space<vmem>> -> memref<128xf32, #tpu.memory_space<vmem>>
      %dma_wait3A_385 = arith.constant 0 : i32
      %dma_wait3A_386 = tpu.memref_slice %arg18[%dma_wait3A_381, %dma_wait3A_385] : memref<16x128xi32, #tpu.memory_space<vmem>> -> memref<1x128xi32, #tpu.memory_space<vmem>>
      %dma_wait3A_387 = tpu.memref_squeeze %dma_wait3A_386 : memref<1x128xi32, #tpu.memory_space<vmem>> -> memref<128xi32, #tpu.memory_space<vmem>>
      %dma_wait3A_388 = arith.constant 0 : i32
      %dma_wait3A_389 = tpu.memref_slice %arg8[%dma_wait3A_388] : memref<16384xf32, #tpu.memory_space<vmem_shared>> -> memref<16384xf32, #tpu.memory_space<vmem_shared>>
      tpu.wait_indirect_dma semaphore(%arg35 : memref<!tpu.dma_semaphore, #tpu.memory_space<semaphore_mem>>) src(%dma_wait3A_384 : memref<128xf32, #tpu.memory_space<vmem>>) dst(%dma_wait3A_389 : memref<16384xf32, #tpu.memory_space<vmem_shared>>)
      %dma_wait3A_390 = arith.constant 6 : i32
      %dma_wait3A_391 = arith.constant 0 : i32
      %dma_wait3A_392 = tpu.memref_slice %arg18[%dma_wait3A_390, %dma_wait3A_391] : memref<16x128xi32, #tpu.memory_space<vmem>> -> memref<1x128xi32, #tpu.memory_space<vmem>>
      %dma_wait3A_393 = tpu.memref_squeeze %dma_wait3A_392 : memref<1x128xi32, #tpu.memory_space<vmem>> -> memref<128xi32, #tpu.memory_space<vmem>>
      %dma_wait3A_394 = arith.constant 0 : i32
      %dma_wait3A_395 = tpu.memref_slice %arg9[%dma_wait3A_394] : memref<16384xf32, #tpu.memory_space<vmem_shared>> -> memref<16384xf32, #tpu.memory_space<vmem_shared>>
      tpu.wait_indirect_dma semaphore(%arg35 : memref<!tpu.dma_semaphore, #tpu.memory_space<semaphore_mem>>) src(%arg17 : memref<128xf32, #tpu.memory_space<vmem>>) dst(%dma_wait3A_395 : memref<16384xf32, #tpu.memory_space<vmem_shared>>)
      %dma_wait3A_396 = arith.constant 7 : i32
      %dma_wait3A_397 = arith.constant 7 : i32
      %dma_wait3A_398 = arith.constant 0 : i32
      %dma_wait3A_399 = tpu.memref_slice %arg19[%dma_wait3A_396, %dma_wait3A_398] : memref<16x128xf32, #tpu.memory_space<vmem>> -> memref<1x128xf32, #tpu.memory_space<vmem>>
      %dma_wait3A_400 = tpu.memref_squeeze %dma_wait3A_399 : memref<1x128xf32, #tpu.memory_space<vmem>> -> memref<128xf32, #tpu.memory_space<vmem>>
      %dma_wait3A_401 = arith.constant 0 : i32
      %dma_wait3A_402 = tpu.memref_slice %arg18[%dma_wait3A_397, %dma_wait3A_401] : memref<16x128xi32, #tpu.memory_space<vmem>> -> memref<1x128xi32, #tpu.memory_space<vmem>>
      %dma_wait3A_403 = tpu.memref_squeeze %dma_wait3A_402 : memref<1x128xi32, #tpu.memory_space<vmem>> -> memref<128xi32, #tpu.memory_space<vmem>>
      %dma_wait3A_404 = arith.constant 0 : i32
      %dma_wait3A_405 = tpu.memref_slice %arg8[%dma_wait3A_404] : memref<16384xf32, #tpu.memory_space<vmem_shared>> -> memref<16384xf32, #tpu.memory_space<vmem_shared>>
      tpu.wait_indirect_dma semaphore(%arg35 : memref<!tpu.dma_semaphore, #tpu.memory_space<semaphore_mem>>) src(%dma_wait3A_400 : memref<128xf32, #tpu.memory_space<vmem>>) dst(%dma_wait3A_405 : memref<16384xf32, #tpu.memory_space<vmem_shared>>)
      %dma_wait3A_406 = arith.constant 7 : i32
      %dma_wait3A_407 = arith.constant 0 : i32
      %dma_wait3A_408 = tpu.memref_slice %arg18[%dma_wait3A_406, %dma_wait3A_407] : memref<16x128xi32, #tpu.memory_space<vmem>> -> memref<1x128xi32, #tpu.memory_space<vmem>>
      %dma_wait3A_409 = tpu.memref_squeeze %dma_wait3A_408 : memref<1x128xi32, #tpu.memory_space<vmem>> -> memref<128xi32, #tpu.memory_space<vmem>>
      %dma_wait3A_410 = arith.constant 0 : i32
      %dma_wait3A_411 = tpu.memref_slice %arg9[%dma_wait3A_410] : memref<16384xf32, #tpu.memory_space<vmem_shared>> -> memref<16384xf32, #tpu.memory_space<vmem_shared>>
      tpu.wait_indirect_dma semaphore(%arg35 : memref<!tpu.dma_semaphore, #tpu.memory_space<semaphore_mem>>) src(%arg17 : memref<128xf32, #tpu.memory_space<vmem>>) dst(%dma_wait3A_411 : memref<16384xf32, #tpu.memory_space<vmem_shared>>)
      %dma_wait3A_412 = arith.constant 8 : i32
      %dma_wait3A_413 = arith.constant 8 : i32
      %dma_wait3A_414 = arith.constant 0 : i32
      %dma_wait3A_415 = tpu.memref_slice %arg19[%dma_wait3A_412, %dma_wait3A_414] : memref<16x128xf32, #tpu.memory_space<vmem>> -> memref<1x128xf32, #tpu.memory_space<vmem>>
      %dma_wait3A_416 = tpu.memref_squeeze %dma_wait3A_415 : memref<1x128xf32, #tpu.memory_space<vmem>> -> memref<128xf32, #tpu.memory_space<vmem>>
      %dma_wait3A_417 = arith.constant 0 : i32
      %dma_wait3A_418 = tpu.memref_slice %arg18[%dma_wait3A_413, %dma_wait3A_417] : memref<16x128xi32, #tpu.memory_space<vmem>> -> memref<1x128xi32, #tpu.memory_space<vmem>>
      %dma_wait3A_419 = tpu.memref_squeeze %dma_wait3A_418 : memref<1x128xi32, #tpu.memory_space<vmem>> -> memref<128xi32, #tpu.memory_space<vmem>>
      %dma_wait3A_420 = arith.constant 0 : i32
      %dma_wait3A_421 = tpu.memref_slice %arg8[%dma_wait3A_420] : memref<16384xf32, #tpu.memory_space<vmem_shared>> -> memref<16384xf32, #tpu.memory_space<vmem_shared>>
      tpu.wait_indirect_dma semaphore(%arg35 : memref<!tpu.dma_semaphore, #tpu.memory_space<semaphore_mem>>) src(%dma_wait3A_416 : memref<128xf32, #tpu.memory_space<vmem>>) dst(%dma_wait3A_421 : memref<16384xf32, #tpu.memory_space<vmem_shared>>)
      %dma_wait3A_422 = arith.constant 8 : i32
      %dma_wait3A_423 = arith.constant 0 : i32
      %dma_wait3A_424 = tpu.memref_slice %arg18[%dma_wait3A_422, %dma_wait3A_423] : memref<16x128xi32, #tpu.memory_space<vmem>> -> memref<1x128xi32, #tpu.memory_space<vmem>>
      %dma_wait3A_425 = tpu.memref_squeeze %dma_wait3A_424 : memref<1x128xi32, #tpu.memory_space<vmem>> -> memref<128xi32, #tpu.memory_space<vmem>>
      %dma_wait3A_426 = arith.constant 0 : i32
      %dma_wait3A_427 = tpu.memref_slice %arg9[%dma_wait3A_426] : memref<16384xf32, #tpu.memory_space<vmem_shared>> -> memref<16384xf32, #tpu.memory_space<vmem_shared>>
      tpu.wait_indirect_dma semaphore(%arg35 : memref<!tpu.dma_semaphore, #tpu.memory_space<semaphore_mem>>) src(%arg17 : memref<128xf32, #tpu.memory_space<vmem>>) dst(%dma_wait3A_427 : memref<16384xf32, #tpu.memory_space<vmem_shared>>)
      %dma_wait3A_428 = arith.constant 9 : i32
      %dma_wait3A_429 = arith.constant 9 : i32
      %dma_wait3A_430 = arith.constant 0 : i32
      %dma_wait3A_431 = tpu.memref_slice %arg19[%dma_wait3A_428, %dma_wait3A_430] : memref<16x128xf32, #tpu.memory_space<vmem>> -> memref<1x128xf32, #tpu.memory_space<vmem>>
      %dma_wait3A_432 = tpu.memref_squeeze %dma_wait3A_431 : memref<1x128xf32, #tpu.memory_space<vmem>> -> memref<128xf32, #tpu.memory_space<vmem>>
      %dma_wait3A_433 = arith.constant 0 : i32
      %dma_wait3A_434 = tpu.memref_slice %arg18[%dma_wait3A_429, %dma_wait3A_433] : memref<16x128xi32, #tpu.memory_space<vmem>> -> memref<1x128xi32, #tpu.memory_space<vmem>>
      %dma_wait3A_435 = tpu.memref_squeeze %dma_wait3A_434 : memref<1x128xi32, #tpu.memory_space<vmem>> -> memref<128xi32, #tpu.memory_space<vmem>>
      %dma_wait3A_436 = arith.constant 0 : i32
      %dma_wait3A_437 = tpu.memref_slice %arg8[%dma_wait3A_436] : memref<16384xf32, #tpu.memory_space<vmem_shared>> -> memref<16384xf32, #tpu.memory_space<vmem_shared>>
      tpu.wait_indirect_dma semaphore(%arg35 : memref<!tpu.dma_semaphore, #tpu.memory_space<semaphore_mem>>) src(%dma_wait3A_432 : memref<128xf32, #tpu.memory_space<vmem>>) dst(%dma_wait3A_437 : memref<16384xf32, #tpu.memory_space<vmem_shared>>)
      %dma_wait3A_438 = arith.constant 9 : i32
      %dma_wait3A_439 = arith.constant 0 : i32
      %dma_wait3A_440 = tpu.memref_slice %arg18[%dma_wait3A_438, %dma_wait3A_439] : memref<16x128xi32, #tpu.memory_space<vmem>> -> memref<1x128xi32, #tpu.memory_space<vmem>>
      %dma_wait3A_441 = tpu.memref_squeeze %dma_wait3A_440 : memref<1x128xi32, #tpu.memory_space<vmem>> -> memref<128xi32, #tpu.memory_space<vmem>>
      %dma_wait3A_442 = arith.constant 0 : i32
      %dma_wait3A_443 = tpu.memref_slice %arg9[%dma_wait3A_442] : memref<16384xf32, #tpu.memory_space<vmem_shared>> -> memref<16384xf32, #tpu.memory_space<vmem_shared>>
      tpu.wait_indirect_dma semaphore(%arg35 : memref<!tpu.dma_semaphore, #tpu.memory_space<semaphore_mem>>) src(%arg17 : memref<128xf32, #tpu.memory_space<vmem>>) dst(%dma_wait3A_443 : memref<16384xf32, #tpu.memory_space<vmem_shared>>)
      %dma_wait3A_444 = arith.constant 10 : i32
      %dma_wait3A_445 = arith.constant 10 : i32
      %dma_wait3A_446 = arith.constant 0 : i32
      %dma_wait3A_447 = tpu.memref_slice %arg19[%dma_wait3A_444, %dma_wait3A_446] : memref<16x128xf32, #tpu.memory_space<vmem>> -> memref<1x128xf32, #tpu.memory_space<vmem>>
      %dma_wait3A_448 = tpu.memref_squeeze %dma_wait3A_447 : memref<1x128xf32, #tpu.memory_space<vmem>> -> memref<128xf32, #tpu.memory_space<vmem>>
      %dma_wait3A_449 = arith.constant 0 : i32
      %dma_wait3A_450 = tpu.memref_slice %arg18[%dma_wait3A_445, %dma_wait3A_449] : memref<16x128xi32, #tpu.memory_space<vmem>> -> memref<1x128xi32, #tpu.memory_space<vmem>>
      %dma_wait3A_451 = tpu.memref_squeeze %dma_wait3A_450 : memref<1x128xi32, #tpu.memory_space<vmem>> -> memref<128xi32, #tpu.memory_space<vmem>>
      %dma_wait3A_452 = arith.constant 0 : i32
      %dma_wait3A_453 = tpu.memref_slice %arg8[%dma_wait3A_452] : memref<16384xf32, #tpu.memory_space<vmem_shared>> -> memref<16384xf32, #tpu.memory_space<vmem_shared>>
      tpu.wait_indirect_dma semaphore(%arg35 : memref<!tpu.dma_semaphore, #tpu.memory_space<semaphore_mem>>) src(%dma_wait3A_448 : memref<128xf32, #tpu.memory_space<vmem>>) dst(%dma_wait3A_453 : memref<16384xf32, #tpu.memory_space<vmem_shared>>)
      %dma_wait3A_454 = arith.constant 10 : i32
      %dma_wait3A_455 = arith.constant 0 : i32
      %dma_wait3A_456 = tpu.memref_slice %arg18[%dma_wait3A_454, %dma_wait3A_455] : memref<16x128xi32, #tpu.memory_space<vmem>> -> memref<1x128xi32, #tpu.memory_space<vmem>>
      %dma_wait3A_457 = tpu.memref_squeeze %dma_wait3A_456 : memref<1x128xi32, #tpu.memory_space<vmem>> -> memref<128xi32, #tpu.memory_space<vmem>>
      %dma_wait3A_458 = arith.constant 0 : i32
      %dma_wait3A_459 = tpu.memref_slice %arg9[%dma_wait3A_458] : memref<16384xf32, #tpu.memory_space<vmem_shared>> -> memref<16384xf32, #tpu.memory_space<vmem_shared>>
      tpu.wait_indirect_dma semaphore(%arg35 : memref<!tpu.dma_semaphore, #tpu.memory_space<semaphore_mem>>) src(%arg17 : memref<128xf32, #tpu.memory_space<vmem>>) dst(%dma_wait3A_459 : memref<16384xf32, #tpu.memory_space<vmem_shared>>)
      %dma_wait3A_460 = arith.constant 11 : i32
      %dma_wait3A_461 = arith.constant 11 : i32
      %dma_wait3A_462 = arith.constant 0 : i32
      %dma_wait3A_463 = tpu.memref_slice %arg19[%dma_wait3A_460, %dma_wait3A_462] : memref<16x128xf32, #tpu.memory_space<vmem>> -> memref<1x128xf32, #tpu.memory_space<vmem>>
      %dma_wait3A_464 = tpu.memref_squeeze %dma_wait3A_463 : memref<1x128xf32, #tpu.memory_space<vmem>> -> memref<128xf32, #tpu.memory_space<vmem>>
      %dma_wait3A_465 = arith.constant 0 : i32
      %dma_wait3A_466 = tpu.memref_slice %arg18[%dma_wait3A_461, %dma_wait3A_465] : memref<16x128xi32, #tpu.memory_space<vmem>> -> memref<1x128xi32, #tpu.memory_space<vmem>>
      %dma_wait3A_467 = tpu.memref_squeeze %dma_wait3A_466 : memref<1x128xi32, #tpu.memory_space<vmem>> -> memref<128xi32, #tpu.memory_space<vmem>>
      %dma_wait3A_468 = arith.constant 0 : i32
      %dma_wait3A_469 = tpu.memref_slice %arg8[%dma_wait3A_468] : memref<16384xf32, #tpu.memory_space<vmem_shared>> -> memref<16384xf32, #tpu.memory_space<vmem_shared>>
      tpu.wait_indirect_dma semaphore(%arg35 : memref<!tpu.dma_semaphore, #tpu.memory_space<semaphore_mem>>) src(%dma_wait3A_464 : memref<128xf32, #tpu.memory_space<vmem>>) dst(%dma_wait3A_469 : memref<16384xf32, #tpu.memory_space<vmem_shared>>)
      %dma_wait3A_470 = arith.constant 11 : i32
      %dma_wait3A_471 = arith.constant 0 : i32
      %dma_wait3A_472 = tpu.memref_slice %arg18[%dma_wait3A_470, %dma_wait3A_471] : memref<16x128xi32, #tpu.memory_space<vmem>> -> memref<1x128xi32, #tpu.memory_space<vmem>>
      %dma_wait3A_473 = tpu.memref_squeeze %dma_wait3A_472 : memref<1x128xi32, #tpu.memory_space<vmem>> -> memref<128xi32, #tpu.memory_space<vmem>>
      %dma_wait3A_474 = arith.constant 0 : i32
      %dma_wait3A_475 = tpu.memref_slice %arg9[%dma_wait3A_474] : memref<16384xf32, #tpu.memory_space<vmem_shared>> -> memref<16384xf32, #tpu.memory_space<vmem_shared>>
      tpu.wait_indirect_dma semaphore(%arg35 : memref<!tpu.dma_semaphore, #tpu.memory_space<semaphore_mem>>) src(%arg17 : memref<128xf32, #tpu.memory_space<vmem>>) dst(%dma_wait3A_475 : memref<16384xf32, #tpu.memory_space<vmem_shared>>)
      %dma_wait3A_476 = arith.constant 12 : i32
      %dma_wait3A_477 = arith.constant 12 : i32
      %dma_wait3A_478 = arith.constant 0 : i32
      %dma_wait3A_479 = tpu.memref_slice %arg19[%dma_wait3A_476, %dma_wait3A_478] : memref<16x128xf32, #tpu.memory_space<vmem>> -> memref<1x128xf32, #tpu.memory_space<vmem>>
      %dma_wait3A_480 = tpu.memref_squeeze %dma_wait3A_479 : memref<1x128xf32, #tpu.memory_space<vmem>> -> memref<128xf32, #tpu.memory_space<vmem>>
      %dma_wait3A_481 = arith.constant 0 : i32
      %dma_wait3A_482 = tpu.memref_slice %arg18[%dma_wait3A_477, %dma_wait3A_481] : memref<16x128xi32, #tpu.memory_space<vmem>> -> memref<1x128xi32, #tpu.memory_space<vmem>>
      %dma_wait3A_483 = tpu.memref_squeeze %dma_wait3A_482 : memref<1x128xi32, #tpu.memory_space<vmem>> -> memref<128xi32, #tpu.memory_space<vmem>>
      %dma_wait3A_484 = arith.constant 0 : i32
      %dma_wait3A_485 = tpu.memref_slice %arg8[%dma_wait3A_484] : memref<16384xf32, #tpu.memory_space<vmem_shared>> -> memref<16384xf32, #tpu.memory_space<vmem_shared>>
      tpu.wait_indirect_dma semaphore(%arg35 : memref<!tpu.dma_semaphore, #tpu.memory_space<semaphore_mem>>) src(%dma_wait3A_480 : memref<128xf32, #tpu.memory_space<vmem>>) dst(%dma_wait3A_485 : memref<16384xf32, #tpu.memory_space<vmem_shared>>)
      %dma_wait3A_486 = arith.constant 12 : i32
      %dma_wait3A_487 = arith.constant 0 : i32
      %dma_wait3A_488 = tpu.memref_slice %arg18[%dma_wait3A_486, %dma_wait3A_487] : memref<16x128xi32, #tpu.memory_space<vmem>> -> memref<1x128xi32, #tpu.memory_space<vmem>>
      %dma_wait3A_489 = tpu.memref_squeeze %dma_wait3A_488 : memref<1x128xi32, #tpu.memory_space<vmem>> -> memref<128xi32, #tpu.memory_space<vmem>>
      %dma_wait3A_490 = arith.constant 0 : i32
      %dma_wait3A_491 = tpu.memref_slice %arg9[%dma_wait3A_490] : memref<16384xf32, #tpu.memory_space<vmem_shared>> -> memref<16384xf32, #tpu.memory_space<vmem_shared>>
      tpu.wait_indirect_dma semaphore(%arg35 : memref<!tpu.dma_semaphore, #tpu.memory_space<semaphore_mem>>) src(%arg17 : memref<128xf32, #tpu.memory_space<vmem>>) dst(%dma_wait3A_491 : memref<16384xf32, #tpu.memory_space<vmem_shared>>)
      %dma_wait3A_492 = arith.constant 13 : i32
      %dma_wait3A_493 = arith.constant 13 : i32
      %dma_wait3A_494 = arith.constant 0 : i32
      %dma_wait3A_495 = tpu.memref_slice %arg19[%dma_wait3A_492, %dma_wait3A_494] : memref<16x128xf32, #tpu.memory_space<vmem>> -> memref<1x128xf32, #tpu.memory_space<vmem>>
      %dma_wait3A_496 = tpu.memref_squeeze %dma_wait3A_495 : memref<1x128xf32, #tpu.memory_space<vmem>> -> memref<128xf32, #tpu.memory_space<vmem>>
      %dma_wait3A_497 = arith.constant 0 : i32
      %dma_wait3A_498 = tpu.memref_slice %arg18[%dma_wait3A_493, %dma_wait3A_497] : memref<16x128xi32, #tpu.memory_space<vmem>> -> memref<1x128xi32, #tpu.memory_space<vmem>>
      %dma_wait3A_499 = tpu.memref_squeeze %dma_wait3A_498 : memref<1x128xi32, #tpu.memory_space<vmem>> -> memref<128xi32, #tpu.memory_space<vmem>>
      %dma_wait3A_500 = arith.constant 0 : i32
      %dma_wait3A_501 = tpu.memref_slice %arg8[%dma_wait3A_500] : memref<16384xf32, #tpu.memory_space<vmem_shared>> -> memref<16384xf32, #tpu.memory_space<vmem_shared>>
      tpu.wait_indirect_dma semaphore(%arg35 : memref<!tpu.dma_semaphore, #tpu.memory_space<semaphore_mem>>) src(%dma_wait3A_496 : memref<128xf32, #tpu.memory_space<vmem>>) dst(%dma_wait3A_501 : memref<16384xf32, #tpu.memory_space<vmem_shared>>)
      %dma_wait3A_502 = arith.constant 13 : i32
      %dma_wait3A_503 = arith.constant 0 : i32
      %dma_wait3A_504 = tpu.memref_slice %arg18[%dma_wait3A_502, %dma_wait3A_503] : memref<16x128xi32, #tpu.memory_space<vmem>> -> memref<1x128xi32, #tpu.memory_space<vmem>>
      %dma_wait3A_505 = tpu.memref_squeeze %dma_wait3A_504 : memref<1x128xi32, #tpu.memory_space<vmem>> -> memref<128xi32, #tpu.memory_space<vmem>>
      %dma_wait3A_506 = arith.constant 0 : i32
      %dma_wait3A_507 = tpu.memref_slice %arg9[%dma_wait3A_506] : memref<16384xf32, #tpu.memory_space<vmem_shared>> -> memref<16384xf32, #tpu.memory_space<vmem_shared>>
      tpu.wait_indirect_dma semaphore(%arg35 : memref<!tpu.dma_semaphore, #tpu.memory_space<semaphore_mem>>) src(%arg17 : memref<128xf32, #tpu.memory_space<vmem>>) dst(%dma_wait3A_507 : memref<16384xf32, #tpu.memory_space<vmem_shared>>)
      %dma_wait3A_508 = arith.constant 14 : i32
      %dma_wait3A_509 = arith.constant 14 : i32
      %dma_wait3A_510 = arith.constant 0 : i32
      %dma_wait3A_511 = tpu.memref_slice %arg19[%dma_wait3A_508, %dma_wait3A_510] : memref<16x128xf32, #tpu.memory_space<vmem>> -> memref<1x128xf32, #tpu.memory_space<vmem>>
      %dma_wait3A_512 = tpu.memref_squeeze %dma_wait3A_511 : memref<1x128xf32, #tpu.memory_space<vmem>> -> memref<128xf32, #tpu.memory_space<vmem>>
      %dma_wait3A_513 = arith.constant 0 : i32
      %dma_wait3A_514 = tpu.memref_slice %arg18[%dma_wait3A_509, %dma_wait3A_513] : memref<16x128xi32, #tpu.memory_space<vmem>> -> memref<1x128xi32, #tpu.memory_space<vmem>>
      %dma_wait3A_515 = tpu.memref_squeeze %dma_wait3A_514 : memref<1x128xi32, #tpu.memory_space<vmem>> -> memref<128xi32, #tpu.memory_space<vmem>>
      %dma_wait3A_516 = arith.constant 0 : i32
      %dma_wait3A_517 = tpu.memref_slice %arg8[%dma_wait3A_516] : memref<16384xf32, #tpu.memory_space<vmem_shared>> -> memref<16384xf32, #tpu.memory_space<vmem_shared>>
      tpu.wait_indirect_dma semaphore(%arg35 : memref<!tpu.dma_semaphore, #tpu.memory_space<semaphore_mem>>) src(%dma_wait3A_512 : memref<128xf32, #tpu.memory_space<vmem>>) dst(%dma_wait3A_517 : memref<16384xf32, #tpu.memory_space<vmem_shared>>)
      %dma_wait3A_518 = arith.constant 14 : i32
      %dma_wait3A_519 = arith.constant 0 : i32
      %dma_wait3A_520 = tpu.memref_slice %arg18[%dma_wait3A_518, %dma_wait3A_519] : memref<16x128xi32, #tpu.memory_space<vmem>> -> memref<1x128xi32, #tpu.memory_space<vmem>>
      %dma_wait3A_521 = tpu.memref_squeeze %dma_wait3A_520 : memref<1x128xi32, #tpu.memory_space<vmem>> -> memref<128xi32, #tpu.memory_space<vmem>>
      %dma_wait3A_522 = arith.constant 0 : i32
      %dma_wait3A_523 = tpu.memref_slice %arg9[%dma_wait3A_522] : memref<16384xf32, #tpu.memory_space<vmem_shared>> -> memref<16384xf32, #tpu.memory_space<vmem_shared>>
      tpu.wait_indirect_dma semaphore(%arg35 : memref<!tpu.dma_semaphore, #tpu.memory_space<semaphore_mem>>) src(%arg17 : memref<128xf32, #tpu.memory_space<vmem>>) dst(%dma_wait3A_523 : memref<16384xf32, #tpu.memory_space<vmem_shared>>)
      %dma_wait3A_524 = arith.constant 15 : i32
      %dma_wait3A_525 = arith.constant 15 : i32
      %dma_wait3A_526 = arith.constant 0 : i32
      %dma_wait3A_527 = tpu.memref_slice %arg19[%dma_wait3A_524, %dma_wait3A_526] : memref<16x128xf32, #tpu.memory_space<vmem>> -> memref<1x128xf32, #tpu.memory_space<vmem>>
      %dma_wait3A_528 = tpu.memref_squeeze %dma_wait3A_527 : memref<1x128xf32, #tpu.memory_space<vmem>> -> memref<128xf32, #tpu.memory_space<vmem>>
      %dma_wait3A_529 = arith.constant 0 : i32
      %dma_wait3A_530 = tpu.memref_slice %arg18[%dma_wait3A_525, %dma_wait3A_529] : memref<16x128xi32, #tpu.memory_space<vmem>> -> memref<1x128xi32, #tpu.memory_space<vmem>>
      %dma_wait3A_531 = tpu.memref_squeeze %dma_wait3A_530 : memref<1x128xi32, #tpu.memory_space<vmem>> -> memref<128xi32, #tpu.memory_space<vmem>>
      %dma_wait3A_532 = arith.constant 0 : i32
      %dma_wait3A_533 = tpu.memref_slice %arg8[%dma_wait3A_532] : memref<16384xf32, #tpu.memory_space<vmem_shared>> -> memref<16384xf32, #tpu.memory_space<vmem_shared>>
      tpu.wait_indirect_dma semaphore(%arg35 : memref<!tpu.dma_semaphore, #tpu.memory_space<semaphore_mem>>) src(%dma_wait3A_528 : memref<128xf32, #tpu.memory_space<vmem>>) dst(%dma_wait3A_533 : memref<16384xf32, #tpu.memory_space<vmem_shared>>)
      %dma_wait3A_534 = arith.constant 15 : i32
      %dma_wait3A_535 = arith.constant 0 : i32
      %dma_wait3A_536 = tpu.memref_slice %arg18[%dma_wait3A_534, %dma_wait3A_535] : memref<16x128xi32, #tpu.memory_space<vmem>> -> memref<1x128xi32, #tpu.memory_space<vmem>>
      %dma_wait3A_537 = tpu.memref_squeeze %dma_wait3A_536 : memref<1x128xi32, #tpu.memory_space<vmem>> -> memref<128xi32, #tpu.memory_space<vmem>>
      %dma_wait3A_538 = arith.constant 0 : i32
      %dma_wait3A_539 = tpu.memref_slice %arg9[%dma_wait3A_538] : memref<16384xf32, #tpu.memory_space<vmem_shared>> -> memref<16384xf32, #tpu.memory_space<vmem_shared>>
      tpu.wait_indirect_dma semaphore(%arg35 : memref<!tpu.dma_semaphore, #tpu.memory_space<semaphore_mem>>) src(%arg17 : memref<128xf32, #tpu.memory_space<vmem>>) dst(%dma_wait3A_539 : memref<16384xf32, #tpu.memory_space<vmem_shared>>)
    } else {
    }
    %barrier3A_7 = arith.constant 0 : index
    tpu.barrier barrier_id(%barrier3A_7)
    %eq3A_8 = arith.constant 0 : i32
    %eq3A_9 = arith.cmpi eq, %arg0, %eq3A_8 : i32
    %convert_element_type3A_10 = arith.extui %eq3A_9 : i1 to i32
    %cond3A_11 = arith.constant 0 : i32
    %cond3A_12 = arith.cmpi ne, %convert_element_type3A_10, %cond3A_11 : i32
    scf.if %cond3A_12 {
      %mul3A = arith.constant 1024 : i32
      %mul3A_21 = arith.muli %arg1, %mul3A : i32
      "tpu.region"() ({
        %run_scoped3A = tpu.sem_alloc : memref<!tpu.dma_semaphore, #tpu.memory_space<semaphore_mem>>
        %dma_start3A_732 = tpu.memref_slice %arg8[%mul3A_21] : memref<16384xf32, #tpu.memory_space<vmem_shared>> -> memref<1024xf32, #tpu.memory_space<vmem_shared>>
        %dma_start3A_733 = tpu.memref_slice %arg8[%mul3A_21] : memref<16384xf32, #tpu.memory_space<vmem_shared>> -> memref<1024xf32, #tpu.memory_space<vmem_shared>>
        tpu.enqueue_dma source(%dma_start3A_733 : memref<1024xf32, #tpu.memory_space<vmem_shared>>) target(%arg24 : memref<1024xf32, #tpu.memory_space<vmem>>) target_semaphore(%run_scoped3A : memref<!tpu.dma_semaphore, #tpu.memory_space<semaphore_mem>>)
        %dma_wait3A_734 = tpu.memref_slice %arg8[%mul3A_21] : memref<16384xf32, #tpu.memory_space<vmem_shared>> -> memref<1024xf32, #tpu.memory_space<vmem_shared>>
        %dma_wait3A_735 = tpu.memref_slice %arg8[%mul3A_21] : memref<16384xf32, #tpu.memory_space<vmem_shared>> -> memref<1024xf32, #tpu.memory_space<vmem_shared>>
        tpu.wait_dma2 semaphore(%run_scoped3A : memref<!tpu.dma_semaphore, #tpu.memory_space<semaphore_mem>>) src(%dma_wait3A_735 : memref<1024xf32, #tpu.memory_space<vmem_shared>>) dst(%arg24 : memref<1024xf32, #tpu.memory_space<vmem>>)
        tpu.yield
      }) : () -> ()
      %mul3A_22 = arith.constant 1024 : i32
      %mul3A_23 = arith.muli %arg1, %mul3A_22 : i32
      "tpu.region"() ({
        %run_scoped3A = tpu.sem_alloc : memref<!tpu.dma_semaphore, #tpu.memory_space<semaphore_mem>>
        %dma_start3A_732 = tpu.memref_slice %arg9[%mul3A_23] : memref<16384xf32, #tpu.memory_space<vmem_shared>> -> memref<1024xf32, #tpu.memory_space<vmem_shared>>
        %dma_start3A_733 = tpu.memref_slice %arg9[%mul3A_23] : memref<16384xf32, #tpu.memory_space<vmem_shared>> -> memref<1024xf32, #tpu.memory_space<vmem_shared>>
        tpu.enqueue_dma source(%dma_start3A_733 : memref<1024xf32, #tpu.memory_space<vmem_shared>>) target(%arg25 : memref<1024xf32, #tpu.memory_space<vmem>>) target_semaphore(%run_scoped3A : memref<!tpu.dma_semaphore, #tpu.memory_space<semaphore_mem>>)
        %dma_wait3A_734 = tpu.memref_slice %arg9[%mul3A_23] : memref<16384xf32, #tpu.memory_space<vmem_shared>> -> memref<1024xf32, #tpu.memory_space<vmem_shared>>
        %dma_wait3A_735 = tpu.memref_slice %arg9[%mul3A_23] : memref<16384xf32, #tpu.memory_space<vmem_shared>> -> memref<1024xf32, #tpu.memory_space<vmem_shared>>
        tpu.wait_dma2 semaphore(%run_scoped3A : memref<!tpu.dma_semaphore, #tpu.memory_space<semaphore_mem>>) src(%dma_wait3A_735 : memref<1024xf32, #tpu.memory_space<vmem_shared>>) dst(%arg25 : memref<1024xf32, #tpu.memory_space<vmem>>)
        tpu.yield
      }) : () -> ()
      %scan3A = arith.constant 0 : i32
      %scan3A_24 = arith.constant 0 : i32
      %scan3A_25 = arith.constant 64 : i32
      %scan3A_26 = arith.addi %scan3A_24, %scan3A_25 : i32
      %scan3A_27 = arith.constant 1 : i32
      %scan3A_28 = scf.for %scan3A_732 = %scan3A_24 to %scan3A_26 step %scan3A_27 iter_args(%scan3A_733 = %scan3A) -> (i32)  : i32 {
        %mul3A_734 = arith.constant 16 : i32
        %mul3A_735 = arith.muli %scan3A_732, %mul3A_734 : i32
        %get3A = arith.index_cast %mul3A_735 : i32 to index
        %get3A_736 = tpu.vector_load %arg24[%get3A] {strides = array<i32>} : memref<1024xf32, #tpu.memory_space<vmem>>, vector<16xf32>,
        %get3A_737 = vector.shape_cast %get3A_736 : vector<16xf32> to vector<16xf32>
        %mul3A_738 = arith.constant 16 : i32
        %mul3A_739 = arith.muli %scan3A_732, %mul3A_738 : i32
        %get3A_740 = arith.index_cast %mul3A_739 : i32 to index
        %get3A_741 = tpu.vector_load %arg25[%get3A_740] {strides = array<i32>} : memref<1024xf32, #tpu.memory_space<vmem>>, vector<16xf32>,
        %get3A_742 = vector.shape_cast %get3A_741 : vector<16xf32> to vector<16xf32>
        %gt3A = arith.constant 0.000000e+00 : f32
        %gt3A_743 = vector.broadcast %gt3A : f32 to vector<16xf32>
        %gt3A_744 = arith.cmpf ogt, %get3A_742, %gt3A_743 : vector<16xf32>
        %mul3A_745 = arith.constant 5.000000e-01 : f32
        %mul3A_746 = vector.broadcast %mul3A_745 : f32 to vector<16xf32>
        %mul3A_747 = arith.mulf %mul3A_746, %get3A_737 : vector<16xf32>
        %max3A = arith.constant 1.000000e+00 : f32
        %max3A_748 = vector.broadcast %max3A : f32 to vector<16xf32>
        %max3A_749 = arith.maximumf %get3A_742, %max3A_748 : vector<16xf32>
        %div3A = arith.divf %mul3A_747, %max3A_749 : vector<16xf32>
        %jit3A = arith.constant 0.000000e+00 : f32
        %broadcast_in_dim3A = vector.broadcast %jit3A : f32 to vector<16xf32>
        %select_n3A = arith.select %gt3A_744, %div3A, %broadcast_in_dim3A : vector<16xi1>, vector<16xf32>
        %mul3A_750 = arith.constant 16 : i32
        %mul3A_751 = arith.muli %scan3A_732, %mul3A_750 : i32
        %swap3A = arith.index_cast %mul3A_751 : i32 to index
        %swap3A_752 = tpu.vector_load %arg26[%swap3A] {strides = array<i32>} : memref<1024xf32, #tpu.memory_space<vmem>>, vector<16xf32>,
        %swap3A_753 = vector.shape_cast %swap3A_752 : vector<16xf32> to vector<16xf32>
        %swap3A_754 = vector.shape_cast %select_n3A : vector<16xf32> to vector<16xf32>
        tpu.vector_store %arg26[%swap3A], %swap3A_754 {strides = array<i32>} : memref<1024xf32, #tpu.memory_space<vmem>>, vector<16xf32>,
        %scan3A_755 = arith.constant 0 : i32
        scf.yield %scan3A_755 : i32
      }
      %scan3A_29 = arith.constant 64 : i32
      %dma_start3A = arith.constant 0 : i32
      %dma_start3A_30 = arith.constant 0 : i32
      %dma_start3A_31 = tpu.memref_slice %arg26[%dma_start3A_30] : memref<1024xf32, #tpu.memory_space<vmem>> -> memref<128xf32, #tpu.memory_space<vmem>>
      %dma_start3A_32 = arith.constant 0 : i32
      %dma_start3A_33 = tpu.memref_slice %arg20[%dma_start3A, %dma_start3A_32] : memref<8x128xi32, #tpu.memory_space<vmem>> -> memref<1x128xi32, #tpu.memory_space<vmem>>
      %dma_start3A_34 = tpu.memref_squeeze %dma_start3A_33 : memref<1x128xi32, #tpu.memory_space<vmem>> -> memref<128xi32, #tpu.memory_space<vmem>>
      %dma_start3A_35 = arith.constant 0 : i32
      %dma_start3A_36 = tpu.memref_slice %arg13[%dma_start3A_35] : memref<256xf32, #tpu.memory_space<vmem_shared>> -> memref<256xf32, #tpu.memory_space<vmem_shared>>
      tpu.enqueue_indirect_dma source(%dma_start3A_31 : memref<128xf32, #tpu.memory_space<vmem>>) target(%dma_start3A_36 : memref<256xf32, #tpu.memory_space<vmem_shared>>) offsets(%dma_start3A_34 : memref<128xi32, #tpu.memory_space<vmem>>) semaphore(%arg35 : memref<!tpu.dma_semaphore, #tpu.memory_space<semaphore_mem>>) {add = true}
      %dma_start3A_37 = arith.constant 0 : i32
      %dma_start3A_38 = arith.constant 0 : i32
      %dma_start3A_39 = arith.constant 0 : i32
      %dma_start3A_40 = tpu.memref_slice %arg21[%dma_start3A_37, %dma_start3A_39] : memref<8x128xf32, #tpu.memory_space<vmem>> -> memref<1x128xf32, #tpu.memory_space<vmem>>
      %dma_start3A_41 = tpu.memref_squeeze %dma_start3A_40 : memref<1x128xf32, #tpu.memory_space<vmem>> -> memref<128xf32, #tpu.memory_space<vmem>>
      %dma_start3A_42 = arith.constant 0 : i32
      %dma_start3A_43 = tpu.memref_slice %arg20[%dma_start3A_38, %dma_start3A_42] : memref<8x128xi32, #tpu.memory_space<vmem>> -> memref<1x128xi32, #tpu.memory_space<vmem>>
      %dma_start3A_44 = tpu.memref_squeeze %dma_start3A_43 : memref<1x128xi32, #tpu.memory_space<vmem>> -> memref<128xi32, #tpu.memory_space<vmem>>
      %dma_start3A_45 = arith.constant 0 : i32
      %dma_start3A_46 = tpu.memref_slice %arg10[%dma_start3A_45] : memref<256xf32, #tpu.memory_space<vmem_shared>> -> memref<256xf32, #tpu.memory_space<vmem_shared>>
      tpu.enqueue_indirect_dma source(%dma_start3A_41 : memref<128xf32, #tpu.memory_space<vmem>>) target(%dma_start3A_46 : memref<256xf32, #tpu.memory_space<vmem_shared>>) offsets(%dma_start3A_44 : memref<128xi32, #tpu.memory_space<vmem>>) semaphore(%arg35 : memref<!tpu.dma_semaphore, #tpu.memory_space<semaphore_mem>>) {add = true}
      %dma_start3A_47 = arith.constant 0 : i32
      %dma_start3A_48 = arith.constant 0 : i32
      %dma_start3A_49 = arith.constant 0 : i32
      %dma_start3A_50 = tpu.memref_slice %arg22[%dma_start3A_47, %dma_start3A_49] : memref<8x128xf32, #tpu.memory_space<vmem>> -> memref<1x128xf32, #tpu.memory_space<vmem>>
      %dma_start3A_51 = tpu.memref_squeeze %dma_start3A_50 : memref<1x128xf32, #tpu.memory_space<vmem>> -> memref<128xf32, #tpu.memory_space<vmem>>
      %dma_start3A_52 = arith.constant 0 : i32
      %dma_start3A_53 = tpu.memref_slice %arg20[%dma_start3A_48, %dma_start3A_52] : memref<8x128xi32, #tpu.memory_space<vmem>> -> memref<1x128xi32, #tpu.memory_space<vmem>>
      %dma_start3A_54 = tpu.memref_squeeze %dma_start3A_53 : memref<1x128xi32, #tpu.memory_space<vmem>> -> memref<128xi32, #tpu.memory_space<vmem>>
      %dma_start3A_55 = arith.constant 0 : i32
      %dma_start3A_56 = tpu.memref_slice %arg11[%dma_start3A_55] : memref<256xf32, #tpu.memory_space<vmem_shared>> -> memref<256xf32, #tpu.memory_space<vmem_shared>>
      tpu.enqueue_indirect_dma source(%dma_start3A_51 : memref<128xf32, #tpu.memory_space<vmem>>) target(%dma_start3A_56 : memref<256xf32, #tpu.memory_space<vmem_shared>>) offsets(%dma_start3A_54 : memref<128xi32, #tpu.memory_space<vmem>>) semaphore(%arg35 : memref<!tpu.dma_semaphore, #tpu.memory_space<semaphore_mem>>) {add = true}
      %dma_start3A_57 = arith.constant 0 : i32
      %dma_start3A_58 = arith.constant 0 : i32
      %dma_start3A_59 = arith.constant 0 : i32
      %dma_start3A_60 = tpu.memref_slice %arg23[%dma_start3A_57, %dma_start3A_59] : memref<8x128xf32, #tpu.memory_space<vmem>> -> memref<1x128xf32, #tpu.memory_space<vmem>>
      %dma_start3A_61 = tpu.memref_squeeze %dma_start3A_60 : memref<1x128xf32, #tpu.memory_space<vmem>> -> memref<128xf32, #tpu.memory_space<vmem>>
      %dma_start3A_62 = arith.constant 0 : i32
      %dma_start3A_63 = tpu.memref_slice %arg20[%dma_start3A_58, %dma_start3A_62] : memref<8x128xi32, #tpu.memory_space<vmem>> -> memref<1x128xi32, #tpu.memory_space<vmem>>
      %dma_start3A_64 = tpu.memref_squeeze %dma_start3A_63 : memref<1x128xi32, #tpu.memory_space<vmem>> -> memref<128xi32, #tpu.memory_space<vmem>>
      %dma_start3A_65 = arith.constant 0 : i32
      %dma_start3A_66 = tpu.memref_slice %arg12[%dma_start3A_65] : memref<256xf32, #tpu.memory_space<vmem_shared>> -> memref<256xf32, #tpu.memory_space<vmem_shared>>
      tpu.enqueue_indirect_dma source(%dma_start3A_61 : memref<128xf32, #tpu.memory_space<vmem>>) target(%dma_start3A_66 : memref<256xf32, #tpu.memory_space<vmem_shared>>) offsets(%dma_start3A_64 : memref<128xi32, #tpu.memory_space<vmem>>) semaphore(%arg35 : memref<!tpu.dma_semaphore, #tpu.memory_space<semaphore_mem>>) {add = true}
      %dma_start3A_67 = arith.constant 0 : i32
      %dma_start3A_68 = arith.constant 0 : i32
      %dma_start3A_69 = tpu.memref_slice %arg20[%dma_start3A_67, %dma_start3A_68] : memref<8x128xi32, #tpu.memory_space<vmem>> -> memref<1x128xi32, #tpu.memory_space<vmem>>
      %dma_start3A_70 = tpu.memref_squeeze %dma_start3A_69 : memref<1x128xi32, #tpu.memory_space<vmem>> -> memref<128xi32, #tpu.memory_space<vmem>>
      %dma_start3A_71 = arith.constant 0 : i32
      %dma_start3A_72 = tpu.memref_slice %arg14[%dma_start3A_71] : memref<256xf32, #tpu.memory_space<vmem_shared>> -> memref<256xf32, #tpu.memory_space<vmem_shared>>
      tpu.enqueue_indirect_dma source(%arg17 : memref<128xf32, #tpu.memory_space<vmem>>) target(%dma_start3A_72 : memref<256xf32, #tpu.memory_space<vmem_shared>>) offsets(%dma_start3A_70 : memref<128xi32, #tpu.memory_space<vmem>>) semaphore(%arg35 : memref<!tpu.dma_semaphore, #tpu.memory_space<semaphore_mem>>) {add = true}
      %dma_start3A_73 = arith.constant 1 : i32
      %dma_start3A_74 = arith.constant 128 : i32
      %dma_start3A_75 = tpu.memref_slice %arg26[%dma_start3A_74] : memref<1024xf32, #tpu.memory_space<vmem>> -> memref<128xf32, #tpu.memory_space<vmem>>
      %dma_start3A_76 = arith.constant 0 : i32
      %dma_start3A_77 = tpu.memref_slice %arg20[%dma_start3A_73, %dma_start3A_76] : memref<8x128xi32, #tpu.memory_space<vmem>> -> memref<1x128xi32, #tpu.memory_space<vmem>>
      %dma_start3A_78 = tpu.memref_squeeze %dma_start3A_77 : memref<1x128xi32, #tpu.memory_space<vmem>> -> memref<128xi32, #tpu.memory_space<vmem>>
      %dma_start3A_79 = arith.constant 0 : i32
      %dma_start3A_80 = tpu.memref_slice %arg13[%dma_start3A_79] : memref<256xf32, #tpu.memory_space<vmem_shared>> -> memref<256xf32, #tpu.memory_space<vmem_shared>>
      tpu.enqueue_indirect_dma source(%dma_start3A_75 : memref<128xf32, #tpu.memory_space<vmem>>) target(%dma_start3A_80 : memref<256xf32, #tpu.memory_space<vmem_shared>>) offsets(%dma_start3A_78 : memref<128xi32, #tpu.memory_space<vmem>>) semaphore(%arg35 : memref<!tpu.dma_semaphore, #tpu.memory_space<semaphore_mem>>) {add = true}
      %dma_start3A_81 = arith.constant 1 : i32
      %dma_start3A_82 = arith.constant 1 : i32
      %dma_start3A_83 = arith.constant 0 : i32
      %dma_start3A_84 = tpu.memref_slice %arg21[%dma_start3A_81, %dma_start3A_83] : memref<8x128xf32, #tpu.memory_space<vmem>> -> memref<1x128xf32, #tpu.memory_space<vmem>>
      %dma_start3A_85 = tpu.memref_squeeze %dma_start3A_84 : memref<1x128xf32, #tpu.memory_space<vmem>> -> memref<128xf32, #tpu.memory_space<vmem>>
      %dma_start3A_86 = arith.constant 0 : i32
      %dma_start3A_87 = tpu.memref_slice %arg20[%dma_start3A_82, %dma_start3A_86] : memref<8x128xi32, #tpu.memory_space<vmem>> -> memref<1x128xi32, #tpu.memory_space<vmem>>
      %dma_start3A_88 = tpu.memref_squeeze %dma_start3A_87 : memref<1x128xi32, #tpu.memory_space<vmem>> -> memref<128xi32, #tpu.memory_space<vmem>>
      %dma_start3A_89 = arith.constant 0 : i32
      %dma_start3A_90 = tpu.memref_slice %arg10[%dma_start3A_89] : memref<256xf32, #tpu.memory_space<vmem_shared>> -> memref<256xf32, #tpu.memory_space<vmem_shared>>
      tpu.enqueue_indirect_dma source(%dma_start3A_85 : memref<128xf32, #tpu.memory_space<vmem>>) target(%dma_start3A_90 : memref<256xf32, #tpu.memory_space<vmem_shared>>) offsets(%dma_start3A_88 : memref<128xi32, #tpu.memory_space<vmem>>) semaphore(%arg35 : memref<!tpu.dma_semaphore, #tpu.memory_space<semaphore_mem>>) {add = true}
      %dma_start3A_91 = arith.constant 1 : i32
      %dma_start3A_92 = arith.constant 1 : i32
      %dma_start3A_93 = arith.constant 0 : i32
      %dma_start3A_94 = tpu.memref_slice %arg22[%dma_start3A_91, %dma_start3A_93] : memref<8x128xf32, #tpu.memory_space<vmem>> -> memref<1x128xf32, #tpu.memory_space<vmem>>
      %dma_start3A_95 = tpu.memref_squeeze %dma_start3A_94 : memref<1x128xf32, #tpu.memory_space<vmem>> -> memref<128xf32, #tpu.memory_space<vmem>>
      %dma_start3A_96 = arith.constant 0 : i32
      %dma_start3A_97 = tpu.memref_slice %arg20[%dma_start3A_92, %dma_start3A_96] : memref<8x128xi32, #tpu.memory_space<vmem>> -> memref<1x128xi32, #tpu.memory_space<vmem>>
      %dma_start3A_98 = tpu.memref_squeeze %dma_start3A_97 : memref<1x128xi32, #tpu.memory_space<vmem>> -> memref<128xi32, #tpu.memory_space<vmem>>
      %dma_start3A_99 = arith.constant 0 : i32
      %dma_start3A_100 = tpu.memref_slice %arg11[%dma_start3A_99] : memref<256xf32, #tpu.memory_space<vmem_shared>> -> memref<256xf32, #tpu.memory_space<vmem_shared>>
      tpu.enqueue_indirect_dma source(%dma_start3A_95 : memref<128xf32, #tpu.memory_space<vmem>>) target(%dma_start3A_100 : memref<256xf32, #tpu.memory_space<vmem_shared>>) offsets(%dma_start3A_98 : memref<128xi32, #tpu.memory_space<vmem>>) semaphore(%arg35 : memref<!tpu.dma_semaphore, #tpu.memory_space<semaphore_mem>>) {add = true}
      %dma_start3A_101 = arith.constant 1 : i32
      %dma_start3A_102 = arith.constant 1 : i32
      %dma_start3A_103 = arith.constant 0 : i32
      %dma_start3A_104 = tpu.memref_slice %arg23[%dma_start3A_101, %dma_start3A_103] : memref<8x128xf32, #tpu.memory_space<vmem>> -> memref<1x128xf32, #tpu.memory_space<vmem>>
      %dma_start3A_105 = tpu.memref_squeeze %dma_start3A_104 : memref<1x128xf32, #tpu.memory_space<vmem>> -> memref<128xf32, #tpu.memory_space<vmem>>
      %dma_start3A_106 = arith.constant 0 : i32
      %dma_start3A_107 = tpu.memref_slice %arg20[%dma_start3A_102, %dma_start3A_106] : memref<8x128xi32, #tpu.memory_space<vmem>> -> memref<1x128xi32, #tpu.memory_space<vmem>>
      %dma_start3A_108 = tpu.memref_squeeze %dma_start3A_107 : memref<1x128xi32, #tpu.memory_space<vmem>> -> memref<128xi32, #tpu.memory_space<vmem>>
      %dma_start3A_109 = arith.constant 0 : i32
      %dma_start3A_110 = tpu.memref_slice %arg12[%dma_start3A_109] : memref<256xf32, #tpu.memory_space<vmem_shared>> -> memref<256xf32, #tpu.memory_space<vmem_shared>>
      tpu.enqueue_indirect_dma source(%dma_start3A_105 : memref<128xf32, #tpu.memory_space<vmem>>) target(%dma_start3A_110 : memref<256xf32, #tpu.memory_space<vmem_shared>>) offsets(%dma_start3A_108 : memref<128xi32, #tpu.memory_space<vmem>>) semaphore(%arg35 : memref<!tpu.dma_semaphore, #tpu.memory_space<semaphore_mem>>) {add = true}
      %dma_start3A_111 = arith.constant 1 : i32
      %dma_start3A_112 = arith.constant 0 : i32
      %dma_start3A_113 = tpu.memref_slice %arg20[%dma_start3A_111, %dma_start3A_112] : memref<8x128xi32, #tpu.memory_space<vmem>> -> memref<1x128xi32, #tpu.memory_space<vmem>>
      %dma_start3A_114 = tpu.memref_squeeze %dma_start3A_113 : memref<1x128xi32, #tpu.memory_space<vmem>> -> memref<128xi32, #tpu.memory_space<vmem>>
      %dma_start3A_115 = arith.constant 0 : i32
      %dma_start3A_116 = tpu.memref_slice %arg14[%dma_start3A_115] : memref<256xf32, #tpu.memory_space<vmem_shared>> -> memref<256xf32, #tpu.memory_space<vmem_shared>>
      tpu.enqueue_indirect_dma source(%arg17 : memref<128xf32, #tpu.memory_space<vmem>>) target(%dma_start3A_116 : memref<256xf32, #tpu.memory_space<vmem_shared>>) offsets(%dma_start3A_114 : memref<128xi32, #tpu.memory_space<vmem>>) semaphore(%arg35 : memref<!tpu.dma_semaphore, #tpu.memory_space<semaphore_mem>>) {add = true}
      %dma_start3A_117 = arith.constant 2 : i32
      %dma_start3A_118 = arith.constant 256 : i32
      %dma_start3A_119 = tpu.memref_slice %arg26[%dma_start3A_118] : memref<1024xf32, #tpu.memory_space<vmem>> -> memref<128xf32, #tpu.memory_space<vmem>>
      %dma_start3A_120 = arith.constant 0 : i32
      %dma_start3A_121 = tpu.memref_slice %arg20[%dma_start3A_117, %dma_start3A_120] : memref<8x128xi32, #tpu.memory_space<vmem>> -> memref<1x128xi32, #tpu.memory_space<vmem>>
      %dma_start3A_122 = tpu.memref_squeeze %dma_start3A_121 : memref<1x128xi32, #tpu.memory_space<vmem>> -> memref<128xi32, #tpu.memory_space<vmem>>
      %dma_start3A_123 = arith.constant 0 : i32
      %dma_start3A_124 = tpu.memref_slice %arg13[%dma_start3A_123] : memref<256xf32, #tpu.memory_space<vmem_shared>> -> memref<256xf32, #tpu.memory_space<vmem_shared>>
      tpu.enqueue_indirect_dma source(%dma_start3A_119 : memref<128xf32, #tpu.memory_space<vmem>>) target(%dma_start3A_124 : memref<256xf32, #tpu.memory_space<vmem_shared>>) offsets(%dma_start3A_122 : memref<128xi32, #tpu.memory_space<vmem>>) semaphore(%arg35 : memref<!tpu.dma_semaphore, #tpu.memory_space<semaphore_mem>>) {add = true}
      %dma_start3A_125 = arith.constant 2 : i32
      %dma_start3A_126 = arith.constant 2 : i32
      %dma_start3A_127 = arith.constant 0 : i32
      %dma_start3A_128 = tpu.memref_slice %arg21[%dma_start3A_125, %dma_start3A_127] : memref<8x128xf32, #tpu.memory_space<vmem>> -> memref<1x128xf32, #tpu.memory_space<vmem>>
      %dma_start3A_129 = tpu.memref_squeeze %dma_start3A_128 : memref<1x128xf32, #tpu.memory_space<vmem>> -> memref<128xf32, #tpu.memory_space<vmem>>
      %dma_start3A_130 = arith.constant 0 : i32
      %dma_start3A_131 = tpu.memref_slice %arg20[%dma_start3A_126, %dma_start3A_130] : memref<8x128xi32, #tpu.memory_space<vmem>> -> memref<1x128xi32, #tpu.memory_space<vmem>>
      %dma_start3A_132 = tpu.memref_squeeze %dma_start3A_131 : memref<1x128xi32, #tpu.memory_space<vmem>> -> memref<128xi32, #tpu.memory_space<vmem>>
      %dma_start3A_133 = arith.constant 0 : i32
      %dma_start3A_134 = tpu.memref_slice %arg10[%dma_start3A_133] : memref<256xf32, #tpu.memory_space<vmem_shared>> -> memref<256xf32, #tpu.memory_space<vmem_shared>>
      tpu.enqueue_indirect_dma source(%dma_start3A_129 : memref<128xf32, #tpu.memory_space<vmem>>) target(%dma_start3A_134 : memref<256xf32, #tpu.memory_space<vmem_shared>>) offsets(%dma_start3A_132 : memref<128xi32, #tpu.memory_space<vmem>>) semaphore(%arg35 : memref<!tpu.dma_semaphore, #tpu.memory_space<semaphore_mem>>) {add = true}
      %dma_start3A_135 = arith.constant 2 : i32
      %dma_start3A_136 = arith.constant 2 : i32
      %dma_start3A_137 = arith.constant 0 : i32
      %dma_start3A_138 = tpu.memref_slice %arg22[%dma_start3A_135, %dma_start3A_137] : memref<8x128xf32, #tpu.memory_space<vmem>> -> memref<1x128xf32, #tpu.memory_space<vmem>>
      %dma_start3A_139 = tpu.memref_squeeze %dma_start3A_138 : memref<1x128xf32, #tpu.memory_space<vmem>> -> memref<128xf32, #tpu.memory_space<vmem>>
      %dma_start3A_140 = arith.constant 0 : i32
      %dma_start3A_141 = tpu.memref_slice %arg20[%dma_start3A_136, %dma_start3A_140] : memref<8x128xi32, #tpu.memory_space<vmem>> -> memref<1x128xi32, #tpu.memory_space<vmem>>
      %dma_start3A_142 = tpu.memref_squeeze %dma_start3A_141 : memref<1x128xi32, #tpu.memory_space<vmem>> -> memref<128xi32, #tpu.memory_space<vmem>>
      %dma_start3A_143 = arith.constant 0 : i32
      %dma_start3A_144 = tpu.memref_slice %arg11[%dma_start3A_143] : memref<256xf32, #tpu.memory_space<vmem_shared>> -> memref<256xf32, #tpu.memory_space<vmem_shared>>
      tpu.enqueue_indirect_dma source(%dma_start3A_139 : memref<128xf32, #tpu.memory_space<vmem>>) target(%dma_start3A_144 : memref<256xf32, #tpu.memory_space<vmem_shared>>) offsets(%dma_start3A_142 : memref<128xi32, #tpu.memory_space<vmem>>) semaphore(%arg35 : memref<!tpu.dma_semaphore, #tpu.memory_space<semaphore_mem>>) {add = true}
      %dma_start3A_145 = arith.constant 2 : i32
      %dma_start3A_146 = arith.constant 2 : i32
      %dma_start3A_147 = arith.constant 0 : i32
      %dma_start3A_148 = tpu.memref_slice %arg23[%dma_start3A_145, %dma_start3A_147] : memref<8x128xf32, #tpu.memory_space<vmem>> -> memref<1x128xf32, #tpu.memory_space<vmem>>
      %dma_start3A_149 = tpu.memref_squeeze %dma_start3A_148 : memref<1x128xf32, #tpu.memory_space<vmem>> -> memref<128xf32, #tpu.memory_space<vmem>>
      %dma_start3A_150 = arith.constant 0 : i32
      %dma_start3A_151 = tpu.memref_slice %arg20[%dma_start3A_146, %dma_start3A_150] : memref<8x128xi32, #tpu.memory_space<vmem>> -> memref<1x128xi32, #tpu.memory_space<vmem>>
      %dma_start3A_152 = tpu.memref_squeeze %dma_start3A_151 : memref<1x128xi32, #tpu.memory_space<vmem>> -> memref<128xi32, #tpu.memory_space<vmem>>
      %dma_start3A_153 = arith.constant 0 : i32
      %dma_start3A_154 = tpu.memref_slice %arg12[%dma_start3A_153] : memref<256xf32, #tpu.memory_space<vmem_shared>> -> memref<256xf32, #tpu.memory_space<vmem_shared>>
      tpu.enqueue_indirect_dma source(%dma_start3A_149 : memref<128xf32, #tpu.memory_space<vmem>>) target(%dma_start3A_154 : memref<256xf32, #tpu.memory_space<vmem_shared>>) offsets(%dma_start3A_152 : memref<128xi32, #tpu.memory_space<vmem>>) semaphore(%arg35 : memref<!tpu.dma_semaphore, #tpu.memory_space<semaphore_mem>>) {add = true}
      %dma_start3A_155 = arith.constant 2 : i32
      %dma_start3A_156 = arith.constant 0 : i32
      %dma_start3A_157 = tpu.memref_slice %arg20[%dma_start3A_155, %dma_start3A_156] : memref<8x128xi32, #tpu.memory_space<vmem>> -> memref<1x128xi32, #tpu.memory_space<vmem>>
      %dma_start3A_158 = tpu.memref_squeeze %dma_start3A_157 : memref<1x128xi32, #tpu.memory_space<vmem>> -> memref<128xi32, #tpu.memory_space<vmem>>
      %dma_start3A_159 = arith.constant 0 : i32
      %dma_start3A_160 = tpu.memref_slice %arg14[%dma_start3A_159] : memref<256xf32, #tpu.memory_space<vmem_shared>> -> memref<256xf32, #tpu.memory_space<vmem_shared>>
      tpu.enqueue_indirect_dma source(%arg17 : memref<128xf32, #tpu.memory_space<vmem>>) target(%dma_start3A_160 : memref<256xf32, #tpu.memory_space<vmem_shared>>) offsets(%dma_start3A_158 : memref<128xi32, #tpu.memory_space<vmem>>) semaphore(%arg35 : memref<!tpu.dma_semaphore, #tpu.memory_space<semaphore_mem>>) {add = true}
      %dma_start3A_161 = arith.constant 3 : i32
      %dma_start3A_162 = arith.constant 384 : i32
      %dma_start3A_163 = tpu.memref_slice %arg26[%dma_start3A_162] : memref<1024xf32, #tpu.memory_space<vmem>> -> memref<128xf32, #tpu.memory_space<vmem>>
      %dma_start3A_164 = arith.constant 0 : i32
      %dma_start3A_165 = tpu.memref_slice %arg20[%dma_start3A_161, %dma_start3A_164] : memref<8x128xi32, #tpu.memory_space<vmem>> -> memref<1x128xi32, #tpu.memory_space<vmem>>
      %dma_start3A_166 = tpu.memref_squeeze %dma_start3A_165 : memref<1x128xi32, #tpu.memory_space<vmem>> -> memref<128xi32, #tpu.memory_space<vmem>>
      %dma_start3A_167 = arith.constant 0 : i32
      %dma_start3A_168 = tpu.memref_slice %arg13[%dma_start3A_167] : memref<256xf32, #tpu.memory_space<vmem_shared>> -> memref<256xf32, #tpu.memory_space<vmem_shared>>
      tpu.enqueue_indirect_dma source(%dma_start3A_163 : memref<128xf32, #tpu.memory_space<vmem>>) target(%dma_start3A_168 : memref<256xf32, #tpu.memory_space<vmem_shared>>) offsets(%dma_start3A_166 : memref<128xi32, #tpu.memory_space<vmem>>) semaphore(%arg35 : memref<!tpu.dma_semaphore, #tpu.memory_space<semaphore_mem>>) {add = true}
      %dma_start3A_169 = arith.constant 3 : i32
      %dma_start3A_170 = arith.constant 3 : i32
      %dma_start3A_171 = arith.constant 0 : i32
      %dma_start3A_172 = tpu.memref_slice %arg21[%dma_start3A_169, %dma_start3A_171] : memref<8x128xf32, #tpu.memory_space<vmem>> -> memref<1x128xf32, #tpu.memory_space<vmem>>
      %dma_start3A_173 = tpu.memref_squeeze %dma_start3A_172 : memref<1x128xf32, #tpu.memory_space<vmem>> -> memref<128xf32, #tpu.memory_space<vmem>>
      %dma_start3A_174 = arith.constant 0 : i32
      %dma_start3A_175 = tpu.memref_slice %arg20[%dma_start3A_170, %dma_start3A_174] : memref<8x128xi32, #tpu.memory_space<vmem>> -> memref<1x128xi32, #tpu.memory_space<vmem>>
      %dma_start3A_176 = tpu.memref_squeeze %dma_start3A_175 : memref<1x128xi32, #tpu.memory_space<vmem>> -> memref<128xi32, #tpu.memory_space<vmem>>
      %dma_start3A_177 = arith.constant 0 : i32
      %dma_start3A_178 = tpu.memref_slice %arg10[%dma_start3A_177] : memref<256xf32, #tpu.memory_space<vmem_shared>> -> memref<256xf32, #tpu.memory_space<vmem_shared>>
      tpu.enqueue_indirect_dma source(%dma_start3A_173 : memref<128xf32, #tpu.memory_space<vmem>>) target(%dma_start3A_178 : memref<256xf32, #tpu.memory_space<vmem_shared>>) offsets(%dma_start3A_176 : memref<128xi32, #tpu.memory_space<vmem>>) semaphore(%arg35 : memref<!tpu.dma_semaphore, #tpu.memory_space<semaphore_mem>>) {add = true}
      %dma_start3A_179 = arith.constant 3 : i32
      %dma_start3A_180 = arith.constant 3 : i32
      %dma_start3A_181 = arith.constant 0 : i32
      %dma_start3A_182 = tpu.memref_slice %arg22[%dma_start3A_179, %dma_start3A_181] : memref<8x128xf32, #tpu.memory_space<vmem>> -> memref<1x128xf32, #tpu.memory_space<vmem>>
      %dma_start3A_183 = tpu.memref_squeeze %dma_start3A_182 : memref<1x128xf32, #tpu.memory_space<vmem>> -> memref<128xf32, #tpu.memory_space<vmem>>
      %dma_start3A_184 = arith.constant 0 : i32
      %dma_start3A_185 = tpu.memref_slice %arg20[%dma_start3A_180, %dma_start3A_184] : memref<8x128xi32, #tpu.memory_space<vmem>> -> memref<1x128xi32, #tpu.memory_space<vmem>>
      %dma_start3A_186 = tpu.memref_squeeze %dma_start3A_185 : memref<1x128xi32, #tpu.memory_space<vmem>> -> memref<128xi32, #tpu.memory_space<vmem>>
      %dma_start3A_187 = arith.constant 0 : i32
      %dma_start3A_188 = tpu.memref_slice %arg11[%dma_start3A_187] : memref<256xf32, #tpu.memory_space<vmem_shared>> -> memref<256xf32, #tpu.memory_space<vmem_shared>>
      tpu.enqueue_indirect_dma source(%dma_start3A_183 : memref<128xf32, #tpu.memory_space<vmem>>) target(%dma_start3A_188 : memref<256xf32, #tpu.memory_space<vmem_shared>>) offsets(%dma_start3A_186 : memref<128xi32, #tpu.memory_space<vmem>>) semaphore(%arg35 : memref<!tpu.dma_semaphore, #tpu.memory_space<semaphore_mem>>) {add = true}
      %dma_start3A_189 = arith.constant 3 : i32
      %dma_start3A_190 = arith.constant 3 : i32
      %dma_start3A_191 = arith.constant 0 : i32
      %dma_start3A_192 = tpu.memref_slice %arg23[%dma_start3A_189, %dma_start3A_191] : memref<8x128xf32, #tpu.memory_space<vmem>> -> memref<1x128xf32, #tpu.memory_space<vmem>>
      %dma_start3A_193 = tpu.memref_squeeze %dma_start3A_192 : memref<1x128xf32, #tpu.memory_space<vmem>> -> memref<128xf32, #tpu.memory_space<vmem>>
      %dma_start3A_194 = arith.constant 0 : i32
      %dma_start3A_195 = tpu.memref_slice %arg20[%dma_start3A_190, %dma_start3A_194] : memref<8x128xi32, #tpu.memory_space<vmem>> -> memref<1x128xi32, #tpu.memory_space<vmem>>
      %dma_start3A_196 = tpu.memref_squeeze %dma_start3A_195 : memref<1x128xi32, #tpu.memory_space<vmem>> -> memref<128xi32, #tpu.memory_space<vmem>>
      %dma_start3A_197 = arith.constant 0 : i32
      %dma_start3A_198 = tpu.memref_slice %arg12[%dma_start3A_197] : memref<256xf32, #tpu.memory_space<vmem_shared>> -> memref<256xf32, #tpu.memory_space<vmem_shared>>
      tpu.enqueue_indirect_dma source(%dma_start3A_193 : memref<128xf32, #tpu.memory_space<vmem>>) target(%dma_start3A_198 : memref<256xf32, #tpu.memory_space<vmem_shared>>) offsets(%dma_start3A_196 : memref<128xi32, #tpu.memory_space<vmem>>) semaphore(%arg35 : memref<!tpu.dma_semaphore, #tpu.memory_space<semaphore_mem>>) {add = true}
      %dma_start3A_199 = arith.constant 3 : i32
      %dma_start3A_200 = arith.constant 0 : i32
      %dma_start3A_201 = tpu.memref_slice %arg20[%dma_start3A_199, %dma_start3A_200] : memref<8x128xi32, #tpu.memory_space<vmem>> -> memref<1x128xi32, #tpu.memory_space<vmem>>
      %dma_start3A_202 = tpu.memref_squeeze %dma_start3A_201 : memref<1x128xi32, #tpu.memory_space<vmem>> -> memref<128xi32, #tpu.memory_space<vmem>>
      %dma_start3A_203 = arith.constant 0 : i32
      %dma_start3A_204 = tpu.memref_slice %arg14[%dma_start3A_203] : memref<256xf32, #tpu.memory_space<vmem_shared>> -> memref<256xf32, #tpu.memory_space<vmem_shared>>
      tpu.enqueue_indirect_dma source(%arg17 : memref<128xf32, #tpu.memory_space<vmem>>) target(%dma_start3A_204 : memref<256xf32, #tpu.memory_space<vmem_shared>>) offsets(%dma_start3A_202 : memref<128xi32, #tpu.memory_space<vmem>>) semaphore(%arg35 : memref<!tpu.dma_semaphore, #tpu.memory_space<semaphore_mem>>) {add = true}
      %dma_start3A_205 = arith.constant 4 : i32
      %dma_start3A_206 = arith.constant 512 : i32
      %dma_start3A_207 = tpu.memref_slice %arg26[%dma_start3A_206] : memref<1024xf32, #tpu.memory_space<vmem>> -> memref<128xf32, #tpu.memory_space<vmem>>
      %dma_start3A_208 = arith.constant 0 : i32
      %dma_start3A_209 = tpu.memref_slice %arg20[%dma_start3A_205, %dma_start3A_208] : memref<8x128xi32, #tpu.memory_space<vmem>> -> memref<1x128xi32, #tpu.memory_space<vmem>>
      %dma_start3A_210 = tpu.memref_squeeze %dma_start3A_209 : memref<1x128xi32, #tpu.memory_space<vmem>> -> memref<128xi32, #tpu.memory_space<vmem>>
      %dma_start3A_211 = arith.constant 0 : i32
      %dma_start3A_212 = tpu.memref_slice %arg13[%dma_start3A_211] : memref<256xf32, #tpu.memory_space<vmem_shared>> -> memref<256xf32, #tpu.memory_space<vmem_shared>>
      tpu.enqueue_indirect_dma source(%dma_start3A_207 : memref<128xf32, #tpu.memory_space<vmem>>) target(%dma_start3A_212 : memref<256xf32, #tpu.memory_space<vmem_shared>>) offsets(%dma_start3A_210 : memref<128xi32, #tpu.memory_space<vmem>>) semaphore(%arg35 : memref<!tpu.dma_semaphore, #tpu.memory_space<semaphore_mem>>) {add = true}
      %dma_start3A_213 = arith.constant 4 : i32
      %dma_start3A_214 = arith.constant 4 : i32
      %dma_start3A_215 = arith.constant 0 : i32
      %dma_start3A_216 = tpu.memref_slice %arg21[%dma_start3A_213, %dma_start3A_215] : memref<8x128xf32, #tpu.memory_space<vmem>> -> memref<1x128xf32, #tpu.memory_space<vmem>>
      %dma_start3A_217 = tpu.memref_squeeze %dma_start3A_216 : memref<1x128xf32, #tpu.memory_space<vmem>> -> memref<128xf32, #tpu.memory_space<vmem>>
      %dma_start3A_218 = arith.constant 0 : i32
      %dma_start3A_219 = tpu.memref_slice %arg20[%dma_start3A_214, %dma_start3A_218] : memref<8x128xi32, #tpu.memory_space<vmem>> -> memref<1x128xi32, #tpu.memory_space<vmem>>
      %dma_start3A_220 = tpu.memref_squeeze %dma_start3A_219 : memref<1x128xi32, #tpu.memory_space<vmem>> -> memref<128xi32, #tpu.memory_space<vmem>>
      %dma_start3A_221 = arith.constant 0 : i32
      %dma_start3A_222 = tpu.memref_slice %arg10[%dma_start3A_221] : memref<256xf32, #tpu.memory_space<vmem_shared>> -> memref<256xf32, #tpu.memory_space<vmem_shared>>
      tpu.enqueue_indirect_dma source(%dma_start3A_217 : memref<128xf32, #tpu.memory_space<vmem>>) target(%dma_start3A_222 : memref<256xf32, #tpu.memory_space<vmem_shared>>) offsets(%dma_start3A_220 : memref<128xi32, #tpu.memory_space<vmem>>) semaphore(%arg35 : memref<!tpu.dma_semaphore, #tpu.memory_space<semaphore_mem>>) {add = true}
      %dma_start3A_223 = arith.constant 4 : i32
      %dma_start3A_224 = arith.constant 4 : i32
      %dma_start3A_225 = arith.constant 0 : i32
      %dma_start3A_226 = tpu.memref_slice %arg22[%dma_start3A_223, %dma_start3A_225] : memref<8x128xf32, #tpu.memory_space<vmem>> -> memref<1x128xf32, #tpu.memory_space<vmem>>
      %dma_start3A_227 = tpu.memref_squeeze %dma_start3A_226 : memref<1x128xf32, #tpu.memory_space<vmem>> -> memref<128xf32, #tpu.memory_space<vmem>>
      %dma_start3A_228 = arith.constant 0 : i32
      %dma_start3A_229 = tpu.memref_slice %arg20[%dma_start3A_224, %dma_start3A_228] : memref<8x128xi32, #tpu.memory_space<vmem>> -> memref<1x128xi32, #tpu.memory_space<vmem>>
      %dma_start3A_230 = tpu.memref_squeeze %dma_start3A_229 : memref<1x128xi32, #tpu.memory_space<vmem>> -> memref<128xi32, #tpu.memory_space<vmem>>
      %dma_start3A_231 = arith.constant 0 : i32
      %dma_start3A_232 = tpu.memref_slice %arg11[%dma_start3A_231] : memref<256xf32, #tpu.memory_space<vmem_shared>> -> memref<256xf32, #tpu.memory_space<vmem_shared>>
      tpu.enqueue_indirect_dma source(%dma_start3A_227 : memref<128xf32, #tpu.memory_space<vmem>>) target(%dma_start3A_232 : memref<256xf32, #tpu.memory_space<vmem_shared>>) offsets(%dma_start3A_230 : memref<128xi32, #tpu.memory_space<vmem>>) semaphore(%arg35 : memref<!tpu.dma_semaphore, #tpu.memory_space<semaphore_mem>>) {add = true}
      %dma_start3A_233 = arith.constant 4 : i32
      %dma_start3A_234 = arith.constant 4 : i32
      %dma_start3A_235 = arith.constant 0 : i32
      %dma_start3A_236 = tpu.memref_slice %arg23[%dma_start3A_233, %dma_start3A_235] : memref<8x128xf32, #tpu.memory_space<vmem>> -> memref<1x128xf32, #tpu.memory_space<vmem>>
      %dma_start3A_237 = tpu.memref_squeeze %dma_start3A_236 : memref<1x128xf32, #tpu.memory_space<vmem>> -> memref<128xf32, #tpu.memory_space<vmem>>
      %dma_start3A_238 = arith.constant 0 : i32
      %dma_start3A_239 = tpu.memref_slice %arg20[%dma_start3A_234, %dma_start3A_238] : memref<8x128xi32, #tpu.memory_space<vmem>> -> memref<1x128xi32, #tpu.memory_space<vmem>>
      %dma_start3A_240 = tpu.memref_squeeze %dma_start3A_239 : memref<1x128xi32, #tpu.memory_space<vmem>> -> memref<128xi32, #tpu.memory_space<vmem>>
      %dma_start3A_241 = arith.constant 0 : i32
      %dma_start3A_242 = tpu.memref_slice %arg12[%dma_start3A_241] : memref<256xf32, #tpu.memory_space<vmem_shared>> -> memref<256xf32, #tpu.memory_space<vmem_shared>>
      tpu.enqueue_indirect_dma source(%dma_start3A_237 : memref<128xf32, #tpu.memory_space<vmem>>) target(%dma_start3A_242 : memref<256xf32, #tpu.memory_space<vmem_shared>>) offsets(%dma_start3A_240 : memref<128xi32, #tpu.memory_space<vmem>>) semaphore(%arg35 : memref<!tpu.dma_semaphore, #tpu.memory_space<semaphore_mem>>) {add = true}
      %dma_start3A_243 = arith.constant 4 : i32
      %dma_start3A_244 = arith.constant 0 : i32
      %dma_start3A_245 = tpu.memref_slice %arg20[%dma_start3A_243, %dma_start3A_244] : memref<8x128xi32, #tpu.memory_space<vmem>> -> memref<1x128xi32, #tpu.memory_space<vmem>>
      %dma_start3A_246 = tpu.memref_squeeze %dma_start3A_245 : memref<1x128xi32, #tpu.memory_space<vmem>> -> memref<128xi32, #tpu.memory_space<vmem>>
      %dma_start3A_247 = arith.constant 0 : i32
      %dma_start3A_248 = tpu.memref_slice %arg14[%dma_start3A_247] : memref<256xf32, #tpu.memory_space<vmem_shared>> -> memref<256xf32, #tpu.memory_space<vmem_shared>>
      tpu.enqueue_indirect_dma source(%arg17 : memref<128xf32, #tpu.memory_space<vmem>>) target(%dma_start3A_248 : memref<256xf32, #tpu.memory_space<vmem_shared>>) offsets(%dma_start3A_246 : memref<128xi32, #tpu.memory_space<vmem>>) semaphore(%arg35 : memref<!tpu.dma_semaphore, #tpu.memory_space<semaphore_mem>>) {add = true}
      %dma_start3A_249 = arith.constant 5 : i32
      %dma_start3A_250 = arith.constant 640 : i32
      %dma_start3A_251 = tpu.memref_slice %arg26[%dma_start3A_250] : memref<1024xf32, #tpu.memory_space<vmem>> -> memref<128xf32, #tpu.memory_space<vmem>>
      %dma_start3A_252 = arith.constant 0 : i32
      %dma_start3A_253 = tpu.memref_slice %arg20[%dma_start3A_249, %dma_start3A_252] : memref<8x128xi32, #tpu.memory_space<vmem>> -> memref<1x128xi32, #tpu.memory_space<vmem>>
      %dma_start3A_254 = tpu.memref_squeeze %dma_start3A_253 : memref<1x128xi32, #tpu.memory_space<vmem>> -> memref<128xi32, #tpu.memory_space<vmem>>
      %dma_start3A_255 = arith.constant 0 : i32
      %dma_start3A_256 = tpu.memref_slice %arg13[%dma_start3A_255] : memref<256xf32, #tpu.memory_space<vmem_shared>> -> memref<256xf32, #tpu.memory_space<vmem_shared>>
      tpu.enqueue_indirect_dma source(%dma_start3A_251 : memref<128xf32, #tpu.memory_space<vmem>>) target(%dma_start3A_256 : memref<256xf32, #tpu.memory_space<vmem_shared>>) offsets(%dma_start3A_254 : memref<128xi32, #tpu.memory_space<vmem>>) semaphore(%arg35 : memref<!tpu.dma_semaphore, #tpu.memory_space<semaphore_mem>>) {add = true}
      %dma_start3A_257 = arith.constant 5 : i32
      %dma_start3A_258 = arith.constant 5 : i32
      %dma_start3A_259 = arith.constant 0 : i32
      %dma_start3A_260 = tpu.memref_slice %arg21[%dma_start3A_257, %dma_start3A_259] : memref<8x128xf32, #tpu.memory_space<vmem>> -> memref<1x128xf32, #tpu.memory_space<vmem>>
      %dma_start3A_261 = tpu.memref_squeeze %dma_start3A_260 : memref<1x128xf32, #tpu.memory_space<vmem>> -> memref<128xf32, #tpu.memory_space<vmem>>
      %dma_start3A_262 = arith.constant 0 : i32
      %dma_start3A_263 = tpu.memref_slice %arg20[%dma_start3A_258, %dma_start3A_262] : memref<8x128xi32, #tpu.memory_space<vmem>> -> memref<1x128xi32, #tpu.memory_space<vmem>>
      %dma_start3A_264 = tpu.memref_squeeze %dma_start3A_263 : memref<1x128xi32, #tpu.memory_space<vmem>> -> memref<128xi32, #tpu.memory_space<vmem>>
      %dma_start3A_265 = arith.constant 0 : i32
      %dma_start3A_266 = tpu.memref_slice %arg10[%dma_start3A_265] : memref<256xf32, #tpu.memory_space<vmem_shared>> -> memref<256xf32, #tpu.memory_space<vmem_shared>>
      tpu.enqueue_indirect_dma source(%dma_start3A_261 : memref<128xf32, #tpu.memory_space<vmem>>) target(%dma_start3A_266 : memref<256xf32, #tpu.memory_space<vmem_shared>>) offsets(%dma_start3A_264 : memref<128xi32, #tpu.memory_space<vmem>>) semaphore(%arg35 : memref<!tpu.dma_semaphore, #tpu.memory_space<semaphore_mem>>) {add = true}
      %dma_start3A_267 = arith.constant 5 : i32
      %dma_start3A_268 = arith.constant 5 : i32
      %dma_start3A_269 = arith.constant 0 : i32
      %dma_start3A_270 = tpu.memref_slice %arg22[%dma_start3A_267, %dma_start3A_269] : memref<8x128xf32, #tpu.memory_space<vmem>> -> memref<1x128xf32, #tpu.memory_space<vmem>>
      %dma_start3A_271 = tpu.memref_squeeze %dma_start3A_270 : memref<1x128xf32, #tpu.memory_space<vmem>> -> memref<128xf32, #tpu.memory_space<vmem>>
      %dma_start3A_272 = arith.constant 0 : i32
      %dma_start3A_273 = tpu.memref_slice %arg20[%dma_start3A_268, %dma_start3A_272] : memref<8x128xi32, #tpu.memory_space<vmem>> -> memref<1x128xi32, #tpu.memory_space<vmem>>
      %dma_start3A_274 = tpu.memref_squeeze %dma_start3A_273 : memref<1x128xi32, #tpu.memory_space<vmem>> -> memref<128xi32, #tpu.memory_space<vmem>>
      %dma_start3A_275 = arith.constant 0 : i32
      %dma_start3A_276 = tpu.memref_slice %arg11[%dma_start3A_275] : memref<256xf32, #tpu.memory_space<vmem_shared>> -> memref<256xf32, #tpu.memory_space<vmem_shared>>
      tpu.enqueue_indirect_dma source(%dma_start3A_271 : memref<128xf32, #tpu.memory_space<vmem>>) target(%dma_start3A_276 : memref<256xf32, #tpu.memory_space<vmem_shared>>) offsets(%dma_start3A_274 : memref<128xi32, #tpu.memory_space<vmem>>) semaphore(%arg35 : memref<!tpu.dma_semaphore, #tpu.memory_space<semaphore_mem>>) {add = true}
      %dma_start3A_277 = arith.constant 5 : i32
      %dma_start3A_278 = arith.constant 5 : i32
      %dma_start3A_279 = arith.constant 0 : i32
      %dma_start3A_280 = tpu.memref_slice %arg23[%dma_start3A_277, %dma_start3A_279] : memref<8x128xf32, #tpu.memory_space<vmem>> -> memref<1x128xf32, #tpu.memory_space<vmem>>
      %dma_start3A_281 = tpu.memref_squeeze %dma_start3A_280 : memref<1x128xf32, #tpu.memory_space<vmem>> -> memref<128xf32, #tpu.memory_space<vmem>>
      %dma_start3A_282 = arith.constant 0 : i32
      %dma_start3A_283 = tpu.memref_slice %arg20[%dma_start3A_278, %dma_start3A_282] : memref<8x128xi32, #tpu.memory_space<vmem>> -> memref<1x128xi32, #tpu.memory_space<vmem>>
      %dma_start3A_284 = tpu.memref_squeeze %dma_start3A_283 : memref<1x128xi32, #tpu.memory_space<vmem>> -> memref<128xi32, #tpu.memory_space<vmem>>
      %dma_start3A_285 = arith.constant 0 : i32
      %dma_start3A_286 = tpu.memref_slice %arg12[%dma_start3A_285] : memref<256xf32, #tpu.memory_space<vmem_shared>> -> memref<256xf32, #tpu.memory_space<vmem_shared>>
      tpu.enqueue_indirect_dma source(%dma_start3A_281 : memref<128xf32, #tpu.memory_space<vmem>>) target(%dma_start3A_286 : memref<256xf32, #tpu.memory_space<vmem_shared>>) offsets(%dma_start3A_284 : memref<128xi32, #tpu.memory_space<vmem>>) semaphore(%arg35 : memref<!tpu.dma_semaphore, #tpu.memory_space<semaphore_mem>>) {add = true}
      %dma_start3A_287 = arith.constant 5 : i32
      %dma_start3A_288 = arith.constant 0 : i32
      %dma_start3A_289 = tpu.memref_slice %arg20[%dma_start3A_287, %dma_start3A_288] : memref<8x128xi32, #tpu.memory_space<vmem>> -> memref<1x128xi32, #tpu.memory_space<vmem>>
      %dma_start3A_290 = tpu.memref_squeeze %dma_start3A_289 : memref<1x128xi32, #tpu.memory_space<vmem>> -> memref<128xi32, #tpu.memory_space<vmem>>
      %dma_start3A_291 = arith.constant 0 : i32
      %dma_start3A_292 = tpu.memref_slice %arg14[%dma_start3A_291] : memref<256xf32, #tpu.memory_space<vmem_shared>> -> memref<256xf32, #tpu.memory_space<vmem_shared>>
      tpu.enqueue_indirect_dma source(%arg17 : memref<128xf32, #tpu.memory_space<vmem>>) target(%dma_start3A_292 : memref<256xf32, #tpu.memory_space<vmem_shared>>) offsets(%dma_start3A_290 : memref<128xi32, #tpu.memory_space<vmem>>) semaphore(%arg35 : memref<!tpu.dma_semaphore, #tpu.memory_space<semaphore_mem>>) {add = true}
      %dma_start3A_293 = arith.constant 6 : i32
      %dma_start3A_294 = arith.constant 768 : i32
      %dma_start3A_295 = tpu.memref_slice %arg26[%dma_start3A_294] : memref<1024xf32, #tpu.memory_space<vmem>> -> memref<128xf32, #tpu.memory_space<vmem>>
      %dma_start3A_296 = arith.constant 0 : i32
      %dma_start3A_297 = tpu.memref_slice %arg20[%dma_start3A_293, %dma_start3A_296] : memref<8x128xi32, #tpu.memory_space<vmem>> -> memref<1x128xi32, #tpu.memory_space<vmem>>
      %dma_start3A_298 = tpu.memref_squeeze %dma_start3A_297 : memref<1x128xi32, #tpu.memory_space<vmem>> -> memref<128xi32, #tpu.memory_space<vmem>>
      %dma_start3A_299 = arith.constant 0 : i32
      %dma_start3A_300 = tpu.memref_slice %arg13[%dma_start3A_299] : memref<256xf32, #tpu.memory_space<vmem_shared>> -> memref<256xf32, #tpu.memory_space<vmem_shared>>
      tpu.enqueue_indirect_dma source(%dma_start3A_295 : memref<128xf32, #tpu.memory_space<vmem>>) target(%dma_start3A_300 : memref<256xf32, #tpu.memory_space<vmem_shared>>) offsets(%dma_start3A_298 : memref<128xi32, #tpu.memory_space<vmem>>) semaphore(%arg35 : memref<!tpu.dma_semaphore, #tpu.memory_space<semaphore_mem>>) {add = true}
      %dma_start3A_301 = arith.constant 6 : i32
      %dma_start3A_302 = arith.constant 6 : i32
      %dma_start3A_303 = arith.constant 0 : i32
      %dma_start3A_304 = tpu.memref_slice %arg21[%dma_start3A_301, %dma_start3A_303] : memref<8x128xf32, #tpu.memory_space<vmem>> -> memref<1x128xf32, #tpu.memory_space<vmem>>
      %dma_start3A_305 = tpu.memref_squeeze %dma_start3A_304 : memref<1x128xf32, #tpu.memory_space<vmem>> -> memref<128xf32, #tpu.memory_space<vmem>>
      %dma_start3A_306 = arith.constant 0 : i32
      %dma_start3A_307 = tpu.memref_slice %arg20[%dma_start3A_302, %dma_start3A_306] : memref<8x128xi32, #tpu.memory_space<vmem>> -> memref<1x128xi32, #tpu.memory_space<vmem>>
      %dma_start3A_308 = tpu.memref_squeeze %dma_start3A_307 : memref<1x128xi32, #tpu.memory_space<vmem>> -> memref<128xi32, #tpu.memory_space<vmem>>
      %dma_start3A_309 = arith.constant 0 : i32
      %dma_start3A_310 = tpu.memref_slice %arg10[%dma_start3A_309] : memref<256xf32, #tpu.memory_space<vmem_shared>> -> memref<256xf32, #tpu.memory_space<vmem_shared>>
      tpu.enqueue_indirect_dma source(%dma_start3A_305 : memref<128xf32, #tpu.memory_space<vmem>>) target(%dma_start3A_310 : memref<256xf32, #tpu.memory_space<vmem_shared>>) offsets(%dma_start3A_308 : memref<128xi32, #tpu.memory_space<vmem>>) semaphore(%arg35 : memref<!tpu.dma_semaphore, #tpu.memory_space<semaphore_mem>>) {add = true}
      %dma_start3A_311 = arith.constant 6 : i32
      %dma_start3A_312 = arith.constant 6 : i32
      %dma_start3A_313 = arith.constant 0 : i32
      %dma_start3A_314 = tpu.memref_slice %arg22[%dma_start3A_311, %dma_start3A_313] : memref<8x128xf32, #tpu.memory_space<vmem>> -> memref<1x128xf32, #tpu.memory_space<vmem>>
      %dma_start3A_315 = tpu.memref_squeeze %dma_start3A_314 : memref<1x128xf32, #tpu.memory_space<vmem>> -> memref<128xf32, #tpu.memory_space<vmem>>
      %dma_start3A_316 = arith.constant 0 : i32
      %dma_start3A_317 = tpu.memref_slice %arg20[%dma_start3A_312, %dma_start3A_316] : memref<8x128xi32, #tpu.memory_space<vmem>> -> memref<1x128xi32, #tpu.memory_space<vmem>>
      %dma_start3A_318 = tpu.memref_squeeze %dma_start3A_317 : memref<1x128xi32, #tpu.memory_space<vmem>> -> memref<128xi32, #tpu.memory_space<vmem>>
      %dma_start3A_319 = arith.constant 0 : i32
      %dma_start3A_320 = tpu.memref_slice %arg11[%dma_start3A_319] : memref<256xf32, #tpu.memory_space<vmem_shared>> -> memref<256xf32, #tpu.memory_space<vmem_shared>>
      tpu.enqueue_indirect_dma source(%dma_start3A_315 : memref<128xf32, #tpu.memory_space<vmem>>) target(%dma_start3A_320 : memref<256xf32, #tpu.memory_space<vmem_shared>>) offsets(%dma_start3A_318 : memref<128xi32, #tpu.memory_space<vmem>>) semaphore(%arg35 : memref<!tpu.dma_semaphore, #tpu.memory_space<semaphore_mem>>) {add = true}
      %dma_start3A_321 = arith.constant 6 : i32
      %dma_start3A_322 = arith.constant 6 : i32
      %dma_start3A_323 = arith.constant 0 : i32
      %dma_start3A_324 = tpu.memref_slice %arg23[%dma_start3A_321, %dma_start3A_323] : memref<8x128xf32, #tpu.memory_space<vmem>> -> memref<1x128xf32, #tpu.memory_space<vmem>>
      %dma_start3A_325 = tpu.memref_squeeze %dma_start3A_324 : memref<1x128xf32, #tpu.memory_space<vmem>> -> memref<128xf32, #tpu.memory_space<vmem>>
      %dma_start3A_326 = arith.constant 0 : i32
      %dma_start3A_327 = tpu.memref_slice %arg20[%dma_start3A_322, %dma_start3A_326] : memref<8x128xi32, #tpu.memory_space<vmem>> -> memref<1x128xi32, #tpu.memory_space<vmem>>
      %dma_start3A_328 = tpu.memref_squeeze %dma_start3A_327 : memref<1x128xi32, #tpu.memory_space<vmem>> -> memref<128xi32, #tpu.memory_space<vmem>>
      %dma_start3A_329 = arith.constant 0 : i32
      %dma_start3A_330 = tpu.memref_slice %arg12[%dma_start3A_329] : memref<256xf32, #tpu.memory_space<vmem_shared>> -> memref<256xf32, #tpu.memory_space<vmem_shared>>
      tpu.enqueue_indirect_dma source(%dma_start3A_325 : memref<128xf32, #tpu.memory_space<vmem>>) target(%dma_start3A_330 : memref<256xf32, #tpu.memory_space<vmem_shared>>) offsets(%dma_start3A_328 : memref<128xi32, #tpu.memory_space<vmem>>) semaphore(%arg35 : memref<!tpu.dma_semaphore, #tpu.memory_space<semaphore_mem>>) {add = true}
      %dma_start3A_331 = arith.constant 6 : i32
      %dma_start3A_332 = arith.constant 0 : i32
      %dma_start3A_333 = tpu.memref_slice %arg20[%dma_start3A_331, %dma_start3A_332] : memref<8x128xi32, #tpu.memory_space<vmem>> -> memref<1x128xi32, #tpu.memory_space<vmem>>
      %dma_start3A_334 = tpu.memref_squeeze %dma_start3A_333 : memref<1x128xi32, #tpu.memory_space<vmem>> -> memref<128xi32, #tpu.memory_space<vmem>>
      %dma_start3A_335 = arith.constant 0 : i32
      %dma_start3A_336 = tpu.memref_slice %arg14[%dma_start3A_335] : memref<256xf32, #tpu.memory_space<vmem_shared>> -> memref<256xf32, #tpu.memory_space<vmem_shared>>
      tpu.enqueue_indirect_dma source(%arg17 : memref<128xf32, #tpu.memory_space<vmem>>) target(%dma_start3A_336 : memref<256xf32, #tpu.memory_space<vmem_shared>>) offsets(%dma_start3A_334 : memref<128xi32, #tpu.memory_space<vmem>>) semaphore(%arg35 : memref<!tpu.dma_semaphore, #tpu.memory_space<semaphore_mem>>) {add = true}
      %dma_start3A_337 = arith.constant 7 : i32
      %dma_start3A_338 = arith.constant 896 : i32
      %dma_start3A_339 = tpu.memref_slice %arg26[%dma_start3A_338] : memref<1024xf32, #tpu.memory_space<vmem>> -> memref<128xf32, #tpu.memory_space<vmem>>
      %dma_start3A_340 = arith.constant 0 : i32
      %dma_start3A_341 = tpu.memref_slice %arg20[%dma_start3A_337, %dma_start3A_340] : memref<8x128xi32, #tpu.memory_space<vmem>> -> memref<1x128xi32, #tpu.memory_space<vmem>>
      %dma_start3A_342 = tpu.memref_squeeze %dma_start3A_341 : memref<1x128xi32, #tpu.memory_space<vmem>> -> memref<128xi32, #tpu.memory_space<vmem>>
      %dma_start3A_343 = arith.constant 0 : i32
      %dma_start3A_344 = tpu.memref_slice %arg13[%dma_start3A_343] : memref<256xf32, #tpu.memory_space<vmem_shared>> -> memref<256xf32, #tpu.memory_space<vmem_shared>>
      tpu.enqueue_indirect_dma source(%dma_start3A_339 : memref<128xf32, #tpu.memory_space<vmem>>) target(%dma_start3A_344 : memref<256xf32, #tpu.memory_space<vmem_shared>>) offsets(%dma_start3A_342 : memref<128xi32, #tpu.memory_space<vmem>>) semaphore(%arg35 : memref<!tpu.dma_semaphore, #tpu.memory_space<semaphore_mem>>) {add = true}
      %dma_start3A_345 = arith.constant 7 : i32
      %dma_start3A_346 = arith.constant 7 : i32
      %dma_start3A_347 = arith.constant 0 : i32
      %dma_start3A_348 = tpu.memref_slice %arg21[%dma_start3A_345, %dma_start3A_347] : memref<8x128xf32, #tpu.memory_space<vmem>> -> memref<1x128xf32, #tpu.memory_space<vmem>>
      %dma_start3A_349 = tpu.memref_squeeze %dma_start3A_348 : memref<1x128xf32, #tpu.memory_space<vmem>> -> memref<128xf32, #tpu.memory_space<vmem>>
      %dma_start3A_350 = arith.constant 0 : i32
      %dma_start3A_351 = tpu.memref_slice %arg20[%dma_start3A_346, %dma_start3A_350] : memref<8x128xi32, #tpu.memory_space<vmem>> -> memref<1x128xi32, #tpu.memory_space<vmem>>
      %dma_start3A_352 = tpu.memref_squeeze %dma_start3A_351 : memref<1x128xi32, #tpu.memory_space<vmem>> -> memref<128xi32, #tpu.memory_space<vmem>>
      %dma_start3A_353 = arith.constant 0 : i32
      %dma_start3A_354 = tpu.memref_slice %arg10[%dma_start3A_353] : memref<256xf32, #tpu.memory_space<vmem_shared>> -> memref<256xf32, #tpu.memory_space<vmem_shared>>
      tpu.enqueue_indirect_dma source(%dma_start3A_349 : memref<128xf32, #tpu.memory_space<vmem>>) target(%dma_start3A_354 : memref<256xf32, #tpu.memory_space<vmem_shared>>) offsets(%dma_start3A_352 : memref<128xi32, #tpu.memory_space<vmem>>) semaphore(%arg35 : memref<!tpu.dma_semaphore, #tpu.memory_space<semaphore_mem>>) {add = true}
      %dma_start3A_355 = arith.constant 7 : i32
      %dma_start3A_356 = arith.constant 7 : i32
      %dma_start3A_357 = arith.constant 0 : i32
      %dma_start3A_358 = tpu.memref_slice %arg22[%dma_start3A_355, %dma_start3A_357] : memref<8x128xf32, #tpu.memory_space<vmem>> -> memref<1x128xf32, #tpu.memory_space<vmem>>
      %dma_start3A_359 = tpu.memref_squeeze %dma_start3A_358 : memref<1x128xf32, #tpu.memory_space<vmem>> -> memref<128xf32, #tpu.memory_space<vmem>>
      %dma_start3A_360 = arith.constant 0 : i32
      %dma_start3A_361 = tpu.memref_slice %arg20[%dma_start3A_356, %dma_start3A_360] : memref<8x128xi32, #tpu.memory_space<vmem>> -> memref<1x128xi32, #tpu.memory_space<vmem>>
      %dma_start3A_362 = tpu.memref_squeeze %dma_start3A_361 : memref<1x128xi32, #tpu.memory_space<vmem>> -> memref<128xi32, #tpu.memory_space<vmem>>
      %dma_start3A_363 = arith.constant 0 : i32
      %dma_start3A_364 = tpu.memref_slice %arg11[%dma_start3A_363] : memref<256xf32, #tpu.memory_space<vmem_shared>> -> memref<256xf32, #tpu.memory_space<vmem_shared>>
      tpu.enqueue_indirect_dma source(%dma_start3A_359 : memref<128xf32, #tpu.memory_space<vmem>>) target(%dma_start3A_364 : memref<256xf32, #tpu.memory_space<vmem_shared>>) offsets(%dma_start3A_362 : memref<128xi32, #tpu.memory_space<vmem>>) semaphore(%arg35 : memref<!tpu.dma_semaphore, #tpu.memory_space<semaphore_mem>>) {add = true}
      %dma_start3A_365 = arith.constant 7 : i32
      %dma_start3A_366 = arith.constant 7 : i32
      %dma_start3A_367 = arith.constant 0 : i32
      %dma_start3A_368 = tpu.memref_slice %arg23[%dma_start3A_365, %dma_start3A_367] : memref<8x128xf32, #tpu.memory_space<vmem>> -> memref<1x128xf32, #tpu.memory_space<vmem>>
      %dma_start3A_369 = tpu.memref_squeeze %dma_start3A_368 : memref<1x128xf32, #tpu.memory_space<vmem>> -> memref<128xf32, #tpu.memory_space<vmem>>
      %dma_start3A_370 = arith.constant 0 : i32
      %dma_start3A_371 = tpu.memref_slice %arg20[%dma_start3A_366, %dma_start3A_370] : memref<8x128xi32, #tpu.memory_space<vmem>> -> memref<1x128xi32, #tpu.memory_space<vmem>>
      %dma_start3A_372 = tpu.memref_squeeze %dma_start3A_371 : memref<1x128xi32, #tpu.memory_space<vmem>> -> memref<128xi32, #tpu.memory_space<vmem>>
      %dma_start3A_373 = arith.constant 0 : i32
      %dma_start3A_374 = tpu.memref_slice %arg12[%dma_start3A_373] : memref<256xf32, #tpu.memory_space<vmem_shared>> -> memref<256xf32, #tpu.memory_space<vmem_shared>>
      tpu.enqueue_indirect_dma source(%dma_start3A_369 : memref<128xf32, #tpu.memory_space<vmem>>) target(%dma_start3A_374 : memref<256xf32, #tpu.memory_space<vmem_shared>>) offsets(%dma_start3A_372 : memref<128xi32, #tpu.memory_space<vmem>>) semaphore(%arg35 : memref<!tpu.dma_semaphore, #tpu.memory_space<semaphore_mem>>) {add = true}
      %dma_start3A_375 = arith.constant 7 : i32
      %dma_start3A_376 = arith.constant 0 : i32
      %dma_start3A_377 = tpu.memref_slice %arg20[%dma_start3A_375, %dma_start3A_376] : memref<8x128xi32, #tpu.memory_space<vmem>> -> memref<1x128xi32, #tpu.memory_space<vmem>>
      %dma_start3A_378 = tpu.memref_squeeze %dma_start3A_377 : memref<1x128xi32, #tpu.memory_space<vmem>> -> memref<128xi32, #tpu.memory_space<vmem>>
      %dma_start3A_379 = arith.constant 0 : i32
      %dma_start3A_380 = tpu.memref_slice %arg14[%dma_start3A_379] : memref<256xf32, #tpu.memory_space<vmem_shared>> -> memref<256xf32, #tpu.memory_space<vmem_shared>>
      tpu.enqueue_indirect_dma source(%arg17 : memref<128xf32, #tpu.memory_space<vmem>>) target(%dma_start3A_380 : memref<256xf32, #tpu.memory_space<vmem_shared>>) offsets(%dma_start3A_378 : memref<128xi32, #tpu.memory_space<vmem>>) semaphore(%arg35 : memref<!tpu.dma_semaphore, #tpu.memory_space<semaphore_mem>>) {add = true}
      %dma_wait3A = arith.constant 0 : i32
      %dma_wait3A_381 = arith.constant 0 : i32
      %dma_wait3A_382 = tpu.memref_slice %arg26[%dma_wait3A_381] : memref<1024xf32, #tpu.memory_space<vmem>> -> memref<128xf32, #tpu.memory_space<vmem>>
      %dma_wait3A_383 = arith.constant 0 : i32
      %dma_wait3A_384 = tpu.memref_slice %arg20[%dma_wait3A, %dma_wait3A_383] : memref<8x128xi32, #tpu.memory_space<vmem>> -> memref<1x128xi32, #tpu.memory_space<vmem>>
      %dma_wait3A_385 = tpu.memref_squeeze %dma_wait3A_384 : memref<1x128xi32, #tpu.memory_space<vmem>> -> memref<128xi32, #tpu.memory_space<vmem>>
      %dma_wait3A_386 = arith.constant 0 : i32
      %dma_wait3A_387 = tpu.memref_slice %arg13[%dma_wait3A_386] : memref<256xf32, #tpu.memory_space<vmem_shared>> -> memref<256xf32, #tpu.memory_space<vmem_shared>>
      tpu.wait_indirect_dma semaphore(%arg35 : memref<!tpu.dma_semaphore, #tpu.memory_space<semaphore_mem>>) src(%dma_wait3A_382 : memref<128xf32, #tpu.memory_space<vmem>>) dst(%dma_wait3A_387 : memref<256xf32, #tpu.memory_space<vmem_shared>>)
      %dma_wait3A_388 = arith.constant 0 : i32
      %dma_wait3A_389 = arith.constant 0 : i32
      %dma_wait3A_390 = arith.constant 0 : i32
      %dma_wait3A_391 = tpu.memref_slice %arg21[%dma_wait3A_388, %dma_wait3A_390] : memref<8x128xf32, #tpu.memory_space<vmem>> -> memref<1x128xf32, #tpu.memory_space<vmem>>
      %dma_wait3A_392 = tpu.memref_squeeze %dma_wait3A_391 : memref<1x128xf32, #tpu.memory_space<vmem>> -> memref<128xf32, #tpu.memory_space<vmem>>
      %dma_wait3A_393 = arith.constant 0 : i32
      %dma_wait3A_394 = tpu.memref_slice %arg20[%dma_wait3A_389, %dma_wait3A_393] : memref<8x128xi32, #tpu.memory_space<vmem>> -> memref<1x128xi32, #tpu.memory_space<vmem>>
      %dma_wait3A_395 = tpu.memref_squeeze %dma_wait3A_394 : memref<1x128xi32, #tpu.memory_space<vmem>> -> memref<128xi32, #tpu.memory_space<vmem>>
      %dma_wait3A_396 = arith.constant 0 : i32
      %dma_wait3A_397 = tpu.memref_slice %arg10[%dma_wait3A_396] : memref<256xf32, #tpu.memory_space<vmem_shared>> -> memref<256xf32, #tpu.memory_space<vmem_shared>>
      tpu.wait_indirect_dma semaphore(%arg35 : memref<!tpu.dma_semaphore, #tpu.memory_space<semaphore_mem>>) src(%dma_wait3A_392 : memref<128xf32, #tpu.memory_space<vmem>>) dst(%dma_wait3A_397 : memref<256xf32, #tpu.memory_space<vmem_shared>>)
      %dma_wait3A_398 = arith.constant 0 : i32
      %dma_wait3A_399 = arith.constant 0 : i32
      %dma_wait3A_400 = arith.constant 0 : i32
      %dma_wait3A_401 = tpu.memref_slice %arg22[%dma_wait3A_398, %dma_wait3A_400] : memref<8x128xf32, #tpu.memory_space<vmem>> -> memref<1x128xf32, #tpu.memory_space<vmem>>
      %dma_wait3A_402 = tpu.memref_squeeze %dma_wait3A_401 : memref<1x128xf32, #tpu.memory_space<vmem>> -> memref<128xf32, #tpu.memory_space<vmem>>
      %dma_wait3A_403 = arith.constant 0 : i32
      %dma_wait3A_404 = tpu.memref_slice %arg20[%dma_wait3A_399, %dma_wait3A_403] : memref<8x128xi32, #tpu.memory_space<vmem>> -> memref<1x128xi32, #tpu.memory_space<vmem>>
      %dma_wait3A_405 = tpu.memref_squeeze %dma_wait3A_404 : memref<1x128xi32, #tpu.memory_space<vmem>> -> memref<128xi32, #tpu.memory_space<vmem>>
      %dma_wait3A_406 = arith.constant 0 : i32
      %dma_wait3A_407 = tpu.memref_slice %arg11[%dma_wait3A_406] : memref<256xf32, #tpu.memory_space<vmem_shared>> -> memref<256xf32, #tpu.memory_space<vmem_shared>>
      tpu.wait_indirect_dma semaphore(%arg35 : memref<!tpu.dma_semaphore, #tpu.memory_space<semaphore_mem>>) src(%dma_wait3A_402 : memref<128xf32, #tpu.memory_space<vmem>>) dst(%dma_wait3A_407 : memref<256xf32, #tpu.memory_space<vmem_shared>>)
      %dma_wait3A_408 = arith.constant 0 : i32
      %dma_wait3A_409 = arith.constant 0 : i32
      %dma_wait3A_410 = arith.constant 0 : i32
      %dma_wait3A_411 = tpu.memref_slice %arg23[%dma_wait3A_408, %dma_wait3A_410] : memref<8x128xf32, #tpu.memory_space<vmem>> -> memref<1x128xf32, #tpu.memory_space<vmem>>
      %dma_wait3A_412 = tpu.memref_squeeze %dma_wait3A_411 : memref<1x128xf32, #tpu.memory_space<vmem>> -> memref<128xf32, #tpu.memory_space<vmem>>
      %dma_wait3A_413 = arith.constant 0 : i32
      %dma_wait3A_414 = tpu.memref_slice %arg20[%dma_wait3A_409, %dma_wait3A_413] : memref<8x128xi32, #tpu.memory_space<vmem>> -> memref<1x128xi32, #tpu.memory_space<vmem>>
      %dma_wait3A_415 = tpu.memref_squeeze %dma_wait3A_414 : memref<1x128xi32, #tpu.memory_space<vmem>> -> memref<128xi32, #tpu.memory_space<vmem>>
      %dma_wait3A_416 = arith.constant 0 : i32
      %dma_wait3A_417 = tpu.memref_slice %arg12[%dma_wait3A_416] : memref<256xf32, #tpu.memory_space<vmem_shared>> -> memref<256xf32, #tpu.memory_space<vmem_shared>>
      tpu.wait_indirect_dma semaphore(%arg35 : memref<!tpu.dma_semaphore, #tpu.memory_space<semaphore_mem>>) src(%dma_wait3A_412 : memref<128xf32, #tpu.memory_space<vmem>>) dst(%dma_wait3A_417 : memref<256xf32, #tpu.memory_space<vmem_shared>>)
      %dma_wait3A_418 = arith.constant 0 : i32
      %dma_wait3A_419 = arith.constant 0 : i32
      %dma_wait3A_420 = tpu.memref_slice %arg20[%dma_wait3A_418, %dma_wait3A_419] : memref<8x128xi32, #tpu.memory_space<vmem>> -> memref<1x128xi32, #tpu.memory_space<vmem>>
      %dma_wait3A_421 = tpu.memref_squeeze %dma_wait3A_420 : memref<1x128xi32, #tpu.memory_space<vmem>> -> memref<128xi32, #tpu.memory_space<vmem>>
      %dma_wait3A_422 = arith.constant 0 : i32
      %dma_wait3A_423 = tpu.memref_slice %arg14[%dma_wait3A_422] : memref<256xf32, #tpu.memory_space<vmem_shared>> -> memref<256xf32, #tpu.memory_space<vmem_shared>>
      tpu.wait_indirect_dma semaphore(%arg35 : memref<!tpu.dma_semaphore, #tpu.memory_space<semaphore_mem>>) src(%arg17 : memref<128xf32, #tpu.memory_space<vmem>>) dst(%dma_wait3A_423 : memref<256xf32, #tpu.memory_space<vmem_shared>>)
      %dma_wait3A_424 = arith.constant 1 : i32
      %dma_wait3A_425 = arith.constant 128 : i32
      %dma_wait3A_426 = tpu.memref_slice %arg26[%dma_wait3A_425] : memref<1024xf32, #tpu.memory_space<vmem>> -> memref<128xf32, #tpu.memory_space<vmem>>
      %dma_wait3A_427 = arith.constant 0 : i32
      %dma_wait3A_428 = tpu.memref_slice %arg20[%dma_wait3A_424, %dma_wait3A_427] : memref<8x128xi32, #tpu.memory_space<vmem>> -> memref<1x128xi32, #tpu.memory_space<vmem>>
      %dma_wait3A_429 = tpu.memref_squeeze %dma_wait3A_428 : memref<1x128xi32, #tpu.memory_space<vmem>> -> memref<128xi32, #tpu.memory_space<vmem>>
      %dma_wait3A_430 = arith.constant 0 : i32
      %dma_wait3A_431 = tpu.memref_slice %arg13[%dma_wait3A_430] : memref<256xf32, #tpu.memory_space<vmem_shared>> -> memref<256xf32, #tpu.memory_space<vmem_shared>>
      tpu.wait_indirect_dma semaphore(%arg35 : memref<!tpu.dma_semaphore, #tpu.memory_space<semaphore_mem>>) src(%dma_wait3A_426 : memref<128xf32, #tpu.memory_space<vmem>>) dst(%dma_wait3A_431 : memref<256xf32, #tpu.memory_space<vmem_shared>>)
      %dma_wait3A_432 = arith.constant 1 : i32
      %dma_wait3A_433 = arith.constant 1 : i32
      %dma_wait3A_434 = arith.constant 0 : i32
      %dma_wait3A_435 = tpu.memref_slice %arg21[%dma_wait3A_432, %dma_wait3A_434] : memref<8x128xf32, #tpu.memory_space<vmem>> -> memref<1x128xf32, #tpu.memory_space<vmem>>
      %dma_wait3A_436 = tpu.memref_squeeze %dma_wait3A_435 : memref<1x128xf32, #tpu.memory_space<vmem>> -> memref<128xf32, #tpu.memory_space<vmem>>
      %dma_wait3A_437 = arith.constant 0 : i32
      %dma_wait3A_438 = tpu.memref_slice %arg20[%dma_wait3A_433, %dma_wait3A_437] : memref<8x128xi32, #tpu.memory_space<vmem>> -> memref<1x128xi32, #tpu.memory_space<vmem>>
      %dma_wait3A_439 = tpu.memref_squeeze %dma_wait3A_438 : memref<1x128xi32, #tpu.memory_space<vmem>> -> memref<128xi32, #tpu.memory_space<vmem>>
      %dma_wait3A_440 = arith.constant 0 : i32
      %dma_wait3A_441 = tpu.memref_slice %arg10[%dma_wait3A_440] : memref<256xf32, #tpu.memory_space<vmem_shared>> -> memref<256xf32, #tpu.memory_space<vmem_shared>>
      tpu.wait_indirect_dma semaphore(%arg35 : memref<!tpu.dma_semaphore, #tpu.memory_space<semaphore_mem>>) src(%dma_wait3A_436 : memref<128xf32, #tpu.memory_space<vmem>>) dst(%dma_wait3A_441 : memref<256xf32, #tpu.memory_space<vmem_shared>>)
      %dma_wait3A_442 = arith.constant 1 : i32
      %dma_wait3A_443 = arith.constant 1 : i32
      %dma_wait3A_444 = arith.constant 0 : i32
      %dma_wait3A_445 = tpu.memref_slice %arg22[%dma_wait3A_442, %dma_wait3A_444] : memref<8x128xf32, #tpu.memory_space<vmem>> -> memref<1x128xf32, #tpu.memory_space<vmem>>
      %dma_wait3A_446 = tpu.memref_squeeze %dma_wait3A_445 : memref<1x128xf32, #tpu.memory_space<vmem>> -> memref<128xf32, #tpu.memory_space<vmem>>
      %dma_wait3A_447 = arith.constant 0 : i32
      %dma_wait3A_448 = tpu.memref_slice %arg20[%dma_wait3A_443, %dma_wait3A_447] : memref<8x128xi32, #tpu.memory_space<vmem>> -> memref<1x128xi32, #tpu.memory_space<vmem>>
      %dma_wait3A_449 = tpu.memref_squeeze %dma_wait3A_448 : memref<1x128xi32, #tpu.memory_space<vmem>> -> memref<128xi32, #tpu.memory_space<vmem>>
      %dma_wait3A_450 = arith.constant 0 : i32
      %dma_wait3A_451 = tpu.memref_slice %arg11[%dma_wait3A_450] : memref<256xf32, #tpu.memory_space<vmem_shared>> -> memref<256xf32, #tpu.memory_space<vmem_shared>>
      tpu.wait_indirect_dma semaphore(%arg35 : memref<!tpu.dma_semaphore, #tpu.memory_space<semaphore_mem>>) src(%dma_wait3A_446 : memref<128xf32, #tpu.memory_space<vmem>>) dst(%dma_wait3A_451 : memref<256xf32, #tpu.memory_space<vmem_shared>>)
      %dma_wait3A_452 = arith.constant 1 : i32
      %dma_wait3A_453 = arith.constant 1 : i32
      %dma_wait3A_454 = arith.constant 0 : i32
      %dma_wait3A_455 = tpu.memref_slice %arg23[%dma_wait3A_452, %dma_wait3A_454] : memref<8x128xf32, #tpu.memory_space<vmem>> -> memref<1x128xf32, #tpu.memory_space<vmem>>
      %dma_wait3A_456 = tpu.memref_squeeze %dma_wait3A_455 : memref<1x128xf32, #tpu.memory_space<vmem>> -> memref<128xf32, #tpu.memory_space<vmem>>
      %dma_wait3A_457 = arith.constant 0 : i32
      %dma_wait3A_458 = tpu.memref_slice %arg20[%dma_wait3A_453, %dma_wait3A_457] : memref<8x128xi32, #tpu.memory_space<vmem>> -> memref<1x128xi32, #tpu.memory_space<vmem>>
      %dma_wait3A_459 = tpu.memref_squeeze %dma_wait3A_458 : memref<1x128xi32, #tpu.memory_space<vmem>> -> memref<128xi32, #tpu.memory_space<vmem>>
      %dma_wait3A_460 = arith.constant 0 : i32
      %dma_wait3A_461 = tpu.memref_slice %arg12[%dma_wait3A_460] : memref<256xf32, #tpu.memory_space<vmem_shared>> -> memref<256xf32, #tpu.memory_space<vmem_shared>>
      tpu.wait_indirect_dma semaphore(%arg35 : memref<!tpu.dma_semaphore, #tpu.memory_space<semaphore_mem>>) src(%dma_wait3A_456 : memref<128xf32, #tpu.memory_space<vmem>>) dst(%dma_wait3A_461 : memref<256xf32, #tpu.memory_space<vmem_shared>>)
      %dma_wait3A_462 = arith.constant 1 : i32
      %dma_wait3A_463 = arith.constant 0 : i32
      %dma_wait3A_464 = tpu.memref_slice %arg20[%dma_wait3A_462, %dma_wait3A_463] : memref<8x128xi32, #tpu.memory_space<vmem>> -> memref<1x128xi32, #tpu.memory_space<vmem>>
      %dma_wait3A_465 = tpu.memref_squeeze %dma_wait3A_464 : memref<1x128xi32, #tpu.memory_space<vmem>> -> memref<128xi32, #tpu.memory_space<vmem>>
      %dma_wait3A_466 = arith.constant 0 : i32
      %dma_wait3A_467 = tpu.memref_slice %arg14[%dma_wait3A_466] : memref<256xf32, #tpu.memory_space<vmem_shared>> -> memref<256xf32, #tpu.memory_space<vmem_shared>>
      tpu.wait_indirect_dma semaphore(%arg35 : memref<!tpu.dma_semaphore, #tpu.memory_space<semaphore_mem>>) src(%arg17 : memref<128xf32, #tpu.memory_space<vmem>>) dst(%dma_wait3A_467 : memref<256xf32, #tpu.memory_space<vmem_shared>>)
      %dma_wait3A_468 = arith.constant 2 : i32
      %dma_wait3A_469 = arith.constant 256 : i32
      %dma_wait3A_470 = tpu.memref_slice %arg26[%dma_wait3A_469] : memref<1024xf32, #tpu.memory_space<vmem>> -> memref<128xf32, #tpu.memory_space<vmem>>
      %dma_wait3A_471 = arith.constant 0 : i32
      %dma_wait3A_472 = tpu.memref_slice %arg20[%dma_wait3A_468, %dma_wait3A_471] : memref<8x128xi32, #tpu.memory_space<vmem>> -> memref<1x128xi32, #tpu.memory_space<vmem>>
      %dma_wait3A_473 = tpu.memref_squeeze %dma_wait3A_472 : memref<1x128xi32, #tpu.memory_space<vmem>> -> memref<128xi32, #tpu.memory_space<vmem>>
      %dma_wait3A_474 = arith.constant 0 : i32
      %dma_wait3A_475 = tpu.memref_slice %arg13[%dma_wait3A_474] : memref<256xf32, #tpu.memory_space<vmem_shared>> -> memref<256xf32, #tpu.memory_space<vmem_shared>>
      tpu.wait_indirect_dma semaphore(%arg35 : memref<!tpu.dma_semaphore, #tpu.memory_space<semaphore_mem>>) src(%dma_wait3A_470 : memref<128xf32, #tpu.memory_space<vmem>>) dst(%dma_wait3A_475 : memref<256xf32, #tpu.memory_space<vmem_shared>>)
      %dma_wait3A_476 = arith.constant 2 : i32
      %dma_wait3A_477 = arith.constant 2 : i32
      %dma_wait3A_478 = arith.constant 0 : i32
      %dma_wait3A_479 = tpu.memref_slice %arg21[%dma_wait3A_476, %dma_wait3A_478] : memref<8x128xf32, #tpu.memory_space<vmem>> -> memref<1x128xf32, #tpu.memory_space<vmem>>
      %dma_wait3A_480 = tpu.memref_squeeze %dma_wait3A_479 : memref<1x128xf32, #tpu.memory_space<vmem>> -> memref<128xf32, #tpu.memory_space<vmem>>
      %dma_wait3A_481 = arith.constant 0 : i32
      %dma_wait3A_482 = tpu.memref_slice %arg20[%dma_wait3A_477, %dma_wait3A_481] : memref<8x128xi32, #tpu.memory_space<vmem>> -> memref<1x128xi32, #tpu.memory_space<vmem>>
      %dma_wait3A_483 = tpu.memref_squeeze %dma_wait3A_482 : memref<1x128xi32, #tpu.memory_space<vmem>> -> memref<128xi32, #tpu.memory_space<vmem>>
      %dma_wait3A_484 = arith.constant 0 : i32
      %dma_wait3A_485 = tpu.memref_slice %arg10[%dma_wait3A_484] : memref<256xf32, #tpu.memory_space<vmem_shared>> -> memref<256xf32, #tpu.memory_space<vmem_shared>>
      tpu.wait_indirect_dma semaphore(%arg35 : memref<!tpu.dma_semaphore, #tpu.memory_space<semaphore_mem>>) src(%dma_wait3A_480 : memref<128xf32, #tpu.memory_space<vmem>>) dst(%dma_wait3A_485 : memref<256xf32, #tpu.memory_space<vmem_shared>>)
      %dma_wait3A_486 = arith.constant 2 : i32
      %dma_wait3A_487 = arith.constant 2 : i32
      %dma_wait3A_488 = arith.constant 0 : i32
      %dma_wait3A_489 = tpu.memref_slice %arg22[%dma_wait3A_486, %dma_wait3A_488] : memref<8x128xf32, #tpu.memory_space<vmem>> -> memref<1x128xf32, #tpu.memory_space<vmem>>
      %dma_wait3A_490 = tpu.memref_squeeze %dma_wait3A_489 : memref<1x128xf32, #tpu.memory_space<vmem>> -> memref<128xf32, #tpu.memory_space<vmem>>
      %dma_wait3A_491 = arith.constant 0 : i32
      %dma_wait3A_492 = tpu.memref_slice %arg20[%dma_wait3A_487, %dma_wait3A_491] : memref<8x128xi32, #tpu.memory_space<vmem>> -> memref<1x128xi32, #tpu.memory_space<vmem>>
      %dma_wait3A_493 = tpu.memref_squeeze %dma_wait3A_492 : memref<1x128xi32, #tpu.memory_space<vmem>> -> memref<128xi32, #tpu.memory_space<vmem>>
      %dma_wait3A_494 = arith.constant 0 : i32
      %dma_wait3A_495 = tpu.memref_slice %arg11[%dma_wait3A_494] : memref<256xf32, #tpu.memory_space<vmem_shared>> -> memref<256xf32, #tpu.memory_space<vmem_shared>>
      tpu.wait_indirect_dma semaphore(%arg35 : memref<!tpu.dma_semaphore, #tpu.memory_space<semaphore_mem>>) src(%dma_wait3A_490 : memref<128xf32, #tpu.memory_space<vmem>>) dst(%dma_wait3A_495 : memref<256xf32, #tpu.memory_space<vmem_shared>>)
      %dma_wait3A_496 = arith.constant 2 : i32
      %dma_wait3A_497 = arith.constant 2 : i32
      %dma_wait3A_498 = arith.constant 0 : i32
      %dma_wait3A_499 = tpu.memref_slice %arg23[%dma_wait3A_496, %dma_wait3A_498] : memref<8x128xf32, #tpu.memory_space<vmem>> -> memref<1x128xf32, #tpu.memory_space<vmem>>
      %dma_wait3A_500 = tpu.memref_squeeze %dma_wait3A_499 : memref<1x128xf32, #tpu.memory_space<vmem>> -> memref<128xf32, #tpu.memory_space<vmem>>
      %dma_wait3A_501 = arith.constant 0 : i32
      %dma_wait3A_502 = tpu.memref_slice %arg20[%dma_wait3A_497, %dma_wait3A_501] : memref<8x128xi32, #tpu.memory_space<vmem>> -> memref<1x128xi32, #tpu.memory_space<vmem>>
      %dma_wait3A_503 = tpu.memref_squeeze %dma_wait3A_502 : memref<1x128xi32, #tpu.memory_space<vmem>> -> memref<128xi32, #tpu.memory_space<vmem>>
      %dma_wait3A_504 = arith.constant 0 : i32
      %dma_wait3A_505 = tpu.memref_slice %arg12[%dma_wait3A_504] : memref<256xf32, #tpu.memory_space<vmem_shared>> -> memref<256xf32, #tpu.memory_space<vmem_shared>>
      tpu.wait_indirect_dma semaphore(%arg35 : memref<!tpu.dma_semaphore, #tpu.memory_space<semaphore_mem>>) src(%dma_wait3A_500 : memref<128xf32, #tpu.memory_space<vmem>>) dst(%dma_wait3A_505 : memref<256xf32, #tpu.memory_space<vmem_shared>>)
      %dma_wait3A_506 = arith.constant 2 : i32
      %dma_wait3A_507 = arith.constant 0 : i32
      %dma_wait3A_508 = tpu.memref_slice %arg20[%dma_wait3A_506, %dma_wait3A_507] : memref<8x128xi32, #tpu.memory_space<vmem>> -> memref<1x128xi32, #tpu.memory_space<vmem>>
      %dma_wait3A_509 = tpu.memref_squeeze %dma_wait3A_508 : memref<1x128xi32, #tpu.memory_space<vmem>> -> memref<128xi32, #tpu.memory_space<vmem>>
      %dma_wait3A_510 = arith.constant 0 : i32
      %dma_wait3A_511 = tpu.memref_slice %arg14[%dma_wait3A_510] : memref<256xf32, #tpu.memory_space<vmem_shared>> -> memref<256xf32, #tpu.memory_space<vmem_shared>>
      tpu.wait_indirect_dma semaphore(%arg35 : memref<!tpu.dma_semaphore, #tpu.memory_space<semaphore_mem>>) src(%arg17 : memref<128xf32, #tpu.memory_space<vmem>>) dst(%dma_wait3A_511 : memref<256xf32, #tpu.memory_space<vmem_shared>>)
      %dma_wait3A_512 = arith.constant 3 : i32
      %dma_wait3A_513 = arith.constant 384 : i32
      %dma_wait3A_514 = tpu.memref_slice %arg26[%dma_wait3A_513] : memref<1024xf32, #tpu.memory_space<vmem>> -> memref<128xf32, #tpu.memory_space<vmem>>
      %dma_wait3A_515 = arith.constant 0 : i32
      %dma_wait3A_516 = tpu.memref_slice %arg20[%dma_wait3A_512, %dma_wait3A_515] : memref<8x128xi32, #tpu.memory_space<vmem>> -> memref<1x128xi32, #tpu.memory_space<vmem>>
      %dma_wait3A_517 = tpu.memref_squeeze %dma_wait3A_516 : memref<1x128xi32, #tpu.memory_space<vmem>> -> memref<128xi32, #tpu.memory_space<vmem>>
      %dma_wait3A_518 = arith.constant 0 : i32
      %dma_wait3A_519 = tpu.memref_slice %arg13[%dma_wait3A_518] : memref<256xf32, #tpu.memory_space<vmem_shared>> -> memref<256xf32, #tpu.memory_space<vmem_shared>>
      tpu.wait_indirect_dma semaphore(%arg35 : memref<!tpu.dma_semaphore, #tpu.memory_space<semaphore_mem>>) src(%dma_wait3A_514 : memref<128xf32, #tpu.memory_space<vmem>>) dst(%dma_wait3A_519 : memref<256xf32, #tpu.memory_space<vmem_shared>>)
      %dma_wait3A_520 = arith.constant 3 : i32
      %dma_wait3A_521 = arith.constant 3 : i32
      %dma_wait3A_522 = arith.constant 0 : i32
      %dma_wait3A_523 = tpu.memref_slice %arg21[%dma_wait3A_520, %dma_wait3A_522] : memref<8x128xf32, #tpu.memory_space<vmem>> -> memref<1x128xf32, #tpu.memory_space<vmem>>
      %dma_wait3A_524 = tpu.memref_squeeze %dma_wait3A_523 : memref<1x128xf32, #tpu.memory_space<vmem>> -> memref<128xf32, #tpu.memory_space<vmem>>
      %dma_wait3A_525 = arith.constant 0 : i32
      %dma_wait3A_526 = tpu.memref_slice %arg20[%dma_wait3A_521, %dma_wait3A_525] : memref<8x128xi32, #tpu.memory_space<vmem>> -> memref<1x128xi32, #tpu.memory_space<vmem>>
      %dma_wait3A_527 = tpu.memref_squeeze %dma_wait3A_526 : memref<1x128xi32, #tpu.memory_space<vmem>> -> memref<128xi32, #tpu.memory_space<vmem>>
      %dma_wait3A_528 = arith.constant 0 : i32
      %dma_wait3A_529 = tpu.memref_slice %arg10[%dma_wait3A_528] : memref<256xf32, #tpu.memory_space<vmem_shared>> -> memref<256xf32, #tpu.memory_space<vmem_shared>>
      tpu.wait_indirect_dma semaphore(%arg35 : memref<!tpu.dma_semaphore, #tpu.memory_space<semaphore_mem>>) src(%dma_wait3A_524 : memref<128xf32, #tpu.memory_space<vmem>>) dst(%dma_wait3A_529 : memref<256xf32, #tpu.memory_space<vmem_shared>>)
      %dma_wait3A_530 = arith.constant 3 : i32
      %dma_wait3A_531 = arith.constant 3 : i32
      %dma_wait3A_532 = arith.constant 0 : i32
      %dma_wait3A_533 = tpu.memref_slice %arg22[%dma_wait3A_530, %dma_wait3A_532] : memref<8x128xf32, #tpu.memory_space<vmem>> -> memref<1x128xf32, #tpu.memory_space<vmem>>
      %dma_wait3A_534 = tpu.memref_squeeze %dma_wait3A_533 : memref<1x128xf32, #tpu.memory_space<vmem>> -> memref<128xf32, #tpu.memory_space<vmem>>
      %dma_wait3A_535 = arith.constant 0 : i32
      %dma_wait3A_536 = tpu.memref_slice %arg20[%dma_wait3A_531, %dma_wait3A_535] : memref<8x128xi32, #tpu.memory_space<vmem>> -> memref<1x128xi32, #tpu.memory_space<vmem>>
      %dma_wait3A_537 = tpu.memref_squeeze %dma_wait3A_536 : memref<1x128xi32, #tpu.memory_space<vmem>> -> memref<128xi32, #tpu.memory_space<vmem>>
      %dma_wait3A_538 = arith.constant 0 : i32
      %dma_wait3A_539 = tpu.memref_slice %arg11[%dma_wait3A_538] : memref<256xf32, #tpu.memory_space<vmem_shared>> -> memref<256xf32, #tpu.memory_space<vmem_shared>>
      tpu.wait_indirect_dma semaphore(%arg35 : memref<!tpu.dma_semaphore, #tpu.memory_space<semaphore_mem>>) src(%dma_wait3A_534 : memref<128xf32, #tpu.memory_space<vmem>>) dst(%dma_wait3A_539 : memref<256xf32, #tpu.memory_space<vmem_shared>>)
      %dma_wait3A_540 = arith.constant 3 : i32
      %dma_wait3A_541 = arith.constant 3 : i32
      %dma_wait3A_542 = arith.constant 0 : i32
      %dma_wait3A_543 = tpu.memref_slice %arg23[%dma_wait3A_540, %dma_wait3A_542] : memref<8x128xf32, #tpu.memory_space<vmem>> -> memref<1x128xf32, #tpu.memory_space<vmem>>
      %dma_wait3A_544 = tpu.memref_squeeze %dma_wait3A_543 : memref<1x128xf32, #tpu.memory_space<vmem>> -> memref<128xf32, #tpu.memory_space<vmem>>
      %dma_wait3A_545 = arith.constant 0 : i32
      %dma_wait3A_546 = tpu.memref_slice %arg20[%dma_wait3A_541, %dma_wait3A_545] : memref<8x128xi32, #tpu.memory_space<vmem>> -> memref<1x128xi32, #tpu.memory_space<vmem>>
      %dma_wait3A_547 = tpu.memref_squeeze %dma_wait3A_546 : memref<1x128xi32, #tpu.memory_space<vmem>> -> memref<128xi32, #tpu.memory_space<vmem>>
      %dma_wait3A_548 = arith.constant 0 : i32
      %dma_wait3A_549 = tpu.memref_slice %arg12[%dma_wait3A_548] : memref<256xf32, #tpu.memory_space<vmem_shared>> -> memref<256xf32, #tpu.memory_space<vmem_shared>>
      tpu.wait_indirect_dma semaphore(%arg35 : memref<!tpu.dma_semaphore, #tpu.memory_space<semaphore_mem>>) src(%dma_wait3A_544 : memref<128xf32, #tpu.memory_space<vmem>>) dst(%dma_wait3A_549 : memref<256xf32, #tpu.memory_space<vmem_shared>>)
      %dma_wait3A_550 = arith.constant 3 : i32
      %dma_wait3A_551 = arith.constant 0 : i32
      %dma_wait3A_552 = tpu.memref_slice %arg20[%dma_wait3A_550, %dma_wait3A_551] : memref<8x128xi32, #tpu.memory_space<vmem>> -> memref<1x128xi32, #tpu.memory_space<vmem>>
      %dma_wait3A_553 = tpu.memref_squeeze %dma_wait3A_552 : memref<1x128xi32, #tpu.memory_space<vmem>> -> memref<128xi32, #tpu.memory_space<vmem>>
      %dma_wait3A_554 = arith.constant 0 : i32
      %dma_wait3A_555 = tpu.memref_slice %arg14[%dma_wait3A_554] : memref<256xf32, #tpu.memory_space<vmem_shared>> -> memref<256xf32, #tpu.memory_space<vmem_shared>>
      tpu.wait_indirect_dma semaphore(%arg35 : memref<!tpu.dma_semaphore, #tpu.memory_space<semaphore_mem>>) src(%arg17 : memref<128xf32, #tpu.memory_space<vmem>>) dst(%dma_wait3A_555 : memref<256xf32, #tpu.memory_space<vmem_shared>>)
      %dma_wait3A_556 = arith.constant 4 : i32
      %dma_wait3A_557 = arith.constant 512 : i32
      %dma_wait3A_558 = tpu.memref_slice %arg26[%dma_wait3A_557] : memref<1024xf32, #tpu.memory_space<vmem>> -> memref<128xf32, #tpu.memory_space<vmem>>
      %dma_wait3A_559 = arith.constant 0 : i32
      %dma_wait3A_560 = tpu.memref_slice %arg20[%dma_wait3A_556, %dma_wait3A_559] : memref<8x128xi32, #tpu.memory_space<vmem>> -> memref<1x128xi32, #tpu.memory_space<vmem>>
      %dma_wait3A_561 = tpu.memref_squeeze %dma_wait3A_560 : memref<1x128xi32, #tpu.memory_space<vmem>> -> memref<128xi32, #tpu.memory_space<vmem>>
      %dma_wait3A_562 = arith.constant 0 : i32
      %dma_wait3A_563 = tpu.memref_slice %arg13[%dma_wait3A_562] : memref<256xf32, #tpu.memory_space<vmem_shared>> -> memref<256xf32, #tpu.memory_space<vmem_shared>>
      tpu.wait_indirect_dma semaphore(%arg35 : memref<!tpu.dma_semaphore, #tpu.memory_space<semaphore_mem>>) src(%dma_wait3A_558 : memref<128xf32, #tpu.memory_space<vmem>>) dst(%dma_wait3A_563 : memref<256xf32, #tpu.memory_space<vmem_shared>>)
      %dma_wait3A_564 = arith.constant 4 : i32
      %dma_wait3A_565 = arith.constant 4 : i32
      %dma_wait3A_566 = arith.constant 0 : i32
      %dma_wait3A_567 = tpu.memref_slice %arg21[%dma_wait3A_564, %dma_wait3A_566] : memref<8x128xf32, #tpu.memory_space<vmem>> -> memref<1x128xf32, #tpu.memory_space<vmem>>
      %dma_wait3A_568 = tpu.memref_squeeze %dma_wait3A_567 : memref<1x128xf32, #tpu.memory_space<vmem>> -> memref<128xf32, #tpu.memory_space<vmem>>
      %dma_wait3A_569 = arith.constant 0 : i32
      %dma_wait3A_570 = tpu.memref_slice %arg20[%dma_wait3A_565, %dma_wait3A_569] : memref<8x128xi32, #tpu.memory_space<vmem>> -> memref<1x128xi32, #tpu.memory_space<vmem>>
      %dma_wait3A_571 = tpu.memref_squeeze %dma_wait3A_570 : memref<1x128xi32, #tpu.memory_space<vmem>> -> memref<128xi32, #tpu.memory_space<vmem>>
      %dma_wait3A_572 = arith.constant 0 : i32
      %dma_wait3A_573 = tpu.memref_slice %arg10[%dma_wait3A_572] : memref<256xf32, #tpu.memory_space<vmem_shared>> -> memref<256xf32, #tpu.memory_space<vmem_shared>>
      tpu.wait_indirect_dma semaphore(%arg35 : memref<!tpu.dma_semaphore, #tpu.memory_space<semaphore_mem>>) src(%dma_wait3A_568 : memref<128xf32, #tpu.memory_space<vmem>>) dst(%dma_wait3A_573 : memref<256xf32, #tpu.memory_space<vmem_shared>>)
      %dma_wait3A_574 = arith.constant 4 : i32
      %dma_wait3A_575 = arith.constant 4 : i32
      %dma_wait3A_576 = arith.constant 0 : i32
      %dma_wait3A_577 = tpu.memref_slice %arg22[%dma_wait3A_574, %dma_wait3A_576] : memref<8x128xf32, #tpu.memory_space<vmem>> -> memref<1x128xf32, #tpu.memory_space<vmem>>
      %dma_wait3A_578 = tpu.memref_squeeze %dma_wait3A_577 : memref<1x128xf32, #tpu.memory_space<vmem>> -> memref<128xf32, #tpu.memory_space<vmem>>
      %dma_wait3A_579 = arith.constant 0 : i32
      %dma_wait3A_580 = tpu.memref_slice %arg20[%dma_wait3A_575, %dma_wait3A_579] : memref<8x128xi32, #tpu.memory_space<vmem>> -> memref<1x128xi32, #tpu.memory_space<vmem>>
      %dma_wait3A_581 = tpu.memref_squeeze %dma_wait3A_580 : memref<1x128xi32, #tpu.memory_space<vmem>> -> memref<128xi32, #tpu.memory_space<vmem>>
      %dma_wait3A_582 = arith.constant 0 : i32
      %dma_wait3A_583 = tpu.memref_slice %arg11[%dma_wait3A_582] : memref<256xf32, #tpu.memory_space<vmem_shared>> -> memref<256xf32, #tpu.memory_space<vmem_shared>>
      tpu.wait_indirect_dma semaphore(%arg35 : memref<!tpu.dma_semaphore, #tpu.memory_space<semaphore_mem>>) src(%dma_wait3A_578 : memref<128xf32, #tpu.memory_space<vmem>>) dst(%dma_wait3A_583 : memref<256xf32, #tpu.memory_space<vmem_shared>>)
      %dma_wait3A_584 = arith.constant 4 : i32
      %dma_wait3A_585 = arith.constant 4 : i32
      %dma_wait3A_586 = arith.constant 0 : i32
      %dma_wait3A_587 = tpu.memref_slice %arg23[%dma_wait3A_584, %dma_wait3A_586] : memref<8x128xf32, #tpu.memory_space<vmem>> -> memref<1x128xf32, #tpu.memory_space<vmem>>
      %dma_wait3A_588 = tpu.memref_squeeze %dma_wait3A_587 : memref<1x128xf32, #tpu.memory_space<vmem>> -> memref<128xf32, #tpu.memory_space<vmem>>
      %dma_wait3A_589 = arith.constant 0 : i32
      %dma_wait3A_590 = tpu.memref_slice %arg20[%dma_wait3A_585, %dma_wait3A_589] : memref<8x128xi32, #tpu.memory_space<vmem>> -> memref<1x128xi32, #tpu.memory_space<vmem>>
      %dma_wait3A_591 = tpu.memref_squeeze %dma_wait3A_590 : memref<1x128xi32, #tpu.memory_space<vmem>> -> memref<128xi32, #tpu.memory_space<vmem>>
      %dma_wait3A_592 = arith.constant 0 : i32
      %dma_wait3A_593 = tpu.memref_slice %arg12[%dma_wait3A_592] : memref<256xf32, #tpu.memory_space<vmem_shared>> -> memref<256xf32, #tpu.memory_space<vmem_shared>>
      tpu.wait_indirect_dma semaphore(%arg35 : memref<!tpu.dma_semaphore, #tpu.memory_space<semaphore_mem>>) src(%dma_wait3A_588 : memref<128xf32, #tpu.memory_space<vmem>>) dst(%dma_wait3A_593 : memref<256xf32, #tpu.memory_space<vmem_shared>>)
      %dma_wait3A_594 = arith.constant 4 : i32
      %dma_wait3A_595 = arith.constant 0 : i32
      %dma_wait3A_596 = tpu.memref_slice %arg20[%dma_wait3A_594, %dma_wait3A_595] : memref<8x128xi32, #tpu.memory_space<vmem>> -> memref<1x128xi32, #tpu.memory_space<vmem>>
      %dma_wait3A_597 = tpu.memref_squeeze %dma_wait3A_596 : memref<1x128xi32, #tpu.memory_space<vmem>> -> memref<128xi32, #tpu.memory_space<vmem>>
      %dma_wait3A_598 = arith.constant 0 : i32
      %dma_wait3A_599 = tpu.memref_slice %arg14[%dma_wait3A_598] : memref<256xf32, #tpu.memory_space<vmem_shared>> -> memref<256xf32, #tpu.memory_space<vmem_shared>>
      tpu.wait_indirect_dma semaphore(%arg35 : memref<!tpu.dma_semaphore, #tpu.memory_space<semaphore_mem>>) src(%arg17 : memref<128xf32, #tpu.memory_space<vmem>>) dst(%dma_wait3A_599 : memref<256xf32, #tpu.memory_space<vmem_shared>>)
      %dma_wait3A_600 = arith.constant 5 : i32
      %dma_wait3A_601 = arith.constant 640 : i32
      %dma_wait3A_602 = tpu.memref_slice %arg26[%dma_wait3A_601] : memref<1024xf32, #tpu.memory_space<vmem>> -> memref<128xf32, #tpu.memory_space<vmem>>
      %dma_wait3A_603 = arith.constant 0 : i32
      %dma_wait3A_604 = tpu.memref_slice %arg20[%dma_wait3A_600, %dma_wait3A_603] : memref<8x128xi32, #tpu.memory_space<vmem>> -> memref<1x128xi32, #tpu.memory_space<vmem>>
      %dma_wait3A_605 = tpu.memref_squeeze %dma_wait3A_604 : memref<1x128xi32, #tpu.memory_space<vmem>> -> memref<128xi32, #tpu.memory_space<vmem>>
      %dma_wait3A_606 = arith.constant 0 : i32
      %dma_wait3A_607 = tpu.memref_slice %arg13[%dma_wait3A_606] : memref<256xf32, #tpu.memory_space<vmem_shared>> -> memref<256xf32, #tpu.memory_space<vmem_shared>>
      tpu.wait_indirect_dma semaphore(%arg35 : memref<!tpu.dma_semaphore, #tpu.memory_space<semaphore_mem>>) src(%dma_wait3A_602 : memref<128xf32, #tpu.memory_space<vmem>>) dst(%dma_wait3A_607 : memref<256xf32, #tpu.memory_space<vmem_shared>>)
      %dma_wait3A_608 = arith.constant 5 : i32
      %dma_wait3A_609 = arith.constant 5 : i32
      %dma_wait3A_610 = arith.constant 0 : i32
      %dma_wait3A_611 = tpu.memref_slice %arg21[%dma_wait3A_608, %dma_wait3A_610] : memref<8x128xf32, #tpu.memory_space<vmem>> -> memref<1x128xf32, #tpu.memory_space<vmem>>
      %dma_wait3A_612 = tpu.memref_squeeze %dma_wait3A_611 : memref<1x128xf32, #tpu.memory_space<vmem>> -> memref<128xf32, #tpu.memory_space<vmem>>
      %dma_wait3A_613 = arith.constant 0 : i32
      %dma_wait3A_614 = tpu.memref_slice %arg20[%dma_wait3A_609, %dma_wait3A_613] : memref<8x128xi32, #tpu.memory_space<vmem>> -> memref<1x128xi32, #tpu.memory_space<vmem>>
      %dma_wait3A_615 = tpu.memref_squeeze %dma_wait3A_614 : memref<1x128xi32, #tpu.memory_space<vmem>> -> memref<128xi32, #tpu.memory_space<vmem>>
      %dma_wait3A_616 = arith.constant 0 : i32
      %dma_wait3A_617 = tpu.memref_slice %arg10[%dma_wait3A_616] : memref<256xf32, #tpu.memory_space<vmem_shared>> -> memref<256xf32, #tpu.memory_space<vmem_shared>>
      tpu.wait_indirect_dma semaphore(%arg35 : memref<!tpu.dma_semaphore, #tpu.memory_space<semaphore_mem>>) src(%dma_wait3A_612 : memref<128xf32, #tpu.memory_space<vmem>>) dst(%dma_wait3A_617 : memref<256xf32, #tpu.memory_space<vmem_shared>>)
      %dma_wait3A_618 = arith.constant 5 : i32
      %dma_wait3A_619 = arith.constant 5 : i32
      %dma_wait3A_620 = arith.constant 0 : i32
      %dma_wait3A_621 = tpu.memref_slice %arg22[%dma_wait3A_618, %dma_wait3A_620] : memref<8x128xf32, #tpu.memory_space<vmem>> -> memref<1x128xf32, #tpu.memory_space<vmem>>
      %dma_wait3A_622 = tpu.memref_squeeze %dma_wait3A_621 : memref<1x128xf32, #tpu.memory_space<vmem>> -> memref<128xf32, #tpu.memory_space<vmem>>
      %dma_wait3A_623 = arith.constant 0 : i32
      %dma_wait3A_624 = tpu.memref_slice %arg20[%dma_wait3A_619, %dma_wait3A_623] : memref<8x128xi32, #tpu.memory_space<vmem>> -> memref<1x128xi32, #tpu.memory_space<vmem>>
      %dma_wait3A_625 = tpu.memref_squeeze %dma_wait3A_624 : memref<1x128xi32, #tpu.memory_space<vmem>> -> memref<128xi32, #tpu.memory_space<vmem>>
      %dma_wait3A_626 = arith.constant 0 : i32
      %dma_wait3A_627 = tpu.memref_slice %arg11[%dma_wait3A_626] : memref<256xf32, #tpu.memory_space<vmem_shared>> -> memref<256xf32, #tpu.memory_space<vmem_shared>>
      tpu.wait_indirect_dma semaphore(%arg35 : memref<!tpu.dma_semaphore, #tpu.memory_space<semaphore_mem>>) src(%dma_wait3A_622 : memref<128xf32, #tpu.memory_space<vmem>>) dst(%dma_wait3A_627 : memref<256xf32, #tpu.memory_space<vmem_shared>>)
      %dma_wait3A_628 = arith.constant 5 : i32
      %dma_wait3A_629 = arith.constant 5 : i32
      %dma_wait3A_630 = arith.constant 0 : i32
      %dma_wait3A_631 = tpu.memref_slice %arg23[%dma_wait3A_628, %dma_wait3A_630] : memref<8x128xf32, #tpu.memory_space<vmem>> -> memref<1x128xf32, #tpu.memory_space<vmem>>
      %dma_wait3A_632 = tpu.memref_squeeze %dma_wait3A_631 : memref<1x128xf32, #tpu.memory_space<vmem>> -> memref<128xf32, #tpu.memory_space<vmem>>
      %dma_wait3A_633 = arith.constant 0 : i32
      %dma_wait3A_634 = tpu.memref_slice %arg20[%dma_wait3A_629, %dma_wait3A_633] : memref<8x128xi32, #tpu.memory_space<vmem>> -> memref<1x128xi32, #tpu.memory_space<vmem>>
      %dma_wait3A_635 = tpu.memref_squeeze %dma_wait3A_634 : memref<1x128xi32, #tpu.memory_space<vmem>> -> memref<128xi32, #tpu.memory_space<vmem>>
      %dma_wait3A_636 = arith.constant 0 : i32
      %dma_wait3A_637 = tpu.memref_slice %arg12[%dma_wait3A_636] : memref<256xf32, #tpu.memory_space<vmem_shared>> -> memref<256xf32, #tpu.memory_space<vmem_shared>>
      tpu.wait_indirect_dma semaphore(%arg35 : memref<!tpu.dma_semaphore, #tpu.memory_space<semaphore_mem>>) src(%dma_wait3A_632 : memref<128xf32, #tpu.memory_space<vmem>>) dst(%dma_wait3A_637 : memref<256xf32, #tpu.memory_space<vmem_shared>>)
      %dma_wait3A_638 = arith.constant 5 : i32
      %dma_wait3A_639 = arith.constant 0 : i32
      %dma_wait3A_640 = tpu.memref_slice %arg20[%dma_wait3A_638, %dma_wait3A_639] : memref<8x128xi32, #tpu.memory_space<vmem>> -> memref<1x128xi32, #tpu.memory_space<vmem>>
      %dma_wait3A_641 = tpu.memref_squeeze %dma_wait3A_640 : memref<1x128xi32, #tpu.memory_space<vmem>> -> memref<128xi32, #tpu.memory_space<vmem>>
      %dma_wait3A_642 = arith.constant 0 : i32
      %dma_wait3A_643 = tpu.memref_slice %arg14[%dma_wait3A_642] : memref<256xf32, #tpu.memory_space<vmem_shared>> -> memref<256xf32, #tpu.memory_space<vmem_shared>>
      tpu.wait_indirect_dma semaphore(%arg35 : memref<!tpu.dma_semaphore, #tpu.memory_space<semaphore_mem>>) src(%arg17 : memref<128xf32, #tpu.memory_space<vmem>>) dst(%dma_wait3A_643 : memref<256xf32, #tpu.memory_space<vmem_shared>>)
      %dma_wait3A_644 = arith.constant 6 : i32
      %dma_wait3A_645 = arith.constant 768 : i32
      %dma_wait3A_646 = tpu.memref_slice %arg26[%dma_wait3A_645] : memref<1024xf32, #tpu.memory_space<vmem>> -> memref<128xf32, #tpu.memory_space<vmem>>
      %dma_wait3A_647 = arith.constant 0 : i32
      %dma_wait3A_648 = tpu.memref_slice %arg20[%dma_wait3A_644, %dma_wait3A_647] : memref<8x128xi32, #tpu.memory_space<vmem>> -> memref<1x128xi32, #tpu.memory_space<vmem>>
      %dma_wait3A_649 = tpu.memref_squeeze %dma_wait3A_648 : memref<1x128xi32, #tpu.memory_space<vmem>> -> memref<128xi32, #tpu.memory_space<vmem>>
      %dma_wait3A_650 = arith.constant 0 : i32
      %dma_wait3A_651 = tpu.memref_slice %arg13[%dma_wait3A_650] : memref<256xf32, #tpu.memory_space<vmem_shared>> -> memref<256xf32, #tpu.memory_space<vmem_shared>>
      tpu.wait_indirect_dma semaphore(%arg35 : memref<!tpu.dma_semaphore, #tpu.memory_space<semaphore_mem>>) src(%dma_wait3A_646 : memref<128xf32, #tpu.memory_space<vmem>>) dst(%dma_wait3A_651 : memref<256xf32, #tpu.memory_space<vmem_shared>>)
      %dma_wait3A_652 = arith.constant 6 : i32
      %dma_wait3A_653 = arith.constant 6 : i32
      %dma_wait3A_654 = arith.constant 0 : i32
      %dma_wait3A_655 = tpu.memref_slice %arg21[%dma_wait3A_652, %dma_wait3A_654] : memref<8x128xf32, #tpu.memory_space<vmem>> -> memref<1x128xf32, #tpu.memory_space<vmem>>
      %dma_wait3A_656 = tpu.memref_squeeze %dma_wait3A_655 : memref<1x128xf32, #tpu.memory_space<vmem>> -> memref<128xf32, #tpu.memory_space<vmem>>
      %dma_wait3A_657 = arith.constant 0 : i32
      %dma_wait3A_658 = tpu.memref_slice %arg20[%dma_wait3A_653, %dma_wait3A_657] : memref<8x128xi32, #tpu.memory_space<vmem>> -> memref<1x128xi32, #tpu.memory_space<vmem>>
      %dma_wait3A_659 = tpu.memref_squeeze %dma_wait3A_658 : memref<1x128xi32, #tpu.memory_space<vmem>> -> memref<128xi32, #tpu.memory_space<vmem>>
      %dma_wait3A_660 = arith.constant 0 : i32
      %dma_wait3A_661 = tpu.memref_slice %arg10[%dma_wait3A_660] : memref<256xf32, #tpu.memory_space<vmem_shared>> -> memref<256xf32, #tpu.memory_space<vmem_shared>>
      tpu.wait_indirect_dma semaphore(%arg35 : memref<!tpu.dma_semaphore, #tpu.memory_space<semaphore_mem>>) src(%dma_wait3A_656 : memref<128xf32, #tpu.memory_space<vmem>>) dst(%dma_wait3A_661 : memref<256xf32, #tpu.memory_space<vmem_shared>>)
      %dma_wait3A_662 = arith.constant 6 : i32
      %dma_wait3A_663 = arith.constant 6 : i32
      %dma_wait3A_664 = arith.constant 0 : i32
      %dma_wait3A_665 = tpu.memref_slice %arg22[%dma_wait3A_662, %dma_wait3A_664] : memref<8x128xf32, #tpu.memory_space<vmem>> -> memref<1x128xf32, #tpu.memory_space<vmem>>
      %dma_wait3A_666 = tpu.memref_squeeze %dma_wait3A_665 : memref<1x128xf32, #tpu.memory_space<vmem>> -> memref<128xf32, #tpu.memory_space<vmem>>
      %dma_wait3A_667 = arith.constant 0 : i32
      %dma_wait3A_668 = tpu.memref_slice %arg20[%dma_wait3A_663, %dma_wait3A_667] : memref<8x128xi32, #tpu.memory_space<vmem>> -> memref<1x128xi32, #tpu.memory_space<vmem>>
      %dma_wait3A_669 = tpu.memref_squeeze %dma_wait3A_668 : memref<1x128xi32, #tpu.memory_space<vmem>> -> memref<128xi32, #tpu.memory_space<vmem>>
      %dma_wait3A_670 = arith.constant 0 : i32
      %dma_wait3A_671 = tpu.memref_slice %arg11[%dma_wait3A_670] : memref<256xf32, #tpu.memory_space<vmem_shared>> -> memref<256xf32, #tpu.memory_space<vmem_shared>>
      tpu.wait_indirect_dma semaphore(%arg35 : memref<!tpu.dma_semaphore, #tpu.memory_space<semaphore_mem>>) src(%dma_wait3A_666 : memref<128xf32, #tpu.memory_space<vmem>>) dst(%dma_wait3A_671 : memref<256xf32, #tpu.memory_space<vmem_shared>>)
      %dma_wait3A_672 = arith.constant 6 : i32
      %dma_wait3A_673 = arith.constant 6 : i32
      %dma_wait3A_674 = arith.constant 0 : i32
      %dma_wait3A_675 = tpu.memref_slice %arg23[%dma_wait3A_672, %dma_wait3A_674] : memref<8x128xf32, #tpu.memory_space<vmem>> -> memref<1x128xf32, #tpu.memory_space<vmem>>
      %dma_wait3A_676 = tpu.memref_squeeze %dma_wait3A_675 : memref<1x128xf32, #tpu.memory_space<vmem>> -> memref<128xf32, #tpu.memory_space<vmem>>
      %dma_wait3A_677 = arith.constant 0 : i32
      %dma_wait3A_678 = tpu.memref_slice %arg20[%dma_wait3A_673, %dma_wait3A_677] : memref<8x128xi32, #tpu.memory_space<vmem>> -> memref<1x128xi32, #tpu.memory_space<vmem>>
      %dma_wait3A_679 = tpu.memref_squeeze %dma_wait3A_678 : memref<1x128xi32, #tpu.memory_space<vmem>> -> memref<128xi32, #tpu.memory_space<vmem>>
      %dma_wait3A_680 = arith.constant 0 : i32
      %dma_wait3A_681 = tpu.memref_slice %arg12[%dma_wait3A_680] : memref<256xf32, #tpu.memory_space<vmem_shared>> -> memref<256xf32, #tpu.memory_space<vmem_shared>>
      tpu.wait_indirect_dma semaphore(%arg35 : memref<!tpu.dma_semaphore, #tpu.memory_space<semaphore_mem>>) src(%dma_wait3A_676 : memref<128xf32, #tpu.memory_space<vmem>>) dst(%dma_wait3A_681 : memref<256xf32, #tpu.memory_space<vmem_shared>>)
      %dma_wait3A_682 = arith.constant 6 : i32
      %dma_wait3A_683 = arith.constant 0 : i32
      %dma_wait3A_684 = tpu.memref_slice %arg20[%dma_wait3A_682, %dma_wait3A_683] : memref<8x128xi32, #tpu.memory_space<vmem>> -> memref<1x128xi32, #tpu.memory_space<vmem>>
      %dma_wait3A_685 = tpu.memref_squeeze %dma_wait3A_684 : memref<1x128xi32, #tpu.memory_space<vmem>> -> memref<128xi32, #tpu.memory_space<vmem>>
      %dma_wait3A_686 = arith.constant 0 : i32
      %dma_wait3A_687 = tpu.memref_slice %arg14[%dma_wait3A_686] : memref<256xf32, #tpu.memory_space<vmem_shared>> -> memref<256xf32, #tpu.memory_space<vmem_shared>>
      tpu.wait_indirect_dma semaphore(%arg35 : memref<!tpu.dma_semaphore, #tpu.memory_space<semaphore_mem>>) src(%arg17 : memref<128xf32, #tpu.memory_space<vmem>>) dst(%dma_wait3A_687 : memref<256xf32, #tpu.memory_space<vmem_shared>>)
      %dma_wait3A_688 = arith.constant 7 : i32
      %dma_wait3A_689 = arith.constant 896 : i32
      %dma_wait3A_690 = tpu.memref_slice %arg26[%dma_wait3A_689] : memref<1024xf32, #tpu.memory_space<vmem>> -> memref<128xf32, #tpu.memory_space<vmem>>
      %dma_wait3A_691 = arith.constant 0 : i32
      %dma_wait3A_692 = tpu.memref_slice %arg20[%dma_wait3A_688, %dma_wait3A_691] : memref<8x128xi32, #tpu.memory_space<vmem>> -> memref<1x128xi32, #tpu.memory_space<vmem>>
      %dma_wait3A_693 = tpu.memref_squeeze %dma_wait3A_692 : memref<1x128xi32, #tpu.memory_space<vmem>> -> memref<128xi32, #tpu.memory_space<vmem>>
      %dma_wait3A_694 = arith.constant 0 : i32
      %dma_wait3A_695 = tpu.memref_slice %arg13[%dma_wait3A_694] : memref<256xf32, #tpu.memory_space<vmem_shared>> -> memref<256xf32, #tpu.memory_space<vmem_shared>>
      tpu.wait_indirect_dma semaphore(%arg35 : memref<!tpu.dma_semaphore, #tpu.memory_space<semaphore_mem>>) src(%dma_wait3A_690 : memref<128xf32, #tpu.memory_space<vmem>>) dst(%dma_wait3A_695 : memref<256xf32, #tpu.memory_space<vmem_shared>>)
      %dma_wait3A_696 = arith.constant 7 : i32
      %dma_wait3A_697 = arith.constant 7 : i32
      %dma_wait3A_698 = arith.constant 0 : i32
      %dma_wait3A_699 = tpu.memref_slice %arg21[%dma_wait3A_696, %dma_wait3A_698] : memref<8x128xf32, #tpu.memory_space<vmem>> -> memref<1x128xf32, #tpu.memory_space<vmem>>
      %dma_wait3A_700 = tpu.memref_squeeze %dma_wait3A_699 : memref<1x128xf32, #tpu.memory_space<vmem>> -> memref<128xf32, #tpu.memory_space<vmem>>
      %dma_wait3A_701 = arith.constant 0 : i32
      %dma_wait3A_702 = tpu.memref_slice %arg20[%dma_wait3A_697, %dma_wait3A_701] : memref<8x128xi32, #tpu.memory_space<vmem>> -> memref<1x128xi32, #tpu.memory_space<vmem>>
      %dma_wait3A_703 = tpu.memref_squeeze %dma_wait3A_702 : memref<1x128xi32, #tpu.memory_space<vmem>> -> memref<128xi32, #tpu.memory_space<vmem>>
      %dma_wait3A_704 = arith.constant 0 : i32
      %dma_wait3A_705 = tpu.memref_slice %arg10[%dma_wait3A_704] : memref<256xf32, #tpu.memory_space<vmem_shared>> -> memref<256xf32, #tpu.memory_space<vmem_shared>>
      tpu.wait_indirect_dma semaphore(%arg35 : memref<!tpu.dma_semaphore, #tpu.memory_space<semaphore_mem>>) src(%dma_wait3A_700 : memref<128xf32, #tpu.memory_space<vmem>>) dst(%dma_wait3A_705 : memref<256xf32, #tpu.memory_space<vmem_shared>>)
      %dma_wait3A_706 = arith.constant 7 : i32
      %dma_wait3A_707 = arith.constant 7 : i32
      %dma_wait3A_708 = arith.constant 0 : i32
      %dma_wait3A_709 = tpu.memref_slice %arg22[%dma_wait3A_706, %dma_wait3A_708] : memref<8x128xf32, #tpu.memory_space<vmem>> -> memref<1x128xf32, #tpu.memory_space<vmem>>
      %dma_wait3A_710 = tpu.memref_squeeze %dma_wait3A_709 : memref<1x128xf32, #tpu.memory_space<vmem>> -> memref<128xf32, #tpu.memory_space<vmem>>
      %dma_wait3A_711 = arith.constant 0 : i32
      %dma_wait3A_712 = tpu.memref_slice %arg20[%dma_wait3A_707, %dma_wait3A_711] : memref<8x128xi32, #tpu.memory_space<vmem>> -> memref<1x128xi32, #tpu.memory_space<vmem>>
      %dma_wait3A_713 = tpu.memref_squeeze %dma_wait3A_712 : memref<1x128xi32, #tpu.memory_space<vmem>> -> memref<128xi32, #tpu.memory_space<vmem>>
      %dma_wait3A_714 = arith.constant 0 : i32
      %dma_wait3A_715 = tpu.memref_slice %arg11[%dma_wait3A_714] : memref<256xf32, #tpu.memory_space<vmem_shared>> -> memref<256xf32, #tpu.memory_space<vmem_shared>>
      tpu.wait_indirect_dma semaphore(%arg35 : memref<!tpu.dma_semaphore, #tpu.memory_space<semaphore_mem>>) src(%dma_wait3A_710 : memref<128xf32, #tpu.memory_space<vmem>>) dst(%dma_wait3A_715 : memref<256xf32, #tpu.memory_space<vmem_shared>>)
      %dma_wait3A_716 = arith.constant 7 : i32
      %dma_wait3A_717 = arith.constant 7 : i32
      %dma_wait3A_718 = arith.constant 0 : i32
      %dma_wait3A_719 = tpu.memref_slice %arg23[%dma_wait3A_716, %dma_wait3A_718] : memref<8x128xf32, #tpu.memory_space<vmem>> -> memref<1x128xf32, #tpu.memory_space<vmem>>
      %dma_wait3A_720 = tpu.memref_squeeze %dma_wait3A_719 : memref<1x128xf32, #tpu.memory_space<vmem>> -> memref<128xf32, #tpu.memory_space<vmem>>
      %dma_wait3A_721 = arith.constant 0 : i32
      %dma_wait3A_722 = tpu.memref_slice %arg20[%dma_wait3A_717, %dma_wait3A_721] : memref<8x128xi32, #tpu.memory_space<vmem>> -> memref<1x128xi32, #tpu.memory_space<vmem>>
      %dma_wait3A_723 = tpu.memref_squeeze %dma_wait3A_722 : memref<1x128xi32, #tpu.memory_space<vmem>> -> memref<128xi32, #tpu.memory_space<vmem>>
      %dma_wait3A_724 = arith.constant 0 : i32
      %dma_wait3A_725 = tpu.memref_slice %arg12[%dma_wait3A_724] : memref<256xf32, #tpu.memory_space<vmem_shared>> -> memref<256xf32, #tpu.memory_space<vmem_shared>>
      tpu.wait_indirect_dma semaphore(%arg35 : memref<!tpu.dma_semaphore, #tpu.memory_space<semaphore_mem>>) src(%dma_wait3A_720 : memref<128xf32, #tpu.memory_space<vmem>>) dst(%dma_wait3A_725 : memref<256xf32, #tpu.memory_space<vmem_shared>>)
      %dma_wait3A_726 = arith.constant 7 : i32
      %dma_wait3A_727 = arith.constant 0 : i32
      %dma_wait3A_728 = tpu.memref_slice %arg20[%dma_wait3A_726, %dma_wait3A_727] : memref<8x128xi32, #tpu.memory_space<vmem>> -> memref<1x128xi32, #tpu.memory_space<vmem>>
      %dma_wait3A_729 = tpu.memref_squeeze %dma_wait3A_728 : memref<1x128xi32, #tpu.memory_space<vmem>> -> memref<128xi32, #tpu.memory_space<vmem>>
      %dma_wait3A_730 = arith.constant 0 : i32
      %dma_wait3A_731 = tpu.memref_slice %arg14[%dma_wait3A_730] : memref<256xf32, #tpu.memory_space<vmem_shared>> -> memref<256xf32, #tpu.memory_space<vmem_shared>>
      tpu.wait_indirect_dma semaphore(%arg35 : memref<!tpu.dma_semaphore, #tpu.memory_space<semaphore_mem>>) src(%arg17 : memref<128xf32, #tpu.memory_space<vmem>>) dst(%dma_wait3A_731 : memref<256xf32, #tpu.memory_space<vmem_shared>>)
    } else {
    }
    %barrier3A_13 = arith.constant 0 : index
    tpu.barrier barrier_id(%barrier3A_13)
    %eq3A_14 = arith.constant 0 : i32
    %eq3A_15 = arith.cmpi eq, %arg0, %eq3A_14 : i32
    %eq3A_16 = arith.constant 0 : i32
    %eq3A_17 = arith.cmpi eq, %arg1, %eq3A_16 : i32
    %and3A = arith.andi %eq3A_15, %eq3A_17 : i1
    %convert_element_type3A_18 = arith.extui %and3A : i1 to i32
    %cond3A_19 = arith.constant 0 : i32
    %cond3A_20 = arith.cmpi ne, %convert_element_type3A_18, %cond3A_19 : i32
    scf.if %cond3A_20 {
      "tpu.region"() ({
        %run_scoped3A_850 = tpu.sem_alloc : memref<!tpu.dma_semaphore, #tpu.memory_space<semaphore_mem>>
        tpu.enqueue_dma source(%arg10 : memref<256xf32, #tpu.memory_space<vmem_shared>>) target(%arg27 : memref<256xf32, #tpu.memory_space<vmem>>) target_semaphore(%run_scoped3A_850 : memref<!tpu.dma_semaphore, #tpu.memory_space<semaphore_mem>>)
        tpu.wait_dma2 semaphore(%run_scoped3A_850 : memref<!tpu.dma_semaphore, #tpu.memory_space<semaphore_mem>>) src(%arg10 : memref<256xf32, #tpu.memory_space<vmem_shared>>) dst(%arg27 : memref<256xf32, #tpu.memory_space<vmem>>)
        tpu.yield
      }) : () -> ()
      "tpu.region"() ({
        %run_scoped3A_850 = tpu.sem_alloc : memref<!tpu.dma_semaphore, #tpu.memory_space<semaphore_mem>>
        tpu.enqueue_dma source(%arg11 : memref<256xf32, #tpu.memory_space<vmem_shared>>) target(%arg28 : memref<256xf32, #tpu.memory_space<vmem>>) target_semaphore(%run_scoped3A_850 : memref<!tpu.dma_semaphore, #tpu.memory_space<semaphore_mem>>)
        tpu.wait_dma2 semaphore(%run_scoped3A_850 : memref<!tpu.dma_semaphore, #tpu.memory_space<semaphore_mem>>) src(%arg11 : memref<256xf32, #tpu.memory_space<vmem_shared>>) dst(%arg28 : memref<256xf32, #tpu.memory_space<vmem>>)
        tpu.yield
      }) : () -> ()
      "tpu.region"() ({
        %run_scoped3A_850 = tpu.sem_alloc : memref<!tpu.dma_semaphore, #tpu.memory_space<semaphore_mem>>
        tpu.enqueue_dma source(%arg12 : memref<256xf32, #tpu.memory_space<vmem_shared>>) target(%arg29 : memref<256xf32, #tpu.memory_space<vmem>>) target_semaphore(%run_scoped3A_850 : memref<!tpu.dma_semaphore, #tpu.memory_space<semaphore_mem>>)
        tpu.wait_dma2 semaphore(%run_scoped3A_850 : memref<!tpu.dma_semaphore, #tpu.memory_space<semaphore_mem>>) src(%arg12 : memref<256xf32, #tpu.memory_space<vmem_shared>>) dst(%arg29 : memref<256xf32, #tpu.memory_space<vmem>>)
        tpu.yield
      }) : () -> ()
      "tpu.region"() ({
        %run_scoped3A_850 = tpu.sem_alloc : memref<!tpu.dma_semaphore, #tpu.memory_space<semaphore_mem>>
        tpu.enqueue_dma source(%arg13 : memref<256xf32, #tpu.memory_space<vmem_shared>>) target(%arg30 : memref<256xf32, #tpu.memory_space<vmem>>) target_semaphore(%run_scoped3A_850 : memref<!tpu.dma_semaphore, #tpu.memory_space<semaphore_mem>>)
        tpu.wait_dma2 semaphore(%run_scoped3A_850 : memref<!tpu.dma_semaphore, #tpu.memory_space<semaphore_mem>>) src(%arg13 : memref<256xf32, #tpu.memory_space<vmem_shared>>) dst(%arg30 : memref<256xf32, #tpu.memory_space<vmem>>)
        tpu.yield
      }) : () -> ()
      "tpu.region"() ({
        %run_scoped3A_850 = tpu.sem_alloc : memref<!tpu.dma_semaphore, #tpu.memory_space<semaphore_mem>>
        tpu.enqueue_dma source(%arg14 : memref<256xf32, #tpu.memory_space<vmem_shared>>) target(%arg31 : memref<256xf32, #tpu.memory_space<vmem>>) target_semaphore(%run_scoped3A_850 : memref<!tpu.dma_semaphore, #tpu.memory_space<semaphore_mem>>)
        tpu.wait_dma2 semaphore(%run_scoped3A_850 : memref<!tpu.dma_semaphore, #tpu.memory_space<semaphore_mem>>) src(%arg14 : memref<256xf32, #tpu.memory_space<vmem_shared>>) dst(%arg31 : memref<256xf32, #tpu.memory_space<vmem>>)
        tpu.yield
      }) : () -> ()
      "tpu.region"() ({
        %run_scoped3A_850 = tpu.sem_alloc : memref<!tpu.dma_semaphore, #tpu.memory_space<semaphore_mem>>
        tpu.enqueue_dma source(%arg6 : memref<256xf32, #tpu.memory_space<hbm>>) target(%arg32 : memref<256xf32, #tpu.memory_space<vmem>>) target_semaphore(%run_scoped3A_850 : memref<!tpu.dma_semaphore, #tpu.memory_space<semaphore_mem>>)
        tpu.wait_dma2 semaphore(%run_scoped3A_850 : memref<!tpu.dma_semaphore, #tpu.memory_space<semaphore_mem>>) src(%arg6 : memref<256xf32, #tpu.memory_space<hbm>>) dst(%arg32 : memref<256xf32, #tpu.memory_space<vmem>>)
        tpu.yield
      }) : () -> ()
      %broadcast_in_dim3A = arith.constant 0.000000e+00 : f32
      %broadcast_in_dim3A_21 = vector.broadcast %broadcast_in_dim3A : f32 to vector<16xf32>
      %broadcast_in_dim3A_22 = arith.constant 0.000000e+00 : f32
      %broadcast_in_dim3A_23 = vector.broadcast %broadcast_in_dim3A_22 : f32 to vector<16xf32>
      %broadcast_in_dim3A_24 = arith.constant 0.000000e+00 : f32
      %broadcast_in_dim3A_25 = vector.broadcast %broadcast_in_dim3A_24 : f32 to vector<16xf32>
      %broadcast_in_dim3A_26 = arith.constant 0.000000e+00 : f32
      %broadcast_in_dim3A_27 = vector.broadcast %broadcast_in_dim3A_26 : f32 to vector<16xf32>
      %get3A = arith.constant 0 : index
      %get3A_28 = tpu.vector_load %arg31[%get3A] {strides = array<i32>} : memref<256xf32, #tpu.memory_space<vmem>>, vector<16xf32>,
      %get3A_29 = vector.shape_cast %get3A_28 : vector<16xf32> to vector<16xf32>
      %get3A_30 = arith.constant 0 : index
      %get3A_31 = tpu.vector_load %arg32[%get3A_30] {strides = array<i32>} : memref<256xf32, #tpu.memory_space<vmem>>, vector<16xf32>,
      %get3A_32 = vector.shape_cast %get3A_31 : vector<16xf32> to vector<16xf32>
      %gt3A = arith.constant 0.000000e+00 : f32
      %gt3A_33 = vector.broadcast %gt3A : f32 to vector<16xf32>
      %gt3A_34 = arith.cmpf ogt, %get3A_29, %gt3A_33 : vector<16xf32>
      %max3A = arith.constant 1.000000e+00 : f32
      %max3A_35 = vector.broadcast %max3A : f32 to vector<16xf32>
      %max3A_36 = arith.maximumf %get3A_29, %max3A_35 : vector<16xf32>
      %get3A_37 = arith.constant 0 : index
      %get3A_38 = tpu.vector_load %arg27[%get3A_37] {strides = array<i32>} : memref<256xf32, #tpu.memory_space<vmem>>, vector<16xf32>,
      %get3A_39 = vector.shape_cast %get3A_38 : vector<16xf32> to vector<16xf32>
      %div3A = arith.divf %get3A_39, %max3A_36 : vector<16xf32>
      %jit3A = arith.constant 0.000000e+00 : f32
      %broadcast_in_dim3A_40 = vector.broadcast %jit3A : f32 to vector<16xf32>
      %select_n3A = arith.select %gt3A_34, %div3A, %broadcast_in_dim3A_40 : vector<16xi1>, vector<16xf32>
      %mul3A = arith.mulf %select_n3A, %get3A_32 : vector<16xf32>
      %add3A = arith.addf %broadcast_in_dim3A_21, %mul3A : vector<16xf32>
      %get3A_41 = arith.constant 0 : index
      %get3A_42 = tpu.vector_load %arg28[%get3A_41] {strides = array<i32>} : memref<256xf32, #tpu.memory_space<vmem>>, vector<16xf32>,
      %get3A_43 = vector.shape_cast %get3A_42 : vector<16xf32> to vector<16xf32>
      %div3A_44 = arith.divf %get3A_43, %max3A_36 : vector<16xf32>
      %jit3A_45 = arith.constant 0.000000e+00 : f32
      %broadcast_in_dim3A_46 = vector.broadcast %jit3A_45 : f32 to vector<16xf32>
      %select_n3A_47 = arith.select %gt3A_34, %div3A_44, %broadcast_in_dim3A_46 : vector<16xi1>, vector<16xf32>
      %mul3A_48 = arith.mulf %select_n3A_47, %get3A_32 : vector<16xf32>
      %add3A_49 = arith.addf %broadcast_in_dim3A_23, %mul3A_48 : vector<16xf32>
      %get3A_50 = arith.constant 0 : index
      %get3A_51 = tpu.vector_load %arg29[%get3A_50] {strides = array<i32>} : memref<256xf32, #tpu.memory_space<vmem>>, vector<16xf32>,
      %get3A_52 = vector.shape_cast %get3A_51 : vector<16xf32> to vector<16xf32>
      %div3A_53 = arith.divf %get3A_52, %max3A_36 : vector<16xf32>
      %jit3A_54 = arith.constant 0.000000e+00 : f32
      %broadcast_in_dim3A_55 = vector.broadcast %jit3A_54 : f32 to vector<16xf32>
      %select_n3A_56 = arith.select %gt3A_34, %div3A_53, %broadcast_in_dim3A_55 : vector<16xi1>, vector<16xf32>
      %mul3A_57 = arith.mulf %select_n3A_56, %get3A_32 : vector<16xf32>
      %add3A_58 = arith.addf %broadcast_in_dim3A_25, %mul3A_57 : vector<16xf32>
      %get3A_59 = arith.constant 0 : index
      %get3A_60 = tpu.vector_load %arg30[%get3A_59] {strides = array<i32>} : memref<256xf32, #tpu.memory_space<vmem>>, vector<16xf32>,
      %get3A_61 = vector.shape_cast %get3A_60 : vector<16xf32> to vector<16xf32>
      %div3A_62 = arith.divf %get3A_61, %max3A_36 : vector<16xf32>
      %jit3A_63 = arith.constant 0.000000e+00 : f32
      %broadcast_in_dim3A_64 = vector.broadcast %jit3A_63 : f32 to vector<16xf32>
      %select_n3A_65 = arith.select %gt3A_34, %div3A_62, %broadcast_in_dim3A_64 : vector<16xi1>, vector<16xf32>
      %mul3A_66 = arith.mulf %select_n3A_65, %get3A_32 : vector<16xf32>
      %add3A_67 = arith.addf %broadcast_in_dim3A_27, %mul3A_66 : vector<16xf32>
      %get3A_68 = arith.constant 16 : index
      %get3A_69 = tpu.vector_load %arg31[%get3A_68] {strides = array<i32>} : memref<256xf32, #tpu.memory_space<vmem>>, vector<16xf32>,
      %get3A_70 = vector.shape_cast %get3A_69 : vector<16xf32> to vector<16xf32>
      %get3A_71 = arith.constant 16 : index
      %get3A_72 = tpu.vector_load %arg32[%get3A_71] {strides = array<i32>} : memref<256xf32, #tpu.memory_space<vmem>>, vector<16xf32>,
      %get3A_73 = vector.shape_cast %get3A_72 : vector<16xf32> to vector<16xf32>
      %gt3A_74 = arith.constant 0.000000e+00 : f32
      %gt3A_75 = vector.broadcast %gt3A_74 : f32 to vector<16xf32>
      %gt3A_76 = arith.cmpf ogt, %get3A_70, %gt3A_75 : vector<16xf32>
      %max3A_77 = arith.constant 1.000000e+00 : f32
      %max3A_78 = vector.broadcast %max3A_77 : f32 to vector<16xf32>
      %max3A_79 = arith.maximumf %get3A_70, %max3A_78 : vector<16xf32>
      %get3A_80 = arith.constant 16 : index
      %get3A_81 = tpu.vector_load %arg27[%get3A_80] {strides = array<i32>} : memref<256xf32, #tpu.memory_space<vmem>>, vector<16xf32>,
      %get3A_82 = vector.shape_cast %get3A_81 : vector<16xf32> to vector<16xf32>
      %div3A_83 = arith.divf %get3A_82, %max3A_79 : vector<16xf32>
      %jit3A_84 = arith.constant 0.000000e+00 : f32
      %broadcast_in_dim3A_85 = vector.broadcast %jit3A_84 : f32 to vector<16xf32>
      %select_n3A_86 = arith.select %gt3A_76, %div3A_83, %broadcast_in_dim3A_85 : vector<16xi1>, vector<16xf32>
      %mul3A_87 = arith.mulf %select_n3A_86, %get3A_73 : vector<16xf32>
      %add3A_88 = arith.addf %add3A, %mul3A_87 : vector<16xf32>
      %get3A_89 = arith.constant 16 : index
      %get3A_90 = tpu.vector_load %arg28[%get3A_89] {strides = array<i32>} : memref<256xf32, #tpu.memory_space<vmem>>, vector<16xf32>,
      %get3A_91 = vector.shape_cast %get3A_90 : vector<16xf32> to vector<16xf32>
      %div3A_92 = arith.divf %get3A_91, %max3A_79 : vector<16xf32>
      %jit3A_93 = arith.constant 0.000000e+00 : f32
      %broadcast_in_dim3A_94 = vector.broadcast %jit3A_93 : f32 to vector<16xf32>
      %select_n3A_95 = arith.select %gt3A_76, %div3A_92, %broadcast_in_dim3A_94 : vector<16xi1>, vector<16xf32>
      %mul3A_96 = arith.mulf %select_n3A_95, %get3A_73 : vector<16xf32>
      %add3A_97 = arith.addf %add3A_49, %mul3A_96 : vector<16xf32>
      %get3A_98 = arith.constant 16 : index
      %get3A_99 = tpu.vector_load %arg29[%get3A_98] {strides = array<i32>} : memref<256xf32, #tpu.memory_space<vmem>>, vector<16xf32>,
      %get3A_100 = vector.shape_cast %get3A_99 : vector<16xf32> to vector<16xf32>
      %div3A_101 = arith.divf %get3A_100, %max3A_79 : vector<16xf32>
      %jit3A_102 = arith.constant 0.000000e+00 : f32
      %broadcast_in_dim3A_103 = vector.broadcast %jit3A_102 : f32 to vector<16xf32>
      %select_n3A_104 = arith.select %gt3A_76, %div3A_101, %broadcast_in_dim3A_103 : vector<16xi1>, vector<16xf32>
      %mul3A_105 = arith.mulf %select_n3A_104, %get3A_73 : vector<16xf32>
      %add3A_106 = arith.addf %add3A_58, %mul3A_105 : vector<16xf32>
      %get3A_107 = arith.constant 16 : index
      %get3A_108 = tpu.vector_load %arg30[%get3A_107] {strides = array<i32>} : memref<256xf32, #tpu.memory_space<vmem>>, vector<16xf32>,
      %get3A_109 = vector.shape_cast %get3A_108 : vector<16xf32> to vector<16xf32>
      %div3A_110 = arith.divf %get3A_109, %max3A_79 : vector<16xf32>
      %jit3A_111 = arith.constant 0.000000e+00 : f32
      %broadcast_in_dim3A_112 = vector.broadcast %jit3A_111 : f32 to vector<16xf32>
      %select_n3A_113 = arith.select %gt3A_76, %div3A_110, %broadcast_in_dim3A_112 : vector<16xi1>, vector<16xf32>
      %mul3A_114 = arith.mulf %select_n3A_113, %get3A_73 : vector<16xf32>
      %add3A_115 = arith.addf %add3A_67, %mul3A_114 : vector<16xf32>
      %get3A_116 = arith.constant 32 : index
      %get3A_117 = tpu.vector_load %arg31[%get3A_116] {strides = array<i32>} : memref<256xf32, #tpu.memory_space<vmem>>, vector<16xf32>,
      %get3A_118 = vector.shape_cast %get3A_117 : vector<16xf32> to vector<16xf32>
      %get3A_119 = arith.constant 32 : index
      %get3A_120 = tpu.vector_load %arg32[%get3A_119] {strides = array<i32>} : memref<256xf32, #tpu.memory_space<vmem>>, vector<16xf32>,
      %get3A_121 = vector.shape_cast %get3A_120 : vector<16xf32> to vector<16xf32>
      %gt3A_122 = arith.constant 0.000000e+00 : f32
      %gt3A_123 = vector.broadcast %gt3A_122 : f32 to vector<16xf32>
      %gt3A_124 = arith.cmpf ogt, %get3A_118, %gt3A_123 : vector<16xf32>
      %max3A_125 = arith.constant 1.000000e+00 : f32
      %max3A_126 = vector.broadcast %max3A_125 : f32 to vector<16xf32>
      %max3A_127 = arith.maximumf %get3A_118, %max3A_126 : vector<16xf32>
      %get3A_128 = arith.constant 32 : index
      %get3A_129 = tpu.vector_load %arg27[%get3A_128] {strides = array<i32>} : memref<256xf32, #tpu.memory_space<vmem>>, vector<16xf32>,
      %get3A_130 = vector.shape_cast %get3A_129 : vector<16xf32> to vector<16xf32>
      %div3A_131 = arith.divf %get3A_130, %max3A_127 : vector<16xf32>
      %jit3A_132 = arith.constant 0.000000e+00 : f32
      %broadcast_in_dim3A_133 = vector.broadcast %jit3A_132 : f32 to vector<16xf32>
      %select_n3A_134 = arith.select %gt3A_124, %div3A_131, %broadcast_in_dim3A_133 : vector<16xi1>, vector<16xf32>
      %mul3A_135 = arith.mulf %select_n3A_134, %get3A_121 : vector<16xf32>
      %add3A_136 = arith.addf %add3A_88, %mul3A_135 : vector<16xf32>
      %get3A_137 = arith.constant 32 : index
      %get3A_138 = tpu.vector_load %arg28[%get3A_137] {strides = array<i32>} : memref<256xf32, #tpu.memory_space<vmem>>, vector<16xf32>,
      %get3A_139 = vector.shape_cast %get3A_138 : vector<16xf32> to vector<16xf32>
      %div3A_140 = arith.divf %get3A_139, %max3A_127 : vector<16xf32>
      %jit3A_141 = arith.constant 0.000000e+00 : f32
      %broadcast_in_dim3A_142 = vector.broadcast %jit3A_141 : f32 to vector<16xf32>
      %select_n3A_143 = arith.select %gt3A_124, %div3A_140, %broadcast_in_dim3A_142 : vector<16xi1>, vector<16xf32>
      %mul3A_144 = arith.mulf %select_n3A_143, %get3A_121 : vector<16xf32>
      %add3A_145 = arith.addf %add3A_97, %mul3A_144 : vector<16xf32>
      %get3A_146 = arith.constant 32 : index
      %get3A_147 = tpu.vector_load %arg29[%get3A_146] {strides = array<i32>} : memref<256xf32, #tpu.memory_space<vmem>>, vector<16xf32>,
      %get3A_148 = vector.shape_cast %get3A_147 : vector<16xf32> to vector<16xf32>
      %div3A_149 = arith.divf %get3A_148, %max3A_127 : vector<16xf32>
      %jit3A_150 = arith.constant 0.000000e+00 : f32
      %broadcast_in_dim3A_151 = vector.broadcast %jit3A_150 : f32 to vector<16xf32>
      %select_n3A_152 = arith.select %gt3A_124, %div3A_149, %broadcast_in_dim3A_151 : vector<16xi1>, vector<16xf32>
      %mul3A_153 = arith.mulf %select_n3A_152, %get3A_121 : vector<16xf32>
      %add3A_154 = arith.addf %add3A_106, %mul3A_153 : vector<16xf32>
      %get3A_155 = arith.constant 32 : index
      %get3A_156 = tpu.vector_load %arg30[%get3A_155] {strides = array<i32>} : memref<256xf32, #tpu.memory_space<vmem>>, vector<16xf32>,
      %get3A_157 = vector.shape_cast %get3A_156 : vector<16xf32> to vector<16xf32>
      %div3A_158 = arith.divf %get3A_157, %max3A_127 : vector<16xf32>
      %jit3A_159 = arith.constant 0.000000e+00 : f32
      %broadcast_in_dim3A_160 = vector.broadcast %jit3A_159 : f32 to vector<16xf32>
      %select_n3A_161 = arith.select %gt3A_124, %div3A_158, %broadcast_in_dim3A_160 : vector<16xi1>, vector<16xf32>
      %mul3A_162 = arith.mulf %select_n3A_161, %get3A_121 : vector<16xf32>
      %add3A_163 = arith.addf %add3A_115, %mul3A_162 : vector<16xf32>
      %get3A_164 = arith.constant 48 : index
      %get3A_165 = tpu.vector_load %arg31[%get3A_164] {strides = array<i32>} : memref<256xf32, #tpu.memory_space<vmem>>, vector<16xf32>,
      %get3A_166 = vector.shape_cast %get3A_165 : vector<16xf32> to vector<16xf32>
      %get3A_167 = arith.constant 48 : index
      %get3A_168 = tpu.vector_load %arg32[%get3A_167] {strides = array<i32>} : memref<256xf32, #tpu.memory_space<vmem>>, vector<16xf32>,
      %get3A_169 = vector.shape_cast %get3A_168 : vector<16xf32> to vector<16xf32>
      %gt3A_170 = arith.constant 0.000000e+00 : f32
      %gt3A_171 = vector.broadcast %gt3A_170 : f32 to vector<16xf32>
      %gt3A_172 = arith.cmpf ogt, %get3A_166, %gt3A_171 : vector<16xf32>
      %max3A_173 = arith.constant 1.000000e+00 : f32
      %max3A_174 = vector.broadcast %max3A_173 : f32 to vector<16xf32>
      %max3A_175 = arith.maximumf %get3A_166, %max3A_174 : vector<16xf32>
      %get3A_176 = arith.constant 48 : index
      %get3A_177 = tpu.vector_load %arg27[%get3A_176] {strides = array<i32>} : memref<256xf32, #tpu.memory_space<vmem>>, vector<16xf32>,
      %get3A_178 = vector.shape_cast %get3A_177 : vector<16xf32> to vector<16xf32>
      %div3A_179 = arith.divf %get3A_178, %max3A_175 : vector<16xf32>
      %jit3A_180 = arith.constant 0.000000e+00 : f32
      %broadcast_in_dim3A_181 = vector.broadcast %jit3A_180 : f32 to vector<16xf32>
      %select_n3A_182 = arith.select %gt3A_172, %div3A_179, %broadcast_in_dim3A_181 : vector<16xi1>, vector<16xf32>
      %mul3A_183 = arith.mulf %select_n3A_182, %get3A_169 : vector<16xf32>
      %add3A_184 = arith.addf %add3A_136, %mul3A_183 : vector<16xf32>
      %get3A_185 = arith.constant 48 : index
      %get3A_186 = tpu.vector_load %arg28[%get3A_185] {strides = array<i32>} : memref<256xf32, #tpu.memory_space<vmem>>, vector<16xf32>,
      %get3A_187 = vector.shape_cast %get3A_186 : vector<16xf32> to vector<16xf32>
      %div3A_188 = arith.divf %get3A_187, %max3A_175 : vector<16xf32>
      %jit3A_189 = arith.constant 0.000000e+00 : f32
      %broadcast_in_dim3A_190 = vector.broadcast %jit3A_189 : f32 to vector<16xf32>
      %select_n3A_191 = arith.select %gt3A_172, %div3A_188, %broadcast_in_dim3A_190 : vector<16xi1>, vector<16xf32>
      %mul3A_192 = arith.mulf %select_n3A_191, %get3A_169 : vector<16xf32>
      %add3A_193 = arith.addf %add3A_145, %mul3A_192 : vector<16xf32>
      %get3A_194 = arith.constant 48 : index
      %get3A_195 = tpu.vector_load %arg29[%get3A_194] {strides = array<i32>} : memref<256xf32, #tpu.memory_space<vmem>>, vector<16xf32>,
      %get3A_196 = vector.shape_cast %get3A_195 : vector<16xf32> to vector<16xf32>
      %div3A_197 = arith.divf %get3A_196, %max3A_175 : vector<16xf32>
      %jit3A_198 = arith.constant 0.000000e+00 : f32
      %broadcast_in_dim3A_199 = vector.broadcast %jit3A_198 : f32 to vector<16xf32>
      %select_n3A_200 = arith.select %gt3A_172, %div3A_197, %broadcast_in_dim3A_199 : vector<16xi1>, vector<16xf32>
      %mul3A_201 = arith.mulf %select_n3A_200, %get3A_169 : vector<16xf32>
      %add3A_202 = arith.addf %add3A_154, %mul3A_201 : vector<16xf32>
      %get3A_203 = arith.constant 48 : index
      %get3A_204 = tpu.vector_load %arg30[%get3A_203] {strides = array<i32>} : memref<256xf32, #tpu.memory_space<vmem>>, vector<16xf32>,
      %get3A_205 = vector.shape_cast %get3A_204 : vector<16xf32> to vector<16xf32>
      %div3A_206 = arith.divf %get3A_205, %max3A_175 : vector<16xf32>
      %jit3A_207 = arith.constant 0.000000e+00 : f32
      %broadcast_in_dim3A_208 = vector.broadcast %jit3A_207 : f32 to vector<16xf32>
      %select_n3A_209 = arith.select %gt3A_172, %div3A_206, %broadcast_in_dim3A_208 : vector<16xi1>, vector<16xf32>
      %mul3A_210 = arith.mulf %select_n3A_209, %get3A_169 : vector<16xf32>
      %add3A_211 = arith.addf %add3A_163, %mul3A_210 : vector<16xf32>
      %get3A_212 = arith.constant 64 : index
      %get3A_213 = tpu.vector_load %arg31[%get3A_212] {strides = array<i32>} : memref<256xf32, #tpu.memory_space<vmem>>, vector<16xf32>,
      %get3A_214 = vector.shape_cast %get3A_213 : vector<16xf32> to vector<16xf32>
      %get3A_215 = arith.constant 64 : index
      %get3A_216 = tpu.vector_load %arg32[%get3A_215] {strides = array<i32>} : memref<256xf32, #tpu.memory_space<vmem>>, vector<16xf32>,
      %get3A_217 = vector.shape_cast %get3A_216 : vector<16xf32> to vector<16xf32>
      %gt3A_218 = arith.constant 0.000000e+00 : f32
      %gt3A_219 = vector.broadcast %gt3A_218 : f32 to vector<16xf32>
      %gt3A_220 = arith.cmpf ogt, %get3A_214, %gt3A_219 : vector<16xf32>
      %max3A_221 = arith.constant 1.000000e+00 : f32
      %max3A_222 = vector.broadcast %max3A_221 : f32 to vector<16xf32>
      %max3A_223 = arith.maximumf %get3A_214, %max3A_222 : vector<16xf32>
      %get3A_224 = arith.constant 64 : index
      %get3A_225 = tpu.vector_load %arg27[%get3A_224] {strides = array<i32>} : memref<256xf32, #tpu.memory_space<vmem>>, vector<16xf32>,
      %get3A_226 = vector.shape_cast %get3A_225 : vector<16xf32> to vector<16xf32>
      %div3A_227 = arith.divf %get3A_226, %max3A_223 : vector<16xf32>
      %jit3A_228 = arith.constant 0.000000e+00 : f32
      %broadcast_in_dim3A_229 = vector.broadcast %jit3A_228 : f32 to vector<16xf32>
      %select_n3A_230 = arith.select %gt3A_220, %div3A_227, %broadcast_in_dim3A_229 : vector<16xi1>, vector<16xf32>
      %mul3A_231 = arith.mulf %select_n3A_230, %get3A_217 : vector<16xf32>
      %add3A_232 = arith.addf %add3A_184, %mul3A_231 : vector<16xf32>
      %get3A_233 = arith.constant 64 : index
      %get3A_234 = tpu.vector_load %arg28[%get3A_233] {strides = array<i32>} : memref<256xf32, #tpu.memory_space<vmem>>, vector<16xf32>,
      %get3A_235 = vector.shape_cast %get3A_234 : vector<16xf32> to vector<16xf32>
      %div3A_236 = arith.divf %get3A_235, %max3A_223 : vector<16xf32>
      %jit3A_237 = arith.constant 0.000000e+00 : f32
      %broadcast_in_dim3A_238 = vector.broadcast %jit3A_237 : f32 to vector<16xf32>
      %select_n3A_239 = arith.select %gt3A_220, %div3A_236, %broadcast_in_dim3A_238 : vector<16xi1>, vector<16xf32>
      %mul3A_240 = arith.mulf %select_n3A_239, %get3A_217 : vector<16xf32>
      %add3A_241 = arith.addf %add3A_193, %mul3A_240 : vector<16xf32>
      %get3A_242 = arith.constant 64 : index
      %get3A_243 = tpu.vector_load %arg29[%get3A_242] {strides = array<i32>} : memref<256xf32, #tpu.memory_space<vmem>>, vector<16xf32>,
      %get3A_244 = vector.shape_cast %get3A_243 : vector<16xf32> to vector<16xf32>
      %div3A_245 = arith.divf %get3A_244, %max3A_223 : vector<16xf32>
      %jit3A_246 = arith.constant 0.000000e+00 : f32
      %broadcast_in_dim3A_247 = vector.broadcast %jit3A_246 : f32 to vector<16xf32>
      %select_n3A_248 = arith.select %gt3A_220, %div3A_245, %broadcast_in_dim3A_247 : vector<16xi1>, vector<16xf32>
      %mul3A_249 = arith.mulf %select_n3A_248, %get3A_217 : vector<16xf32>
      %add3A_250 = arith.addf %add3A_202, %mul3A_249 : vector<16xf32>
      %get3A_251 = arith.constant 64 : index
      %get3A_252 = tpu.vector_load %arg30[%get3A_251] {strides = array<i32>} : memref<256xf32, #tpu.memory_space<vmem>>, vector<16xf32>,
      %get3A_253 = vector.shape_cast %get3A_252 : vector<16xf32> to vector<16xf32>
      %div3A_254 = arith.divf %get3A_253, %max3A_223 : vector<16xf32>
      %jit3A_255 = arith.constant 0.000000e+00 : f32
      %broadcast_in_dim3A_256 = vector.broadcast %jit3A_255 : f32 to vector<16xf32>
      %select_n3A_257 = arith.select %gt3A_220, %div3A_254, %broadcast_in_dim3A_256 : vector<16xi1>, vector<16xf32>
      %mul3A_258 = arith.mulf %select_n3A_257, %get3A_217 : vector<16xf32>
      %add3A_259 = arith.addf %add3A_211, %mul3A_258 : vector<16xf32>
      %get3A_260 = arith.constant 80 : index
      %get3A_261 = tpu.vector_load %arg31[%get3A_260] {strides = array<i32>} : memref<256xf32, #tpu.memory_space<vmem>>, vector<16xf32>,
      %get3A_262 = vector.shape_cast %get3A_261 : vector<16xf32> to vector<16xf32>
      %get3A_263 = arith.constant 80 : index
      %get3A_264 = tpu.vector_load %arg32[%get3A_263] {strides = array<i32>} : memref<256xf32, #tpu.memory_space<vmem>>, vector<16xf32>,
      %get3A_265 = vector.shape_cast %get3A_264 : vector<16xf32> to vector<16xf32>
      %gt3A_266 = arith.constant 0.000000e+00 : f32
      %gt3A_267 = vector.broadcast %gt3A_266 : f32 to vector<16xf32>
      %gt3A_268 = arith.cmpf ogt, %get3A_262, %gt3A_267 : vector<16xf32>
      %max3A_269 = arith.constant 1.000000e+00 : f32
      %max3A_270 = vector.broadcast %max3A_269 : f32 to vector<16xf32>
      %max3A_271 = arith.maximumf %get3A_262, %max3A_270 : vector<16xf32>
      %get3A_272 = arith.constant 80 : index
      %get3A_273 = tpu.vector_load %arg27[%get3A_272] {strides = array<i32>} : memref<256xf32, #tpu.memory_space<vmem>>, vector<16xf32>,
      %get3A_274 = vector.shape_cast %get3A_273 : vector<16xf32> to vector<16xf32>
      %div3A_275 = arith.divf %get3A_274, %max3A_271 : vector<16xf32>
      %jit3A_276 = arith.constant 0.000000e+00 : f32
      %broadcast_in_dim3A_277 = vector.broadcast %jit3A_276 : f32 to vector<16xf32>
      %select_n3A_278 = arith.select %gt3A_268, %div3A_275, %broadcast_in_dim3A_277 : vector<16xi1>, vector<16xf32>
      %mul3A_279 = arith.mulf %select_n3A_278, %get3A_265 : vector<16xf32>
      %add3A_280 = arith.addf %add3A_232, %mul3A_279 : vector<16xf32>
      %get3A_281 = arith.constant 80 : index
      %get3A_282 = tpu.vector_load %arg28[%get3A_281] {strides = array<i32>} : memref<256xf32, #tpu.memory_space<vmem>>, vector<16xf32>,
      %get3A_283 = vector.shape_cast %get3A_282 : vector<16xf32> to vector<16xf32>
      %div3A_284 = arith.divf %get3A_283, %max3A_271 : vector<16xf32>
      %jit3A_285 = arith.constant 0.000000e+00 : f32
      %broadcast_in_dim3A_286 = vector.broadcast %jit3A_285 : f32 to vector<16xf32>
      %select_n3A_287 = arith.select %gt3A_268, %div3A_284, %broadcast_in_dim3A_286 : vector<16xi1>, vector<16xf32>
      %mul3A_288 = arith.mulf %select_n3A_287, %get3A_265 : vector<16xf32>
      %add3A_289 = arith.addf %add3A_241, %mul3A_288 : vector<16xf32>
      %get3A_290 = arith.constant 80 : index
      %get3A_291 = tpu.vector_load %arg29[%get3A_290] {strides = array<i32>} : memref<256xf32, #tpu.memory_space<vmem>>, vector<16xf32>,
      %get3A_292 = vector.shape_cast %get3A_291 : vector<16xf32> to vector<16xf32>
      %div3A_293 = arith.divf %get3A_292, %max3A_271 : vector<16xf32>
      %jit3A_294 = arith.constant 0.000000e+00 : f32
      %broadcast_in_dim3A_295 = vector.broadcast %jit3A_294 : f32 to vector<16xf32>
      %select_n3A_296 = arith.select %gt3A_268, %div3A_293, %broadcast_in_dim3A_295 : vector<16xi1>, vector<16xf32>
      %mul3A_297 = arith.mulf %select_n3A_296, %get3A_265 : vector<16xf32>
      %add3A_298 = arith.addf %add3A_250, %mul3A_297 : vector<16xf32>
      %get3A_299 = arith.constant 80 : index
      %get3A_300 = tpu.vector_load %arg30[%get3A_299] {strides = array<i32>} : memref<256xf32, #tpu.memory_space<vmem>>, vector<16xf32>,
      %get3A_301 = vector.shape_cast %get3A_300 : vector<16xf32> to vector<16xf32>
      %div3A_302 = arith.divf %get3A_301, %max3A_271 : vector<16xf32>
      %jit3A_303 = arith.constant 0.000000e+00 : f32
      %broadcast_in_dim3A_304 = vector.broadcast %jit3A_303 : f32 to vector<16xf32>
      %select_n3A_305 = arith.select %gt3A_268, %div3A_302, %broadcast_in_dim3A_304 : vector<16xi1>, vector<16xf32>
      %mul3A_306 = arith.mulf %select_n3A_305, %get3A_265 : vector<16xf32>
      %add3A_307 = arith.addf %add3A_259, %mul3A_306 : vector<16xf32>
      %get3A_308 = arith.constant 96 : index
      %get3A_309 = tpu.vector_load %arg31[%get3A_308] {strides = array<i32>} : memref<256xf32, #tpu.memory_space<vmem>>, vector<16xf32>,
      %get3A_310 = vector.shape_cast %get3A_309 : vector<16xf32> to vector<16xf32>
      %get3A_311 = arith.constant 96 : index
      %get3A_312 = tpu.vector_load %arg32[%get3A_311] {strides = array<i32>} : memref<256xf32, #tpu.memory_space<vmem>>, vector<16xf32>,
      %get3A_313 = vector.shape_cast %get3A_312 : vector<16xf32> to vector<16xf32>
      %gt3A_314 = arith.constant 0.000000e+00 : f32
      %gt3A_315 = vector.broadcast %gt3A_314 : f32 to vector<16xf32>
      %gt3A_316 = arith.cmpf ogt, %get3A_310, %gt3A_315 : vector<16xf32>
      %max3A_317 = arith.constant 1.000000e+00 : f32
      %max3A_318 = vector.broadcast %max3A_317 : f32 to vector<16xf32>
      %max3A_319 = arith.maximumf %get3A_310, %max3A_318 : vector<16xf32>
      %get3A_320 = arith.constant 96 : index
      %get3A_321 = tpu.vector_load %arg27[%get3A_320] {strides = array<i32>} : memref<256xf32, #tpu.memory_space<vmem>>, vector<16xf32>,
      %get3A_322 = vector.shape_cast %get3A_321 : vector<16xf32> to vector<16xf32>
      %div3A_323 = arith.divf %get3A_322, %max3A_319 : vector<16xf32>
      %jit3A_324 = arith.constant 0.000000e+00 : f32
      %broadcast_in_dim3A_325 = vector.broadcast %jit3A_324 : f32 to vector<16xf32>
      %select_n3A_326 = arith.select %gt3A_316, %div3A_323, %broadcast_in_dim3A_325 : vector<16xi1>, vector<16xf32>
      %mul3A_327 = arith.mulf %select_n3A_326, %get3A_313 : vector<16xf32>
      %add3A_328 = arith.addf %add3A_280, %mul3A_327 : vector<16xf32>
      %get3A_329 = arith.constant 96 : index
      %get3A_330 = tpu.vector_load %arg28[%get3A_329] {strides = array<i32>} : memref<256xf32, #tpu.memory_space<vmem>>, vector<16xf32>,
      %get3A_331 = vector.shape_cast %get3A_330 : vector<16xf32> to vector<16xf32>
      %div3A_332 = arith.divf %get3A_331, %max3A_319 : vector<16xf32>
      %jit3A_333 = arith.constant 0.000000e+00 : f32
      %broadcast_in_dim3A_334 = vector.broadcast %jit3A_333 : f32 to vector<16xf32>
      %select_n3A_335 = arith.select %gt3A_316, %div3A_332, %broadcast_in_dim3A_334 : vector<16xi1>, vector<16xf32>
      %mul3A_336 = arith.mulf %select_n3A_335, %get3A_313 : vector<16xf32>
      %add3A_337 = arith.addf %add3A_289, %mul3A_336 : vector<16xf32>
      %get3A_338 = arith.constant 96 : index
      %get3A_339 = tpu.vector_load %arg29[%get3A_338] {strides = array<i32>} : memref<256xf32, #tpu.memory_space<vmem>>, vector<16xf32>,
      %get3A_340 = vector.shape_cast %get3A_339 : vector<16xf32> to vector<16xf32>
      %div3A_341 = arith.divf %get3A_340, %max3A_319 : vector<16xf32>
      %jit3A_342 = arith.constant 0.000000e+00 : f32
      %broadcast_in_dim3A_343 = vector.broadcast %jit3A_342 : f32 to vector<16xf32>
      %select_n3A_344 = arith.select %gt3A_316, %div3A_341, %broadcast_in_dim3A_343 : vector<16xi1>, vector<16xf32>
      %mul3A_345 = arith.mulf %select_n3A_344, %get3A_313 : vector<16xf32>
      %add3A_346 = arith.addf %add3A_298, %mul3A_345 : vector<16xf32>
      %get3A_347 = arith.constant 96 : index
      %get3A_348 = tpu.vector_load %arg30[%get3A_347] {strides = array<i32>} : memref<256xf32, #tpu.memory_space<vmem>>, vector<16xf32>,
      %get3A_349 = vector.shape_cast %get3A_348 : vector<16xf32> to vector<16xf32>
      %div3A_350 = arith.divf %get3A_349, %max3A_319 : vector<16xf32>
      %jit3A_351 = arith.constant 0.000000e+00 : f32
      %broadcast_in_dim3A_352 = vector.broadcast %jit3A_351 : f32 to vector<16xf32>
      %select_n3A_353 = arith.select %gt3A_316, %div3A_350, %broadcast_in_dim3A_352 : vector<16xi1>, vector<16xf32>
      %mul3A_354 = arith.mulf %select_n3A_353, %get3A_313 : vector<16xf32>
      %add3A_355 = arith.addf %add3A_307, %mul3A_354 : vector<16xf32>
      %get3A_356 = arith.constant 112 : index
      %get3A_357 = tpu.vector_load %arg31[%get3A_356] {strides = array<i32>} : memref<256xf32, #tpu.memory_space<vmem>>, vector<16xf32>,
      %get3A_358 = vector.shape_cast %get3A_357 : vector<16xf32> to vector<16xf32>
      %get3A_359 = arith.constant 112 : index
      %get3A_360 = tpu.vector_load %arg32[%get3A_359] {strides = array<i32>} : memref<256xf32, #tpu.memory_space<vmem>>, vector<16xf32>,
      %get3A_361 = vector.shape_cast %get3A_360 : vector<16xf32> to vector<16xf32>
      %gt3A_362 = arith.constant 0.000000e+00 : f32
      %gt3A_363 = vector.broadcast %gt3A_362 : f32 to vector<16xf32>
      %gt3A_364 = arith.cmpf ogt, %get3A_358, %gt3A_363 : vector<16xf32>
      %max3A_365 = arith.constant 1.000000e+00 : f32
      %max3A_366 = vector.broadcast %max3A_365 : f32 to vector<16xf32>
      %max3A_367 = arith.maximumf %get3A_358, %max3A_366 : vector<16xf32>
      %get3A_368 = arith.constant 112 : index
      %get3A_369 = tpu.vector_load %arg27[%get3A_368] {strides = array<i32>} : memref<256xf32, #tpu.memory_space<vmem>>, vector<16xf32>,
      %get3A_370 = vector.shape_cast %get3A_369 : vector<16xf32> to vector<16xf32>
      %div3A_371 = arith.divf %get3A_370, %max3A_367 : vector<16xf32>
      %jit3A_372 = arith.constant 0.000000e+00 : f32
      %broadcast_in_dim3A_373 = vector.broadcast %jit3A_372 : f32 to vector<16xf32>
      %select_n3A_374 = arith.select %gt3A_364, %div3A_371, %broadcast_in_dim3A_373 : vector<16xi1>, vector<16xf32>
      %mul3A_375 = arith.mulf %select_n3A_374, %get3A_361 : vector<16xf32>
      %add3A_376 = arith.addf %add3A_328, %mul3A_375 : vector<16xf32>
      %get3A_377 = arith.constant 112 : index
      %get3A_378 = tpu.vector_load %arg28[%get3A_377] {strides = array<i32>} : memref<256xf32, #tpu.memory_space<vmem>>, vector<16xf32>,
      %get3A_379 = vector.shape_cast %get3A_378 : vector<16xf32> to vector<16xf32>
      %div3A_380 = arith.divf %get3A_379, %max3A_367 : vector<16xf32>
      %jit3A_381 = arith.constant 0.000000e+00 : f32
      %broadcast_in_dim3A_382 = vector.broadcast %jit3A_381 : f32 to vector<16xf32>
      %select_n3A_383 = arith.select %gt3A_364, %div3A_380, %broadcast_in_dim3A_382 : vector<16xi1>, vector<16xf32>
      %mul3A_384 = arith.mulf %select_n3A_383, %get3A_361 : vector<16xf32>
      %add3A_385 = arith.addf %add3A_337, %mul3A_384 : vector<16xf32>
      %get3A_386 = arith.constant 112 : index
      %get3A_387 = tpu.vector_load %arg29[%get3A_386] {strides = array<i32>} : memref<256xf32, #tpu.memory_space<vmem>>, vector<16xf32>,
      %get3A_388 = vector.shape_cast %get3A_387 : vector<16xf32> to vector<16xf32>
      %div3A_389 = arith.divf %get3A_388, %max3A_367 : vector<16xf32>
      %jit3A_390 = arith.constant 0.000000e+00 : f32
      %broadcast_in_dim3A_391 = vector.broadcast %jit3A_390 : f32 to vector<16xf32>
      %select_n3A_392 = arith.select %gt3A_364, %div3A_389, %broadcast_in_dim3A_391 : vector<16xi1>, vector<16xf32>
      %mul3A_393 = arith.mulf %select_n3A_392, %get3A_361 : vector<16xf32>
      %add3A_394 = arith.addf %add3A_346, %mul3A_393 : vector<16xf32>
      %get3A_395 = arith.constant 112 : index
      %get3A_396 = tpu.vector_load %arg30[%get3A_395] {strides = array<i32>} : memref<256xf32, #tpu.memory_space<vmem>>, vector<16xf32>,
      %get3A_397 = vector.shape_cast %get3A_396 : vector<16xf32> to vector<16xf32>
      %div3A_398 = arith.divf %get3A_397, %max3A_367 : vector<16xf32>
      %jit3A_399 = arith.constant 0.000000e+00 : f32
      %broadcast_in_dim3A_400 = vector.broadcast %jit3A_399 : f32 to vector<16xf32>
      %select_n3A_401 = arith.select %gt3A_364, %div3A_398, %broadcast_in_dim3A_400 : vector<16xi1>, vector<16xf32>
      %mul3A_402 = arith.mulf %select_n3A_401, %get3A_361 : vector<16xf32>
      %add3A_403 = arith.addf %add3A_355, %mul3A_402 : vector<16xf32>
      %get3A_404 = arith.constant 128 : index
      %get3A_405 = tpu.vector_load %arg31[%get3A_404] {strides = array<i32>} : memref<256xf32, #tpu.memory_space<vmem>>, vector<16xf32>,
      %get3A_406 = vector.shape_cast %get3A_405 : vector<16xf32> to vector<16xf32>
      %get3A_407 = arith.constant 128 : index
      %get3A_408 = tpu.vector_load %arg32[%get3A_407] {strides = array<i32>} : memref<256xf32, #tpu.memory_space<vmem>>, vector<16xf32>,
      %get3A_409 = vector.shape_cast %get3A_408 : vector<16xf32> to vector<16xf32>
      %gt3A_410 = arith.constant 0.000000e+00 : f32
      %gt3A_411 = vector.broadcast %gt3A_410 : f32 to vector<16xf32>
      %gt3A_412 = arith.cmpf ogt, %get3A_406, %gt3A_411 : vector<16xf32>
      %max3A_413 = arith.constant 1.000000e+00 : f32
      %max3A_414 = vector.broadcast %max3A_413 : f32 to vector<16xf32>
      %max3A_415 = arith.maximumf %get3A_406, %max3A_414 : vector<16xf32>
      %get3A_416 = arith.constant 128 : index
      %get3A_417 = tpu.vector_load %arg27[%get3A_416] {strides = array<i32>} : memref<256xf32, #tpu.memory_space<vmem>>, vector<16xf32>,
      %get3A_418 = vector.shape_cast %get3A_417 : vector<16xf32> to vector<16xf32>
      %div3A_419 = arith.divf %get3A_418, %max3A_415 : vector<16xf32>
      %jit3A_420 = arith.constant 0.000000e+00 : f32
      %broadcast_in_dim3A_421 = vector.broadcast %jit3A_420 : f32 to vector<16xf32>
      %select_n3A_422 = arith.select %gt3A_412, %div3A_419, %broadcast_in_dim3A_421 : vector<16xi1>, vector<16xf32>
      %mul3A_423 = arith.mulf %select_n3A_422, %get3A_409 : vector<16xf32>
      %add3A_424 = arith.addf %add3A_376, %mul3A_423 : vector<16xf32>
      %get3A_425 = arith.constant 128 : index
      %get3A_426 = tpu.vector_load %arg28[%get3A_425] {strides = array<i32>} : memref<256xf32, #tpu.memory_space<vmem>>, vector<16xf32>,
      %get3A_427 = vector.shape_cast %get3A_426 : vector<16xf32> to vector<16xf32>
      %div3A_428 = arith.divf %get3A_427, %max3A_415 : vector<16xf32>
      %jit3A_429 = arith.constant 0.000000e+00 : f32
      %broadcast_in_dim3A_430 = vector.broadcast %jit3A_429 : f32 to vector<16xf32>
      %select_n3A_431 = arith.select %gt3A_412, %div3A_428, %broadcast_in_dim3A_430 : vector<16xi1>, vector<16xf32>
      %mul3A_432 = arith.mulf %select_n3A_431, %get3A_409 : vector<16xf32>
      %add3A_433 = arith.addf %add3A_385, %mul3A_432 : vector<16xf32>
      %get3A_434 = arith.constant 128 : index
      %get3A_435 = tpu.vector_load %arg29[%get3A_434] {strides = array<i32>} : memref<256xf32, #tpu.memory_space<vmem>>, vector<16xf32>,
      %get3A_436 = vector.shape_cast %get3A_435 : vector<16xf32> to vector<16xf32>
      %div3A_437 = arith.divf %get3A_436, %max3A_415 : vector<16xf32>
      %jit3A_438 = arith.constant 0.000000e+00 : f32
      %broadcast_in_dim3A_439 = vector.broadcast %jit3A_438 : f32 to vector<16xf32>
      %select_n3A_440 = arith.select %gt3A_412, %div3A_437, %broadcast_in_dim3A_439 : vector<16xi1>, vector<16xf32>
      %mul3A_441 = arith.mulf %select_n3A_440, %get3A_409 : vector<16xf32>
      %add3A_442 = arith.addf %add3A_394, %mul3A_441 : vector<16xf32>
      %get3A_443 = arith.constant 128 : index
      %get3A_444 = tpu.vector_load %arg30[%get3A_443] {strides = array<i32>} : memref<256xf32, #tpu.memory_space<vmem>>, vector<16xf32>,
      %get3A_445 = vector.shape_cast %get3A_444 : vector<16xf32> to vector<16xf32>
      %div3A_446 = arith.divf %get3A_445, %max3A_415 : vector<16xf32>
      %jit3A_447 = arith.constant 0.000000e+00 : f32
      %broadcast_in_dim3A_448 = vector.broadcast %jit3A_447 : f32 to vector<16xf32>
      %select_n3A_449 = arith.select %gt3A_412, %div3A_446, %broadcast_in_dim3A_448 : vector<16xi1>, vector<16xf32>
      %mul3A_450 = arith.mulf %select_n3A_449, %get3A_409 : vector<16xf32>
      %add3A_451 = arith.addf %add3A_403, %mul3A_450 : vector<16xf32>
      %get3A_452 = arith.constant 144 : index
      %get3A_453 = tpu.vector_load %arg31[%get3A_452] {strides = array<i32>} : memref<256xf32, #tpu.memory_space<vmem>>, vector<16xf32>,
      %get3A_454 = vector.shape_cast %get3A_453 : vector<16xf32> to vector<16xf32>
      %get3A_455 = arith.constant 144 : index
      %get3A_456 = tpu.vector_load %arg32[%get3A_455] {strides = array<i32>} : memref<256xf32, #tpu.memory_space<vmem>>, vector<16xf32>,
      %get3A_457 = vector.shape_cast %get3A_456 : vector<16xf32> to vector<16xf32>
      %gt3A_458 = arith.constant 0.000000e+00 : f32
      %gt3A_459 = vector.broadcast %gt3A_458 : f32 to vector<16xf32>
      %gt3A_460 = arith.cmpf ogt, %get3A_454, %gt3A_459 : vector<16xf32>
      %max3A_461 = arith.constant 1.000000e+00 : f32
      %max3A_462 = vector.broadcast %max3A_461 : f32 to vector<16xf32>
      %max3A_463 = arith.maximumf %get3A_454, %max3A_462 : vector<16xf32>
      %get3A_464 = arith.constant 144 : index
      %get3A_465 = tpu.vector_load %arg27[%get3A_464] {strides = array<i32>} : memref<256xf32, #tpu.memory_space<vmem>>, vector<16xf32>,
      %get3A_466 = vector.shape_cast %get3A_465 : vector<16xf32> to vector<16xf32>
      %div3A_467 = arith.divf %get3A_466, %max3A_463 : vector<16xf32>
      %jit3A_468 = arith.constant 0.000000e+00 : f32
      %broadcast_in_dim3A_469 = vector.broadcast %jit3A_468 : f32 to vector<16xf32>
      %select_n3A_470 = arith.select %gt3A_460, %div3A_467, %broadcast_in_dim3A_469 : vector<16xi1>, vector<16xf32>
      %mul3A_471 = arith.mulf %select_n3A_470, %get3A_457 : vector<16xf32>
      %add3A_472 = arith.addf %add3A_424, %mul3A_471 : vector<16xf32>
      %get3A_473 = arith.constant 144 : index
      %get3A_474 = tpu.vector_load %arg28[%get3A_473] {strides = array<i32>} : memref<256xf32, #tpu.memory_space<vmem>>, vector<16xf32>,
      %get3A_475 = vector.shape_cast %get3A_474 : vector<16xf32> to vector<16xf32>
      %div3A_476 = arith.divf %get3A_475, %max3A_463 : vector<16xf32>
      %jit3A_477 = arith.constant 0.000000e+00 : f32
      %broadcast_in_dim3A_478 = vector.broadcast %jit3A_477 : f32 to vector<16xf32>
      %select_n3A_479 = arith.select %gt3A_460, %div3A_476, %broadcast_in_dim3A_478 : vector<16xi1>, vector<16xf32>
      %mul3A_480 = arith.mulf %select_n3A_479, %get3A_457 : vector<16xf32>
      %add3A_481 = arith.addf %add3A_433, %mul3A_480 : vector<16xf32>
      %get3A_482 = arith.constant 144 : index
      %get3A_483 = tpu.vector_load %arg29[%get3A_482] {strides = array<i32>} : memref<256xf32, #tpu.memory_space<vmem>>, vector<16xf32>,
      %get3A_484 = vector.shape_cast %get3A_483 : vector<16xf32> to vector<16xf32>
      %div3A_485 = arith.divf %get3A_484, %max3A_463 : vector<16xf32>
      %jit3A_486 = arith.constant 0.000000e+00 : f32
      %broadcast_in_dim3A_487 = vector.broadcast %jit3A_486 : f32 to vector<16xf32>
      %select_n3A_488 = arith.select %gt3A_460, %div3A_485, %broadcast_in_dim3A_487 : vector<16xi1>, vector<16xf32>
      %mul3A_489 = arith.mulf %select_n3A_488, %get3A_457 : vector<16xf32>
      %add3A_490 = arith.addf %add3A_442, %mul3A_489 : vector<16xf32>
      %get3A_491 = arith.constant 144 : index
      %get3A_492 = tpu.vector_load %arg30[%get3A_491] {strides = array<i32>} : memref<256xf32, #tpu.memory_space<vmem>>, vector<16xf32>,
      %get3A_493 = vector.shape_cast %get3A_492 : vector<16xf32> to vector<16xf32>
      %div3A_494 = arith.divf %get3A_493, %max3A_463 : vector<16xf32>
      %jit3A_495 = arith.constant 0.000000e+00 : f32
      %broadcast_in_dim3A_496 = vector.broadcast %jit3A_495 : f32 to vector<16xf32>
      %select_n3A_497 = arith.select %gt3A_460, %div3A_494, %broadcast_in_dim3A_496 : vector<16xi1>, vector<16xf32>
      %mul3A_498 = arith.mulf %select_n3A_497, %get3A_457 : vector<16xf32>
      %add3A_499 = arith.addf %add3A_451, %mul3A_498 : vector<16xf32>
      %get3A_500 = arith.constant 160 : index
      %get3A_501 = tpu.vector_load %arg31[%get3A_500] {strides = array<i32>} : memref<256xf32, #tpu.memory_space<vmem>>, vector<16xf32>,
      %get3A_502 = vector.shape_cast %get3A_501 : vector<16xf32> to vector<16xf32>
      %get3A_503 = arith.constant 160 : index
      %get3A_504 = tpu.vector_load %arg32[%get3A_503] {strides = array<i32>} : memref<256xf32, #tpu.memory_space<vmem>>, vector<16xf32>,
      %get3A_505 = vector.shape_cast %get3A_504 : vector<16xf32> to vector<16xf32>
      %gt3A_506 = arith.constant 0.000000e+00 : f32
      %gt3A_507 = vector.broadcast %gt3A_506 : f32 to vector<16xf32>
      %gt3A_508 = arith.cmpf ogt, %get3A_502, %gt3A_507 : vector<16xf32>
      %max3A_509 = arith.constant 1.000000e+00 : f32
      %max3A_510 = vector.broadcast %max3A_509 : f32 to vector<16xf32>
      %max3A_511 = arith.maximumf %get3A_502, %max3A_510 : vector<16xf32>
      %get3A_512 = arith.constant 160 : index
      %get3A_513 = tpu.vector_load %arg27[%get3A_512] {strides = array<i32>} : memref<256xf32, #tpu.memory_space<vmem>>, vector<16xf32>,
      %get3A_514 = vector.shape_cast %get3A_513 : vector<16xf32> to vector<16xf32>
      %div3A_515 = arith.divf %get3A_514, %max3A_511 : vector<16xf32>
      %jit3A_516 = arith.constant 0.000000e+00 : f32
      %broadcast_in_dim3A_517 = vector.broadcast %jit3A_516 : f32 to vector<16xf32>
      %select_n3A_518 = arith.select %gt3A_508, %div3A_515, %broadcast_in_dim3A_517 : vector<16xi1>, vector<16xf32>
      %mul3A_519 = arith.mulf %select_n3A_518, %get3A_505 : vector<16xf32>
      %add3A_520 = arith.addf %add3A_472, %mul3A_519 : vector<16xf32>
      %get3A_521 = arith.constant 160 : index
      %get3A_522 = tpu.vector_load %arg28[%get3A_521] {strides = array<i32>} : memref<256xf32, #tpu.memory_space<vmem>>, vector<16xf32>,
      %get3A_523 = vector.shape_cast %get3A_522 : vector<16xf32> to vector<16xf32>
      %div3A_524 = arith.divf %get3A_523, %max3A_511 : vector<16xf32>
      %jit3A_525 = arith.constant 0.000000e+00 : f32
      %broadcast_in_dim3A_526 = vector.broadcast %jit3A_525 : f32 to vector<16xf32>
      %select_n3A_527 = arith.select %gt3A_508, %div3A_524, %broadcast_in_dim3A_526 : vector<16xi1>, vector<16xf32>
      %mul3A_528 = arith.mulf %select_n3A_527, %get3A_505 : vector<16xf32>
      %add3A_529 = arith.addf %add3A_481, %mul3A_528 : vector<16xf32>
      %get3A_530 = arith.constant 160 : index
      %get3A_531 = tpu.vector_load %arg29[%get3A_530] {strides = array<i32>} : memref<256xf32, #tpu.memory_space<vmem>>, vector<16xf32>,
      %get3A_532 = vector.shape_cast %get3A_531 : vector<16xf32> to vector<16xf32>
      %div3A_533 = arith.divf %get3A_532, %max3A_511 : vector<16xf32>
      %jit3A_534 = arith.constant 0.000000e+00 : f32
      %broadcast_in_dim3A_535 = vector.broadcast %jit3A_534 : f32 to vector<16xf32>
      %select_n3A_536 = arith.select %gt3A_508, %div3A_533, %broadcast_in_dim3A_535 : vector<16xi1>, vector<16xf32>
      %mul3A_537 = arith.mulf %select_n3A_536, %get3A_505 : vector<16xf32>
      %add3A_538 = arith.addf %add3A_490, %mul3A_537 : vector<16xf32>
      %get3A_539 = arith.constant 160 : index
      %get3A_540 = tpu.vector_load %arg30[%get3A_539] {strides = array<i32>} : memref<256xf32, #tpu.memory_space<vmem>>, vector<16xf32>,
      %get3A_541 = vector.shape_cast %get3A_540 : vector<16xf32> to vector<16xf32>
      %div3A_542 = arith.divf %get3A_541, %max3A_511 : vector<16xf32>
      %jit3A_543 = arith.constant 0.000000e+00 : f32
      %broadcast_in_dim3A_544 = vector.broadcast %jit3A_543 : f32 to vector<16xf32>
      %select_n3A_545 = arith.select %gt3A_508, %div3A_542, %broadcast_in_dim3A_544 : vector<16xi1>, vector<16xf32>
      %mul3A_546 = arith.mulf %select_n3A_545, %get3A_505 : vector<16xf32>
      %add3A_547 = arith.addf %add3A_499, %mul3A_546 : vector<16xf32>
      %get3A_548 = arith.constant 176 : index
      %get3A_549 = tpu.vector_load %arg31[%get3A_548] {strides = array<i32>} : memref<256xf32, #tpu.memory_space<vmem>>, vector<16xf32>,
      %get3A_550 = vector.shape_cast %get3A_549 : vector<16xf32> to vector<16xf32>
      %get3A_551 = arith.constant 176 : index
      %get3A_552 = tpu.vector_load %arg32[%get3A_551] {strides = array<i32>} : memref<256xf32, #tpu.memory_space<vmem>>, vector<16xf32>,
      %get3A_553 = vector.shape_cast %get3A_552 : vector<16xf32> to vector<16xf32>
      %gt3A_554 = arith.constant 0.000000e+00 : f32
      %gt3A_555 = vector.broadcast %gt3A_554 : f32 to vector<16xf32>
      %gt3A_556 = arith.cmpf ogt, %get3A_550, %gt3A_555 : vector<16xf32>
      %max3A_557 = arith.constant 1.000000e+00 : f32
      %max3A_558 = vector.broadcast %max3A_557 : f32 to vector<16xf32>
      %max3A_559 = arith.maximumf %get3A_550, %max3A_558 : vector<16xf32>
      %get3A_560 = arith.constant 176 : index
      %get3A_561 = tpu.vector_load %arg27[%get3A_560] {strides = array<i32>} : memref<256xf32, #tpu.memory_space<vmem>>, vector<16xf32>,
      %get3A_562 = vector.shape_cast %get3A_561 : vector<16xf32> to vector<16xf32>
      %div3A_563 = arith.divf %get3A_562, %max3A_559 : vector<16xf32>
      %jit3A_564 = arith.constant 0.000000e+00 : f32
      %broadcast_in_dim3A_565 = vector.broadcast %jit3A_564 : f32 to vector<16xf32>
      %select_n3A_566 = arith.select %gt3A_556, %div3A_563, %broadcast_in_dim3A_565 : vector<16xi1>, vector<16xf32>
      %mul3A_567 = arith.mulf %select_n3A_566, %get3A_553 : vector<16xf32>
      %add3A_568 = arith.addf %add3A_520, %mul3A_567 : vector<16xf32>
      %get3A_569 = arith.constant 176 : index
      %get3A_570 = tpu.vector_load %arg28[%get3A_569] {strides = array<i32>} : memref<256xf32, #tpu.memory_space<vmem>>, vector<16xf32>,
      %get3A_571 = vector.shape_cast %get3A_570 : vector<16xf32> to vector<16xf32>
      %div3A_572 = arith.divf %get3A_571, %max3A_559 : vector<16xf32>
      %jit3A_573 = arith.constant 0.000000e+00 : f32
      %broadcast_in_dim3A_574 = vector.broadcast %jit3A_573 : f32 to vector<16xf32>
      %select_n3A_575 = arith.select %gt3A_556, %div3A_572, %broadcast_in_dim3A_574 : vector<16xi1>, vector<16xf32>
      %mul3A_576 = arith.mulf %select_n3A_575, %get3A_553 : vector<16xf32>
      %add3A_577 = arith.addf %add3A_529, %mul3A_576 : vector<16xf32>
      %get3A_578 = arith.constant 176 : index
      %get3A_579 = tpu.vector_load %arg29[%get3A_578] {strides = array<i32>} : memref<256xf32, #tpu.memory_space<vmem>>, vector<16xf32>,
      %get3A_580 = vector.shape_cast %get3A_579 : vector<16xf32> to vector<16xf32>
      %div3A_581 = arith.divf %get3A_580, %max3A_559 : vector<16xf32>
      %jit3A_582 = arith.constant 0.000000e+00 : f32
      %broadcast_in_dim3A_583 = vector.broadcast %jit3A_582 : f32 to vector<16xf32>
      %select_n3A_584 = arith.select %gt3A_556, %div3A_581, %broadcast_in_dim3A_583 : vector<16xi1>, vector<16xf32>
      %mul3A_585 = arith.mulf %select_n3A_584, %get3A_553 : vector<16xf32>
      %add3A_586 = arith.addf %add3A_538, %mul3A_585 : vector<16xf32>
      %get3A_587 = arith.constant 176 : index
      %get3A_588 = tpu.vector_load %arg30[%get3A_587] {strides = array<i32>} : memref<256xf32, #tpu.memory_space<vmem>>, vector<16xf32>,
      %get3A_589 = vector.shape_cast %get3A_588 : vector<16xf32> to vector<16xf32>
      %div3A_590 = arith.divf %get3A_589, %max3A_559 : vector<16xf32>
      %jit3A_591 = arith.constant 0.000000e+00 : f32
      %broadcast_in_dim3A_592 = vector.broadcast %jit3A_591 : f32 to vector<16xf32>
      %select_n3A_593 = arith.select %gt3A_556, %div3A_590, %broadcast_in_dim3A_592 : vector<16xi1>, vector<16xf32>
      %mul3A_594 = arith.mulf %select_n3A_593, %get3A_553 : vector<16xf32>
      %add3A_595 = arith.addf %add3A_547, %mul3A_594 : vector<16xf32>
      %get3A_596 = arith.constant 192 : index
      %get3A_597 = tpu.vector_load %arg31[%get3A_596] {strides = array<i32>} : memref<256xf32, #tpu.memory_space<vmem>>, vector<16xf32>,
      %get3A_598 = vector.shape_cast %get3A_597 : vector<16xf32> to vector<16xf32>
      %get3A_599 = arith.constant 192 : index
      %get3A_600 = tpu.vector_load %arg32[%get3A_599] {strides = array<i32>} : memref<256xf32, #tpu.memory_space<vmem>>, vector<16xf32>,
      %get3A_601 = vector.shape_cast %get3A_600 : vector<16xf32> to vector<16xf32>
      %gt3A_602 = arith.constant 0.000000e+00 : f32
      %gt3A_603 = vector.broadcast %gt3A_602 : f32 to vector<16xf32>
      %gt3A_604 = arith.cmpf ogt, %get3A_598, %gt3A_603 : vector<16xf32>
      %max3A_605 = arith.constant 1.000000e+00 : f32
      %max3A_606 = vector.broadcast %max3A_605 : f32 to vector<16xf32>
      %max3A_607 = arith.maximumf %get3A_598, %max3A_606 : vector<16xf32>
      %get3A_608 = arith.constant 192 : index
      %get3A_609 = tpu.vector_load %arg27[%get3A_608] {strides = array<i32>} : memref<256xf32, #tpu.memory_space<vmem>>, vector<16xf32>,
      %get3A_610 = vector.shape_cast %get3A_609 : vector<16xf32> to vector<16xf32>
      %div3A_611 = arith.divf %get3A_610, %max3A_607 : vector<16xf32>
      %jit3A_612 = arith.constant 0.000000e+00 : f32
      %broadcast_in_dim3A_613 = vector.broadcast %jit3A_612 : f32 to vector<16xf32>
      %select_n3A_614 = arith.select %gt3A_604, %div3A_611, %broadcast_in_dim3A_613 : vector<16xi1>, vector<16xf32>
      %mul3A_615 = arith.mulf %select_n3A_614, %get3A_601 : vector<16xf32>
      %add3A_616 = arith.addf %add3A_568, %mul3A_615 : vector<16xf32>
      %get3A_617 = arith.constant 192 : index
      %get3A_618 = tpu.vector_load %arg28[%get3A_617] {strides = array<i32>} : memref<256xf32, #tpu.memory_space<vmem>>, vector<16xf32>,
      %get3A_619 = vector.shape_cast %get3A_618 : vector<16xf32> to vector<16xf32>
      %div3A_620 = arith.divf %get3A_619, %max3A_607 : vector<16xf32>
      %jit3A_621 = arith.constant 0.000000e+00 : f32
      %broadcast_in_dim3A_622 = vector.broadcast %jit3A_621 : f32 to vector<16xf32>
      %select_n3A_623 = arith.select %gt3A_604, %div3A_620, %broadcast_in_dim3A_622 : vector<16xi1>, vector<16xf32>
      %mul3A_624 = arith.mulf %select_n3A_623, %get3A_601 : vector<16xf32>
      %add3A_625 = arith.addf %add3A_577, %mul3A_624 : vector<16xf32>
      %get3A_626 = arith.constant 192 : index
      %get3A_627 = tpu.vector_load %arg29[%get3A_626] {strides = array<i32>} : memref<256xf32, #tpu.memory_space<vmem>>, vector<16xf32>,
      %get3A_628 = vector.shape_cast %get3A_627 : vector<16xf32> to vector<16xf32>
      %div3A_629 = arith.divf %get3A_628, %max3A_607 : vector<16xf32>
      %jit3A_630 = arith.constant 0.000000e+00 : f32
      %broadcast_in_dim3A_631 = vector.broadcast %jit3A_630 : f32 to vector<16xf32>
      %select_n3A_632 = arith.select %gt3A_604, %div3A_629, %broadcast_in_dim3A_631 : vector<16xi1>, vector<16xf32>
      %mul3A_633 = arith.mulf %select_n3A_632, %get3A_601 : vector<16xf32>
      %add3A_634 = arith.addf %add3A_586, %mul3A_633 : vector<16xf32>
      %get3A_635 = arith.constant 192 : index
      %get3A_636 = tpu.vector_load %arg30[%get3A_635] {strides = array<i32>} : memref<256xf32, #tpu.memory_space<vmem>>, vector<16xf32>,
      %get3A_637 = vector.shape_cast %get3A_636 : vector<16xf32> to vector<16xf32>
      %div3A_638 = arith.divf %get3A_637, %max3A_607 : vector<16xf32>
      %jit3A_639 = arith.constant 0.000000e+00 : f32
      %broadcast_in_dim3A_640 = vector.broadcast %jit3A_639 : f32 to vector<16xf32>
      %select_n3A_641 = arith.select %gt3A_604, %div3A_638, %broadcast_in_dim3A_640 : vector<16xi1>, vector<16xf32>
      %mul3A_642 = arith.mulf %select_n3A_641, %get3A_601 : vector<16xf32>
      %add3A_643 = arith.addf %add3A_595, %mul3A_642 : vector<16xf32>
      %get3A_644 = arith.constant 208 : index
      %get3A_645 = tpu.vector_load %arg31[%get3A_644] {strides = array<i32>} : memref<256xf32, #tpu.memory_space<vmem>>, vector<16xf32>,
      %get3A_646 = vector.shape_cast %get3A_645 : vector<16xf32> to vector<16xf32>
      %get3A_647 = arith.constant 208 : index
      %get3A_648 = tpu.vector_load %arg32[%get3A_647] {strides = array<i32>} : memref<256xf32, #tpu.memory_space<vmem>>, vector<16xf32>,
      %get3A_649 = vector.shape_cast %get3A_648 : vector<16xf32> to vector<16xf32>
      %gt3A_650 = arith.constant 0.000000e+00 : f32
      %gt3A_651 = vector.broadcast %gt3A_650 : f32 to vector<16xf32>
      %gt3A_652 = arith.cmpf ogt, %get3A_646, %gt3A_651 : vector<16xf32>
      %max3A_653 = arith.constant 1.000000e+00 : f32
      %max3A_654 = vector.broadcast %max3A_653 : f32 to vector<16xf32>
      %max3A_655 = arith.maximumf %get3A_646, %max3A_654 : vector<16xf32>
      %get3A_656 = arith.constant 208 : index
      %get3A_657 = tpu.vector_load %arg27[%get3A_656] {strides = array<i32>} : memref<256xf32, #tpu.memory_space<vmem>>, vector<16xf32>,
      %get3A_658 = vector.shape_cast %get3A_657 : vector<16xf32> to vector<16xf32>
      %div3A_659 = arith.divf %get3A_658, %max3A_655 : vector<16xf32>
      %jit3A_660 = arith.constant 0.000000e+00 : f32
      %broadcast_in_dim3A_661 = vector.broadcast %jit3A_660 : f32 to vector<16xf32>
      %select_n3A_662 = arith.select %gt3A_652, %div3A_659, %broadcast_in_dim3A_661 : vector<16xi1>, vector<16xf32>
      %mul3A_663 = arith.mulf %select_n3A_662, %get3A_649 : vector<16xf32>
      %add3A_664 = arith.addf %add3A_616, %mul3A_663 : vector<16xf32>
      %get3A_665 = arith.constant 208 : index
      %get3A_666 = tpu.vector_load %arg28[%get3A_665] {strides = array<i32>} : memref<256xf32, #tpu.memory_space<vmem>>, vector<16xf32>,
      %get3A_667 = vector.shape_cast %get3A_666 : vector<16xf32> to vector<16xf32>
      %div3A_668 = arith.divf %get3A_667, %max3A_655 : vector<16xf32>
      %jit3A_669 = arith.constant 0.000000e+00 : f32
      %broadcast_in_dim3A_670 = vector.broadcast %jit3A_669 : f32 to vector<16xf32>
      %select_n3A_671 = arith.select %gt3A_652, %div3A_668, %broadcast_in_dim3A_670 : vector<16xi1>, vector<16xf32>
      %mul3A_672 = arith.mulf %select_n3A_671, %get3A_649 : vector<16xf32>
      %add3A_673 = arith.addf %add3A_625, %mul3A_672 : vector<16xf32>
      %get3A_674 = arith.constant 208 : index
      %get3A_675 = tpu.vector_load %arg29[%get3A_674] {strides = array<i32>} : memref<256xf32, #tpu.memory_space<vmem>>, vector<16xf32>,
      %get3A_676 = vector.shape_cast %get3A_675 : vector<16xf32> to vector<16xf32>
      %div3A_677 = arith.divf %get3A_676, %max3A_655 : vector<16xf32>
      %jit3A_678 = arith.constant 0.000000e+00 : f32
      %broadcast_in_dim3A_679 = vector.broadcast %jit3A_678 : f32 to vector<16xf32>
      %select_n3A_680 = arith.select %gt3A_652, %div3A_677, %broadcast_in_dim3A_679 : vector<16xi1>, vector<16xf32>
      %mul3A_681 = arith.mulf %select_n3A_680, %get3A_649 : vector<16xf32>
      %add3A_682 = arith.addf %add3A_634, %mul3A_681 : vector<16xf32>
      %get3A_683 = arith.constant 208 : index
      %get3A_684 = tpu.vector_load %arg30[%get3A_683] {strides = array<i32>} : memref<256xf32, #tpu.memory_space<vmem>>, vector<16xf32>,
      %get3A_685 = vector.shape_cast %get3A_684 : vector<16xf32> to vector<16xf32>
      %div3A_686 = arith.divf %get3A_685, %max3A_655 : vector<16xf32>
      %jit3A_687 = arith.constant 0.000000e+00 : f32
      %broadcast_in_dim3A_688 = vector.broadcast %jit3A_687 : f32 to vector<16xf32>
      %select_n3A_689 = arith.select %gt3A_652, %div3A_686, %broadcast_in_dim3A_688 : vector<16xi1>, vector<16xf32>
      %mul3A_690 = arith.mulf %select_n3A_689, %get3A_649 : vector<16xf32>
      %add3A_691 = arith.addf %add3A_643, %mul3A_690 : vector<16xf32>
      %get3A_692 = arith.constant 224 : index
      %get3A_693 = tpu.vector_load %arg31[%get3A_692] {strides = array<i32>} : memref<256xf32, #tpu.memory_space<vmem>>, vector<16xf32>,
      %get3A_694 = vector.shape_cast %get3A_693 : vector<16xf32> to vector<16xf32>
      %get3A_695 = arith.constant 224 : index
      %get3A_696 = tpu.vector_load %arg32[%get3A_695] {strides = array<i32>} : memref<256xf32, #tpu.memory_space<vmem>>, vector<16xf32>,
      %get3A_697 = vector.shape_cast %get3A_696 : vector<16xf32> to vector<16xf32>
      %gt3A_698 = arith.constant 0.000000e+00 : f32
      %gt3A_699 = vector.broadcast %gt3A_698 : f32 to vector<16xf32>
      %gt3A_700 = arith.cmpf ogt, %get3A_694, %gt3A_699 : vector<16xf32>
      %max3A_701 = arith.constant 1.000000e+00 : f32
      %max3A_702 = vector.broadcast %max3A_701 : f32 to vector<16xf32>
      %max3A_703 = arith.maximumf %get3A_694, %max3A_702 : vector<16xf32>
      %get3A_704 = arith.constant 224 : index
      %get3A_705 = tpu.vector_load %arg27[%get3A_704] {strides = array<i32>} : memref<256xf32, #tpu.memory_space<vmem>>, vector<16xf32>,
      %get3A_706 = vector.shape_cast %get3A_705 : vector<16xf32> to vector<16xf32>
      %div3A_707 = arith.divf %get3A_706, %max3A_703 : vector<16xf32>
      %jit3A_708 = arith.constant 0.000000e+00 : f32
      %broadcast_in_dim3A_709 = vector.broadcast %jit3A_708 : f32 to vector<16xf32>
      %select_n3A_710 = arith.select %gt3A_700, %div3A_707, %broadcast_in_dim3A_709 : vector<16xi1>, vector<16xf32>
      %mul3A_711 = arith.mulf %select_n3A_710, %get3A_697 : vector<16xf32>
      %add3A_712 = arith.addf %add3A_664, %mul3A_711 : vector<16xf32>
      %get3A_713 = arith.constant 224 : index
      %get3A_714 = tpu.vector_load %arg28[%get3A_713] {strides = array<i32>} : memref<256xf32, #tpu.memory_space<vmem>>, vector<16xf32>,
      %get3A_715 = vector.shape_cast %get3A_714 : vector<16xf32> to vector<16xf32>
      %div3A_716 = arith.divf %get3A_715, %max3A_703 : vector<16xf32>
      %jit3A_717 = arith.constant 0.000000e+00 : f32
      %broadcast_in_dim3A_718 = vector.broadcast %jit3A_717 : f32 to vector<16xf32>
      %select_n3A_719 = arith.select %gt3A_700, %div3A_716, %broadcast_in_dim3A_718 : vector<16xi1>, vector<16xf32>
      %mul3A_720 = arith.mulf %select_n3A_719, %get3A_697 : vector<16xf32>
      %add3A_721 = arith.addf %add3A_673, %mul3A_720 : vector<16xf32>
      %get3A_722 = arith.constant 224 : index
      %get3A_723 = tpu.vector_load %arg29[%get3A_722] {strides = array<i32>} : memref<256xf32, #tpu.memory_space<vmem>>, vector<16xf32>,
      %get3A_724 = vector.shape_cast %get3A_723 : vector<16xf32> to vector<16xf32>
      %div3A_725 = arith.divf %get3A_724, %max3A_703 : vector<16xf32>
      %jit3A_726 = arith.constant 0.000000e+00 : f32
      %broadcast_in_dim3A_727 = vector.broadcast %jit3A_726 : f32 to vector<16xf32>
      %select_n3A_728 = arith.select %gt3A_700, %div3A_725, %broadcast_in_dim3A_727 : vector<16xi1>, vector<16xf32>
      %mul3A_729 = arith.mulf %select_n3A_728, %get3A_697 : vector<16xf32>
      %add3A_730 = arith.addf %add3A_682, %mul3A_729 : vector<16xf32>
      %get3A_731 = arith.constant 224 : index
      %get3A_732 = tpu.vector_load %arg30[%get3A_731] {strides = array<i32>} : memref<256xf32, #tpu.memory_space<vmem>>, vector<16xf32>,
      %get3A_733 = vector.shape_cast %get3A_732 : vector<16xf32> to vector<16xf32>
      %div3A_734 = arith.divf %get3A_733, %max3A_703 : vector<16xf32>
      %jit3A_735 = arith.constant 0.000000e+00 : f32
      %broadcast_in_dim3A_736 = vector.broadcast %jit3A_735 : f32 to vector<16xf32>
      %select_n3A_737 = arith.select %gt3A_700, %div3A_734, %broadcast_in_dim3A_736 : vector<16xi1>, vector<16xf32>
      %mul3A_738 = arith.mulf %select_n3A_737, %get3A_697 : vector<16xf32>
      %add3A_739 = arith.addf %add3A_691, %mul3A_738 : vector<16xf32>
      %get3A_740 = arith.constant 240 : index
      %get3A_741 = tpu.vector_load %arg31[%get3A_740] {strides = array<i32>} : memref<256xf32, #tpu.memory_space<vmem>>, vector<16xf32>,
      %get3A_742 = vector.shape_cast %get3A_741 : vector<16xf32> to vector<16xf32>
      %get3A_743 = arith.constant 240 : index
      %get3A_744 = tpu.vector_load %arg32[%get3A_743] {strides = array<i32>} : memref<256xf32, #tpu.memory_space<vmem>>, vector<16xf32>,
      %get3A_745 = vector.shape_cast %get3A_744 : vector<16xf32> to vector<16xf32>
      %gt3A_746 = arith.constant 0.000000e+00 : f32
      %gt3A_747 = vector.broadcast %gt3A_746 : f32 to vector<16xf32>
      %gt3A_748 = arith.cmpf ogt, %get3A_742, %gt3A_747 : vector<16xf32>
      %max3A_749 = arith.constant 1.000000e+00 : f32
      %max3A_750 = vector.broadcast %max3A_749 : f32 to vector<16xf32>
      %max3A_751 = arith.maximumf %get3A_742, %max3A_750 : vector<16xf32>
      %get3A_752 = arith.constant 240 : index
      %get3A_753 = tpu.vector_load %arg27[%get3A_752] {strides = array<i32>} : memref<256xf32, #tpu.memory_space<vmem>>, vector<16xf32>,
      %get3A_754 = vector.shape_cast %get3A_753 : vector<16xf32> to vector<16xf32>
      %div3A_755 = arith.divf %get3A_754, %max3A_751 : vector<16xf32>
      %jit3A_756 = arith.constant 0.000000e+00 : f32
      %broadcast_in_dim3A_757 = vector.broadcast %jit3A_756 : f32 to vector<16xf32>
      %select_n3A_758 = arith.select %gt3A_748, %div3A_755, %broadcast_in_dim3A_757 : vector<16xi1>, vector<16xf32>
      %mul3A_759 = arith.mulf %select_n3A_758, %get3A_745 : vector<16xf32>
      %add3A_760 = arith.addf %add3A_712, %mul3A_759 : vector<16xf32>
      %get3A_761 = arith.constant 240 : index
      %get3A_762 = tpu.vector_load %arg28[%get3A_761] {strides = array<i32>} : memref<256xf32, #tpu.memory_space<vmem>>, vector<16xf32>,
      %get3A_763 = vector.shape_cast %get3A_762 : vector<16xf32> to vector<16xf32>
      %div3A_764 = arith.divf %get3A_763, %max3A_751 : vector<16xf32>
      %jit3A_765 = arith.constant 0.000000e+00 : f32
      %broadcast_in_dim3A_766 = vector.broadcast %jit3A_765 : f32 to vector<16xf32>
      %select_n3A_767 = arith.select %gt3A_748, %div3A_764, %broadcast_in_dim3A_766 : vector<16xi1>, vector<16xf32>
      %mul3A_768 = arith.mulf %select_n3A_767, %get3A_745 : vector<16xf32>
      %add3A_769 = arith.addf %add3A_721, %mul3A_768 : vector<16xf32>
      %get3A_770 = arith.constant 240 : index
      %get3A_771 = tpu.vector_load %arg29[%get3A_770] {strides = array<i32>} : memref<256xf32, #tpu.memory_space<vmem>>, vector<16xf32>,
      %get3A_772 = vector.shape_cast %get3A_771 : vector<16xf32> to vector<16xf32>
      %div3A_773 = arith.divf %get3A_772, %max3A_751 : vector<16xf32>
      %jit3A_774 = arith.constant 0.000000e+00 : f32
      %broadcast_in_dim3A_775 = vector.broadcast %jit3A_774 : f32 to vector<16xf32>
      %select_n3A_776 = arith.select %gt3A_748, %div3A_773, %broadcast_in_dim3A_775 : vector<16xi1>, vector<16xf32>
      %mul3A_777 = arith.mulf %select_n3A_776, %get3A_745 : vector<16xf32>
      %add3A_778 = arith.addf %add3A_730, %mul3A_777 : vector<16xf32>
      %get3A_779 = arith.constant 240 : index
      %get3A_780 = tpu.vector_load %arg30[%get3A_779] {strides = array<i32>} : memref<256xf32, #tpu.memory_space<vmem>>, vector<16xf32>,
      %get3A_781 = vector.shape_cast %get3A_780 : vector<16xf32> to vector<16xf32>
      %div3A_782 = arith.divf %get3A_781, %max3A_751 : vector<16xf32>
      %jit3A_783 = arith.constant 0.000000e+00 : f32
      %broadcast_in_dim3A_784 = vector.broadcast %jit3A_783 : f32 to vector<16xf32>
      %select_n3A_785 = arith.select %gt3A_748, %div3A_782, %broadcast_in_dim3A_784 : vector<16xi1>, vector<16xf32>
      %mul3A_786 = arith.mulf %select_n3A_785, %get3A_745 : vector<16xf32>
      %add3A_787 = arith.addf %add3A_739, %mul3A_786 : vector<16xf32>
      %swap3A = arith.constant 0 : i32
      %swap3A_788 = arith.index_cast %swap3A : i32 to index
      %swap3A_789 = arith.constant 0 : index
      %swap3A_790 = tpu.vector_load %arg33[%swap3A_788, %swap3A_789] {strides = array<i32>} : memref<4x16xf32, #tpu.memory_space<vmem>>, vector<1x16xf32>,
      %swap3A_791 = vector.shape_cast %swap3A_790 : vector<1x16xf32> to vector<16xf32>
      %swap3A_792 = vector.shape_cast %add3A_760 : vector<16xf32> to vector<1x16xf32>
      tpu.vector_store %arg33[%swap3A_788, %swap3A_789], %swap3A_792 {strides = array<i32>} : memref<4x16xf32, #tpu.memory_space<vmem>>, vector<1x16xf32>,
      %broadcast_in_dim3A_793 = arith.constant 0 : i32
      %broadcast_in_dim3A_794 = vector.broadcast %broadcast_in_dim3A_793 : i32 to vector<16xi32>
      %swap3A_795 = arith.constant 0 : i32
      %swap3A_796 = arith.index_cast %swap3A_795 : i32 to index
      %swap3A_797 = arith.constant 0 : index
      %swap3A_798 = tpu.vector_load %arg34[%swap3A_796, %swap3A_797] {strides = array<i32>} : memref<4x16xi32, #tpu.memory_space<vmem>>, vector<1x16xi32>,
      %swap3A_799 = vector.shape_cast %swap3A_798 : vector<1x16xi32> to vector<16xi32>
      %swap3A_800 = vector.shape_cast %broadcast_in_dim3A_794 : vector<16xi32> to vector<1x16xi32>
      tpu.vector_store %arg34[%swap3A_796, %swap3A_797], %swap3A_800 {strides = array<i32>} : memref<4x16xi32, #tpu.memory_space<vmem>>, vector<1x16xi32>,
      %swap3A_801 = arith.constant 1 : i32
      %swap3A_802 = arith.index_cast %swap3A_801 : i32 to index
      %swap3A_803 = arith.constant 0 : index
      %swap3A_804 = tpu.vector_load %arg33[%swap3A_802, %swap3A_803] {strides = array<i32>} : memref<4x16xf32, #tpu.memory_space<vmem>>, vector<1x16xf32>,
      %swap3A_805 = vector.shape_cast %swap3A_804 : vector<1x16xf32> to vector<16xf32>
      %swap3A_806 = vector.shape_cast %add3A_769 : vector<16xf32> to vector<1x16xf32>
      tpu.vector_store %arg33[%swap3A_802, %swap3A_803], %swap3A_806 {strides = array<i32>} : memref<4x16xf32, #tpu.memory_space<vmem>>, vector<1x16xf32>,
      %broadcast_in_dim3A_807 = arith.constant 1 : i32
      %broadcast_in_dim3A_808 = vector.broadcast %broadcast_in_dim3A_807 : i32 to vector<16xi32>
      %swap3A_809 = arith.constant 1 : i32
      %swap3A_810 = arith.index_cast %swap3A_809 : i32 to index
      %swap3A_811 = arith.constant 0 : index
      %swap3A_812 = tpu.vector_load %arg34[%swap3A_810, %swap3A_811] {strides = array<i32>} : memref<4x16xi32, #tpu.memory_space<vmem>>, vector<1x16xi32>,
      %swap3A_813 = vector.shape_cast %swap3A_812 : vector<1x16xi32> to vector<16xi32>
      %swap3A_814 = vector.shape_cast %broadcast_in_dim3A_808 : vector<16xi32> to vector<1x16xi32>
      tpu.vector_store %arg34[%swap3A_810, %swap3A_811], %swap3A_814 {strides = array<i32>} : memref<4x16xi32, #tpu.memory_space<vmem>>, vector<1x16xi32>,
      %swap3A_815 = arith.constant 2 : i32
      %swap3A_816 = arith.index_cast %swap3A_815 : i32 to index
      %swap3A_817 = arith.constant 0 : index
      %swap3A_818 = tpu.vector_load %arg33[%swap3A_816, %swap3A_817] {strides = array<i32>} : memref<4x16xf32, #tpu.memory_space<vmem>>, vector<1x16xf32>,
      %swap3A_819 = vector.shape_cast %swap3A_818 : vector<1x16xf32> to vector<16xf32>
      %swap3A_820 = vector.shape_cast %add3A_778 : vector<16xf32> to vector<1x16xf32>
      tpu.vector_store %arg33[%swap3A_816, %swap3A_817], %swap3A_820 {strides = array<i32>} : memref<4x16xf32, #tpu.memory_space<vmem>>, vector<1x16xf32>,
      %broadcast_in_dim3A_821 = arith.constant 2 : i32
      %broadcast_in_dim3A_822 = vector.broadcast %broadcast_in_dim3A_821 : i32 to vector<16xi32>
      %swap3A_823 = arith.constant 2 : i32
      %swap3A_824 = arith.index_cast %swap3A_823 : i32 to index
      %swap3A_825 = arith.constant 0 : index
      %swap3A_826 = tpu.vector_load %arg34[%swap3A_824, %swap3A_825] {strides = array<i32>} : memref<4x16xi32, #tpu.memory_space<vmem>>, vector<1x16xi32>,
      %swap3A_827 = vector.shape_cast %swap3A_826 : vector<1x16xi32> to vector<16xi32>
      %swap3A_828 = vector.shape_cast %broadcast_in_dim3A_822 : vector<16xi32> to vector<1x16xi32>
      tpu.vector_store %arg34[%swap3A_824, %swap3A_825], %swap3A_828 {strides = array<i32>} : memref<4x16xi32, #tpu.memory_space<vmem>>, vector<1x16xi32>,
      %swap3A_829 = arith.constant 3 : i32
      %swap3A_830 = arith.index_cast %swap3A_829 : i32 to index
      %swap3A_831 = arith.constant 0 : index
      %swap3A_832 = tpu.vector_load %arg33[%swap3A_830, %swap3A_831] {strides = array<i32>} : memref<4x16xf32, #tpu.memory_space<vmem>>, vector<1x16xf32>,
      %swap3A_833 = vector.shape_cast %swap3A_832 : vector<1x16xf32> to vector<16xf32>
      %swap3A_834 = vector.shape_cast %add3A_787 : vector<16xf32> to vector<1x16xf32>
      tpu.vector_store %arg33[%swap3A_830, %swap3A_831], %swap3A_834 {strides = array<i32>} : memref<4x16xf32, #tpu.memory_space<vmem>>, vector<1x16xf32>,
      %broadcast_in_dim3A_835 = arith.constant 3 : i32
      %broadcast_in_dim3A_836 = vector.broadcast %broadcast_in_dim3A_835 : i32 to vector<16xi32>
      %swap3A_837 = arith.constant 3 : i32
      %swap3A_838 = arith.index_cast %swap3A_837 : i32 to index
      %swap3A_839 = arith.constant 0 : index
      %swap3A_840 = tpu.vector_load %arg34[%swap3A_838, %swap3A_839] {strides = array<i32>} : memref<4x16xi32, #tpu.memory_space<vmem>>, vector<1x16xi32>,
      %swap3A_841 = vector.shape_cast %swap3A_840 : vector<1x16xi32> to vector<16xi32>
      %swap3A_842 = vector.shape_cast %broadcast_in_dim3A_836 : vector<16xi32> to vector<1x16xi32>
      tpu.vector_store %arg34[%swap3A_838, %swap3A_839], %swap3A_842 {strides = array<i32>} : memref<4x16xi32, #tpu.memory_space<vmem>>, vector<1x16xi32>,
      %run_scoped3A = arith.constant 0 : i32
      %run_scoped3A_843 = arith.constant 0 : i32
      "tpu.region"() ({
        %run_scoped3A_850 = tpu.sem_alloc : memref<!tpu.dma_semaphore, #tpu.memory_space<semaphore_mem>>
        %dma_start3A = arith.constant 0 : i32
        %dma_start3A_851 = tpu.memref_slice %arg33[%run_scoped3A, %dma_start3A] : memref<4x16xf32, #tpu.memory_space<vmem>> -> memref<1x16xf32, #tpu.memory_space<vmem>>
        %dma_start3A_852 = tpu.memref_squeeze %dma_start3A_851 : memref<1x16xf32, #tpu.memory_space<vmem>> -> memref<16xf32, #tpu.memory_space<vmem>>
        %dma_start3A_853 = arith.constant 0 : i32
        %dma_start3A_854 = tpu.memref_slice %arg34[%run_scoped3A_843, %dma_start3A_853] : memref<4x16xi32, #tpu.memory_space<vmem>> -> memref<1x16xi32, #tpu.memory_space<vmem>>
        %dma_start3A_855 = tpu.memref_squeeze %dma_start3A_854 : memref<1x16xi32, #tpu.memory_space<vmem>> -> memref<16xi32, #tpu.memory_space<vmem>>
        %dma_start3A_856 = arith.constant 0 : i32
        %dma_start3A_857 = tpu.memref_slice %arg15[%dma_start3A_856] : memref<16xf32, #tpu.memory_space<vmem_shared>> -> memref<16xf32, #tpu.memory_space<vmem_shared>>
        tpu.enqueue_indirect_dma source(%dma_start3A_852 : memref<16xf32, #tpu.memory_space<vmem>>) target(%dma_start3A_857 : memref<16xf32, #tpu.memory_space<vmem_shared>>) offsets(%dma_start3A_855 : memref<16xi32, #tpu.memory_space<vmem>>) semaphore(%run_scoped3A_850 : memref<!tpu.dma_semaphore, #tpu.memory_space<semaphore_mem>>) {add = true}
        %dma_wait3A = arith.constant 0 : i32
        %dma_wait3A_858 = tpu.memref_slice %arg33[%run_scoped3A, %dma_wait3A] : memref<4x16xf32, #tpu.memory_space<vmem>> -> memref<1x16xf32, #tpu.memory_space<vmem>>
        %dma_wait3A_859 = tpu.memref_squeeze %dma_wait3A_858 : memref<1x16xf32, #tpu.memory_space<vmem>> -> memref<16xf32, #tpu.memory_space<vmem>>
        %dma_wait3A_860 = arith.constant 0 : i32
        %dma_wait3A_861 = tpu.memref_slice %arg34[%run_scoped3A_843, %dma_wait3A_860] : memref<4x16xi32, #tpu.memory_space<vmem>> -> memref<1x16xi32, #tpu.memory_space<vmem>>
        %dma_wait3A_862 = tpu.memref_squeeze %dma_wait3A_861 : memref<1x16xi32, #tpu.memory_space<vmem>> -> memref<16xi32, #tpu.memory_space<vmem>>
        %dma_wait3A_863 = arith.constant 0 : i32
        %dma_wait3A_864 = tpu.memref_slice %arg15[%dma_wait3A_863] : memref<16xf32, #tpu.memory_space<vmem_shared>> -> memref<16xf32, #tpu.memory_space<vmem_shared>>
        tpu.wait_indirect_dma semaphore(%run_scoped3A_850 : memref<!tpu.dma_semaphore, #tpu.memory_space<semaphore_mem>>) src(%dma_wait3A_859 : memref<16xf32, #tpu.memory_space<vmem>>) dst(%dma_wait3A_864 : memref<16xf32, #tpu.memory_space<vmem_shared>>)
        tpu.yield
      }) : () -> ()
      %run_scoped3A_844 = arith.constant 1 : i32
      %run_scoped3A_845 = arith.constant 1 : i32
      "tpu.region"() ({
        %run_scoped3A_850 = tpu.sem_alloc : memref<!tpu.dma_semaphore, #tpu.memory_space<semaphore_mem>>
        %dma_start3A = arith.constant 0 : i32
        %dma_start3A_851 = tpu.memref_slice %arg33[%run_scoped3A_844, %dma_start3A] : memref<4x16xf32, #tpu.memory_space<vmem>> -> memref<1x16xf32, #tpu.memory_space<vmem>>
        %dma_start3A_852 = tpu.memref_squeeze %dma_start3A_851 : memref<1x16xf32, #tpu.memory_space<vmem>> -> memref<16xf32, #tpu.memory_space<vmem>>
        %dma_start3A_853 = arith.constant 0 : i32
        %dma_start3A_854 = tpu.memref_slice %arg34[%run_scoped3A_845, %dma_start3A_853] : memref<4x16xi32, #tpu.memory_space<vmem>> -> memref<1x16xi32, #tpu.memory_space<vmem>>
        %dma_start3A_855 = tpu.memref_squeeze %dma_start3A_854 : memref<1x16xi32, #tpu.memory_space<vmem>> -> memref<16xi32, #tpu.memory_space<vmem>>
        %dma_start3A_856 = arith.constant 0 : i32
        %dma_start3A_857 = tpu.memref_slice %arg15[%dma_start3A_856] : memref<16xf32, #tpu.memory_space<vmem_shared>> -> memref<16xf32, #tpu.memory_space<vmem_shared>>
        tpu.enqueue_indirect_dma source(%dma_start3A_852 : memref<16xf32, #tpu.memory_space<vmem>>) target(%dma_start3A_857 : memref<16xf32, #tpu.memory_space<vmem_shared>>) offsets(%dma_start3A_855 : memref<16xi32, #tpu.memory_space<vmem>>) semaphore(%run_scoped3A_850 : memref<!tpu.dma_semaphore, #tpu.memory_space<semaphore_mem>>) {add = true}
        %dma_wait3A = arith.constant 0 : i32
        %dma_wait3A_858 = tpu.memref_slice %arg33[%run_scoped3A_844, %dma_wait3A] : memref<4x16xf32, #tpu.memory_space<vmem>> -> memref<1x16xf32, #tpu.memory_space<vmem>>
        %dma_wait3A_859 = tpu.memref_squeeze %dma_wait3A_858 : memref<1x16xf32, #tpu.memory_space<vmem>> -> memref<16xf32, #tpu.memory_space<vmem>>
        %dma_wait3A_860 = arith.constant 0 : i32
        %dma_wait3A_861 = tpu.memref_slice %arg34[%run_scoped3A_845, %dma_wait3A_860] : memref<4x16xi32, #tpu.memory_space<vmem>> -> memref<1x16xi32, #tpu.memory_space<vmem>>
        %dma_wait3A_862 = tpu.memref_squeeze %dma_wait3A_861 : memref<1x16xi32, #tpu.memory_space<vmem>> -> memref<16xi32, #tpu.memory_space<vmem>>
        %dma_wait3A_863 = arith.constant 0 : i32
        %dma_wait3A_864 = tpu.memref_slice %arg15[%dma_wait3A_863] : memref<16xf32, #tpu.memory_space<vmem_shared>> -> memref<16xf32, #tpu.memory_space<vmem_shared>>
        tpu.wait_indirect_dma semaphore(%run_scoped3A_850 : memref<!tpu.dma_semaphore, #tpu.memory_space<semaphore_mem>>) src(%dma_wait3A_859 : memref<16xf32, #tpu.memory_space<vmem>>) dst(%dma_wait3A_864 : memref<16xf32, #tpu.memory_space<vmem_shared>>)
        tpu.yield
      }) : () -> ()
      %run_scoped3A_846 = arith.constant 2 : i32
      %run_scoped3A_847 = arith.constant 2 : i32
      "tpu.region"() ({
        %run_scoped3A_850 = tpu.sem_alloc : memref<!tpu.dma_semaphore, #tpu.memory_space<semaphore_mem>>
        %dma_start3A = arith.constant 0 : i32
        %dma_start3A_851 = tpu.memref_slice %arg33[%run_scoped3A_846, %dma_start3A] : memref<4x16xf32, #tpu.memory_space<vmem>> -> memref<1x16xf32, #tpu.memory_space<vmem>>
        %dma_start3A_852 = tpu.memref_squeeze %dma_start3A_851 : memref<1x16xf32, #tpu.memory_space<vmem>> -> memref<16xf32, #tpu.memory_space<vmem>>
        %dma_start3A_853 = arith.constant 0 : i32
        %dma_start3A_854 = tpu.memref_slice %arg34[%run_scoped3A_847, %dma_start3A_853] : memref<4x16xi32, #tpu.memory_space<vmem>> -> memref<1x16xi32, #tpu.memory_space<vmem>>
        %dma_start3A_855 = tpu.memref_squeeze %dma_start3A_854 : memref<1x16xi32, #tpu.memory_space<vmem>> -> memref<16xi32, #tpu.memory_space<vmem>>
        %dma_start3A_856 = arith.constant 0 : i32
        %dma_start3A_857 = tpu.memref_slice %arg15[%dma_start3A_856] : memref<16xf32, #tpu.memory_space<vmem_shared>> -> memref<16xf32, #tpu.memory_space<vmem_shared>>
        tpu.enqueue_indirect_dma source(%dma_start3A_852 : memref<16xf32, #tpu.memory_space<vmem>>) target(%dma_start3A_857 : memref<16xf32, #tpu.memory_space<vmem_shared>>) offsets(%dma_start3A_855 : memref<16xi32, #tpu.memory_space<vmem>>) semaphore(%run_scoped3A_850 : memref<!tpu.dma_semaphore, #tpu.memory_space<semaphore_mem>>) {add = true}
        %dma_wait3A = arith.constant 0 : i32
        %dma_wait3A_858 = tpu.memref_slice %arg33[%run_scoped3A_846, %dma_wait3A] : memref<4x16xf32, #tpu.memory_space<vmem>> -> memref<1x16xf32, #tpu.memory_space<vmem>>
        %dma_wait3A_859 = tpu.memref_squeeze %dma_wait3A_858 : memref<1x16xf32, #tpu.memory_space<vmem>> -> memref<16xf32, #tpu.memory_space<vmem>>
        %dma_wait3A_860 = arith.constant 0 : i32
        %dma_wait3A_861 = tpu.memref_slice %arg34[%run_scoped3A_847, %dma_wait3A_860] : memref<4x16xi32, #tpu.memory_space<vmem>> -> memref<1x16xi32, #tpu.memory_space<vmem>>
        %dma_wait3A_862 = tpu.memref_squeeze %dma_wait3A_861 : memref<1x16xi32, #tpu.memory_space<vmem>> -> memref<16xi32, #tpu.memory_space<vmem>>
        %dma_wait3A_863 = arith.constant 0 : i32
        %dma_wait3A_864 = tpu.memref_slice %arg15[%dma_wait3A_863] : memref<16xf32, #tpu.memory_space<vmem_shared>> -> memref<16xf32, #tpu.memory_space<vmem_shared>>
        tpu.wait_indirect_dma semaphore(%run_scoped3A_850 : memref<!tpu.dma_semaphore, #tpu.memory_space<semaphore_mem>>) src(%dma_wait3A_859 : memref<16xf32, #tpu.memory_space<vmem>>) dst(%dma_wait3A_864 : memref<16xf32, #tpu.memory_space<vmem_shared>>)
        tpu.yield
      }) : () -> ()
      %run_scoped3A_848 = arith.constant 3 : i32
      %run_scoped3A_849 = arith.constant 3 : i32
      "tpu.region"() ({
        %run_scoped3A_850 = tpu.sem_alloc : memref<!tpu.dma_semaphore, #tpu.memory_space<semaphore_mem>>
        %dma_start3A = arith.constant 0 : i32
        %dma_start3A_851 = tpu.memref_slice %arg33[%run_scoped3A_848, %dma_start3A] : memref<4x16xf32, #tpu.memory_space<vmem>> -> memref<1x16xf32, #tpu.memory_space<vmem>>
        %dma_start3A_852 = tpu.memref_squeeze %dma_start3A_851 : memref<1x16xf32, #tpu.memory_space<vmem>> -> memref<16xf32, #tpu.memory_space<vmem>>
        %dma_start3A_853 = arith.constant 0 : i32
        %dma_start3A_854 = tpu.memref_slice %arg34[%run_scoped3A_849, %dma_start3A_853] : memref<4x16xi32, #tpu.memory_space<vmem>> -> memref<1x16xi32, #tpu.memory_space<vmem>>
        %dma_start3A_855 = tpu.memref_squeeze %dma_start3A_854 : memref<1x16xi32, #tpu.memory_space<vmem>> -> memref<16xi32, #tpu.memory_space<vmem>>
        %dma_start3A_856 = arith.constant 0 : i32
        %dma_start3A_857 = tpu.memref_slice %arg15[%dma_start3A_856] : memref<16xf32, #tpu.memory_space<vmem_shared>> -> memref<16xf32, #tpu.memory_space<vmem_shared>>
        tpu.enqueue_indirect_dma source(%dma_start3A_852 : memref<16xf32, #tpu.memory_space<vmem>>) target(%dma_start3A_857 : memref<16xf32, #tpu.memory_space<vmem_shared>>) offsets(%dma_start3A_855 : memref<16xi32, #tpu.memory_space<vmem>>) semaphore(%run_scoped3A_850 : memref<!tpu.dma_semaphore, #tpu.memory_space<semaphore_mem>>) {add = true}
        %dma_wait3A = arith.constant 0 : i32
        %dma_wait3A_858 = tpu.memref_slice %arg33[%run_scoped3A_848, %dma_wait3A] : memref<4x16xf32, #tpu.memory_space<vmem>> -> memref<1x16xf32, #tpu.memory_space<vmem>>
        %dma_wait3A_859 = tpu.memref_squeeze %dma_wait3A_858 : memref<1x16xf32, #tpu.memory_space<vmem>> -> memref<16xf32, #tpu.memory_space<vmem>>
        %dma_wait3A_860 = arith.constant 0 : i32
        %dma_wait3A_861 = tpu.memref_slice %arg34[%run_scoped3A_849, %dma_wait3A_860] : memref<4x16xi32, #tpu.memory_space<vmem>> -> memref<1x16xi32, #tpu.memory_space<vmem>>
        %dma_wait3A_862 = tpu.memref_squeeze %dma_wait3A_861 : memref<1x16xi32, #tpu.memory_space<vmem>> -> memref<16xi32, #tpu.memory_space<vmem>>
        %dma_wait3A_863 = arith.constant 0 : i32
        %dma_wait3A_864 = tpu.memref_slice %arg15[%dma_wait3A_863] : memref<16xf32, #tpu.memory_space<vmem_shared>> -> memref<16xf32, #tpu.memory_space<vmem_shared>>
        tpu.wait_indirect_dma semaphore(%run_scoped3A_850 : memref<!tpu.dma_semaphore, #tpu.memory_space<semaphore_mem>>) src(%dma_wait3A_859 : memref<16xf32, #tpu.memory_space<vmem>>) dst(%dma_wait3A_864 : memref<16xf32, #tpu.memory_space<vmem_shared>>)
        tpu.yield
      }) : () -> ()
      "tpu.region"() ({
        %run_scoped3A_850 = tpu.sem_alloc : memref<!tpu.dma_semaphore, #tpu.memory_space<semaphore_mem>>
        tpu.enqueue_dma source(%arg15 : memref<16xf32, #tpu.memory_space<vmem_shared>>) target(%arg7 : memref<16xf32, #tpu.memory_space<hbm>>) target_semaphore(%run_scoped3A_850 : memref<!tpu.dma_semaphore, #tpu.memory_space<semaphore_mem>>)
        tpu.wait_dma2 semaphore(%run_scoped3A_850 : memref<!tpu.dma_semaphore, #tpu.memory_space<semaphore_mem>>) src(%arg15 : memref<16xf32, #tpu.memory_space<vmem_shared>>) dst(%arg7 : memref<16xf32, #tpu.memory_space<hbm>>)
        tpu.yield
      }) : () -> ()
    } else {
    }
    return
  }
}

module attributes {stable_mosaic.version = 14 : i64} {
  func.func @_row_losses(%arg0: memref<3x16384xf32, #tpu.memory_space<vmem>>, %arg1: memref<3x16384xf32, #tpu.memory_space<vmem>>, %arg2: memref<16x16384xf32, #tpu.memory_space<vmem>>, %arg3: memref<1x16384xi32, #tpu.memory_space<vmem>>, %arg4: memref<6x16384xf32, #tpu.memory_space<vmem>>, %arg5: memref<1x16384xi32, #tpu.memory_space<vmem>>, %arg6: memref<5x32768xf32, #tpu.memory_space<vmem>>, %arg7: memref<1x32768xi32, #tpu.memory_space<vmem>>, %arg8: memref<3x16384xf32, #tpu.memory_space<vmem>>, %arg9: memref<1x32768xf32, #tpu.memory_space<vmem>>) attributes {dimension_semantics = [], scalar_prefetch = 0 : i64, scratch_operands = 0 : i64, tpu.core_type = #tpu.core_type<tc>} {
    %get3A = arith.constant 0 : index
    %get3A_0 = arith.constant 0 : index
    %get3A_1 = vector.load %arg1[%get3A, %get3A_0] : memref<3x16384xf32, #tpu.memory_space<vmem>>, vector<3x16384xf32>
    %get3A_2 = arith.constant 0 : index
    %get3A_3 = arith.constant 0 : index
    %get3A_4 = vector.load %arg0[%get3A_2, %get3A_3] : memref<3x16384xf32, #tpu.memory_space<vmem>>, vector<3x16384xf32>
    %sub3A = arith.subf %get3A_1, %get3A_4 : vector<3x16384xf32>
    %mul3A = arith.mulf %sub3A, %sub3A : vector<3x16384xf32>
    %reduce_sum3A = arith.constant dense<0.000000e+00> : vector<16384xf32>
    %reduce_sum3A_5 = vector.multi_reduction <add>, %mul3A, %reduce_sum3A [0] : vector<3x16384xf32> to vector<16384xf32>
    %broadcast_in_dim3A = vector.shape_cast %reduce_sum3A_5 : vector<16384xf32> to vector<1x16384xf32>
    %mul3A_6 = arith.constant 0.333333343 : f32
    %mul3A_7 = vector.broadcast %mul3A_6 : f32 to vector<1x16384xf32>
    %mul3A_8 = arith.mulf %broadcast_in_dim3A, %mul3A_7 : vector<1x16384xf32>
    %swap3A = arith.constant 0 : index
    %swap3A_9 = arith.constant 0 : index
    %swap3A_10 = vector.load %arg8[%swap3A, %swap3A_9] : memref<3x16384xf32, #tpu.memory_space<vmem>>, vector<1x16384xf32>
    tpu.vector_store %arg8[%swap3A, %swap3A_9], %mul3A_8 {strides = array<i32>} : memref<3x16384xf32, #tpu.memory_space<vmem>>, vector<1x16384xf32>,
    %get3A_11 = arith.constant 0 : index
    %get3A_12 = arith.constant 0 : index
    %get3A_13 = vector.load %arg2[%get3A_11, %get3A_12] : memref<16x16384xf32, #tpu.memory_space<vmem>>, vector<16x16384xf32>
    %get3A_14 = arith.constant 0 : index
    %get3A_15 = arith.constant 0 : index
    %get3A_16 = vector.load %arg3[%get3A_14, %get3A_15] : memref<1x16384xi32, #tpu.memory_space<vmem>>, vector<1x16384xi32>
    %reduce_max3A = arith.constant dense<0xFF800000> : vector<16384xf32>
    %reduce_max3A_17 = vector.multi_reduction <maximumf>, %get3A_13, %reduce_max3A [0] : vector<16x16384xf32> to vector<16384xf32>
    %broadcast_in_dim3A_18 = vector.shape_cast %reduce_max3A_17 : vector<16384xf32> to vector<1x16384xf32>
    %sub3A_19 = vector.broadcast %broadcast_in_dim3A_18 : vector<1x16384xf32> to vector<16x16384xf32>
    %sub3A_20 = arith.subf %get3A_13, %sub3A_19 : vector<16x16384xf32>
    %exp3A = math.exp %sub3A_20 : vector<16x16384xf32>
    %reduce_sum3A_21 = arith.constant dense<0.000000e+00> : vector<16384xf32>
    %reduce_sum3A_22 = vector.multi_reduction <add>, %exp3A, %reduce_sum3A_21 [0] : vector<16x16384xf32> to vector<16384xf32>
    %broadcast_in_dim3A_23 = vector.shape_cast %reduce_sum3A_22 : vector<16384xf32> to vector<1x16384xf32>
    %log3A = math.log %broadcast_in_dim3A_23 : vector<1x16384xf32>
    %add3A = arith.addf %log3A, %broadcast_in_dim3A_18 : vector<1x16384xf32>
    %iota3A = tpu.iota {dimensions = array<i32: 0>} : vector<16x16384xi32>
    %eq3A = vector.broadcast %get3A_16 : vector<1x16384xi32> to vector<16x16384xi32>
    %eq3A_24 = arith.cmpi eq, %iota3A, %eq3A : vector<16x16384xi32>
    %jit3A = arith.constant 0.000000e+00 : f32
    %broadcast_in_dim3A_25 = vector.broadcast %jit3A : f32 to vector<16x16384xf32>
    %select_n3A = arith.select %eq3A_24, %get3A_13, %broadcast_in_dim3A_25 : vector<16x16384xi1>, vector<16x16384xf32>
    %reduce_sum3A_26 = arith.constant dense<0.000000e+00> : vector<16384xf32>
    %reduce_sum3A_27 = vector.multi_reduction <add>, %select_n3A, %reduce_sum3A_26 [0] : vector<16x16384xf32> to vector<16384xf32>
    %broadcast_in_dim3A_28 = vector.shape_cast %reduce_sum3A_27 : vector<16384xf32> to vector<1x16384xf32>
    %sub3A_29 = arith.subf %add3A, %broadcast_in_dim3A_28 : vector<1x16384xf32>
    %swap3A_30 = arith.constant 1 : index
    %swap3A_31 = arith.constant 0 : index
    %swap3A_32 = vector.load %arg8[%swap3A_30, %swap3A_31] : memref<3x16384xf32, #tpu.memory_space<vmem>>, vector<1x16384xf32>
    tpu.vector_store %arg8[%swap3A_30, %swap3A_31], %sub3A_29 {strides = array<i32>} : memref<3x16384xf32, #tpu.memory_space<vmem>>, vector<1x16384xf32>,
    %get3A_33 = arith.constant 0 : index
    %get3A_34 = arith.constant 0 : index
    %get3A_35 = vector.load %arg4[%get3A_33, %get3A_34] : memref<6x16384xf32, #tpu.memory_space<vmem>>, vector<6x16384xf32>
    %get3A_36 = arith.constant 0 : index
    %get3A_37 = arith.constant 0 : index
    %get3A_38 = vector.load %arg5[%get3A_36, %get3A_37] : memref<1x16384xi32, #tpu.memory_space<vmem>>, vector<1x16384xi32>
    %reduce_max3A_39 = arith.constant dense<0xFF800000> : vector<16384xf32>
    %reduce_max3A_40 = vector.multi_reduction <maximumf>, %get3A_35, %reduce_max3A_39 [0] : vector<6x16384xf32> to vector<16384xf32>
    %broadcast_in_dim3A_41 = vector.shape_cast %reduce_max3A_40 : vector<16384xf32> to vector<1x16384xf32>
    %sub3A_42 = vector.broadcast %broadcast_in_dim3A_41 : vector<1x16384xf32> to vector<6x16384xf32>
    %sub3A_43 = arith.subf %get3A_35, %sub3A_42 : vector<6x16384xf32>
    %exp3A_44 = math.exp %sub3A_43 : vector<6x16384xf32>
    %reduce_sum3A_45 = arith.constant dense<0.000000e+00> : vector<16384xf32>
    %reduce_sum3A_46 = vector.multi_reduction <add>, %exp3A_44, %reduce_sum3A_45 [0] : vector<6x16384xf32> to vector<16384xf32>
    %broadcast_in_dim3A_47 = vector.shape_cast %reduce_sum3A_46 : vector<16384xf32> to vector<1x16384xf32>
    %log3A_48 = math.log %broadcast_in_dim3A_47 : vector<1x16384xf32>
    %add3A_49 = arith.addf %log3A_48, %broadcast_in_dim3A_41 : vector<1x16384xf32>
    %iota3A_50 = tpu.iota {dimensions = array<i32: 0>} : vector<6x16384xi32>
    %eq3A_51 = vector.broadcast %get3A_38 : vector<1x16384xi32> to vector<6x16384xi32>
    %eq3A_52 = arith.cmpi eq, %iota3A_50, %eq3A_51 : vector<6x16384xi32>
    %jit3A_53 = arith.constant 0.000000e+00 : f32
    %broadcast_in_dim3A_54 = vector.broadcast %jit3A_53 : f32 to vector<6x16384xf32>
    %select_n3A_55 = arith.select %eq3A_52, %get3A_35, %broadcast_in_dim3A_54 : vector<6x16384xi1>, vector<6x16384xf32>
    %reduce_sum3A_56 = arith.constant dense<0.000000e+00> : vector<16384xf32>
    %reduce_sum3A_57 = vector.multi_reduction <add>, %select_n3A_55, %reduce_sum3A_56 [0] : vector<6x16384xf32> to vector<16384xf32>
    %broadcast_in_dim3A_58 = vector.shape_cast %reduce_sum3A_57 : vector<16384xf32> to vector<1x16384xf32>
    %sub3A_59 = arith.subf %add3A_49, %broadcast_in_dim3A_58 : vector<1x16384xf32>
    %swap3A_60 = arith.constant 2 : index
    %swap3A_61 = arith.constant 0 : index
    %swap3A_62 = vector.load %arg8[%swap3A_60, %swap3A_61] : memref<3x16384xf32, #tpu.memory_space<vmem>>, vector<1x16384xf32>
    tpu.vector_store %arg8[%swap3A_60, %swap3A_61], %sub3A_59 {strides = array<i32>} : memref<3x16384xf32, #tpu.memory_space<vmem>>, vector<1x16384xf32>,
    %get3A_63 = arith.constant 0 : index
    %get3A_64 = arith.constant 0 : index
    %get3A_65 = vector.load %arg6[%get3A_63, %get3A_64] : memref<5x32768xf32, #tpu.memory_space<vmem>>, vector<5x32768xf32>
    %get3A_66 = arith.constant 0 : index
    %get3A_67 = arith.constant 0 : index
    %get3A_68 = vector.load %arg7[%get3A_66, %get3A_67] : memref<1x32768xi32, #tpu.memory_space<vmem>>, vector<1x32768xi32>
    %reduce_max3A_69 = arith.constant dense<0xFF800000> : vector<32768xf32>
    %reduce_max3A_70 = vector.multi_reduction <maximumf>, %get3A_65, %reduce_max3A_69 [0] : vector<5x32768xf32> to vector<32768xf32>
    %broadcast_in_dim3A_71 = vector.shape_cast %reduce_max3A_70 : vector<32768xf32> to vector<1x32768xf32>
    %sub3A_72 = vector.broadcast %broadcast_in_dim3A_71 : vector<1x32768xf32> to vector<5x32768xf32>
    %sub3A_73 = arith.subf %get3A_65, %sub3A_72 : vector<5x32768xf32>
    %exp3A_74 = math.exp %sub3A_73 : vector<5x32768xf32>
    %reduce_sum3A_75 = arith.constant dense<0.000000e+00> : vector<32768xf32>
    %reduce_sum3A_76 = vector.multi_reduction <add>, %exp3A_74, %reduce_sum3A_75 [0] : vector<5x32768xf32> to vector<32768xf32>
    %broadcast_in_dim3A_77 = vector.shape_cast %reduce_sum3A_76 : vector<32768xf32> to vector<1x32768xf32>
    %log3A_78 = math.log %broadcast_in_dim3A_77 : vector<1x32768xf32>
    %add3A_79 = arith.addf %log3A_78, %broadcast_in_dim3A_71 : vector<1x32768xf32>
    %iota3A_80 = tpu.iota {dimensions = array<i32: 0>} : vector<5x32768xi32>
    %eq3A_81 = vector.broadcast %get3A_68 : vector<1x32768xi32> to vector<5x32768xi32>
    %eq3A_82 = arith.cmpi eq, %iota3A_80, %eq3A_81 : vector<5x32768xi32>
    %jit3A_83 = arith.constant 0.000000e+00 : f32
    %broadcast_in_dim3A_84 = vector.broadcast %jit3A_83 : f32 to vector<5x32768xf32>
    %select_n3A_85 = arith.select %eq3A_82, %get3A_65, %broadcast_in_dim3A_84 : vector<5x32768xi1>, vector<5x32768xf32>
    %reduce_sum3A_86 = arith.constant dense<0.000000e+00> : vector<32768xf32>
    %reduce_sum3A_87 = vector.multi_reduction <add>, %select_n3A_85, %reduce_sum3A_86 [0] : vector<5x32768xf32> to vector<32768xf32>
    %broadcast_in_dim3A_88 = vector.shape_cast %reduce_sum3A_87 : vector<32768xf32> to vector<1x32768xf32>
    %sub3A_89 = arith.subf %add3A_79, %broadcast_in_dim3A_88 : vector<1x32768xf32>
    %swap3A_90 = arith.constant 0 : index
    %swap3A_91 = arith.constant 0 : index
    %swap3A_92 = vector.load %arg9[%swap3A_90, %swap3A_91] : memref<1x32768xf32, #tpu.memory_space<vmem>>, vector<1x32768xf32>
    tpu.vector_store %arg9[%swap3A_90, %swap3A_91], %sub3A_89 {strides = array<i32>} : memref<1x32768xf32, #tpu.memory_space<vmem>>, vector<1x32768xf32>,
    return
  }
}

</mosaic_0001>

<sc_bundles>
// kernel: kernel.4.cloned.1.call-start
scs
__scs_entry_jumppad:
0x0: {  	(pc) =	sbr.rel $0x88, $3  }
0x1: {  	(tag) =	ssettag $0x0;
	lr =	simm.s32 $0x1  }
0x2: {  	[smem:$0x3F96] =	sst lr;
	_ =	strace $0xD0000000  }
0x3: {  	_ = 	snop  }
0x4: {  	_ = 	snop  }
0x5: {  	_ = 	snop  }
0x6: {  	_ = 	snop  }
0x7: {  	_ = 	snop  }
__scs_overlays_trampoline_lowered:
0x8: {  	[smem:$0x3FA5] =	sst s0  }
0x9: {  	[smem:$0x3FA6] =	sst s1  }
0xa: {  	[smem:$0x3FA7] =	sst s2  }
0xb: {  	[smem:$0x3FA8] =	sst s3  }
0xc: {  	[smem:$0x3FA9] =	sst s4  }
0xd: {  	[smem:$0x3FAA] =	sst s5  }
0xe: {  	[smem:$0x3FAB] =	sst s6  }
0xf: {  	[smem:$0x3FAC] =	sst s7  }
0x10: {  	[smem:$0x3FAD] =	sst s8  }
0x11: {  	[smem:$0x3FAE] =	sst s9;
	s0 =	simm.s32 @!p0 $0x0  }
0x12: {  	s1 =	sld [smem:$0x3F94];
	s0 =	simm.s32 @p0 $0x1  }
0x13: {  	[smem:$0x3FAF] =	sst s0;
	s0 =	simm.s32 @!p1 $0x0  }
0x14: {  	s2 =	sld [smem:$0x3F93];
	s0 =	simm.s32 @p1 $0x1  }
0x15: {  	[smem:$0x3FB0] =	sst s0;
	s0 =	simm.s32 @!p2 $0x0  }
0x16: {  	s3 =	sld [smem:$0x3FDB];
	s0 =	simm.s32 @p2 $0x1  }
0x17: {  	s4 =	simm.s32 $0x1BF5;
	[smem:$0x3FB2] =	sst s0  }
0x18: {  	s0 =	sld [smem:$0x3F95];
	_ =	swait.ge [sflag:s4], $0x0  }
0x19: {  	s7 =	sld [smem:$0x3F96]  }
0x1a: {  	s8 =	sadd.s32 $0xFFFFE003, lr  }
0x1b: {  	s9 =	sadd.s32 $0xFFFFFEF7, lr;
	s5 =	simm.s32 $0xFFFFFFFF;
	p2 =	slt.u32 s8, $0xFFFFF086  }
0x1c: {  	p1 =	slt.u32 s9, $0xF7A;
	s5 =	simm.s32 @!p2 $0x0  }
0x1d: {  	s5 =	simm.s32 @p1 $0x1;
	p0 =	seq.s32 s7, s2  }
0x1e: {  	s7 =	smul.u32 @!p0 $0xF7A, s2;
	p2 =	seq.s32 @!p0 s5, $0x0  }
0x1f: {  	s9 =	smul.u32 $0xF7A, s1;
	s8 =	simm.s32 @!p0 $0x1BF5;
	p2 =	por !p2, p0  }
0x20: {  	[sflag:s8] =	ssyncset.s32 @!p0 $0xFFFFF086;
	s6 =	sadd.s32 @!p0 s3, s7;
	s7 =	simm.s32 @!p0 $0x108  }
0x21: {  	s3 =	sadd.s32 s3, s9;
	s6 =	sadd.s32 @!p0 $0x88, s6;
	s7 =	simm.s32 @p2 $0x1082  }
0x22: {  	[simem:s7], [sflag:s8] =	dma.local @!p0 [hbm:s6], $0xF7A  }
0x23: {  	s9 =	sor.u32 $0xD0000000, s2;
	s6 =	simm.s32 $0x108;
	_ =	swait.ge @!p0 [sflag:s8], $0x0  }
0x24: {  	s3 =	sadd.s32 $0x88, s3;
	s6 =	simm.s32 @!p1 $0x1082;
	[sflag:s4] =	ssyncset.s32 $0xFFFFF086  }
0x25: {  	[simem:s6], [sflag:s4] =	dma.local [hbm:s3], $0xF7A  }
0x26: {  	[smem:$0x3F96] =	sst s1;
	(tag) =	ssettag s2;
	_ =	strace s9  }
0x27: {  	s1 =	sld [smem:$0x3FA6]  }
0x28: {  	s2 =	sld [smem:$0x3FA7]  }
0x29: {  	s4 =	sld [smem:$0x3FA9]  }
0x2a: {  	p0 =	seq.s32 s5, $0x0;
	s5 =	sld [smem:$0x3FAA]  }
0x2b: {  	s6 =	sld [smem:$0x3FAB]  }
0x2c: {  	s7 =	sld [smem:$0x3FAC]  }
0x2d: {  	s3 =	simm.s32 $0x108;
	s8 =	sld [smem:$0x3FAD]  }
0x2e: {  	s3 =	simm.s32 @!p0 $0x1082;
	s9 =	sld [smem:$0x3FAE]  }
0x2f: {  	lr =	sadd.s32 s0, s3;
	s0 =	sld [smem:$0x3FA5]  }
0x30: {  	s3 =	sld [smem:$0x3FA8]  }
0x31: {  	[smem:$0x3FB1] =	sst s10  }
0x32: {  	s10 =	sld [smem:$0x3FAF];
	_ =	sdelay $0x3  }
0x33: {  	p0 =	seq.s32 s10, $0x1;
	s10 =	sld [smem:$0x3FB1];
	_ =	sdelay $0x3  }
0x34: {  	[smem:$0x3FB1] =	sst s10  }
0x35: {  	s10 =	sld [smem:$0x3FB0];
	_ =	sdelay $0x3  }
0x36: {  	p1 =	seq.s32 s10, $0x1;
	s10 =	sld [smem:$0x3FB1];
	_ =	sdelay $0x3  }
0x37: {  	[smem:$0x3FB1] =	sst s10  }
0x38: {  	s10 =	sld [smem:$0x3FB2]  }
0x39: {  	_ = 	snop;
	(pc) =	sbr.ind lr, $3  }
0x3a: {  	_ = 	snop  }
0x3b: {  	_ = 	snop  }
0x3c: {  	p2 =	seq.s32 s10, $0x1;
	s10 =	sld [smem:$0x3FB1]  }
0x3d: {  	_ =	shalt  }
0x3e: {  	_ =	shalt  }
0x3f: {  	_ =	shalt  }
0x40: {  	_ =	shalt  }
0x41: {  	_ =	shalt  }
0x42: {  	_ =	shalt  }
0x43: {  	_ =	shalt  }
0x44: {  	_ =	shalt  }
0x45: {  	_ =	shalt  }
0x46: {  	_ =	shalt  }
0x47: {  	_ =	shalt  }
0x48: {  	_ =	shalt  }
0x49: {  	_ =	shalt  }
0x4a: {  	_ =	shalt  }
0x4b: {  	_ =	shalt  }
0x4c: {  	_ =	shalt  }
0x4d: {  	_ =	shalt  }
0x4e: {  	_ =	shalt  }
0x4f: {  	_ =	shalt  }
0x50: {  	_ =	shalt  }
0x51: {  	_ =	shalt  }
0x52: {  	_ =	shalt  }
0x53: {  	_ =	shalt  }
0x54: {  	_ =	shalt  }
0x55: {  	_ =	shalt  }
0x56: {  	_ =	shalt  }
0x57: {  	_ =	shalt  }
0x58: {  	_ =	shalt  }
0x59: {  	_ =	shalt  }
0x5a: {  	_ =	shalt  }
0x5b: {  	_ =	shalt  }
0x5c: {  	_ =	shalt  }
0x5d: {  	_ =	shalt  }
0x5e: {  	_ =	shalt  }
0x5f: {  	_ =	shalt  }
0x60: {  	_ =	shalt  }
0x61: {  	_ =	shalt  }
0x62: {  	_ =	shalt  }
0x63: {  	_ =	shalt  }
0x64: {  	_ =	shalt  }
0x65: {  	_ =	shalt  }
0x66: {  	_ =	shalt  }
0x67: {  	_ =	shalt  }
0x68: {  	_ =	shalt  }
0x69: {  	_ =	shalt  }
0x6a: {  	_ =	shalt  }
0x6b: {  	_ =	shalt  }
0x6c: {  	_ =	shalt  }
0x6d: {  	_ =	shalt  }
0x6e: {  	_ =	shalt  }
0x6f: {  	_ =	shalt  }
0x70: {  	_ =	shalt  }
0x71: {  	_ =	shalt  }
0x72: {  	_ =	shalt  }
0x73: {  	_ =	shalt  }
0x74: {  	_ =	shalt  }
0x75: {  	_ =	shalt  }
0x76: {  	_ =	shalt  }
0x77: {  	_ =	shalt  }
0x78: {  	_ =	shalt  }
0x79: {  	_ =	shalt  }
0x7a: {  	_ =	shalt  }
0x7b: {  	_ =	shalt  }
0x7c: {  	_ =	shalt  }
0x7d: {  	_ =	shalt  }
0x7e: {  	_ =	shalt  }
0x7f: {  	_ =	shalt  }
0x80: {  	_ =	shalt  }
0x81: {  	_ =	shalt  }
0x82: {  	_ =	shalt  }
0x83: {  	_ =	shalt  }
0x84: {  	_ =	shalt  }
0x85: {  	_ =	shalt  }
0x86: {  	_ =	shalt  }
0x87: {  	_ =	shalt  }
.Lfunc_end0:
.L_simem_size_0:
called_computation_lowered:
.L_overlay_start_0:
0x88: {  	s2 =	sld [smem:$0x3FD9]  }
0x89: {  	s3 =	sld [smem:$0x3FFE];
	_ =	sdelay $0x1  }
0x8a: {  	s1 =	srdreg.scid  }
0x8b: {  	s0 =	sand.u32 $0x1, s1  }
0x8c: {  	s17 =	sshll.u32 s0, $0xA;
	s2 =	sadd.s32 s3, s2  }
0x8d: {  	s2 =	sadd.s32 s2, s17  }
0x8e: {  	[smem:$0x3FBD] =	sst s2  }
0x8f: {  	_ = 	snop  }
0x90: {  	s2 =	sld [smem:$0x3FC1]  }
0x91: {  	s18 =	sld [smem:$0x3FC0]  }
0x92: {  	s4 =	sld [smem:$0x3FBF];
	(tm) =	ssettm $0x1  }
0x93: {  	s5 =	sld [smem:$0x3FFB];
	_ =	sdelay $0x3  }
0x94: {  	_ =	strace s5  }
0x95: {  	s5 =	sld [smem:$0x3FFC];
	_ =	sdelay $0x3  }
0x96: {  	_ =	strace s5  }
0x97: {  	s5 =	sld [smem:$0x3FFD];
	_ =	sdelay $0x3  }
0x98: {  	_ =	strace s5  }
0x99: {  	_ =	strace $0x8FFFFFFF  }
0x9a: {  	s19 =	sld [smem:$0x3FDB];
	_ =	sdelay $0x1  }
0x9b: {  	s6 =	simm.s32 $_scs_section_size  }
0x9c: {  	s7 =	simm.s32 $_size__tile_overlayer_lowered;
	s8 =	simm.s32 $_tile_overlayer_lowered  }
0x9d: {  	s22 =	simm.s32 $0x1BFF;
	s21 =	sshll.u32 s8, $0x1;
	s5 =	sadd.s32 s6, s19  }
0x9e: {  	s9 =	simm.s32 $0x0;
	s20 =	sshll.u32 s7, $0x1;
	s7 =	sadd.s32 s21, s5  }
0x9f: {  	[timem:s9], [sflag:s22] =	dma.local [hbm:s7], s20  }
0xa0: {  	_ =	swait.ge [sflag:s22], s20  }
0xa1: {  	s6 =	ssub.s32 $0x0, s20;
	[sflag:s22] =	ssyncset.done $0x0  }
0xa2: {  	[sflag:s22] =	ssyncadd.s32 s6;
	_ =	sdelay $0x1  }
0xa3: {  	s23 =	simm.s32 $0x1B8B  }
0xa4: {  	_ =	swait.ge [sflag:s23], $0x1  }
0xa5: {  	[sflag:s23] =	ssyncset.done $0x0  }
0xa6: {  	s25 =	simm.s32 $0x1B8E;
	s24 =	sld [smem:$0x3FFE];
	[sflag:s23] =	ssyncadd.s32 $0xFFFFFFFF  }
0xa7: {  	s26 =	simm.s32 $execute0_lowered;
	[smem:$0x3FD2] =	sst s25  }
0xa8: {  	s7 =	sshll.u32 s26, $0x1;
	_ =	strace $0x80000046;
	[dreg:$0x1] =	wrdreg $0xFFFFFFFF  }
0xa9: {  	s28 =	simm.s32 $_size_execute0_lowered;
	s5 =	sadd.s32 s5, s7;
	[dreg:$0x0] =	wrdreg $0x0  }
0xaa: {  	s7 =	sshll.u32 s28, $0x1;
	[dreg:$0x2] =	wrdreg s5  }
0xab: {  	[dreg:$0x3] =	wrdreg s7  }
0xac: {  	[dreg:$0x4] =	wrdreg $0xC0  }
0xad: {  	_ =	task [dreg:s9], $0x5FFFF  }
0xae: {  	[dreg:$0x1] =	wrdreg $0xFFFFFFFF  }
0xaf: {  	[dreg:$0x0] =	wrdreg $0x60  }
0xb0: {  	[dreg:$0x2] =	wrdreg s24  }
0xb1: {  	[dreg:$0x3] =	wrdreg s18  }
0xb2: {  	[dreg:$0x4] =	wrdreg s2  }
0xb3: {  	[dreg:$0x5] =	wrdreg s4  }
0xb4: {  	[dreg:$0x6] =	wrdreg $0x0  }
0xb5: {  	[dreg:$0x7] =	wrdreg $0x4000  }
0xb6: {  	[dreg:$0x8] =	wrdreg $0x8000  }
0xb7: {  	[dreg:$0x9] =	wrdreg $0x8100  }
0xb8: {  	[dreg:$0xa] =	wrdreg $0x8200  }
0xb9: {  	[dreg:$0xb] =	wrdreg $0x8300  }
0xba: {  	[dreg:$0xc] =	wrdreg $0x8400  }
0xbb: {  	[dreg:$0xd] =	wrdreg $0x8500  }
0xbc: {  	[dreg:$0xe] =	wrdreg $0x9  }
0xbd: {  	_ =	task.clear_ibuf [dreg:s9], $0xFFFFF;
	_ =	strace $0x90000046  }
0xbe: {  	s29 =	simm.s32 $0x9;
	_ =	strace $0x80000048  }
0xbf: {  	_ =	swait.ge [sflag:s29], $0x1  }
0xc0: {  	[sflag:s29] =	ssyncadd.s32 $0xFFFFFFFF  }
0xc1: {  	_ =	strace $0x90000048  }
0xc2: {  	_ =	sfence  }
0xc3: {  	s30 =	sld [smem:$0x0];
	_ =	sdelay $0x2  }
0xc4: {  	s31 =	sshll.u32 s1, $0xD;
	s1 =	sshrl.u32 s1, $0x2  }
0xc5: {  	s3 =	sand.u32 $0x4000, s31;
	s1 =	sadd.s32 s1, s30  }
0xc6: {  	s0 =	sor.u32 s3, s0;
	s1 =	sshll.u32 s1, $0x11  }
0xc7: {  	s0 =	sor.u32 s1, s0  }
0xc8: {  	s0 =	sadd.s32 $0x8F2B, s0  }
0xc9: {  	[sflag:s0] =	ssyncadd.remote.s32 $0x1  }
0xca: {  	_ =	sfence.sel $0xFFFF  }
0xcb: {  	[dreg:$0x0] =	wrdreg $0xFFFFFFFF;
	(pc) =	sbr.abs _section_cstart, $3  }
0xcc: {  	[dreg:$0x1] =	wrdreg $0xFFFFFFFF  }
0xcd: {  	_ =	task.clear_ibuf [dreg:s9], $0x2FFFF;
	_ =	strace $0x9FFFFFFF  }
0xce: {  	(tm) =	ssettm $0x7FFFFFFF  }
0xcf: {  	_ =	shalt  }
tec
execute0_lowered:
.L_overlay_start_1:
0x0: {  	(tag) =	ssettag $0x1  }
0x1: {  	s0 =	rddreg [dreg:$0x0]  }
0x2: {  	s4 =	rddreg [dreg:$0x1]  }
0x3: {  	s11 =	rddreg [dreg:$0x2]  }
0x4: {  	s1 =	rddreg [dreg:$0x4]  }
0x5: {  	s2 =	rddreg [dreg:$0x5]  }
0x6: {  	s3 =	rddreg [dreg:$0x6]  }
0x7: {  	s5 =	rddreg [dreg:$0x7]  }
0x8: {  	s6 =	rddreg [dreg:$0x8]  }
0x9: {  	s7 =	rddreg [dreg:$0x9]  }
0xa: {  	s8 =	rddreg [dreg:$0xa]  }
0xb: {  	s9 =	rddreg [dreg:$0xb];
	s10 =	simm.s32 $0x0;
	s24 =	simm.s32 $0x0  }
0xc: {  	s12 =	srdreg.scid;
	s28 =	simm.s32 $0xC58;
	s29 =	simm.s32 $0x1DD8  }
0xd: {  	s31 =	simm.s32 $0x1F58;
	s30 =	simm.s32 $0x0;
	[smem:$0x7FF] =	sst s10  }
0xe: {  	s10 =	stileid.u32;
	s12 =	sand.u32 $0x1, s12;
	_ =	strace $0x80000047  }
0xf: {  	s15 =	sshll.u32 s10, $0x8;
	s16 =	sshll.u32 s10, $0x7;
	s13 =	ssub.s32 $0x2, s12  }
0x10: {  	s19 =	sshll.u32 s10, $0xA;
	s26 =	sor.u32 s10, s12;
	p1 =	sne.s32 s12, $0x0  }
0x11: {  	p0 =	sne.s32 s10, $0x0;
	s12 =	simm.s32 $0x1CD8;
	s17 =	sadd.s32 s15, s0  }
0x12: {  	s18 =	sadd.s32 s16, s0;
	s14 =	sshrl.u32 s13, $0x1;
	s0 =	sadd.s32 $0x4200, s0  }
0x13: {  	s4 =	sadd.s32 s4, s15;
	s21 =	sadd.s32 s11, s16;
	p2 =	sne.s32 s26, $0x0  }
0x14: {  	s26 =	simm.s32 $0x80;
	s16 =	simm.s32 $0x1;
	[dreg:$0xd] =	wrdreg s0  }
0x15: {  	s0 =	ssub.s32 s13, s14;
	s13 =	sadd.s32 s19, s1;
	[dreg:$0xe] =	wrdreg s4  }
0x16: {  	s14 =	sadd.s32 s19, s2;
	s20 =	sadd.s32 $0x1A00, s17;
	[dreg:$0x10] =	wrdreg s21  }
0x17: {  	s22 =	sadd.s32 $0x2A00, s18;
	s23 =	sadd.s32 $0x3200, s18;
	[dreg:$0xf] =	wrdreg s20  }
.Ltmp0:
0x18: {  	s25 =	sadd.s32 $0x3A00, s18;
	[dreg:$0x11] =	wrdreg s22;
	(pc) =	sbr.rel .LBB2_1-.Ltmp0, $4  }
0x19: {  	s17 =	simm.s32 $0x1D58;
	s18 =	simm.s32 $0x1E58;
	[dreg:$0x12] =	wrdreg s23  }
0x1a: {  	s19 =	simm.s32 $0x1ED8;
	s4 =	simm.s32 $0x10;
	[dreg:$0x13] =	wrdreg s25  }
0x1b: {  	v0 =	vimm.f32 $0.0e+00;
	v1 =	vimm.f32 $1.000000000e+00;
	v2 =	vimm.s32 $0x0;
	s21 =	smax.u32 s0, $0x1;
	s23 =	simm.s32 $0x2;
	s22 =	simm.s32 $0xCD8  }
0x1c: {  	v3 =	vimm.s32 $0x1;
	v4 =	vimm.s32 $0x2;
	v5 =	vimm.s32 $0x3;
	s25 =	simm.s32 $0x14D8;
	s20 =	simm.s32 $0x1FD8;
	s0 =	simm.s32 $0x2058  }
.LBB2_7:
0x1d: {  	s30 =	sadd.s32 $0x1, s30  }
0x1e: {  	p3 =	sne.s32 s30, s21  }
.Ltmp1:
0x1f: {  	_ = 	snop;
	(pc) =	sbr.rel @!p3 .LBB2_8-.Ltmp1, $1  }
0x20: {  	_ =	sdelay $0x3  }
.LBB2_1:
.Ltmp2:
0x21: {  	(pc) =	sbr.rel @p1 .LBB2_9-.Ltmp2, $1  }
0x22: {  	_ =	sdelay $0x3  }
0x23: {  	[tilespmem:$0x858] =	vst v0  }
0x24: {  	[tilespmem:$0x868] =	vst v0  }
0x25: {  	[tilespmem:$0x878] =	vst v0  }
0x26: {  	[tilespmem:$0x888] =	vst v0  }
0x27: {  	[tilespmem:$0x898] =	vst v0  }
0x28: {  	[tilespmem:$0x8A8] =	vst v0  }
0x29: {  	[tilespmem:$0x8B8] =	vst v0  }
0x2a: {  	[tilespmem:$0x8C8] =	vst v0  }
0x2b: {  	[tilespmem:$0x8D8] =	vst v0  }
0x2c: {  	[tilespmem:$0x8E8] =	vst v0  }
0x2d: {  	[tilespmem:$0x8F8] =	vst v0  }
0x2e: {  	[tilespmem:$0x908] =	vst v0  }
0x2f: {  	[tilespmem:$0x918] =	vst v0  }
0x30: {  	[tilespmem:$0x928] =	vst v0  }
0x31: {  	[tilespmem:$0x938] =	vst v0  }
0x32: {  	[tilespmem:$0x948] =	vst v0  }
0x33: {  	[tilespmem:$0x958] =	vst v0  }
0x34: {  	[tilespmem:$0x968] =	vst v0  }
0x35: {  	[tilespmem:$0x978] =	vst v0  }
0x36: {  	[tilespmem:$0x988] =	vst v0  }
0x37: {  	[tilespmem:$0x998] =	vst v0  }
0x38: {  	[tilespmem:$0x9A8] =	vst v0  }
0x39: {  	[tilespmem:$0x9B8] =	vst v0  }
0x3a: {  	[tilespmem:$0x9C8] =	vst v0  }
0x3b: {  	[tilespmem:$0x9D8] =	vst v0  }
0x3c: {  	[tilespmem:$0x9E8] =	vst v0  }
0x3d: {  	[tilespmem:$0x9F8] =	vst v0  }
0x3e: {  	[tilespmem:$0xA08] =	vst v0  }
0x3f: {  	[tilespmem:$0xA18] =	vst v0  }
0x40: {  	[tilespmem:$0xA28] =	vst v0  }
0x41: {  	[tilespmem:$0xA38] =	vst v0  }
0x42: {  	[tilespmem:$0xA48] =	vst v0  }
0x43: {  	[tilespmem:$0xA58] =	vst v0  }
0x44: {  	[tilespmem:$0xA68] =	vst v0  }
0x45: {  	[tilespmem:$0xA78] =	vst v0  }
0x46: {  	[tilespmem:$0xA88] =	vst v0  }
0x47: {  	[tilespmem:$0xA98] =	vst v0  }
0x48: {  	[tilespmem:$0xAA8] =	vst v0  }
0x49: {  	[tilespmem:$0xAB8] =	vst v0  }
0x4a: {  	[tilespmem:$0xAC8] =	vst v0  }
0x4b: {  	[tilespmem:$0xAD8] =	vst v0  }
0x4c: {  	[tilespmem:$0xAE8] =	vst v0  }
0x4d: {  	[tilespmem:$0xAF8] =	vst v0  }
0x4e: {  	[tilespmem:$0xB08] =	vst v0  }
0x4f: {  	[tilespmem:$0xB18] =	vst v0  }
0x50: {  	[tilespmem:$0xB28] =	vst v0  }
0x51: {  	[tilespmem:$0xB38] =	vst v0  }
0x52: {  	[tilespmem:$0xB48] =	vst v0  }
0x53: {  	[tilespmem:$0xB58] =	vst v0  }
0x54: {  	[tilespmem:$0xB68] =	vst v0  }
0x55: {  	[tilespmem:$0xB78] =	vst v0  }
0x56: {  	[tilespmem:$0xB88] =	vst v0  }
0x57: {  	[tilespmem:$0xB98] =	vst v0  }
0x58: {  	[tilespmem:$0xBA8] =	vst v0  }
0x59: {  	[tilespmem:$0xBB8] =	vst v0  }
0x5a: {  	[tilespmem:$0xBC8] =	vst v0  }
0x5b: {  	[tilespmem:$0xBD8] =	vst v0  }
0x5c: {  	[tilespmem:$0xBE8] =	vst v0  }
0x5d: {  	[tilespmem:$0xBF8] =	vst v0  }
0x5e: {  	[tilespmem:$0xC08] =	vst v0  }
0x5f: {  	[tilespmem:$0xC18] =	vst v0  }
0x60: {  	[tilespmem:$0xC28] =	vst v0  }
0x61: {  	[tilespmem:$0xC38] =	vst v0  }
0x62: {  	[tilespmem:$0xC48] =	vst v0  }
0x63: {  	[tilespmem:$0xC58] =	vst v1  }
0x64: {  	[tilespmem:$0xC68] =	vst v1  }
0x65: {  	[tilespmem:$0xC78] =	vst v1  }
0x66: {  	[tilespmem:$0xC88] =	vst v1  }
0x67: {  	[tilespmem:$0xC98] =	vst v1  }
0x68: {  	[tilespmem:$0xCA8] =	vst v1  }
0x69: {  	[tilespmem:$0xCB8] =	vst v1  }
0x6a: {  	[tilespmem:$0xCC8] =	vst v1;
	s10 =	simm.s32 $0x858  }
0x6b: {  	[spmem:s13] =	stream.linear.scatter [tilespmem:s10], [sflag:$0x2], $0x400, $0x38;
	[tilespmem:$0x42D8] =	vst v63  }
0x6c: {  	_ =	swait.ge [sflag:s23], $0x400  }
0x6d: {  	[sflag:s23] =	ssyncset.done $0x0  }
0x6e: {  	[sflag:s23] =	ssyncadd.s32 $0xFFFFFC00  }
0x6f: {  	[spmem:s14] =	stream.linear.scatter [tilespmem:s10], [sflag:$0x2], $0x400, $0x38;
	[tilespmem:$0x42D8] =	vst v63  }
0x70: {  	_ =	swait.ge [sflag:s23], $0x400  }
0x71: {  	[sflag:s23] =	ssyncset.done $0x0  }
0x72: {  	s10 =	simm.s32 $0x0;
	s11 =	rddreg [dreg:$0xe];
	[sflag:s23] =	ssyncadd.s32 $0xFFFFFC00  }
0x73: {  	[tilespmem:s22], [sflag:$0x2] =	stream.linear.gather [hbm4b:s11+s10], $0x800, $0x38;
	[tilespmem:$0x42D8] =	vst v63  }
0x74: {  	_ =	swait.ge [sflag:s23], $0x800  }
0x75: {  	[sflag:s23] =	ssyncset.done $0x0  }
0x76: {  	s15 =	rddreg [dreg:$0xf];
	[sflag:s23] =	ssyncadd.s32 $0xFFFFF800  }
0x77: {  	[tilespmem:s25], [sflag:$0x2] =	stream.linear.gather [hbm4b:s15+s10], $0x800, $0x38;
	[tilespmem:$0x42D8] =	vst v63  }
0x78: {  	_ =	swait.ge [sflag:s23], $0x800  }
0x79: {  	[sflag:s23] =	ssyncset.done $0x0  }
0x7a: {  	s11 =	simm.s32 @!p0 $0x858;
	s15 =	simm.s32 @!p0 $0x2;
	[sflag:s23] =	ssyncadd.s32 $0xFFFFF800  }
0x7b: {  	[spmem:s3] =	stream.linear.scatter @!p0 [tilespmem:s11], [sflag:$0x2], $0x100, $0x38;
	[tilespmem:$0x42D8] =	vst v63  }
0x7c: {  	_ =	swait.ge @!p0 [sflag:s15], $0x100  }
0x7d: {  	[sflag:s15] =	ssyncset.done @!p0 $0x0  }
0x7e: {  	[sflag:s15] =	ssyncadd.s32 @!p0 $0xFFFFFF00  }
0x7f: {  	[spmem:s5] =	stream.linear.scatter @!p0 [tilespmem:s11], [sflag:$0x2], $0x100, $0x38;
	[tilespmem:$0x42D8] =	vst v63  }
0x80: {  	_ =	swait.ge @!p0 [sflag:s15], $0x100  }
0x81: {  	[sflag:s15] =	ssyncset.done @!p0 $0x0  }
0x82: {  	[sflag:s15] =	ssyncadd.s32 @!p0 $0xFFFFFF00  }
0x83: {  	[spmem:s6] =	stream.linear.scatter @!p0 [tilespmem:s11], [sflag:$0x2], $0x100, $0x38;
	[tilespmem:$0x42D8] =	vst v63  }
0x84: {  	_ =	swait.ge @!p0 [sflag:s15], $0x100  }
0x85: {  	[sflag:s15] =	ssyncset.done @!p0 $0x0  }
0x86: {  	[sflag:s15] =	ssyncadd.s32 @!p0 $0xFFFFFF00  }
0x87: {  	[spmem:s7] =	stream.linear.scatter @!p0 [tilespmem:s11], [sflag:$0x2], $0x100, $0x38;
	[tilespmem:$0x42D8] =	vst v63  }
0x88: {  	_ =	swait.ge @!p0 [sflag:s15], $0x100  }
0x89: {  	[sflag:s15] =	ssyncset.done @!p0 $0x0  }
0x8a: {  	[sflag:s15] =	ssyncadd.s32 @!p0 $0xFFFFFF00  }
0x8b: {  	[spmem:s8] =	stream.linear.scatter @!p0 [tilespmem:s11], [sflag:$0x2], $0x100, $0x38;
	[tilespmem:$0x42D8] =	vst v63  }
0x8c: {  	_ =	swait.ge @!p0 [sflag:s15], $0x100  }
0x8d: {  	[sflag:s15] =	ssyncset.done @!p0 $0x0  }
0x8e: {  	[sflag:s15] =	ssyncadd.s32 @!p0 $0xFFFFFF00  }
0x8f: {  	[spmem:s9] =	stream.linear.scatter @!p0 [tilespmem:s11], [sflag:$0x2], $0x10, $0x38;
	[tilespmem:$0x42D8] =	vst v63  }
0x90: {  	_ =	swait.ge @!p0 [sflag:s15], $0x10  }
0x91: {  	[sflag:s15] =	ssyncset.done @!p0 $0x0  }
0x92: {  	[sflag:s15] =	ssyncadd.s32 @!p0 $0xFFFFFFF0  }
0x93: {  	[bflag:$0x0] =	sbarrier.arrive $0xFFFF  }
0x94: {  	[spmem:s1] =	stream.indirect.scatter.add.f32 [tilespmem:s25], [sflag:$0x1], $0x1, s22, s26, $0xb8;
	[tilespmem:$0x42D8] =	vst v63  }
0x95: {  	_ = 	snop  }
0x96: {  	[spmem:s2] =	stream.indirect.scatter.add.f32 [tilespmem:s28], [sflag:$0x1], $0x1, s22, s26, $0xb8;
	[tilespmem:$0x42D8] =	vst v63  }
0x97: {  	s15 =	simm.s32 $0xD58;
	s22 =	simm.s32 $0x1558  }
0x98: {  	[spmem:s1] =	stream.indirect.scatter.add.f32 [tilespmem:s22], [sflag:$0x1], $0x1, s15, s26, $0xb8;
	[tilespmem:$0x42D8] =	vst v63  }
0x99: {  	_ = 	snop  }
0x9a: {  	[spmem:s2] =	stream.indirect.scatter.add.f32 [tilespmem:s28], [sflag:$0x1], $0x1, s15, s26, $0xb8;
	[tilespmem:$0x42D8] =	vst v63  }
0x9b: {  	s25 =	simm.s32 $0xDD8;
	s15 =	simm.s32 $0x15D8  }
0x9c: {  	[spmem:s1] =	stream.indirect.scatter.add.f32 [tilespmem:s15], [sflag:$0x1], $0x1, s25, s26, $0xb8;
	[tilespmem:$0x42D8] =	vst v63  }
0x9d: {  	_ = 	snop  }
0x9e: {  	[spmem:s2] =	stream.indirect.scatter.add.f32 [tilespmem:s28], [sflag:$0x1], $0x1, s25, s26, $0xb8;
	[tilespmem:$0x42D8] =	vst v63  }
0x9f: {  	s22 =	simm.s32 $0xE58;
	s25 =	simm.s32 $0x1658  }
0xa0: {  	[spmem:s1] =	stream.indirect.scatter.add.f32 [tilespmem:s25], [sflag:$0x1], $0x1, s22, s26, $0xb8;
	[tilespmem:$0x42D8] =	vst v63  }
0xa1: {  	_ = 	snop  }
0xa2: {  	[spmem:s2] =	stream.indirect.scatter.add.f32 [tilespmem:s28], [sflag:$0x1], $0x1, s22, s26, $0xb8;
	[tilespmem:$0x42D8] =	vst v63  }
0xa3: {  	s15 =	simm.s32 $0xED8;
	s22 =	simm.s32 $0x16D8  }
0xa4: {  	[spmem:s1] =	stream.indirect.scatter.add.f32 [tilespmem:s22], [sflag:$0x1], $0x1, s15, s26, $0xb8;
	[tilespmem:$0x42D8] =	vst v63  }
0xa5: {  	_ = 	snop  }
0xa6: {  	[spmem:s2] =	stream.indirect.scatter.add.f32 [tilespmem:s28], [sflag:$0x1], $0x1, s15, s26, $0xb8;
	[tilespmem:$0x42D8] =	vst v63  }
0xa7: {  	s25 =	simm.s32 $0xF58;
	s15 =	simm.s32 $0x1758  }
0xa8: {  	[spmem:s1] =	stream.indirect.scatter.add.f32 [tilespmem:s15], [sflag:$0x1], $0x1, s25, s26, $0xb8;
	[tilespmem:$0x42D8] =	vst v63  }
0xa9: {  	_ = 	snop  }
0xaa: {  	[spmem:s2] =	stream.indirect.scatter.add.f32 [tilespmem:s28], [sflag:$0x1], $0x1, s25, s26, $0xb8;
	[tilespmem:$0x42D8] =	vst v63  }
0xab: {  	s22 =	simm.s32 $0xFD8;
	s25 =	simm.s32 $0x17D8  }
0xac: {  	[spmem:s1] =	stream.indirect.scatter.add.f32 [tilespmem:s25], [sflag:$0x1], $0x1, s22, s26, $0xb8;
	[tilespmem:$0x42D8] =	vst v63  }
0xad: {  	_ = 	snop  }
0xae: {  	[spmem:s2] =	stream.indirect.scatter.add.f32 [tilespmem:s28], [sflag:$0x1], $0x1, s22, s26, $0xb8;
	[tilespmem:$0x42D8] =	vst v63  }
0xaf: {  	s15 =	simm.s32 $0x1058;
	s22 =	simm.s32 $0x1858  }
0xb0: {  	[spmem:s1] =	stream.indirect.scatter.add.f32 [tilespmem:s22], [sflag:$0x1], $0x1, s15, s26, $0xb8;
	[tilespmem:$0x42D8] =	vst v63  }
0xb1: {  	_ = 	snop  }
0xb2: {  	[spmem:s2] =	stream.indirect.scatter.add.f32 [tilespmem:s28], [sflag:$0x1], $0x1, s15, s26, $0xb8;
	[tilespmem:$0x42D8] =	vst v63  }
0xb3: {  	s25 =	simm.s32 $0x10D8;
	s15 =	simm.s32 $0x18D8  }
0xb4: {  	[spmem:s1] =	stream.indirect.scatter.add.f32 [tilespmem:s15], [sflag:$0x1], $0x1, s25, s26, $0xb8;
	[tilespmem:$0x42D8] =	vst v63  }
0xb5: {  	_ = 	snop  }
0xb6: {  	[spmem:s2] =	stream.indirect.scatter.add.f32 [tilespmem:s28], [sflag:$0x1], $0x1, s25, s26, $0xb8;
	[tilespmem:$0x42D8] =	vst v63  }
0xb7: {  	s22 =	simm.s32 $0x1158;
	s25 =	simm.s32 $0x1958  }
0xb8: {  	[spmem:s1] =	stream.indirect.scatter.add.f32 [tilespmem:s25], [sflag:$0x1], $0x1, s22, s26, $0xb8;
	[tilespmem:$0x42D8] =	vst v63  }
0xb9: {  	_ = 	snop  }
0xba: {  	[spmem:s2] =	stream.indirect.scatter.add.f32 [tilespmem:s28], [sflag:$0x1], $0x1, s22, s26, $0xb8;
	[tilespmem:$0x42D8] =	vst v63  }
0xbb: {  	s15 =	simm.s32 $0x11D8;
	s22 =	simm.s32 $0x19D8  }
0xbc: {  	[spmem:s1] =	stream.indirect.scatter.add.f32 [tilespmem:s22], [sflag:$0x1], $0x1, s15, s26, $0xb8;
	[tilespmem:$0x42D8] =	vst v63  }
0xbd: {  	_ = 	snop  }
0xbe: {  	[spmem:s2] =	stream.indirect.scatter.add.f32 [tilespmem:s28], [sflag:$0x1], $0x1, s15, s26, $0xb8;
	[tilespmem:$0x42D8] =	vst v63  }
0xbf: {  	s25 =	simm.s32 $0x1258;
	s15 =	simm.s32 $0x1A58  }
0xc0: {  	[spmem:s1] =	stream.indirect.scatter.add.f32 [tilespmem:s15], [sflag:$0x1], $0x1, s25, s26, $0xb8;
	[tilespmem:$0x42D8] =	vst v63  }
0xc1: {  	_ = 	snop  }
0xc2: {  	[spmem:s2] =	stream.indirect.scatter.add.f32 [tilespmem:s28], [sflag:$0x1], $0x1, s25, s26, $0xb8;
	[tilespmem:$0x42D8] =	vst v63  }
0xc3: {  	s22 =	simm.s32 $0x12D8;
	s25 =	simm.s32 $0x1AD8  }
0xc4: {  	[spmem:s1] =	stream.indirect.scatter.add.f32 [tilespmem:s25], [sflag:$0x1], $0x1, s22, s26, $0xb8;
	[tilespmem:$0x42D8] =	vst v63  }
0xc5: {  	_ = 	snop  }
0xc6: {  	[spmem:s2] =	stream.indirect.scatter.add.f32 [tilespmem:s28], [sflag:$0x1], $0x1, s22, s26, $0xb8;
	[tilespmem:$0x42D8] =	vst v63  }
0xc7: {  	s15 =	simm.s32 $0x1358;
	s22 =	simm.s32 $0x1B58  }
0xc8: {  	[spmem:s1] =	stream.indirect.scatter.add.f32 [tilespmem:s22], [sflag:$0x1], $0x1, s15, s26, $0xb8;
	[tilespmem:$0x42D8] =	vst v63  }
0xc9: {  	_ = 	snop  }
0xca: {  	[spmem:s2] =	stream.indirect.scatter.add.f32 [tilespmem:s28], [sflag:$0x1], $0x1, s15, s26, $0xb8;
	[tilespmem:$0x42D8] =	vst v63  }
0xcb: {  	s25 =	simm.s32 $0x13D8;
	s15 =	simm.s32 $0x1BD8  }
0xcc: {  	[spmem:s1] =	stream.indirect.scatter.add.f32 [tilespmem:s15], [sflag:$0x1], $0x1, s25, s26, $0xb8;
	[tilespmem:$0x42D8] =	vst v63  }
0xcd: {  	_ = 	snop  }
0xce: {  	[spmem:s2] =	stream.indirect.scatter.add.f32 [tilespmem:s28], [sflag:$0x1], $0x1, s25, s26, $0xb8;
	[tilespmem:$0x42D8] =	vst v63  }
0xcf: {  	s22 =	simm.s32 $0x1458;
	s25 =	simm.s32 $0x1C58  }
0xd0: {  	[spmem:s1] =	stream.indirect.scatter.add.f32 [tilespmem:s25], [sflag:$0x1], $0x1, s22, s26, $0xb8;
	[tilespmem:$0x42D8] =	vst v63  }
0xd1: {  	_ = 	snop  }
0xd2: {  	[spmem:s2] =	stream.indirect.scatter.add.f32 [tilespmem:s28], [sflag:$0x1], $0x1, s22, s26, $0xb8;
	[tilespmem:$0x42D8] =	vst v63  }
0xd3: {  	s11 =	simm.s32 $0x0;
	s15 =	rddreg [dreg:$0x10]  }
0xd4: {  	[tilespmem:s12], [sflag:$0x2] =	stream.linear.gather [hbm4b:s15+s11], $0x400, $0x38;
	[tilespmem:$0x42D8] =	vst v63  }
0xd5: {  	_ =	swait.ge [sflag:s23], $0x400  }
0xd6: {  	[sflag:s23] =	ssyncset.done $0x0  }
0xd7: {  	s25 =	simm.s32 $0x20D8;
	s22 =	rddreg [dreg:$0x11];
	[sflag:s23] =	ssyncadd.s32 $0xFFFFFC00  }
0xd8: {  	[tilespmem:s25], [sflag:$0x2] =	stream.linear.gather [hbm4b:s22+s11], $0x400, $0x38;
	[tilespmem:$0x42D8] =	vst v63  }
0xd9: {  	_ =	swait.ge [sflag:s23], $0x400  }
0xda: {  	[sflag:s23] =	ssyncset.done $0x0  }
0xdb: {  	s25 =	simm.s32 $0x24D8;
	s22 =	rddreg [dreg:$0x12];
	[sflag:s23] =	ssyncadd.s32 $0xFFFFFC00  }
0xdc: {  	[tilespmem:s25], [sflag:$0x2] =	stream.linear.gather [hbm4b:s22+s11], $0x400, $0x38;
	[tilespmem:$0x42D8] =	vst v63  }
0xdd: {  	_ =	swait.ge [sflag:s23], $0x400  }
0xde: {  	[sflag:s23] =	ssyncset.done $0x0  }
0xdf: {  	s25 =	simm.s32 $0x28D8;
	s22 =	rddreg [dreg:$0x13];
	[sflag:s23] =	ssyncadd.s32 $0xFFFFFC00  }
0xe0: {  	[tilespmem:s25], [sflag:$0x2] =	stream.linear.gather [hbm4b:s22+s11], $0x400, $0x38;
	[tilespmem:$0x42D8] =	vst v63  }
0xe1: {  	_ =	swait.ge [sflag:s23], $0x400  }
0xe2: {  	[sflag:s23] =	ssyncset.done $0x0  }
0xe3: {  	[sflag:s23] =	ssyncadd.s32 $0xFFFFFC00  }
0xe4: {  	_ =	swait.ge [sflag:s16], $0x80  }
0xe5: {  	[sflag:s16] =	ssyncset.done $0x0  }
0xe6: {  	[sflag:s16] =	ssyncadd.s32 $0xFFFFFF80  }
0xe7: {  	_ =	swait.ge [sflag:s16], $0x80  }
0xe8: {  	[sflag:s16] =	ssyncset.done $0x0  }
0xe9: {  	[sflag:s16] =	ssyncadd.s32 $0xFFFFFF80  }
0xea: {  	_ =	swait.ge [sflag:s16], $0x80  }
0xeb: {  	[sflag:s16] =	ssyncset.done $0x0  }
0xec: {  	[sflag:s16] =	ssyncadd.s32 $0xFFFFFF80  }
0xed: {  	_ =	swait.ge [sflag:s16], $0x80  }
0xee: {  	[sflag:s16] =	ssyncset.done $0x0  }
0xef: {  	[sflag:s16] =	ssyncadd.s32 $0xFFFFFF80  }
0xf0: {  	_ =	swait.ge [sflag:s16], $0x80  }
0xf1: {  	[sflag:s16] =	ssyncset.done $0x0  }
0xf2: {  	[sflag:s16] =	ssyncadd.s32 $0xFFFFFF80  }
0xf3: {  	_ =	swait.ge [sflag:s16], $0x80  }
0xf4: {  	[sflag:s16] =	ssyncset.done $0x0  }
0xf5: {  	[sflag:s16] =	ssyncadd.s32 $0xFFFFFF80  }
0xf6: {  	_ =	swait.ge [sflag:s16], $0x80  }
0xf7: {  	[sflag:s16] =	ssyncset.done $0x0  }
0xf8: {  	[sflag:s16] =	ssyncadd.s32 $0xFFFFFF80  }
0xf9: {  	_ =	swait.ge [sflag:s16], $0x80  }
0xfa: {  	[sflag:s16] =	ssyncset.done $0x0  }
0xfb: {  	[sflag:s16] =	ssyncadd.s32 $0xFFFFFF80  }
0xfc: {  	_ =	swait.ge [sflag:s16], $0x80  }
0xfd: {  	[sflag:s16] =	ssyncset.done $0x0  }
0xfe: {  	[sflag:s16] =	ssyncadd.s32 $0xFFFFFF80  }
0xff: {  	_ =	swait.ge [sflag:s16], $0x80  }
0x100: {  	[sflag:s16] =	ssyncset.done $0x0  }
0x101: {  	[sflag:s16] =	ssyncadd.s32 $0xFFFFFF80  }
0x102: {  	_ =	swait.ge [sflag:s16], $0x80  }
0x103: {  	[sflag:s16] =	ssyncset.done $0x0  }
0x104: {  	[sflag:s16] =	ssyncadd.s32 $0xFFFFFF80  }
0x105: {  	_ =	swait.ge [sflag:s16], $0x80  }
0x106: {  	[sflag:s16] =	ssyncset.done $0x0  }
0x107: {  	[sflag:s16] =	ssyncadd.s32 $0xFFFFFF80  }
0x108: {  	_ =	swait.ge [sflag:s16], $0x80  }
0x109: {  	[sflag:s16] =	ssyncset.done $0x0  }
0x10a: {  	[sflag:s16] =	ssyncadd.s32 $0xFFFFFF80  }
0x10b: {  	_ =	swait.ge [sflag:s16], $0x80  }
0x10c: {  	[sflag:s16] =	ssyncset.done $0x0  }
0x10d: {  	[sflag:s16] =	ssyncadd.s32 $0xFFFFFF80  }
0x10e: {  	_ =	swait.ge [sflag:s16], $0x80  }
0x10f: {  	[sflag:s16] =	ssyncset.done $0x0  }
0x110: {  	[sflag:s16] =	ssyncadd.s32 $0xFFFFFF80  }
0x111: {  	_ =	swait.ge [sflag:s16], $0x80  }
0x112: {  	[sflag:s16] =	ssyncset.done $0x0  }
0x113: {  	[sflag:s16] =	ssyncadd.s32 $0xFFFFFF80  }
0x114: {  	_ =	swait.ge [sflag:s16], $0x80  }
0x115: {  	[sflag:s16] =	ssyncset.done $0x0  }
0x116: {  	[sflag:s16] =	ssyncadd.s32 $0xFFFFFF80  }
0x117: {  	_ =	swait.ge [sflag:s16], $0x80  }
0x118: {  	[sflag:s16] =	ssyncset.done $0x0  }
0x119: {  	[sflag:s16] =	ssyncadd.s32 $0xFFFFFF80  }
0x11a: {  	_ =	swait.ge [sflag:s16], $0x80  }
0x11b: {  	[sflag:s16] =	ssyncset.done $0x0  }
0x11c: {  	[sflag:s16] =	ssyncadd.s32 $0xFFFFFF80  }
0x11d: {  	_ =	swait.ge [sflag:s16], $0x80  }
0x11e: {  	[sflag:s16] =	ssyncset.done $0x0  }
0x11f: {  	[sflag:s16] =	ssyncadd.s32 $0xFFFFFF80  }
0x120: {  	_ =	swait.ge [sflag:s16], $0x80  }
0x121: {  	[sflag:s16] =	ssyncset.done $0x0  }
0x122: {  	[sflag:s16] =	ssyncadd.s32 $0xFFFFFF80  }
0x123: {  	_ =	swait.ge [sflag:s16], $0x80  }
0x124: {  	[sflag:s16] =	ssyncset.done $0x0  }
0x125: {  	[sflag:s16] =	ssyncadd.s32 $0xFFFFFF80  }
0x126: {  	_ =	swait.ge [sflag:s16], $0x80  }
0x127: {  	[sflag:s16] =	ssyncset.done $0x0  }
0x128: {  	[sflag:s16] =	ssyncadd.s32 $0xFFFFFF80  }
0x129: {  	_ =	swait.ge [sflag:s16], $0x80  }
0x12a: {  	[sflag:s16] =	ssyncset.done $0x0  }
0x12b: {  	[sflag:s16] =	ssyncadd.s32 $0xFFFFFF80  }
0x12c: {  	_ =	swait.ge [sflag:s16], $0x80  }
0x12d: {  	[sflag:s16] =	ssyncset.done $0x0  }
0x12e: {  	[sflag:s16] =	ssyncadd.s32 $0xFFFFFF80  }
0x12f: {  	_ =	swait.ge [sflag:s16], $0x80  }
0x130: {  	[sflag:s16] =	ssyncset.done $0x0  }
0x131: {  	[sflag:s16] =	ssyncadd.s32 $0xFFFFFF80  }
0x132: {  	_ =	swait.ge [sflag:s16], $0x80  }
0x133: {  	[sflag:s16] =	ssyncset.done $0x0  }
0x134: {  	[sflag:s16] =	ssyncadd.s32 $0xFFFFFF80  }
0x135: {  	_ =	swait.ge [sflag:s16], $0x80  }
0x136: {  	[sflag:s16] =	ssyncset.done $0x0  }
0x137: {  	[sflag:s16] =	ssyncadd.s32 $0xFFFFFF80  }
0x138: {  	_ =	swait.ge [sflag:s16], $0x80  }
0x139: {  	[sflag:s16] =	ssyncset.done $0x0  }
0x13a: {  	[sflag:s16] =	ssyncadd.s32 $0xFFFFFF80  }
0x13b: {  	_ =	swait.ge [sflag:s16], $0x80  }
0x13c: {  	[sflag:s16] =	ssyncset.done $0x0  }
0x13d: {  	[sflag:s16] =	ssyncadd.s32 $0xFFFFFF80  }
0x13e: {  	_ =	swait.ge [sflag:s16], $0x80  }
0x13f: {  	[sflag:s16] =	ssyncset.done $0x0  }
0x140: {  	[sflag:s16] =	ssyncadd.s32 $0xFFFFFF80  }
0x141: {  	_ =	swait.ge [sflag:s16], $0x80  }
0x142: {  	[sflag:s16] =	ssyncset.done $0x0  }
0x143: {  	[sflag:s16] =	ssyncadd.s32 $0xFFFFFF80  }
0x144: {  	s22 =	simm.s32 $0x2CD8;
	[bflag:$0x0] =	sbarrier.arrive $0xFFFF  }
0x145: {  	[tilespmem:s22], [sflag:$0x2] =	stream.linear.gather [spmem:s13], $0x400, $0x38;
	[tilespmem:$0x42D8] =	vst v63  }
0x146: {  	_ =	swait.ge [sflag:s23], $0x400  }
0x147: {  	[sflag:s23] =	ssyncset.done $0x0  }
0x148: {  	s25 =	simm.s32 $0x30D8;
	[sflag:s23] =	ssyncadd.s32 $0xFFFFFC00  }
0x149: {  	[tilespmem:s25], [sflag:$0x2] =	stream.linear.gather [spmem:s14], $0x400, $0x38;
	[tilespmem:$0x42D8] =	vst v63  }
0x14a: {  	_ =	swait.ge [sflag:s23], $0x400  }
0x14b: {  	[sflag:s23] =	ssyncset.done $0x0  }
0x14c: {  	s15 =	simm.s32 $0x0;
	[sflag:s23] =	ssyncadd.s32 $0xFFFFFC00  }
0x14d: {  	v8 =	vld [tilespmem:s15+$0x30D8];
	_ =	sdelay $0x4  }
0x14e: {  	v6 =	vmax.f32 v8, $1.000000000e+00  }
0x14f: {  	(erf) = vrcp.f32 v6;
	_ =	sdelay $0x1  }
0x150: {  	s11 =	simm.s32 $0x10  }
0x151: {  	v6 =	vld [tilespmem:s11+$0x30D8]  }
0x152: {  	v7 =	vld [tilespmem:s15+$0x2CD8];
	_ =	sdelay $0x3  }
0x153: {  	s22 =	simm.s32 $0x20;
	v9 =	vmax.f32 v6, $1.000000000e+00  }
0x154: {  	v10 =	vmul.f32 $5.000000000e-01, v7;
	v7 =	vld [tilespmem:s22+$0x30D8];
	v11 =	vpop (erf);
	(erf) = vrcp.f32 v9;
	_ =	sdelay $0x2  }
0x155: {  	v9 =	vld [tilespmem:s11+$0x2CD8]  }
0x156: {  	s24 =	simm.s32 $0x0;
	s25 =	simm.s32 $0xC0;
	v10 =	vmul.f32 v11, v10  }
.LBB2_3:
0x157: {  	s10 =	sshra.s32 s25, $0x2;
	p3 =	sne.s32 s25, $0xFC0;
	s25 =	sadd.s32 $0x40, s25;
	v11 =	vmax.f32 v7, $1.000000000e+00;
	vm0 =	vgt.f32 v8, $0.0e+00;
	v8 =	vmovc v6;
	v6 =	vmov v7  }
.Ltmp3:
0x158: {  	v7 =	vld [tilespmem:s10+$0x30D8];
	(erf) = vrcp.f32 v11;
	v10 =	vnsel vm0, $0x0, v10;
	(pc) =	sbr.rel @p3 .LBB2_3-.Ltmp3, $4  }
0x159: {  	[tilespmem:s15+$0x34D8] =	vst v10;
	s15 =	smov.u32 s11;
	s11 =	smov.u32 s22;
	s22 =	smov.u32 s10  }
0x15a: {  	v10 =	vmul.f32 $5.000000000e-01, v9  }
0x15b: {  	v9 =	vld [tilespmem:s11+$0x2CD8];
	v11 =	vpop (erf)  }
0x15c: {  	v10 =	vmul.f32 v11, v10  }
0x15d: {  	v11 =	vmax.f32 v7, $1.000000000e+00  }
0x15e: {  	vm0 =	vgt.f32 v8, $0.0e+00;
	(erf) = vrcp.f32 v11  }
0x15f: {  	v8 =	vnsel vm0, $0x0, v10  }
0x160: {  	[tilespmem:s15+$0x34D8] =	vst v8  }
0x161: {  	v8 =	vld [tilespmem:s22+$0x2CD8];
	_ =	sdelay $0x3  }
0x162: {  	v9 =	vmul.f32 $5.000000000e-01, v9  }
0x163: {  	v61 =	vpop (erf);
	v8 =	vmul.f32 $5.000000000e-01, v8  }
0x164: {  	v9 =	vmul.f32 v61, v9;
	v62 =	vpop (erf)  }
0x165: {  	vm14 =	vgt.f32 v6, $0.0e+00;
	v6 =	vmul.f32 v62, v8  }
0x166: {  	vm15 =	vgt.f32 v7, $0.0e+00;
	v63 =	vnsel vm14, $0x0, v9  }
0x167: {  	[tilespmem:s11+$0x34D8] =	vst v63;
	v6 =	vnsel vm15, $0x0, v6  }
0x168: {  	s10 =	simm.s32 $0x34D8;
	[tilespmem:s22+$0x34D8] =	vst v6  }
0x169: {  	[spmem:s7] =	stream.indirect.scatter.add.f32 [tilespmem:s10], [sflag:$0x1], $0x1, s12, s26, $0xb8;
	[tilespmem:$0x42D8] =	vst v63  }
0x16a: {  	s15 =	simm.s32 $0x20D8  }
0x16b: {  	[spmem:s3] =	stream.indirect.scatter.add.f32 [tilespmem:s15], [sflag:$0x1], $0x1, s12, s26, $0xb8;
	[tilespmem:$0x42D8] =	vst v63  }
0x16c: {  	s22 =	simm.s32 $0x24D8  }
0x16d: {  	[spmem:s5] =	stream.indirect.scatter.add.f32 [tilespmem:s22], [sflag:$0x1], $0x1, s12, s26, $0xb8;
	[tilespmem:$0x42D8] =	vst v63  }
0x16e: {  	s25 =	simm.s32 $0x28D8  }
0x16f: {  	[spmem:s6] =	stream.indirect.scatter.add.f32 [tilespmem:s25], [sflag:$0x1], $0x1, s12, s26, $0xb8;
	[tilespmem:$0x42D8] =	vst v63  }
0x170: {  	_ = 	snop  }
0x171: {  	[spmem:s8] =	stream.indirect.scatter.add.f32 [tilespmem:s28], [sflag:$0x1], $0x1, s12, s26, $0xb8;
	[tilespmem:$0x42D8] =	vst v63  }
0x172: {  	s11 =	simm.s32 $0x3558  }
0x173: {  	[spmem:s7] =	stream.indirect.scatter.add.f32 [tilespmem:s11], [sflag:$0x1], $0x1, s17, s26, $0xb8;
	[tilespmem:$0x42D8] =	vst v63  }
0x174: {  	s15 =	simm.s32 $0x2158  }
0x175: {  	[spmem:s3] =	stream.indirect.scatter.add.f32 [tilespmem:s15], [sflag:$0x1], $0x1, s17, s26, $0xb8;
	[tilespmem:$0x42D8] =	vst v63  }
0x176: {  	s22 =	simm.s32 $0x2558  }
0x177: {  	[spmem:s5] =	stream.indirect.scatter.add.f32 [tilespmem:s22], [sflag:$0x1], $0x1, s17, s26, $0xb8;
	[tilespmem:$0x42D8] =	vst v63  }
0x178: {  	s25 =	simm.s32 $0x2958  }
0x179: {  	[spmem:s6] =	stream.indirect.scatter.add.f32 [tilespmem:s25], [sflag:$0x1], $0x1, s17, s26, $0xb8;
	[tilespmem:$0x42D8] =	vst v63  }
0x17a: {  	_ = 	snop  }
0x17b: {  	[spmem:s8] =	stream.indirect.scatter.add.f32 [tilespmem:s28], [sflag:$0x1], $0x1, s17, s26, $0xb8;
	[tilespmem:$0x42D8] =	vst v63  }
0x17c: {  	s11 =	simm.s32 $0x35D8  }
0x17d: {  	[spmem:s7] =	stream.indirect.scatter.add.f32 [tilespmem:s11], [sflag:$0x1], $0x1, s29, s26, $0xb8;
	[tilespmem:$0x42D8] =	vst v63  }
0x17e: {  	s15 =	simm.s32 $0x21D8  }
0x17f: {  	[spmem:s3] =	stream.indirect.scatter.add.f32 [tilespmem:s15], [sflag:$0x1], $0x1, s29, s26, $0xb8;
	[tilespmem:$0x42D8] =	vst v63  }
0x180: {  	s22 =	simm.s32 $0x25D8  }
0x181: {  	[spmem:s5] =	stream.indirect.scatter.add.f32 [tilespmem:s22], [sflag:$0x1], $0x1, s29, s26, $0xb8;
	[tilespmem:$0x42D8] =	vst v63  }
0x182: {  	s25 =	simm.s32 $0x29D8  }
0x183: {  	[spmem:s6] =	stream.indirect.scatter.add.f32 [tilespmem:s25], [sflag:$0x1], $0x1, s29, s26, $0xb8;
	[tilespmem:$0x42D8] =	vst v63  }
0x184: {  	_ = 	snop  }
0x185: {  	[spmem:s8] =	stream.indirect.scatter.add.f32 [tilespmem:s28], [sflag:$0x1], $0x1, s29, s26, $0xb8;
	[tilespmem:$0x42D8] =	vst v63  }
0x186: {  	s11 =	simm.s32 $0x3658  }
0x187: {  	[spmem:s7] =	stream.indirect.scatter.add.f32 [tilespmem:s11], [sflag:$0x1], $0x1, s18, s26, $0xb8;
	[tilespmem:$0x42D8] =	vst v63  }
0x188: {  	s15 =	simm.s32 $0x2258  }
0x189: {  	[spmem:s3] =	stream.indirect.scatter.add.f32 [tilespmem:s15], [sflag:$0x1], $0x1, s18, s26, $0xb8;
	[tilespmem:$0x42D8] =	vst v63  }
0x18a: {  	s22 =	simm.s32 $0x2658  }
0x18b: {  	[spmem:s5] =	stream.indirect.scatter.add.f32 [tilespmem:s22], [sflag:$0x1], $0x1, s18, s26, $0xb8;
	[tilespmem:$0x42D8] =	vst v63  }
0x18c: {  	s25 =	simm.s32 $0x2A58  }
0x18d: {  	[spmem:s6] =	stream.indirect.scatter.add.f32 [tilespmem:s25], [sflag:$0x1], $0x1, s18, s26, $0xb8;
	[tilespmem:$0x42D8] =	vst v63  }
0x18e: {  	_ = 	snop  }
0x18f: {  	[spmem:s8] =	stream.indirect.scatter.add.f32 [tilespmem:s28], [sflag:$0x1], $0x1, s18, s26, $0xb8;
	[tilespmem:$0x42D8] =	vst v63  }
0x190: {  	s11 =	simm.s32 $0x36D8  }
0x191: {  	[spmem:s7] =	stream.indirect.scatter.add.f32 [tilespmem:s11], [sflag:$0x1], $0x1, s19, s26, $0xb8;
	[tilespmem:$0x42D8] =	vst v63  }
0x192: {  	s15 =	simm.s32 $0x22D8  }
0x193: {  	[spmem:s3] =	stream.indirect.scatter.add.f32 [tilespmem:s15], [sflag:$0x1], $0x1, s19, s26, $0xb8;
	[tilespmem:$0x42D8] =	vst v63  }
0x194: {  	s22 =	simm.s32 $0x26D8  }
0x195: {  	[spmem:s5] =	stream.indirect.scatter.add.f32 [tilespmem:s22], [sflag:$0x1], $0x1, s19, s26, $0xb8;
	[tilespmem:$0x42D8] =	vst v63  }
0x196: {  	s25 =	simm.s32 $0x2AD8  }
0x197: {  	[spmem:s6] =	stream.indirect.scatter.add.f32 [tilespmem:s25], [sflag:$0x1], $0x1, s19, s26, $0xb8;
	[tilespmem:$0x42D8] =	vst v63  }
0x198: {  	_ = 	snop  }
0x199: {  	[spmem:s8] =	stream.indirect.scatter.add.f32 [tilespmem:s28], [sflag:$0x1], $0x1, s19, s26, $0xb8;
	[tilespmem:$0x42D8] =	vst v63  }
0x19a: {  	s11 =	simm.s32 $0x3758  }
0x19b: {  	[spmem:s7] =	stream.indirect.scatter.add.f32 [tilespmem:s11], [sflag:$0x1], $0x1, s31, s26, $0xb8;
	[tilespmem:$0x42D8] =	vst v63  }
0x19c: {  	s15 =	simm.s32 $0x2358  }
0x19d: {  	[spmem:s3] =	stream.indirect.scatter.add.f32 [tilespmem:s15], [sflag:$0x1], $0x1, s31, s26, $0xb8;
	[tilespmem:$0x42D8] =	vst v63  }
0x19e: {  	s22 =	simm.s32 $0x2758  }
0x19f: {  	[spmem:s5] =	stream.indirect.scatter.add.f32 [tilespmem:s22], [sflag:$0x1], $0x1, s31, s26, $0xb8;
	[tilespmem:$0x42D8] =	vst v63  }
0x1a0: {  	s25 =	simm.s32 $0x2B58  }
0x1a1: {  	[spmem:s6] =	stream.indirect.scatter.add.f32 [tilespmem:s25], [sflag:$0x1], $0x1, s31, s26, $0xb8;
	[tilespmem:$0x42D8] =	vst v63  }
0x1a2: {  	_ = 	snop  }
0x1a3: {  	[spmem:s8] =	stream.indirect.scatter.add.f32 [tilespmem:s28], [sflag:$0x1], $0x1, s31, s26, $0xb8;
	[tilespmem:$0x42D8] =	vst v63  }
0x1a4: {  	s11 =	simm.s32 $0x37D8  }
0x1a5: {  	[spmem:s7] =	stream.indirect.scatter.add.f32 [tilespmem:s11], [sflag:$0x1], $0x1, s20, s26, $0xb8;
	[tilespmem:$0x42D8] =	vst v63  }
0x1a6: {  	s15 =	simm.s32 $0x23D8  }
0x1a7: {  	[spmem:s3] =	stream.indirect.scatter.add.f32 [tilespmem:s15], [sflag:$0x1], $0x1, s20, s26, $0xb8;
	[tilespmem:$0x42D8] =	vst v63  }
0x1a8: {  	s22 =	simm.s32 $0x27D8  }
0x1a9: {  	[spmem:s5] =	stream.indirect.scatter.add.f32 [tilespmem:s22], [sflag:$0x1], $0x1, s20, s26, $0xb8;
	[tilespmem:$0x42D8] =	vst v63  }
0x1aa: {  	s25 =	simm.s32 $0x2BD8  }
0x1ab: {  	[spmem:s6] =	stream.indirect.scatter.add.f32 [tilespmem:s25], [sflag:$0x1], $0x1, s20, s26, $0xb8;
	[tilespmem:$0x42D8] =	vst v63  }
0x1ac: {  	_ = 	snop  }
0x1ad: {  	[spmem:s8] =	stream.indirect.scatter.add.f32 [tilespmem:s28], [sflag:$0x1], $0x1, s20, s26, $0xb8;
	[tilespmem:$0x42D8] =	vst v63  }
0x1ae: {  	s11 =	simm.s32 $0x3858  }
0x1af: {  	[spmem:s7] =	stream.indirect.scatter.add.f32 [tilespmem:s11], [sflag:$0x1], $0x1, s0, s26, $0xb8;
	[tilespmem:$0x42D8] =	vst v63  }
0x1b0: {  	s15 =	simm.s32 $0x2458  }
0x1b1: {  	[spmem:s3] =	stream.indirect.scatter.add.f32 [tilespmem:s15], [sflag:$0x1], $0x1, s0, s26, $0xb8;
	[tilespmem:$0x42D8] =	vst v63  }
0x1b2: {  	s22 =	simm.s32 $0x2858  }
0x1b3: {  	[spmem:s5] =	stream.indirect.scatter.add.f32 [tilespmem:s22], [sflag:$0x1], $0x1, s0, s26, $0xb8;
	[tilespmem:$0x42D8] =	vst v63  }
0x1b4: {  	s25 =	simm.s32 $0x2C58  }
0x1b5: {  	[spmem:s6] =	stream.indirect.scatter.add.f32 [tilespmem:s25], [sflag:$0x1], $0x1, s0, s26, $0xb8;
	[tilespmem:$0x42D8] =	vst v63  }
0x1b6: {  	_ = 	snop  }
0x1b7: {  	[spmem:s8] =	stream.indirect.scatter.add.f32 [tilespmem:s28], [sflag:$0x1], $0x1, s0, s26, $0xb8;
	[tilespmem:$0x42D8] =	vst v63  }
0x1b8: {  	_ =	swait.ge [sflag:s16], $0x80  }
0x1b9: {  	[sflag:s16] =	ssyncset.done $0x0  }
0x1ba: {  	[sflag:s16] =	ssyncadd.s32 $0xFFFFFF80  }
0x1bb: {  	_ =	swait.ge [sflag:s16], $0x80  }
0x1bc: {  	[sflag:s16] =	ssyncset.done $0x0  }
0x1bd: {  	[sflag:s16] =	ssyncadd.s32 $0xFFFFFF80  }
0x1be: {  	_ =	swait.ge [sflag:s16], $0x80  }
0x1bf: {  	[sflag:s16] =	ssyncset.done $0x0  }
0x1c0: {  	[sflag:s16] =	ssyncadd.s32 $0xFFFFFF80  }
0x1c1: {  	_ =	swait.ge [sflag:s16], $0x80  }
0x1c2: {  	[sflag:s16] =	ssyncset.done $0x0  }
0x1c3: {  	[sflag:s16] =	ssyncadd.s32 $0xFFFFFF80  }
0x1c4: {  	_ =	swait.ge [sflag:s16], $0x80  }
0x1c5: {  	[sflag:s16] =	ssyncset.done $0x0  }
0x1c6: {  	[sflag:s16] =	ssyncadd.s32 $0xFFFFFF80  }
0x1c7: {  	_ =	swait.ge [sflag:s16], $0x80  }
0x1c8: {  	[sflag:s16] =	ssyncset.done $0x0  }
0x1c9: {  	[sflag:s16] =	ssyncadd.s32 $0xFFFFFF80  }
0x1ca: {  	_ =	swait.ge [sflag:s16], $0x80  }
0x1cb: {  	[sflag:s16] =	ssyncset.done $0x0  }
0x1cc: {  	[sflag:s16] =	ssyncadd.s32 $0xFFFFFF80  }
0x1cd: {  	_ =	swait.ge [sflag:s16], $0x80  }
0x1ce: {  	[sflag:s16] =	ssyncset.done $0x0  }
0x1cf: {  	[sflag:s16] =	ssyncadd.s32 $0xFFFFFF80  }
0x1d0: {  	_ =	swait.ge [sflag:s16], $0x80  }
0x1d1: {  	[sflag:s16] =	ssyncset.done $0x0  }
0x1d2: {  	[sflag:s16] =	ssyncadd.s32 $0xFFFFFF80  }
0x1d3: {  	_ =	swait.ge [sflag:s16], $0x80  }
0x1d4: {  	[sflag:s16] =	ssyncset.done $0x0  }
0x1d5: {  	[sflag:s16] =	ssyncadd.s32 $0xFFFFFF80  }
0x1d6: {  	_ =	swait.ge [sflag:s16], $0x80  }
0x1d7: {  	[sflag:s16] =	ssyncset.done $0x0  }
0x1d8: {  	[sflag:s16] =	ssyncadd.s32 $0xFFFFFF80  }
0x1d9: {  	_ =	swait.ge [sflag:s16], $0x80  }
0x1da: {  	[sflag:s16] =	ssyncset.done $0x0  }
0x1db: {  	[sflag:s16] =	ssyncadd.s32 $0xFFFFFF80  }
0x1dc: {  	_ =	swait.ge [sflag:s16], $0x80  }
0x1dd: {  	[sflag:s16] =	ssyncset.done $0x0  }
0x1de: {  	[sflag:s16] =	ssyncadd.s32 $0xFFFFFF80  }
0x1df: {  	_ =	swait.ge [sflag:s16], $0x80  }
0x1e0: {  	[sflag:s16] =	ssyncset.done $0x0  }
0x1e1: {  	[sflag:s16] =	ssyncadd.s32 $0xFFFFFF80  }
0x1e2: {  	_ =	swait.ge [sflag:s16], $0x80  }
0x1e3: {  	[sflag:s16] =	ssyncset.done $0x0  }
0x1e4: {  	[sflag:s16] =	ssyncadd.s32 $0xFFFFFF80  }
0x1e5: {  	_ =	swait.ge [sflag:s16], $0x80  }
0x1e6: {  	[sflag:s16] =	ssyncset.done $0x0  }
0x1e7: {  	[sflag:s16] =	ssyncadd.s32 $0xFFFFFF80  }
0x1e8: {  	_ =	swait.ge [sflag:s16], $0x80  }
0x1e9: {  	[sflag:s16] =	ssyncset.done $0x0  }
0x1ea: {  	[sflag:s16] =	ssyncadd.s32 $0xFFFFFF80  }
0x1eb: {  	_ =	swait.ge [sflag:s16], $0x80  }
0x1ec: {  	[sflag:s16] =	ssyncset.done $0x0  }
0x1ed: {  	[sflag:s16] =	ssyncadd.s32 $0xFFFFFF80  }
0x1ee: {  	_ =	swait.ge [sflag:s16], $0x80  }
0x1ef: {  	[sflag:s16] =	ssyncset.done $0x0  }
0x1f0: {  	[sflag:s16] =	ssyncadd.s32 $0xFFFFFF80  }
0x1f1: {  	_ =	swait.ge [sflag:s16], $0x80  }
0x1f2: {  	[sflag:s16] =	ssyncset.done $0x0  }
0x1f3: {  	[sflag:s16] =	ssyncadd.s32 $0xFFFFFF80  }
0x1f4: {  	_ =	swait.ge [sflag:s16], $0x80  }
0x1f5: {  	[sflag:s16] =	ssyncset.done $0x0  }
0x1f6: {  	[sflag:s16] =	ssyncadd.s32 $0xFFFFFF80  }
0x1f7: {  	_ =	swait.ge [sflag:s16], $0x80  }
0x1f8: {  	[sflag:s16] =	ssyncset.done $0x0  }
0x1f9: {  	[sflag:s16] =	ssyncadd.s32 $0xFFFFFF80  }
0x1fa: {  	_ =	swait.ge [sflag:s16], $0x80  }
0x1fb: {  	[sflag:s16] =	ssyncset.done $0x0  }
0x1fc: {  	[sflag:s16] =	ssyncadd.s32 $0xFFFFFF80  }
0x1fd: {  	_ =	swait.ge [sflag:s16], $0x80  }
0x1fe: {  	[sflag:s16] =	ssyncset.done $0x0  }
0x1ff: {  	[sflag:s16] =	ssyncadd.s32 $0xFFFFFF80  }
0x200: {  	_ =	swait.ge [sflag:s16], $0x80  }
0x201: {  	[sflag:s16] =	ssyncset.done $0x0  }
0x202: {  	[sflag:s16] =	ssyncadd.s32 $0xFFFFFF80  }
0x203: {  	_ =	swait.ge [sflag:s16], $0x80  }
0x204: {  	[sflag:s16] =	ssyncset.done $0x0  }
0x205: {  	[sflag:s16] =	ssyncadd.s32 $0xFFFFFF80  }
0x206: {  	_ =	swait.ge [sflag:s16], $0x80  }
0x207: {  	[sflag:s16] =	ssyncset.done $0x0  }
0x208: {  	[sflag:s16] =	ssyncadd.s32 $0xFFFFFF80  }
0x209: {  	_ =	swait.ge [sflag:s16], $0x80  }
0x20a: {  	[sflag:s16] =	ssyncset.done $0x0  }
0x20b: {  	[sflag:s16] =	ssyncadd.s32 $0xFFFFFF80  }
0x20c: {  	_ =	swait.ge [sflag:s16], $0x80  }
0x20d: {  	[sflag:s16] =	ssyncset.done $0x0  }
0x20e: {  	[sflag:s16] =	ssyncadd.s32 $0xFFFFFF80  }
0x20f: {  	_ =	swait.ge [sflag:s16], $0x80  }
0x210: {  	[sflag:s16] =	ssyncset.done $0x0  }
0x211: {  	[sflag:s16] =	ssyncadd.s32 $0xFFFFFF80  }
0x212: {  	_ =	swait.ge [sflag:s16], $0x80  }
0x213: {  	[sflag:s16] =	ssyncset.done $0x0  }
0x214: {  	[sflag:s16] =	ssyncadd.s32 $0xFFFFFF80  }
0x215: {  	_ =	swait.ge [sflag:s16], $0x80  }
0x216: {  	[sflag:s16] =	ssyncset.done $0x0  }
0x217: {  	[sflag:s16] =	ssyncadd.s32 $0xFFFFFF80  }
0x218: {  	_ =	swait.ge [sflag:s16], $0x80  }
0x219: {  	[sflag:s16] =	ssyncset.done $0x0  }
0x21a: {  	[sflag:s16] =	ssyncadd.s32 $0xFFFFFF80  }
0x21b: {  	_ =	swait.ge [sflag:s16], $0x80  }
0x21c: {  	[sflag:s16] =	ssyncset.done $0x0  }
0x21d: {  	[sflag:s16] =	ssyncadd.s32 $0xFFFFFF80  }
0x21e: {  	_ =	swait.ge [sflag:s16], $0x80  }
0x21f: {  	[sflag:s16] =	ssyncset.done $0x0  }
0x220: {  	[sflag:s16] =	ssyncadd.s32 $0xFFFFFF80  }
0x221: {  	_ =	swait.ge [sflag:s16], $0x80  }
0x222: {  	[sflag:s16] =	ssyncset.done $0x0  }
0x223: {  	[sflag:s16] =	ssyncadd.s32 $0xFFFFFF80  }
0x224: {  	_ =	swait.ge [sflag:s16], $0x80  }
0x225: {  	[sflag:s16] =	ssyncset.done $0x0  }
0x226: {  	[sflag:s16] =	ssyncadd.s32 $0xFFFFFF80  }
0x227: {  	_ =	swait.ge [sflag:s16], $0x80  }
0x228: {  	[sflag:s16] =	ssyncset.done $0x0  }
0x229: {  	[sflag:s16] =	ssyncadd.s32 $0xFFFFFF80  }
0x22a: {  	_ =	swait.ge [sflag:s16], $0x80  }
.Ltmp4:
0x22b: {  	[sflag:s16] =	ssyncset.done $0x0;
	(pc) =	sbr.rel .LBB2_5-.Ltmp4, $4  }
0x22c: {  	[sflag:s16] =	ssyncadd.s32 $0xFFFFFF80  }
0x22d: {  	_ =	swait.ge [sflag:s16], $0x80  }
0x22e: {  	[sflag:s16] =	ssyncset.done $0x0  }
0x22f: {  	s22 =	simm.s32 $0xCD8;
	s25 =	simm.s32 $0x14D8;
	[sflag:s16] =	ssyncadd.s32 $0xFFFFFF80  }
.LBB2_9:
0x230: {  	[bflag:$0x0] =	sbarrier.arrive $0xFFFF  }
0x231: {  	[bflag:$0x0] =	sbarrier.arrive $0xFFFF  }
.LBB2_5:
.Ltmp5:
0x232: {  	(pc) =	sbr.rel @p2 .LBB2_7-.Ltmp5, $2  }
0x233: {  	_ =	sdelay $0x1  }
0x234: {  	[bflag:$0x0] =	sbarrier.arrive $0xFFFF;
	_ =	sdelay $0x1  }
0x235: {  	s10 =	simm.s32 $0x38D8  }
0x236: {  	[tilespmem:s10], [sflag:$0x2] =	stream.linear.gather [spmem:s3], $0x100, $0x38;
	[tilespmem:$0x42D8] =	vst v63  }
0x237: {  	_ =	swait.ge [sflag:s23], $0x100  }
0x238: {  	[sflag:s23] =	ssyncset.done $0x0  }
0x239: {  	s15 =	simm.s32 $0x39D8;
	[sflag:s23] =	ssyncadd.s32 $0xFFFFFF00  }
0x23a: {  	[tilespmem:s15], [sflag:$0x2] =	stream.linear.gather [spmem:s5], $0x100, $0x38;
	[tilespmem:$0x42D8] =	vst v63  }
0x23b: {  	_ =	swait.ge [sflag:s23], $0x100  }
0x23c: {  	[sflag:s23] =	ssyncset.done $0x0  }
0x23d: {  	s11 =	simm.s32 $0x3AD8;
	[sflag:s23] =	ssyncadd.s32 $0xFFFFFF00  }
0x23e: {  	[tilespmem:s11], [sflag:$0x2] =	stream.linear.gather [spmem:s6], $0x100, $0x38;
	[tilespmem:$0x42D8] =	vst v63  }
0x23f: {  	_ =	swait.ge [sflag:s23], $0x100  }
0x240: {  	[sflag:s23] =	ssyncset.done $0x0  }
0x241: {  	s15 =	simm.s32 $0x3BD8;
	[sflag:s23] =	ssyncadd.s32 $0xFFFFFF00  }
0x242: {  	[tilespmem:s15], [sflag:$0x2] =	stream.linear.gather [spmem:s7], $0x100, $0x38;
	[tilespmem:$0x42D8] =	vst v63  }
0x243: {  	_ =	swait.ge [sflag:s23], $0x100  }
0x244: {  	[sflag:s23] =	ssyncset.done $0x0  }
0x245: {  	s11 =	simm.s32 $0x3CD8;
	[sflag:s23] =	ssyncadd.s32 $0xFFFFFF00  }
0x246: {  	[tilespmem:s11], [sflag:$0x2] =	stream.linear.gather [spmem:s8], $0x100, $0x38;
	[tilespmem:$0x42D8] =	vst v63  }
0x247: {  	_ =	swait.ge [sflag:s23], $0x100  }
0x248: {  	[sflag:s23] =	ssyncset.done $0x0  }
0x249: {  	[sflag:s23] =	ssyncadd.s32 $0xFFFFFF00  }
0x24a: {  	s11 =	simm.s32 $0x3DD8;
	s15 =	rddreg [dreg:$0x3]  }
0x24b: {  	[tilespmem:s11], [sflag:$0x2] =	stream.linear.gather [hbm4b:s15+s24], $0x100, $0x38;
	[tilespmem:$0x42D8] =	vst v63  }
0x24c: {  	_ =	swait.ge [sflag:s23], $0x100  }
0x24d: {  	[sflag:s23] =	ssyncset.done $0x0  }
0x24e: {  	[sflag:s23] =	ssyncadd.s32 $0xFFFFFF00  }
0x24f: {  	v6 =	vld [tilespmem:$0x3CD8];
	_ =	sdelay $0x2  }
0x250: {  	v8 =	vld [tilespmem:$0x38D8]  }
0x251: {  	v11 =	vld [tilespmem:$0x39D8]  }
0x252: {  	v46 =	vld [tilespmem:$0x3CF8];
	v7 =	vmax.f32 v6, $1.000000000e+00  }
0x253: {  	(erf) = vrcp.f32 v7;
	v7 =	vld [tilespmem:$0x3CE8]  }
0x254: {  	v52 =	vld [tilespmem:$0x3D18]  }
0x255: {  	v47 =	vld [tilespmem:$0x3D08]  }
0x256: {  	v60 =	vld [tilespmem:$0x3D28]  }
0x257: {  	v31 =	vld [tilespmem:$0x3D38]  }
0x258: {  	v13 =	vld [tilespmem:$0x3AD8];
	v10 =	vmax.f32 v7, $1.000000000e+00  }
0x259: {  	v58 =	vmax.f32 v52, $1.000000000e+00;
	vm4 =	vgt.f32 v52, $0.0e+00;
	v52 =	vld [tilespmem:$0x3D58];
	(erf) = vrcp.f32 v10  }
0x25a: {  	vm0 =	vgt.f32 v6, $0.0e+00;
	v6 =	vld [tilespmem:$0x3BD8];
	v16 =	vmax.f32 v46, $1.000000000e+00  }
0x25b: {  	v9 =	vld [tilespmem:$0x3DD8];
	v20 =	vmax.f32 v47, $1.000000000e+00;
	vm14 =	vgt.f32 v46, $0.0e+00;
	vm15 =	vgt.f32 v47, $0.0e+00  }
0x25c: {  	v14 =	vld [tilespmem:$0x38E8];
	v28 =	vmax.f32 v60, $1.000000000e+00;
	v39 =	vmax.f32 v31, $1.000000000e+00;
	v12 =	vpop (erf);
	(erf) = vrcp.f32 v16  }
0x25d: {  	v15 =	vld [tilespmem:$0x39E8];
	vm5 =	vgt.f32 v60, $0.0e+00;
	vm6 =	vgt.f32 v31, $0.0e+00;
	v8 =	vmul.f32 v12, v8  }
0x25e: {  	v17 =	vld [tilespmem:$0x3AE8];
	vm8 =	vgt.f32 v52, $0.0e+00;
	v11 =	vmul.f32 v11, v12;
	v13 =	vmul.f32 v13, v12  }
0x25f: {  	v19 =	vld [tilespmem:$0x3BE8];
	vm13 =	vgt.f32 v7, $0.0e+00;
	v6 =	vmul.f32 v6, v12;
	v8 =	vnsel vm0, $0x0, v8  }
0x260: {  	v11 =	vnsel vm0, $0x0, v11;
	v13 =	vnsel vm0, $0x0, v13;
	v8 =	vmul.f32 v8, v9  }
0x261: {  	v48 =	vld [tilespmem:$0x3DE8];
	v6 =	vnsel vm0, $0x0, v6;
	v11 =	vmul.f32 v11, v9;
	v13 =	vmul.f32 v13, v9  }
0x262: {  	v49 =	vld [tilespmem:$0x38F8];
	v6 =	vmul.f32 v6, v9;
	v8 =	vadd.f32 $0.0e+00, v8;
	v18 =	vpop (erf);
	(erf) = vrcp.f32 v20  }
0x263: {  	v51 =	vld [tilespmem:$0x39F8];
	v11 =	vadd.f32 $0.0e+00, v11;
	v14 =	vmul.f32 v18, v14;
	v7 =	vmul.f32 v15, v18  }
0x264: {  	v53 =	vld [tilespmem:$0x3AF8];
	v13 =	vadd.f32 $0.0e+00, v13;
	v17 =	vmul.f32 v17, v18;
	v18 =	vmul.f32 v19, v18  }
0x265: {  	v56 =	vld [tilespmem:$0x3BF8];
	v50 =	vnsel vm13, $0x0, v14;
	v7 =	vnsel vm13, $0x0, v7;
	v55 =	vpop (erf);
	(erf) = vrcp.f32 v58  }
0x266: {  	v21 =	vld [tilespmem:$0x3DF8];
	v17 =	vnsel vm13, $0x0, v17;
	v9 =	vmul.f32 v50, v48;
	v7 =	vmul.f32 v7, v48  }
0x267: {  	v57 =	vld [tilespmem:$0x3908];
	v18 =	vnsel vm13, $0x0, v18;
	v54 =	vmul.f32 v17, v48;
	v15 =	vmul.f32 v55, v49  }
0x268: {  	v23 =	vld [tilespmem:$0x3A08];
	v6 =	vadd.f32 $0.0e+00, v6;
	v14 =	vmul.f32 v51, v55;
	v12 =	vmul.f32 v18, v48  }
0x269: {  	v62 =	vld [tilespmem:$0x3B08];
	v61 =	vmul.f32 v53, v55;
	v8 =	vadd.f32 v9, v8;
	v7 =	vadd.f32 v7, v11  }
0x26a: {  	v24 =	vld [tilespmem:$0x3C08];
	v15 =	vnsel vm14, $0x0, v15;
	v14 =	vnsel vm14, $0x0, v14;
	v11 =	vmul.f32 v56, v55  }
0x26b: {  	v22 =	vld [tilespmem:$0x3E08];
	v6 =	vadd.f32 v12, v6;
	v12 =	vnsel vm14, $0x0, v61;
	v59 =	vmul.f32 v15, v21  }
0x26c: {  	v25 =	vld [tilespmem:$0x3918];
	v14 =	vmul.f32 v14, v21;
	v12 =	vmul.f32 v12, v21;
	v11 =	vnsel vm14, $0x0, v11  }
0x26d: {  	v26 =	vld [tilespmem:$0x3A18];
	v9 =	vadd.f32 v54, v13;
	v63 =	vpop (erf);
	v11 =	vmul.f32 v11, v21;
	(erf) = vrcp.f32 v28  }
0x26e: {  	v35 =	vld [tilespmem:$0x3B18];
	v8 =	vadd.f32 v59, v8;
	v10 =	vmul.f32 v63, v57;
	v27 =	vmul.f32 v23, v63  }
0x26f: {  	v36 =	vld [tilespmem:$0x3C18];
	v17 =	vmul.f32 v62, v63;
	v33 =	vmul.f32 v24, v63;
	v6 =	vadd.f32 v11, v6  }
0x270: {  	v10 =	vnsel vm15, $0x0, v10;
	v30 =	vnsel vm15, $0x0, v27;
	v34 =	vpop (erf);
	(erf) = vrcp.f32 v39  }
0x271: {  	v29 =	vld [tilespmem:$0x3E18];
	v17 =	vnsel vm15, $0x0, v17;
	v10 =	vmul.f32 v10, v22;
	v32 =	vmul.f32 v30, v22  }
0x272: {  	v37 =	vld [tilespmem:$0x3928];
	v11 =	vnsel vm15, $0x0, v33;
	v18 =	vmul.f32 v34, v25;
	v16 =	vmul.f32 v26, v34  }
0x273: {  	v7 =	vadd.f32 v14, v7;
	v24 =	vld [tilespmem:$0x3D48];
	v17 =	vmul.f32 v17, v22;
	v11 =	vmul.f32 v11, v22  }
0x274: {  	v38 =	vld [tilespmem:$0x3A28];
	v9 =	vadd.f32 v12, v9;
	v40 =	vmul.f32 v35, v34;
	v42 =	vmul.f32 v36, v34  }
0x275: {  	v41 =	vld [tilespmem:$0x3B28];
	v25 =	vmax.f32 v52, $1.000000000e+00;
	v8 =	vadd.f32 v10, v8;
	v18 =	vnsel vm4, $0x0, v18  }
0x276: {  	v43 =	vld [tilespmem:$0x3E28];
	v16 =	vnsel vm4, $0x0, v16;
	v7 =	vadd.f32 v32, v7;
	v9 =	vadd.f32 v17, v9  }
0x277: {  	v26 =	vld [tilespmem:$0x3D68];
	v6 =	vadd.f32 v11, v6;
	v10 =	vnsel vm4, $0x0, v40;
	v11 =	vnsel vm4, $0x0, v42  }
0x278: {  	v45 =	vld [tilespmem:$0x3C28];
	v49 =	vmax.f32 v24, $1.000000000e+00;
	v18 =	vmul.f32 v18, v29;
	v16 =	vmul.f32 v16, v29  }
0x279: {  	v48 =	vld [tilespmem:$0x3938];
	vm7 =	vgt.f32 v24, $0.0e+00;
	v10 =	vmul.f32 v10, v29;
	v11 =	vmul.f32 v11, v29  }
0x27a: {  	v50 =	vld [tilespmem:$0x3A38];
	v8 =	vadd.f32 v18, v8;
	v7 =	vadd.f32 v16, v7;
	v44 =	vpop (erf);
	(erf) = vrcp.f32 v49  }
0x27b: {  	v53 =	vld [tilespmem:$0x3B38];
	v9 =	vadd.f32 v10, v9;
	v46 =	vmul.f32 v44, v37;
	v47 =	vmul.f32 v38, v44  }
0x27c: {  	v52 =	vld [tilespmem:$0x3D88];
	v6 =	vadd.f32 v11, v6;
	v36 =	vmax.f32 v26, $1.000000000e+00;
	v14 =	vmul.f32 v41, v44  }
0x27d: {  	v58 =	vld [tilespmem:$0x3C38];
	v16 =	vmul.f32 v45, v44;
	v18 =	vnsel vm5, $0x0, v46;
	v15 =	vnsel vm5, $0x0, v47  }
0x27e: {  	v14 =	vnsel vm5, $0x0, v14;
	v57 =	vpop (erf);
	(erf) = vrcp.f32 v25;
	v51 =	vmul.f32 v18, v43  }
0x27f: {  	v55 =	vld [tilespmem:$0x3E38];
	v56 =	vnsel vm5, $0x0, v16;
	v15 =	vmul.f32 v15, v43;
	v54 =	vmul.f32 v14, v43  }
0x280: {  	vm9 =	vgt.f32 v26, $0.0e+00;
	v37 =	vld [tilespmem:$0x3D78];
	v59 =	vmul.f32 v56, v43;
	v60 =	vmul.f32 v57, v48  }
0x281: {  	v61 =	vld [tilespmem:$0x3948];
	vm11 =	vgt.f32 v52, $0.0e+00;
	v62 =	vmul.f32 v50, v57;
	v17 =	vmul.f32 v53, v57  }
0x282: {  	v25 =	vld [tilespmem:$0x3D98];
	v14 =	vmul.f32 v58, v57;
	v8 =	vadd.f32 v51, v8;
	v7 =	vadd.f32 v15, v7  }
0x283: {  	v63 =	vld [tilespmem:$0x3A48];
	v9 =	vadd.f32 v54, v9;
	v12 =	vnsel vm6, $0x0, v60;
	v6 =	vadd.f32 v59, v6  }
0x284: {  	v31 =	vld [tilespmem:$0x3B48];
	v28 =	vnsel vm6, $0x0, v62;
	v17 =	vnsel vm6, $0x0, v17;
	v14 =	vnsel vm6, $0x0, v14  }
0x285: {  	v33 =	vld [tilespmem:$0x3C48];
	v49 =	vmax.f32 v37, $1.000000000e+00;
	v62 =	vmax.f32 v52, $1.000000000e+00;
	v27 =	vmul.f32 v12, v55  }
0x286: {  	v29 =	vld [tilespmem:$0x3E48];
	vm10 =	vgt.f32 v37, $0.0e+00;
	v12 =	vmul.f32 v28, v55;
	v32 =	vmul.f32 v17, v55  }
0x287: {  	v34 =	vld [tilespmem:$0x3958];
	v11 =	vmul.f32 v14, v55;
	vm12 =	vgt.f32 v25, $0.0e+00;
	v30 =	vpop (erf);
	(erf) = vrcp.f32 v36  }
0x288: {  	v35 =	vld [tilespmem:$0x3A58];
	v8 =	vadd.f32 v27, v8;
	v13 =	vmul.f32 v30, v61;
	v19 =	vmul.f32 v63, v30  }
0x289: {  	v42 =	vld [tilespmem:$0x3B58];
	v7 =	vadd.f32 v12, v7;
	v9 =	vadd.f32 v32, v9;
	v39 =	vmul.f32 v31, v30  }
0x28a: {  	v40 =	vld [tilespmem:$0x3E58];
	v41 =	vmul.f32 v33, v30;
	v13 =	vnsel vm7, $0x0, v13;
	v19 =	vnsel vm7, $0x0, v19  }
0x28b: {  	v45 =	vld [tilespmem:$0x3C58];
	v43 =	vnsel vm7, $0x0, v39;
	v44 =	vpop (erf);
	(erf) = vrcp.f32 v49;
	v13 =	vmul.f32 v13, v29  }
0x28c: {  	v47 =	vld [tilespmem:$0x3E68];
	v6 =	vadd.f32 v11, v6;
	v38 =	vmul.f32 v19, v29;
	v12 =	vmul.f32 v43, v29  }
0x28d: {  	v48 =	vld [tilespmem:$0x3968];
	v10 =	vnsel vm7, $0x0, v41;
	v46 =	vmul.f32 v44, v34;
	v14 =	vmul.f32 v35, v44  }
0x28e: {  	v56 =	vld [tilespmem:$0x3C68];
	v36 =	vmax.f32 v25, $1.000000000e+00;
	v10 =	vmul.f32 v10, v29;
	v11 =	vmul.f32 v42, v44  }
0x28f: {  	v51 =	vld [tilespmem:$0x3A68];
	v8 =	vadd.f32 v13, v8;
	v7 =	vadd.f32 v38, v7;
	v50 =	vnsel vm8, $0x0, v46  }
0x290: {  	v54 =	vld [tilespmem:$0x3B68];
	v14 =	vnsel vm8, $0x0, v14;
	v9 =	vadd.f32 v12, v9;
	v13 =	vmul.f32 v45, v44  }
0x291: {  	v60 =	vld [tilespmem:$0x3978];
	v6 =	vadd.f32 v10, v6;
	v11 =	vnsel vm8, $0x0, v11;
	v16 =	vmul.f32 v50, v40  }
0x292: {  	v61 =	vld [tilespmem:$0x3A78];
	v53 =	vmul.f32 v14, v40;
	v57 =	vmul.f32 v11, v40;
	v13 =	vnsel vm8, $0x0, v13;
	v55 =	vpop (erf)  }
0x293: {  	v63 =	vld [tilespmem:$0x3B78];
	v8 =	vadd.f32 v16, v8;
	v13 =	vmul.f32 v13, v40;
	v58 =	vmul.f32 v55, v48  }
0x294: {  	v30 =	vld [tilespmem:$0x3C78];
	v7 =	vadd.f32 v53, v7;
	(erf) = vrcp.f32 v62;
	v17 =	vmul.f32 v51, v55  }
0x295: {  	v40 =	vld [tilespmem:$0x3DA8];
	v12 =	vmul.f32 v54, v55;
	v26 =	vmul.f32 v56, v55;
	v11 =	vnsel vm9, $0x0, v58  }
0x296: {  	v17 =	vnsel vm9, $0x0, v17;
	v27 =	vpop (erf);
	(erf) = vrcp.f32 v36;
	v11 =	vmul.f32 v11, v47  }
0x297: {  	v59 =	vld [tilespmem:$0x3E78];
	v28 =	vnsel vm9, $0x0, v12;
	v24 =	vmul.f32 v17, v47;
	v29 =	vmul.f32 v27, v60  }
0x298: {  	v9 =	vadd.f32 v57, v9;
	v51 =	vld [tilespmem:$0x3DB8];
	v10 =	vmul.f32 v28, v47;
	v32 =	vmul.f32 v61, v27  }
0x299: {  	v6 =	vadd.f32 v13, v6;
	v33 =	vmul.f32 v63, v27;
	v41 =	vmul.f32 v30, v27  }
0x29a: {  	v58 =	vld [tilespmem:$0x3DC8];
	v50 =	vmax.f32 v40, $1.000000000e+00;
	vm13 =	vgt.f32 v40, $0.0e+00;
	v8 =	vadd.f32 v11, v8  }
0x29b: {  	v34 =	vld [tilespmem:$0x3988];
	v7 =	vadd.f32 v24, v7;
	v11 =	vnsel vm9, $0x0, v26;
	v12 =	vnsel vm10, $0x0, v29  }
0x29c: {  	v35 =	vld [tilespmem:$0x3A88];
	v18 =	vnsel vm10, $0x0, v32;
	v20 =	vnsel vm10, $0x0, v33;
	v9 =	vadd.f32 v10, v9  }
0x29d: {  	v37 =	vld [tilespmem:$0x3B88];
	v63 =	vmax.f32 v51, $1.000000000e+00;
	v11 =	vmul.f32 v11, v47;
	v12 =	vmul.f32 v12, v59  }
0x29e: {  	v44 =	vld [tilespmem:$0x3C88];
	vm14 =	vgt.f32 v51, $0.0e+00;
	v38 =	vmul.f32 v18, v59;
	v39 =	vmul.f32 v20, v59  }
0x29f: {  	v31 =	vld [tilespmem:$0x3E88];
	v30 =	vmax.f32 v58, $1.000000000e+00;
	vm15 =	vgt.f32 v58, $0.0e+00;
	v6 =	vadd.f32 v11, v6  }
0x2a0: {  	v49 =	vld [tilespmem:$0x3B98];
	v8 =	vadd.f32 v12, v8;
	v42 =	vpop (erf);
	v7 =	vadd.f32 v38, v7;
	(erf) = vrcp.f32 v50  }
0x2a1: {  	v46 =	vld [tilespmem:$0x3998];
	v11 =	vnsel vm10, $0x0, v41;
	v43 =	vmul.f32 v42, v34;
	v45 =	vmul.f32 v35, v42  }
0x2a2: {  	v48 =	vld [tilespmem:$0x3A98];
	v9 =	vadd.f32 v39, v9;
	v11 =	vmul.f32 v11, v59;
	v47 =	vmul.f32 v37, v42  }
0x2a3: {  	v53 =	vld [tilespmem:$0x3E98];
	v12 =	vmul.f32 v44, v42;
	v10 =	vnsel vm11, $0x0, v43;
	v14 =	vnsel vm11, $0x0, v45  }
0x2a4: {  	v55 =	vld [tilespmem:$0x3C98];
	v16 =	vnsel vm11, $0x0, v47;
	v54 =	vpop (erf);
	(erf) = vrcp.f32 v63;
	v10 =	vmul.f32 v10, v31  }
0x2a5: {  	v56 =	vnsel vm11, $0x0, v12;
	v14 =	vmul.f32 v14, v31;
	v52 =	vmul.f32 v16, v31  }
0x2a6: {  	v62 =	vld [tilespmem:$0x3AA8];
	v6 =	vadd.f32 v11, v6;
	v57 =	vmul.f32 v54, v46;
	v11 =	vmul.f32 v56, v31  }
0x2a7: {  	v60 =	vld [tilespmem:$0x39A8];
	v59 =	vmul.f32 v48, v54;
	v61 =	vmul.f32 v49, v54;
	v8 =	vadd.f32 v10, v8  }
0x2a8: {  	v24 =	vld [tilespmem:$0x3BA8];
	v7 =	vadd.f32 v14, v7;
	v9 =	vadd.f32 v52, v9;
	v12 =	vnsel vm12, $0x0, v57  }
0x2a9: {  	v29 =	vld [tilespmem:$0x3CA8];
	v15 =	vnsel vm12, $0x0, v59;
	v10 =	vmul.f32 v55, v54;
	v12 =	vmul.f32 v12, v53  }
0x2aa: {  	v27 =	vld [tilespmem:$0x3EA8];
	v6 =	vadd.f32 v11, v6;
	v26 =	vnsel vm12, $0x0, v61;
	v25 =	vmul.f32 v15, v53  }
0x2ab: {  	v39 =	vld [tilespmem:$0x3BB8];
	v28 =	vmul.f32 v26, v53;
	v10 =	vnsel vm12, $0x0, v10;
	v8 =	vadd.f32 v12, v8;
	v31 =	vpop (erf)  }
0x2ac: {  	v35 =	vld [tilespmem:$0x39B8];
	v7 =	vadd.f32 v25, v7;
	(erf) = vrcp.f32 v30;
	v33 =	vmul.f32 v31, v60  }
0x2ad: {  	v37 =	vld [tilespmem:$0x3AB8];
	v9 =	vadd.f32 v28, v9;
	v34 =	vmul.f32 v62, v31;
	v36 =	vmul.f32 v24, v31  }
0x2ae: {  	v40 =	vld [tilespmem:$0x3CB8];
	v10 =	vmul.f32 v10, v53;
	v11 =	vmul.f32 v29, v31;
	v12 =	vnsel vm13, $0x0, v33  }
0x2af: {  	v32 =	vld [tilespmem:$0x3EB8];
	v38 =	vnsel vm13, $0x0, v34;
	v20 =	vnsel vm13, $0x0, v36;
	v12 =	vmul.f32 v12, v27  }
0x2b0: {  	v51 =	vld [tilespmem:$0x3BC8];
	v43 =	vpop (erf);
	v44 =	vnsel vm13, $0x0, v11;
	v13 =	vmul.f32 v38, v27;
	v41 =	vmul.f32 v20, v27  }
0x2b1: {  	v42 =	vld [tilespmem:$0x39C8];
	v6 =	vadd.f32 v10, v6;
	v45 =	vmul.f32 v43, v35;
	v10 =	vmul.f32 v44, v27  }
0x2b2: {  	v46 =	vld [tilespmem:$0x3AC8];
	v47 =	vmul.f32 v37, v43;
	v17 =	vmul.f32 v39, v43;
	v8 =	vadd.f32 v12, v8  }
0x2b3: {  	v52 =	vld [tilespmem:$0x3CC8];
	v49 =	vmul.f32 v40, v43;
	v7 =	vadd.f32 v13, v7;
	v9 =	vadd.f32 v41, v9  }
0x2b4: {  	v48 =	vld [tilespmem:$0x3EC8];
	v11 =	vnsel vm14, $0x0, v45;
	v13 =	vnsel vm14, $0x0, v47;
	v17 =	vnsel vm14, $0x0, v17  }
0x2b5: {  	v19 =	vnsel vm14, $0x0, v49;
	v11 =	vmul.f32 v11, v32;
	v54 =	vmul.f32 v13, v32;
	v50 =	vpop (erf)  }
0x2b6: {  	v6 =	vadd.f32 v10, v6;
	v55 =	vmul.f32 v17, v32;
	v15 =	vmul.f32 v50, v42  }
0x2b7: {  	v60 =	vmul.f32 v19, v32;
	v8 =	vadd.f32 v11, v8;
	v12 =	vmul.f32 v46, v50  }
0x2b8: {  	v7 =	vadd.f32 v54, v7;
	v58 =	vmul.f32 v52, v50;
	v53 =	vnsel vm15, $0x0, v15  }
0x2b9: {  	[tilespmem:$0x40D8] =	vst v2;
	v56 =	vmul.f32 v51, v50;
	v12 =	vnsel vm15, $0x0, v12;
	v10 =	vmul.f32 v53, v48  }
0x2ba: {  	[tilespmem:$0x4158] =	vst v3;
	v6 =	vadd.f32 v60, v6;
	v62 =	vnsel vm15, $0x0, v58;
	v57 =	vmul.f32 v12, v48  }
0x2bb: {  	[tilespmem:$0x41D8] =	vst v4;
	v59 =	vnsel vm15, $0x0, v56;
	v63 =	vmul.f32 v62, v48;
	v8 =	vadd.f32 v10, v8  }
0x2bc: {  	[tilespmem:$0x4258] =	vst v5;
	v9 =	vadd.f32 v55, v9;
	v61 =	vmul.f32 v59, v48;
	v7 =	vadd.f32 v57, v7  }
0x2bd: {  	v6 =	vadd.f32 v63, v6;
	[tilespmem:$0x3ED8] =	vst v8  }
0x2be: {  	v8 =	vadd.f32 v61, v9;
	[tilespmem:$0x3F58] =	vst v7  }
0x2bf: {  	[tilespmem:$0x4058] =	vst v6  }
0x2c0: {  	s11 =	simm.s32 $0x40D8;
	s15 =	simm.s32 $0x3ED8;
	[tilespmem:$0x3FD8] =	vst v8  }
0x2c1: {  	[spmem:s9] =	stream.indirect.scatter.add.f32 [tilespmem:s15], [sflag:$0x2], $0x1, s11, s4, $0xb8;
	[tilespmem:$0x42D8] =	vst v63  }
0x2c2: {  	_ =	swait.ge [sflag:s23], $0x10  }
0x2c3: {  	[sflag:s23] =	ssyncset.done $0x0  }
0x2c4: {  	s11 =	simm.s32 $0x4158;
	s15 =	simm.s32 $0x3F58;
	[sflag:s23] =	ssyncadd.s32 $0xFFFFFFF0  }
0x2c5: {  	[spmem:s9] =	stream.indirect.scatter.add.f32 [tilespmem:s15], [sflag:$0x2], $0x1, s11, s4, $0xb8;
	[tilespmem:$0x42D8] =	vst v63  }
0x2c6: {  	_ =	swait.ge [sflag:s23], $0x10  }
0x2c7: {  	[sflag:s23] =	ssyncset.done $0x0  }
0x2c8: {  	s11 =	simm.s32 $0x41D8;
	s15 =	simm.s32 $0x3FD8;
	[sflag:s23] =	ssyncadd.s32 $0xFFFFFFF0  }
0x2c9: {  	[spmem:s9] =	stream.indirect.scatter.add.f32 [tilespmem:s15], [sflag:$0x2], $0x1, s11, s4, $0xb8;
	[tilespmem:$0x42D8] =	vst v63  }
0x2ca: {  	_ =	swait.ge [sflag:s23], $0x10  }
0x2cb: {  	[sflag:s23] =	ssyncset.done $0x0  }
0x2cc: {  	s11 =	simm.s32 $0x4258;
	s15 =	simm.s32 $0x4058;
	[sflag:s23] =	ssyncadd.s32 $0xFFFFFFF0  }
0x2cd: {  	[spmem:s9] =	stream.indirect.scatter.add.f32 [tilespmem:s15], [sflag:$0x2], $0x1, s11, s4, $0xb8;
	[tilespmem:$0x42D8] =	vst v63  }
0x2ce: {  	s15 =	stileid.u32  }
0x2cf: {  	_ =	swait.ge [sflag:s23], $0x10;
	s10 =	sshll.u32 s15, $0x6  }
0x2d0: {  	s11 =	sshrl.u32 s9, $0x3;
	[sflag:s23] =	ssyncset.done $0x0;
	s10 =	sor.u32 $0x1C02, s10  }
.Ltmp6:
0x2d1: {  	s15 =	rddreg [dreg:$0xd];
	[sflag:s23] =	ssyncadd.s32 $0xFFFFFFF0;
	(pc) =	sbr.rel .LBB2_7-.Ltmp6, $4  }
0x2d2: {  	[hbm:s15], [sflag:s10] =	dma.local [spmem:s11], $0x10  }
0x2d3: {  	_ =	swait.ge [sflag:s23], $0x10  }
0x2d4: {  	[sflag:s23] =	ssyncset.done $0x0  }
0x2d5: {  	[sflag:s23] =	ssyncadd.s32 $0xFFFFFFF0  }
.LBB2_8:
0x2d6: {  	_ =	sfence.sel $0x180000  }
0x2d7: {  	[bflag:$0x0] =	sbarrier.arrive $0xFFFF  }
0x2d8: {  	_ =	strace $0x90000047  }
0x2d9: {  	[bflag:$0x2] =	sbarrier.arrive $0xFFFF  }
0x2da: {  	s0 =	rddreg [dreg:$0xc]  }
0x2db: {  	s0 =	sadd.s32 @!p0 $0x100000, s0  }
0x2dc: {  	[sflag:s0] =	ssyncadd.tile.s32 @!p0 $0x1;
	_ =	shalt  }
.Lfunc_end2:
_tile_overlayer_lowered:
.L_overlay_start_2:
0x2dd: {  	(tag) =	ssettag $0x2  }
0x2de: {  	s0 =	rddreg [dreg:$0x0];
	s2 =	stileid.u32  }
0x2df: {  	s1 =	rddreg [dreg:$0x1];
	p0 =	sne.s32 s2, $0x0  }
0x2e0: {  	s3 =	rddreg [dreg:$0x2];
	[bflag:$0x3] =	sbarrier.arrive $0xFFFF;
	s2 =	simm.s32 @!p0 $0x1C02  }
0x2e1: {  	[timem:s3], [sflag:s2] =	dma.local @!p0 [hbm:s0], s1  }
0x2e2: {  	s0 =	simm.s32 @!p0 $0x2  }
0x2e3: {  	_ =	swait.ge @!p0 [sflag:s0], s1  }
0x2e4: {  	s1 =	ssub.s32 @!p0 $0x0, s1;
	[sflag:s0] =	ssyncset.done @!p0 $0x0  }
0x2e5: {  	[sflag:s0] =	ssyncadd.s32 @!p0 s1  }
0x2e6: {  	[bflag:$0x3] =	sbarrier.arrive $0xFFFF  }
0x2e7: {  	_ =	shalt  }

</sc_bundles>
